<compile_context>
chip_gen: v7x
topology: tpu7x:2x2x1
jax: 0.10.2.dev20260603
libtpu: 0.0.44.dev20260713+nightly
codegen_flags: <defaults>
</compile_context>

<pallas_src>
import functools

import jax
import jax.numpy as jnp
from jax import lax
from jax.experimental import pallas as pl
from jax.experimental.pallas import tpu as pltpu
from jax.experimental.pallas import tpu_sc as plsc

VOCAB = 1_000_000
DIM = 64
WORLD_SIZE = 1
RANK = 0
BLOCK = (VOCAB + WORLD_SIZE - 1) // WORLD_SIZE
MIN_ID = RANK * BLOCK
MAX_ID = min(VOCAB, (RANK + 1) * BLOCK)
NULL_IDX = MAX_ID - MIN_ID

NC = 2
NS = 16
NW = NC * NS
LANES = 16

ROWS = NULL_IDX + 1
ROWS_PAD = 1_000_008
CB = 128
KCB = 1
GCB = CB * KCB
NCB = 7812
NGC = NCB // KCB
TAIL = ROWS - NCB * CB
WLIN = ROWS_PAD * DIM

TOKENS = 4096 * 50
BPW = TOKENS // NW
CHUNK = 128
NCHUNK = BPW // CHUNK
GROUP = 10
NGROUP = NCHUNK // GROUP

_CNT_LO, _SPLIT = 244, 28
_TURNS = (_CNT_LO + 2) // 2


def _prep_body(wt_hbm, tail_hbm, out_hbm, in0, in1, ob0, ob1,
               sg0, sg1, so0, so1):
    wid = lax.axis_index("s") * NC + lax.axis_index("c")
    cnt = _CNT_LO + jnp.where(wid >= _SPLIT, 1, 0)
    base = _CNT_LO * wid + jnp.maximum(wid - _SPLIT, 0)

    @pl.when(wid == 0)
    def _():
        pltpu.sync_copy(tail_hbm, ob0.at[pl.ds(0, TAIL * DIM)])
        pltpu.sync_copy(ob0.at[pl.ds(0, TAIL * DIM)],
                        out_hbm.at[pl.ds(NCB * CB * DIM, TAIL * DIM)])

    iota = lax.iota(jnp.int32, LANES)
    rows_d = [(iota + d) % LANES for d in range(LANES)]
    sidx_d = [iota * DIM + rows_d[d] for d in range(LANES)]

    def fire_in(g, inb, sem):
        pltpu.async_copy(wt_hbm.at[:, pl.ds((base + g) * GCB, GCB)], inb, sem)

    def wait_in(inb, sem):
        pltpu.make_async_copy(wt_hbm.at[:, pl.ds(0, GCB)], inb, sem).wait()

    def fire_out(g, ob, sem):
        pltpu.async_copy(ob, out_hbm.at[pl.ds((base + g) * GCB * DIM, GCB * DIM)],
                         sem)

    def wait_out(ob, sem):
        pltpu.make_async_copy(ob, out_hbm.at[pl.ds(0, GCB * DIM)], sem).wait()

    def transpose(inb, ob):
        def tr(jb, carry):
            rows = [rows_d[d] + jb * LANES for d in range(LANES)]
            for c_blk in range(GCB // LANES):
                cols = iota + c_blk * LANES
                sbase = c_blk * (LANES * DIM) + jb * LANES
                for d in range(LANES):
                    vals = plsc.load_gather(inb, [rows[d], cols])
                    plsc.store_scatter(ob, [sidx_d[d] + sbase], vals)
            return carry

        lax.fori_loop(0, DIM // LANES, tr, None)

    bufs = ((in0, ob0, sg0, so0), (in1, ob1, sg1, so1))
    NBUF = len(bufs)

    for b, (inb, _, sgi, _) in enumerate(bufs):
        fire_in(b, inb, sgi)

    def turn(p, carry):
        for g_off, (inb, ob, sgi, soi) in enumerate(bufs):
            g = NBUF * p + g_off

            @pl.when(g < cnt)
            def _():
                wait_in(inb, sgi)

                @pl.when(g >= NBUF)
                def _():
                    wait_out(ob, soi)

                transpose(inb, ob)
                fire_out(g, ob, soi)

                @pl.when(g + NBUF < cnt)
                def _():
                    fire_in(g + NBUF, inb, sgi)

        return carry

    lax.fori_loop(0, _TURNS, turn, None)
    for _, ob, _, soi in bufs:
        wait_out(ob, soi)


def _gather_body(idx_hbm, w_hbm, out_hbm, idx_flat, idx_v, buf, sem):
    wid = lax.axis_index("s") * NC + lax.axis_index("c")
    pltpu.sync_copy(idx_hbm.at[pl.ds(wid * BPW, BPW)], idx_flat)

    def remap(t, carry):
        row = t // (CHUNK // LANES)
        col = (t % (CHUNK // LANES)) * LANES
        v = idx_flat[pl.ds(t * LANES, LANES)]
        oob = (v < MIN_ID) | (v >= MAX_ID)
        idx_v[row, pl.ds(col, LANES)] = jnp.where(oob, NULL_IDX, v - MIN_ID)
        return carry

    lax.fori_loop(0, BPW // LANES, remap, None)

    base = wid * BPW

    def group(g, carry):
        handles = []
        for b in range(GROUP):
            j = g * GROUP + b
            h = pltpu.async_copy(
                w_hbm.at[idx_v.at[j]], buf.at[pl.ds(b * CHUNK, CHUNK)], sem
            )
            handles.append(h)
        for h in handles:
            h.wait()
        pltpu.sync_copy(
            buf, out_hbm.at[pl.ds(base + g * (GROUP * CHUNK), GROUP * CHUNK)]
        )
        return carry

    lax.fori_loop(0, NGROUP, group, None)


@jax.jit
def kernel(input, weight):
    idx = input.astype(jnp.int32).reshape(TOKENS)
    wt = jnp.transpose(weight)
    wtail = lax.slice(weight, (NCB * CB, 0), (ROWS, DIM)).reshape(TAIL * DIM)
    mesh = plsc.VectorSubcoreMesh(
        core_axis_name="c", subcore_axis_name="s", num_cores=NC, num_subcores=NS
    )
    prep = functools.partial(
        pl.kernel,
        mesh=mesh,
        out_type=jax.ShapeDtypeStruct((WLIN,), jnp.float32),
        scratch_types=[
            pltpu.VMEM((DIM, GCB), jnp.float32),
            pltpu.VMEM((DIM, GCB), jnp.float32),
            pltpu.VMEM((GCB * DIM,), jnp.float32),
            pltpu.VMEM((GCB * DIM,), jnp.float32),
            pltpu.SemaphoreType.DMA,
            pltpu.SemaphoreType.DMA,
            pltpu.SemaphoreType.DMA,
            pltpu.SemaphoreType.DMA,
        ],
        compiler_params=pltpu.CompilerParams(
            use_tc_tiling_on_sc=True, needs_layout_passes=False
        ),
    )(_prep_body)
    wlin = prep(wt, wtail).reshape(ROWS_PAD, DIM)

    gather = functools.partial(
        pl.kernel,
        mesh=mesh,
        out_type=jax.ShapeDtypeStruct((TOKENS, DIM), jnp.float32),
        scratch_types=[
            pltpu.VMEM((BPW,), jnp.int32),
            pltpu.VMEM((NCHUNK, CHUNK), jnp.int32),
            pltpu.VMEM((GROUP * CHUNK, DIM), jnp.float32),
            pltpu.SemaphoreType.DMA,
        ],
        compiler_params=pltpu.CompilerParams(
            use_tc_tiling_on_sc=False, needs_layout_passes=False
        ),
    )(_gather_body)
    out = gather(idx, wlin)
    return out.reshape(input.shape[0], input.shape[1], DIM)

# --- scband reference (transcript-rebuilt; emitter-appended) ---
"""Pipeline reference for scband-tensor-parallel-embedding-1786706395689 (READ-ONLY COPY).

The authoritative reference and input builder live on the scoring server;
editing this copy changes nothing except your own understanding.
"""

import jax, jax.numpy as jnp
import numpy as np

VOCAB = 1000000
DIM = 64
WORLD_SIZE = 1
RANK = 0
BLOCK_SIZE = (VOCAB + WORLD_SIZE - 1) // WORLD_SIZE
MIN_ID = RANK * BLOCK_SIZE
MAX_ID = min(VOCAB, (RANK + 1) * BLOCK_SIZE)
NULL_IDX = MAX_ID - MIN_ID  # local shard rows; padded zero row index


def setup_inputs(seed: int = 0) -> dict:
    key = jax.random.key(seed)
    k1, k2 = jax.random.split(key)
    indices = jax.random.randint(k1, (4096, 50), 0, VOCAB)
    # local shard of the embedding table, padded with one extra zero row for masking
    local_rows = MAX_ID - MIN_ID
    w = jax.random.normal(k2, (local_rows, DIM), dtype=jnp.float32) * 0.02
    weight = jnp.concatenate([w, jnp.zeros((1, DIM), dtype=jnp.float32)], axis=0)
    return {"input": indices, "weight": weight}


def reference(input, weight):
    # Map global ids into the local shard; out-of-range ids hit the padded zero row.
    masked = jnp.where((input < MIN_ID) | (input >= MAX_ID), NULL_IDX, input - MIN_ID)
    out = jnp.take(weight, masked, axis=0)
    # world_size == 1 -> no all-reduce needed; with >1 ranks, partial outputs
    # would be summed (all-reduce), which the zero null row makes correct.
    return out

if __name__ == "__main__":
    import jax
    _d = setup_inputs()
    print(jax.jit(kernel)(*tuple(_d.values())))

</pallas_src>

<mosaic_0001>
#map = affine_map<(d0, d1) -> (0, 0)>
#map1 = affine_map<(d0, d1) -> (0)>
module attributes {stable_mosaic.version = 14 : i64} {
  func.func @_prep_body(%arg0: i32, %arg1: i32, %arg2: memref<64x1000001xf32, #tpu.memory_space<hbm>>, %arg3: memref<4160xf32, #tpu.memory_space<hbm>>, %arg4: memref<64000512xf32, #tpu.memory_space<hbm>>, %arg5: memref<64x128xf32, #tpu.memory_space<vmem>>, %arg6: memref<64x128xf32, #tpu.memory_space<vmem>>, %arg7: memref<8192xf32, #tpu.memory_space<vmem>>, %arg8: memref<8192xf32, #tpu.memory_space<vmem>>, %arg9: memref<!tpu.dma_semaphore, #tpu.memory_space<semaphore_mem>>, %arg10: memref<!tpu.dma_semaphore, #tpu.memory_space<semaphore_mem>>, %arg11: memref<!tpu.dma_semaphore, #tpu.memory_space<semaphore_mem>>, %arg12: memref<!tpu.dma_semaphore, #tpu.memory_space<semaphore_mem>>) attributes {dimension_semantics = [#tpu.dimension_semantics<core_parallel>, #tpu.dimension_semantics<subcore_parallel>], iteration_bounds = array<i64: 2, 16>, scalar_prefetch = 0 : i64, scratch_operands = 8 : i64, tpu.core_type = #tpu.core_type<sc_vector_subcore>, window_params = [{transform_indices = #map}, {transform_indices = #map1}, {transform_indices = #map1}]} {
    %mul3A = arith.constant 2 : i32
    %mul3A_0 = arith.muli %arg1, %mul3A : i32
    %add3A = arith.addi %mul3A_0, %arg0 : i32
    %ge3A = arith.constant 28 : i32
    %ge3A_1 = arith.cmpi sge, %add3A, %ge3A : i32
    %jit3A = arith.constant 1 : i32
    %jit3A_2 = arith.constant 0 : i32
    %select_n3A = arith.select %ge3A_1, %jit3A, %jit3A_2 : i32
    %add3A_3 = arith.constant 244 : i32
    %add3A_4 = arith.addi %add3A_3, %select_n3A : i32
    %mul3A_5 = arith.constant 244 : i32
    %mul3A_6 = arith.muli %mul3A_5, %add3A : i32
    %sub3A = arith.constant 28 : i32
    %sub3A_7 = arith.subi %add3A, %sub3A : i32
    %max3A = arith.constant 0 : i32
    %max3A_8 = arith.maxsi %sub3A_7, %max3A : i32
    %add3A_9 = arith.addi %mul3A_6, %max3A_8 : i32
    %eq3A = arith.constant 0 : i32
    %eq3A_10 = arith.cmpi eq, %add3A, %eq3A : i32
    %convert_element_type3A = arith.extui %eq3A_10 : i1 to i32
    %cond3A = arith.constant 0 : i32
    %cond3A_11 = arith.cmpi ne, %convert_element_type3A, %cond3A : i32
    scf.if %cond3A_11 {
      "tpu.region"() ({
        %run_scoped3A = tpu.sem_alloc : memref<!tpu.dma_semaphore, #tpu.memory_space<semaphore_mem>>
        %dma_start3A_498 = arith.constant 0 : i32
        %dma_start3A_499 = tpu.memref_slice %arg7[%dma_start3A_498] : memref<8192xf32, #tpu.memory_space<vmem>> -> memref<4160xf32, #tpu.memory_space<vmem>>
        %dma_start3A_500 = arith.constant 0 : i32
        %dma_start3A_501 = tpu.memref_slice %arg7[%dma_start3A_500] : memref<8192xf32, #tpu.memory_space<vmem>> -> memref<4160xf32, #tpu.memory_space<vmem>>
        tpu.enqueue_dma source(%arg3 : memref<4160xf32, #tpu.memory_space<hbm>>) target(%dma_start3A_501 : memref<4160xf32, #tpu.memory_space<vmem>>) target_semaphore(%run_scoped3A : memref<!tpu.dma_semaphore, #tpu.memory_space<semaphore_mem>>)
        %dma_wait3A_502 = arith.constant 0 : i32
        %dma_wait3A_503 = tpu.memref_slice %arg7[%dma_wait3A_502] : memref<8192xf32, #tpu.memory_space<vmem>> -> memref<4160xf32, #tpu.memory_space<vmem>>
        %dma_wait3A_504 = arith.constant 0 : i32
        %dma_wait3A_505 = tpu.memref_slice %arg7[%dma_wait3A_504] : memref<8192xf32, #tpu.memory_space<vmem>> -> memref<4160xf32, #tpu.memory_space<vmem>>
        tpu.wait_dma2 semaphore(%run_scoped3A : memref<!tpu.dma_semaphore, #tpu.memory_space<semaphore_mem>>) src(%arg3 : memref<4160xf32, #tpu.memory_space<hbm>>) dst(%dma_wait3A_505 : memref<4160xf32, #tpu.memory_space<vmem>>)
        tpu.yield
      }) : () -> ()
      "tpu.region"() ({
        %run_scoped3A = tpu.sem_alloc : memref<!tpu.dma_semaphore, #tpu.memory_space<semaphore_mem>>
        %dma_start3A_498 = arith.constant 0 : i32
        %dma_start3A_499 = tpu.memref_slice %arg7[%dma_start3A_498] : memref<8192xf32, #tpu.memory_space<vmem>> -> memref<4160xf32, #tpu.memory_space<vmem>>
        %dma_start3A_500 = arith.constant 63995904 : i32
        %dma_start3A_501 = tpu.memref_slice %arg4[%dma_start3A_500] : memref<64000512xf32, #tpu.memory_space<hbm>> -> memref<4160xf32, #tpu.memory_space<hbm>>
        %dma_start3A_502 = arith.constant 63995904 : i32
        %dma_start3A_503 = tpu.memref_slice %arg4[%dma_start3A_502] : memref<64000512xf32, #tpu.memory_space<hbm>> -> memref<4160xf32, #tpu.memory_space<hbm>>
        %dma_start3A_504 = arith.constant 0 : i32
        %dma_start3A_505 = tpu.memref_slice %arg7[%dma_start3A_504] : memref<8192xf32, #tpu.memory_space<vmem>> -> memref<4160xf32, #tpu.memory_space<vmem>>
        tpu.enqueue_dma source(%dma_start3A_505 : memref<4160xf32, #tpu.memory_space<vmem>>) target(%dma_start3A_503 : memref<4160xf32, #tpu.memory_space<hbm>>) target_semaphore(%run_scoped3A : memref<!tpu.dma_semaphore, #tpu.memory_space<semaphore_mem>>)
        %dma_wait3A_506 = arith.constant 0 : i32
        %dma_wait3A_507 = tpu.memref_slice %arg7[%dma_wait3A_506] : memref<8192xf32, #tpu.memory_space<vmem>> -> memref<4160xf32, #tpu.memory_space<vmem>>
        %dma_wait3A_508 = arith.constant 63995904 : i32
        %dma_wait3A_509 = tpu.memref_slice %arg4[%dma_wait3A_508] : memref<64000512xf32, #tpu.memory_space<hbm>> -> memref<4160xf32, #tpu.memory_space<hbm>>
        %dma_wait3A_510 = arith.constant 63995904 : i32
        %dma_wait3A_511 = tpu.memref_slice %arg4[%dma_wait3A_510] : memref<64000512xf32, #tpu.memory_space<hbm>> -> memref<4160xf32, #tpu.memory_space<hbm>>
        %dma_wait3A_512 = arith.constant 0 : i32
        %dma_wait3A_513 = tpu.memref_slice %arg7[%dma_wait3A_512] : memref<8192xf32, #tpu.memory_space<vmem>> -> memref<4160xf32, #tpu.memory_space<vmem>>
        tpu.wait_dma2 semaphore(%run_scoped3A : memref<!tpu.dma_semaphore, #tpu.memory_space<semaphore_mem>>) src(%dma_wait3A_513 : memref<4160xf32, #tpu.memory_space<vmem>>) dst(%dma_wait3A_511 : memref<4160xf32, #tpu.memory_space<hbm>>)
        tpu.yield
      }) : () -> ()
    } else {
    }
    %iota3A = tpu.iota {dimensions = array<i32: 0>} : vector<16xi32>
    %add3A_12 = arith.constant 0 : i32
    %add3A_13 = vector.broadcast %add3A_12 : i32 to vector<16xi32>
    %add3A_14 = arith.addi %iota3A, %add3A_13 : vector<16xi32>
    %jit3A_15 = arith.constant 16 : i32
    %eq3A_16 = arith.constant 0 : i32
    %eq3A_17 = arith.cmpi eq, %jit3A_15, %eq3A_16 : i32
    %jit3A_18 = arith.constant 1 : i32
    %select_n3A_19 = arith.select %eq3A_17, %jit3A_18, %jit3A_15 : i32
    %rem3A = vector.broadcast %select_n3A_19 : i32 to vector<16xi32>
    %rem3A_20 = arith.remsi %add3A_14, %rem3A : vector<16xi32>
    %ne3A = arith.constant 0 : i32
    %ne3A_21 = vector.broadcast %ne3A : i32 to vector<16xi32>
    %ne3A_22 = arith.cmpi ne, %rem3A_20, %ne3A_21 : vector<16xi32>
    %lt3A = arith.constant 0 : i32
    %lt3A_23 = vector.broadcast %lt3A : i32 to vector<16xi32>
    %lt3A_24 = arith.cmpi slt, %rem3A_20, %lt3A_23 : vector<16xi32>
    %lt3A_25 = arith.constant 0 : i32
    %lt3A_26 = arith.cmpi slt, %select_n3A_19, %lt3A_25 : i32
    %ne3A_27 = vector.broadcast %lt3A_26 : i1 to vector<16xi1>
    %ne3A_28 = vector.broadcast %ne3A_27 : vector<16xi1> to vector<16xi1>
    %ne3A_29 = arith.xori %lt3A_24, %ne3A_28 : vector<16xi1>
    %and3A = arith.andi %ne3A_29, %ne3A_22 : vector<16xi1>
    %add3A_30 = vector.broadcast %select_n3A_19 : i32 to vector<16xi32>
    %add3A_31 = arith.addi %rem3A_20, %add3A_30 : vector<16xi32>
    %select_n3A_32 = arith.select %and3A, %add3A_31, %rem3A_20 : vector<16xi1>, vector<16xi32>
    %add3A_33 = arith.constant 1 : i32
    %add3A_34 = vector.broadcast %add3A_33 : i32 to vector<16xi32>
    %add3A_35 = arith.addi %iota3A, %add3A_34 : vector<16xi32>
    %jit3A_36 = arith.constant 16 : i32
    %eq3A_37 = arith.constant 0 : i32
    %eq3A_38 = arith.cmpi eq, %jit3A_36, %eq3A_37 : i32
    %jit3A_39 = arith.constant 1 : i32
    %select_n3A_40 = arith.select %eq3A_38, %jit3A_39, %jit3A_36 : i32
    %rem3A_41 = vector.broadcast %select_n3A_40 : i32 to vector<16xi32>
    %rem3A_42 = arith.remsi %add3A_35, %rem3A_41 : vector<16xi32>
    %ne3A_43 = arith.constant 0 : i32
    %ne3A_44 = vector.broadcast %ne3A_43 : i32 to vector<16xi32>
    %ne3A_45 = arith.cmpi ne, %rem3A_42, %ne3A_44 : vector<16xi32>
    %lt3A_46 = arith.constant 0 : i32
    %lt3A_47 = vector.broadcast %lt3A_46 : i32 to vector<16xi32>
    %lt3A_48 = arith.cmpi slt, %rem3A_42, %lt3A_47 : vector<16xi32>
    %lt3A_49 = arith.constant 0 : i32
    %lt3A_50 = arith.cmpi slt, %select_n3A_40, %lt3A_49 : i32
    %ne3A_51 = vector.broadcast %lt3A_50 : i1 to vector<16xi1>
    %ne3A_52 = vector.broadcast %ne3A_51 : vector<16xi1> to vector<16xi1>
    %ne3A_53 = arith.xori %lt3A_48, %ne3A_52 : vector<16xi1>
    %and3A_54 = arith.andi %ne3A_53, %ne3A_45 : vector<16xi1>
    %add3A_55 = vector.broadcast %select_n3A_40 : i32 to vector<16xi32>
    %add3A_56 = arith.addi %rem3A_42, %add3A_55 : vector<16xi32>
    %select_n3A_57 = arith.select %and3A_54, %add3A_56, %rem3A_42 : vector<16xi1>, vector<16xi32>
    %add3A_58 = arith.constant 2 : i32
    %add3A_59 = vector.broadcast %add3A_58 : i32 to vector<16xi32>
    %add3A_60 = arith.addi %iota3A, %add3A_59 : vector<16xi32>
    %jit3A_61 = arith.constant 16 : i32
    %eq3A_62 = arith.constant 0 : i32
    %eq3A_63 = arith.cmpi eq, %jit3A_61, %eq3A_62 : i32
    %jit3A_64 = arith.constant 1 : i32
    %select_n3A_65 = arith.select %eq3A_63, %jit3A_64, %jit3A_61 : i32
    %rem3A_66 = vector.broadcast %select_n3A_65 : i32 to vector<16xi32>
    %rem3A_67 = arith.remsi %add3A_60, %rem3A_66 : vector<16xi32>
    %ne3A_68 = arith.constant 0 : i32
    %ne3A_69 = vector.broadcast %ne3A_68 : i32 to vector<16xi32>
    %ne3A_70 = arith.cmpi ne, %rem3A_67, %ne3A_69 : vector<16xi32>
    %lt3A_71 = arith.constant 0 : i32
    %lt3A_72 = vector.broadcast %lt3A_71 : i32 to vector<16xi32>
    %lt3A_73 = arith.cmpi slt, %rem3A_67, %lt3A_72 : vector<16xi32>
    %lt3A_74 = arith.constant 0 : i32
    %lt3A_75 = arith.cmpi slt, %select_n3A_65, %lt3A_74 : i32
    %ne3A_76 = vector.broadcast %lt3A_75 : i1 to vector<16xi1>
    %ne3A_77 = vector.broadcast %ne3A_76 : vector<16xi1> to vector<16xi1>
    %ne3A_78 = arith.xori %lt3A_73, %ne3A_77 : vector<16xi1>
    %and3A_79 = arith.andi %ne3A_78, %ne3A_70 : vector<16xi1>
    %add3A_80 = vector.broadcast %select_n3A_65 : i32 to vector<16xi32>
    %add3A_81 = arith.addi %rem3A_67, %add3A_80 : vector<16xi32>
    %select_n3A_82 = arith.select %and3A_79, %add3A_81, %rem3A_67 : vector<16xi1>, vector<16xi32>
    %add3A_83 = arith.constant 3 : i32
    %add3A_84 = vector.broadcast %add3A_83 : i32 to vector<16xi32>
    %add3A_85 = arith.addi %iota3A, %add3A_84 : vector<16xi32>
    %jit3A_86 = arith.constant 16 : i32
    %eq3A_87 = arith.constant 0 : i32
    %eq3A_88 = arith.cmpi eq, %jit3A_86, %eq3A_87 : i32
    %jit3A_89 = arith.constant 1 : i32
    %select_n3A_90 = arith.select %eq3A_88, %jit3A_89, %jit3A_86 : i32
    %rem3A_91 = vector.broadcast %select_n3A_90 : i32 to vector<16xi32>
    %rem3A_92 = arith.remsi %add3A_85, %rem3A_91 : vector<16xi32>
    %ne3A_93 = arith.constant 0 : i32
    %ne3A_94 = vector.broadcast %ne3A_93 : i32 to vector<16xi32>
    %ne3A_95 = arith.cmpi ne, %rem3A_92, %ne3A_94 : vector<16xi32>
    %lt3A_96 = arith.constant 0 : i32
    %lt3A_97 = vector.broadcast %lt3A_96 : i32 to vector<16xi32>
    %lt3A_98 = arith.cmpi slt, %rem3A_92, %lt3A_97 : vector<16xi32>
    %lt3A_99 = arith.constant 0 : i32
    %lt3A_100 = arith.cmpi slt, %select_n3A_90, %lt3A_99 : i32
    %ne3A_101 = vector.broadcast %lt3A_100 : i1 to vector<16xi1>
    %ne3A_102 = vector.broadcast %ne3A_101 : vector<16xi1> to vector<16xi1>
    %ne3A_103 = arith.xori %lt3A_98, %ne3A_102 : vector<16xi1>
    %and3A_104 = arith.andi %ne3A_103, %ne3A_95 : vector<16xi1>
    %add3A_105 = vector.broadcast %select_n3A_90 : i32 to vector<16xi32>
    %add3A_106 = arith.addi %rem3A_92, %add3A_105 : vector<16xi32>
    %select_n3A_107 = arith.select %and3A_104, %add3A_106, %rem3A_92 : vector<16xi1>, vector<16xi32>
    %add3A_108 = arith.constant 4 : i32
    %add3A_109 = vector.broadcast %add3A_108 : i32 to vector<16xi32>
    %add3A_110 = arith.addi %iota3A, %add3A_109 : vector<16xi32>
    %jit3A_111 = arith.constant 16 : i32
    %eq3A_112 = arith.constant 0 : i32
    %eq3A_113 = arith.cmpi eq, %jit3A_111, %eq3A_112 : i32
    %jit3A_114 = arith.constant 1 : i32
    %select_n3A_115 = arith.select %eq3A_113, %jit3A_114, %jit3A_111 : i32
    %rem3A_116 = vector.broadcast %select_n3A_115 : i32 to vector<16xi32>
    %rem3A_117 = arith.remsi %add3A_110, %rem3A_116 : vector<16xi32>
    %ne3A_118 = arith.constant 0 : i32
    %ne3A_119 = vector.broadcast %ne3A_118 : i32 to vector<16xi32>
    %ne3A_120 = arith.cmpi ne, %rem3A_117, %ne3A_119 : vector<16xi32>
    %lt3A_121 = arith.constant 0 : i32
    %lt3A_122 = vector.broadcast %lt3A_121 : i32 to vector<16xi32>
    %lt3A_123 = arith.cmpi slt, %rem3A_117, %lt3A_122 : vector<16xi32>
    %lt3A_124 = arith.constant 0 : i32
    %lt3A_125 = arith.cmpi slt, %select_n3A_115, %lt3A_124 : i32
    %ne3A_126 = vector.broadcast %lt3A_125 : i1 to vector<16xi1>
    %ne3A_127 = vector.broadcast %ne3A_126 : vector<16xi1> to vector<16xi1>
    %ne3A_128 = arith.xori %lt3A_123, %ne3A_127 : vector<16xi1>
    %and3A_129 = arith.andi %ne3A_128, %ne3A_120 : vector<16xi1>
    %add3A_130 = vector.broadcast %select_n3A_115 : i32 to vector<16xi32>
    %add3A_131 = arith.addi %rem3A_117, %add3A_130 : vector<16xi32>
    %select_n3A_132 = arith.select %and3A_129, %add3A_131, %rem3A_117 : vector<16xi1>, vector<16xi32>
    %add3A_133 = arith.constant 5 : i32
    %add3A_134 = vector.broadcast %add3A_133 : i32 to vector<16xi32>
    %add3A_135 = arith.addi %iota3A, %add3A_134 : vector<16xi32>
    %jit3A_136 = arith.constant 16 : i32
    %eq3A_137 = arith.constant 0 : i32
    %eq3A_138 = arith.cmpi eq, %jit3A_136, %eq3A_137 : i32
    %jit3A_139 = arith.constant 1 : i32
    %select_n3A_140 = arith.select %eq3A_138, %jit3A_139, %jit3A_136 : i32
    %rem3A_141 = vector.broadcast %select_n3A_140 : i32 to vector<16xi32>
    %rem3A_142 = arith.remsi %add3A_135, %rem3A_141 : vector<16xi32>
    %ne3A_143 = arith.constant 0 : i32
    %ne3A_144 = vector.broadcast %ne3A_143 : i32 to vector<16xi32>
    %ne3A_145 = arith.cmpi ne, %rem3A_142, %ne3A_144 : vector<16xi32>
    %lt3A_146 = arith.constant 0 : i32
    %lt3A_147 = vector.broadcast %lt3A_146 : i32 to vector<16xi32>
    %lt3A_148 = arith.cmpi slt, %rem3A_142, %lt3A_147 : vector<16xi32>
    %lt3A_149 = arith.constant 0 : i32
    %lt3A_150 = arith.cmpi slt, %select_n3A_140, %lt3A_149 : i32
    %ne3A_151 = vector.broadcast %lt3A_150 : i1 to vector<16xi1>
    %ne3A_152 = vector.broadcast %ne3A_151 : vector<16xi1> to vector<16xi1>
    %ne3A_153 = arith.xori %lt3A_148, %ne3A_152 : vector<16xi1>
    %and3A_154 = arith.andi %ne3A_153, %ne3A_145 : vector<16xi1>
    %add3A_155 = vector.broadcast %select_n3A_140 : i32 to vector<16xi32>
    %add3A_156 = arith.addi %rem3A_142, %add3A_155 : vector<16xi32>
    %select_n3A_157 = arith.select %and3A_154, %add3A_156, %rem3A_142 : vector<16xi1>, vector<16xi32>
    %add3A_158 = arith.constant 6 : i32
    %add3A_159 = vector.broadcast %add3A_158 : i32 to vector<16xi32>
    %add3A_160 = arith.addi %iota3A, %add3A_159 : vector<16xi32>
    %jit3A_161 = arith.constant 16 : i32
    %eq3A_162 = arith.constant 0 : i32
    %eq3A_163 = arith.cmpi eq, %jit3A_161, %eq3A_162 : i32
    %jit3A_164 = arith.constant 1 : i32
    %select_n3A_165 = arith.select %eq3A_163, %jit3A_164, %jit3A_161 : i32
    %rem3A_166 = vector.broadcast %select_n3A_165 : i32 to vector<16xi32>
    %rem3A_167 = arith.remsi %add3A_160, %rem3A_166 : vector<16xi32>
    %ne3A_168 = arith.constant 0 : i32
    %ne3A_169 = vector.broadcast %ne3A_168 : i32 to vector<16xi32>
    %ne3A_170 = arith.cmpi ne, %rem3A_167, %ne3A_169 : vector<16xi32>
    %lt3A_171 = arith.constant 0 : i32
    %lt3A_172 = vector.broadcast %lt3A_171 : i32 to vector<16xi32>
    %lt3A_173 = arith.cmpi slt, %rem3A_167, %lt3A_172 : vector<16xi32>
    %lt3A_174 = arith.constant 0 : i32
    %lt3A_175 = arith.cmpi slt, %select_n3A_165, %lt3A_174 : i32
    %ne3A_176 = vector.broadcast %lt3A_175 : i1 to vector<16xi1>
    %ne3A_177 = vector.broadcast %ne3A_176 : vector<16xi1> to vector<16xi1>
    %ne3A_178 = arith.xori %lt3A_173, %ne3A_177 : vector<16xi1>
    %and3A_179 = arith.andi %ne3A_178, %ne3A_170 : vector<16xi1>
    %add3A_180 = vector.broadcast %select_n3A_165 : i32 to vector<16xi32>
    %add3A_181 = arith.addi %rem3A_167, %add3A_180 : vector<16xi32>
    %select_n3A_182 = arith.select %and3A_179, %add3A_181, %rem3A_167 : vector<16xi1>, vector<16xi32>
    %add3A_183 = arith.constant 7 : i32
    %add3A_184 = vector.broadcast %add3A_183 : i32 to vector<16xi32>
    %add3A_185 = arith.addi %iota3A, %add3A_184 : vector<16xi32>
    %jit3A_186 = arith.constant 16 : i32
    %eq3A_187 = arith.constant 0 : i32
    %eq3A_188 = arith.cmpi eq, %jit3A_186, %eq3A_187 : i32
    %jit3A_189 = arith.constant 1 : i32
    %select_n3A_190 = arith.select %eq3A_188, %jit3A_189, %jit3A_186 : i32
    %rem3A_191 = vector.broadcast %select_n3A_190 : i32 to vector<16xi32>
    %rem3A_192 = arith.remsi %add3A_185, %rem3A_191 : vector<16xi32>
    %ne3A_193 = arith.constant 0 : i32
    %ne3A_194 = vector.broadcast %ne3A_193 : i32 to vector<16xi32>
    %ne3A_195 = arith.cmpi ne, %rem3A_192, %ne3A_194 : vector<16xi32>
    %lt3A_196 = arith.constant 0 : i32
    %lt3A_197 = vector.broadcast %lt3A_196 : i32 to vector<16xi32>
    %lt3A_198 = arith.cmpi slt, %rem3A_192, %lt3A_197 : vector<16xi32>
    %lt3A_199 = arith.constant 0 : i32
    %lt3A_200 = arith.cmpi slt, %select_n3A_190, %lt3A_199 : i32
    %ne3A_201 = vector.broadcast %lt3A_200 : i1 to vector<16xi1>
    %ne3A_202 = vector.broadcast %ne3A_201 : vector<16xi1> to vector<16xi1>
    %ne3A_203 = arith.xori %lt3A_198, %ne3A_202 : vector<16xi1>
    %and3A_204 = arith.andi %ne3A_203, %ne3A_195 : vector<16xi1>
    %add3A_205 = vector.broadcast %select_n3A_190 : i32 to vector<16xi32>
    %add3A_206 = arith.addi %rem3A_192, %add3A_205 : vector<16xi32>
    %select_n3A_207 = arith.select %and3A_204, %add3A_206, %rem3A_192 : vector<16xi1>, vector<16xi32>
    %add3A_208 = arith.constant 8 : i32
    %add3A_209 = vector.broadcast %add3A_208 : i32 to vector<16xi32>
    %add3A_210 = arith.addi %iota3A, %add3A_209 : vector<16xi32>
    %jit3A_211 = arith.constant 16 : i32
    %eq3A_212 = arith.constant 0 : i32
    %eq3A_213 = arith.cmpi eq, %jit3A_211, %eq3A_212 : i32
    %jit3A_214 = arith.constant 1 : i32
    %select_n3A_215 = arith.select %eq3A_213, %jit3A_214, %jit3A_211 : i32
    %rem3A_216 = vector.broadcast %select_n3A_215 : i32 to vector<16xi32>
    %rem3A_217 = arith.remsi %add3A_210, %rem3A_216 : vector<16xi32>
    %ne3A_218 = arith.constant 0 : i32
    %ne3A_219 = vector.broadcast %ne3A_218 : i32 to vector<16xi32>
    %ne3A_220 = arith.cmpi ne, %rem3A_217, %ne3A_219 : vector<16xi32>
    %lt3A_221 = arith.constant 0 : i32
    %lt3A_222 = vector.broadcast %lt3A_221 : i32 to vector<16xi32>
    %lt3A_223 = arith.cmpi slt, %rem3A_217, %lt3A_222 : vector<16xi32>
    %lt3A_224 = arith.constant 0 : i32
    %lt3A_225 = arith.cmpi slt, %select_n3A_215, %lt3A_224 : i32
    %ne3A_226 = vector.broadcast %lt3A_225 : i1 to vector<16xi1>
    %ne3A_227 = vector.broadcast %ne3A_226 : vector<16xi1> to vector<16xi1>
    %ne3A_228 = arith.xori %lt3A_223, %ne3A_227 : vector<16xi1>
    %and3A_229 = arith.andi %ne3A_228, %ne3A_220 : vector<16xi1>
    %add3A_230 = vector.broadcast %select_n3A_215 : i32 to vector<16xi32>
    %add3A_231 = arith.addi %rem3A_217, %add3A_230 : vector<16xi32>
    %select_n3A_232 = arith.select %and3A_229, %add3A_231, %rem3A_217 : vector<16xi1>, vector<16xi32>
    %add3A_233 = arith.constant 9 : i32
    %add3A_234 = vector.broadcast %add3A_233 : i32 to vector<16xi32>
    %add3A_235 = arith.addi %iota3A, %add3A_234 : vector<16xi32>
    %jit3A_236 = arith.constant 16 : i32
    %eq3A_237 = arith.constant 0 : i32
    %eq3A_238 = arith.cmpi eq, %jit3A_236, %eq3A_237 : i32
    %jit3A_239 = arith.constant 1 : i32
    %select_n3A_240 = arith.select %eq3A_238, %jit3A_239, %jit3A_236 : i32
    %rem3A_241 = vector.broadcast %select_n3A_240 : i32 to vector<16xi32>
    %rem3A_242 = arith.remsi %add3A_235, %rem3A_241 : vector<16xi32>
    %ne3A_243 = arith.constant 0 : i32
    %ne3A_244 = vector.broadcast %ne3A_243 : i32 to vector<16xi32>
    %ne3A_245 = arith.cmpi ne, %rem3A_242, %ne3A_244 : vector<16xi32>
    %lt3A_246 = arith.constant 0 : i32
    %lt3A_247 = vector.broadcast %lt3A_246 : i32 to vector<16xi32>
    %lt3A_248 = arith.cmpi slt, %rem3A_242, %lt3A_247 : vector<16xi32>
    %lt3A_249 = arith.constant 0 : i32
    %lt3A_250 = arith.cmpi slt, %select_n3A_240, %lt3A_249 : i32
    %ne3A_251 = vector.broadcast %lt3A_250 : i1 to vector<16xi1>
    %ne3A_252 = vector.broadcast %ne3A_251 : vector<16xi1> to vector<16xi1>
    %ne3A_253 = arith.xori %lt3A_248, %ne3A_252 : vector<16xi1>
    %and3A_254 = arith.andi %ne3A_253, %ne3A_245 : vector<16xi1>
    %add3A_255 = vector.broadcast %select_n3A_240 : i32 to vector<16xi32>
    %add3A_256 = arith.addi %rem3A_242, %add3A_255 : vector<16xi32>
    %select_n3A_257 = arith.select %and3A_254, %add3A_256, %rem3A_242 : vector<16xi1>, vector<16xi32>
    %add3A_258 = arith.constant 10 : i32
    %add3A_259 = vector.broadcast %add3A_258 : i32 to vector<16xi32>
    %add3A_260 = arith.addi %iota3A, %add3A_259 : vector<16xi32>
    %jit3A_261 = arith.constant 16 : i32
    %eq3A_262 = arith.constant 0 : i32
    %eq3A_263 = arith.cmpi eq, %jit3A_261, %eq3A_262 : i32
    %jit3A_264 = arith.constant 1 : i32
    %select_n3A_265 = arith.select %eq3A_263, %jit3A_264, %jit3A_261 : i32
    %rem3A_266 = vector.broadcast %select_n3A_265 : i32 to vector<16xi32>
    %rem3A_267 = arith.remsi %add3A_260, %rem3A_266 : vector<16xi32>
    %ne3A_268 = arith.constant 0 : i32
    %ne3A_269 = vector.broadcast %ne3A_268 : i32 to vector<16xi32>
    %ne3A_270 = arith.cmpi ne, %rem3A_267, %ne3A_269 : vector<16xi32>
    %lt3A_271 = arith.constant 0 : i32
    %lt3A_272 = vector.broadcast %lt3A_271 : i32 to vector<16xi32>
    %lt3A_273 = arith.cmpi slt, %rem3A_267, %lt3A_272 : vector<16xi32>
    %lt3A_274 = arith.constant 0 : i32
    %lt3A_275 = arith.cmpi slt, %select_n3A_265, %lt3A_274 : i32
    %ne3A_276 = vector.broadcast %lt3A_275 : i1 to vector<16xi1>
    %ne3A_277 = vector.broadcast %ne3A_276 : vector<16xi1> to vector<16xi1>
    %ne3A_278 = arith.xori %lt3A_273, %ne3A_277 : vector<16xi1>
    %and3A_279 = arith.andi %ne3A_278, %ne3A_270 : vector<16xi1>
    %add3A_280 = vector.broadcast %select_n3A_265 : i32 to vector<16xi32>
    %add3A_281 = arith.addi %rem3A_267, %add3A_280 : vector<16xi32>
    %select_n3A_282 = arith.select %and3A_279, %add3A_281, %rem3A_267 : vector<16xi1>, vector<16xi32>
    %add3A_283 = arith.constant 11 : i32
    %add3A_284 = vector.broadcast %add3A_283 : i32 to vector<16xi32>
    %add3A_285 = arith.addi %iota3A, %add3A_284 : vector<16xi32>
    %jit3A_286 = arith.constant 16 : i32
    %eq3A_287 = arith.constant 0 : i32
    %eq3A_288 = arith.cmpi eq, %jit3A_286, %eq3A_287 : i32
    %jit3A_289 = arith.constant 1 : i32
    %select_n3A_290 = arith.select %eq3A_288, %jit3A_289, %jit3A_286 : i32
    %rem3A_291 = vector.broadcast %select_n3A_290 : i32 to vector<16xi32>
    %rem3A_292 = arith.remsi %add3A_285, %rem3A_291 : vector<16xi32>
    %ne3A_293 = arith.constant 0 : i32
    %ne3A_294 = vector.broadcast %ne3A_293 : i32 to vector<16xi32>
    %ne3A_295 = arith.cmpi ne, %rem3A_292, %ne3A_294 : vector<16xi32>
    %lt3A_296 = arith.constant 0 : i32
    %lt3A_297 = vector.broadcast %lt3A_296 : i32 to vector<16xi32>
    %lt3A_298 = arith.cmpi slt, %rem3A_292, %lt3A_297 : vector<16xi32>
    %lt3A_299 = arith.constant 0 : i32
    %lt3A_300 = arith.cmpi slt, %select_n3A_290, %lt3A_299 : i32
    %ne3A_301 = vector.broadcast %lt3A_300 : i1 to vector<16xi1>
    %ne3A_302 = vector.broadcast %ne3A_301 : vector<16xi1> to vector<16xi1>
    %ne3A_303 = arith.xori %lt3A_298, %ne3A_302 : vector<16xi1>
    %and3A_304 = arith.andi %ne3A_303, %ne3A_295 : vector<16xi1>
    %add3A_305 = vector.broadcast %select_n3A_290 : i32 to vector<16xi32>
    %add3A_306 = arith.addi %rem3A_292, %add3A_305 : vector<16xi32>
    %select_n3A_307 = arith.select %and3A_304, %add3A_306, %rem3A_292 : vector<16xi1>, vector<16xi32>
    %add3A_308 = arith.constant 12 : i32
    %add3A_309 = vector.broadcast %add3A_308 : i32 to vector<16xi32>
    %add3A_310 = arith.addi %iota3A, %add3A_309 : vector<16xi32>
    %jit3A_311 = arith.constant 16 : i32
    %eq3A_312 = arith.constant 0 : i32
    %eq3A_313 = arith.cmpi eq, %jit3A_311, %eq3A_312 : i32
    %jit3A_314 = arith.constant 1 : i32
    %select_n3A_315 = arith.select %eq3A_313, %jit3A_314, %jit3A_311 : i32
    %rem3A_316 = vector.broadcast %select_n3A_315 : i32 to vector<16xi32>
    %rem3A_317 = arith.remsi %add3A_310, %rem3A_316 : vector<16xi32>
    %ne3A_318 = arith.constant 0 : i32
    %ne3A_319 = vector.broadcast %ne3A_318 : i32 to vector<16xi32>
    %ne3A_320 = arith.cmpi ne, %rem3A_317, %ne3A_319 : vector<16xi32>
    %lt3A_321 = arith.constant 0 : i32
    %lt3A_322 = vector.broadcast %lt3A_321 : i32 to vector<16xi32>
    %lt3A_323 = arith.cmpi slt, %rem3A_317, %lt3A_322 : vector<16xi32>
    %lt3A_324 = arith.constant 0 : i32
    %lt3A_325 = arith.cmpi slt, %select_n3A_315, %lt3A_324 : i32
    %ne3A_326 = vector.broadcast %lt3A_325 : i1 to vector<16xi1>
    %ne3A_327 = vector.broadcast %ne3A_326 : vector<16xi1> to vector<16xi1>
    %ne3A_328 = arith.xori %lt3A_323, %ne3A_327 : vector<16xi1>
    %and3A_329 = arith.andi %ne3A_328, %ne3A_320 : vector<16xi1>
    %add3A_330 = vector.broadcast %select_n3A_315 : i32 to vector<16xi32>
    %add3A_331 = arith.addi %rem3A_317, %add3A_330 : vector<16xi32>
    %select_n3A_332 = arith.select %and3A_329, %add3A_331, %rem3A_317 : vector<16xi1>, vector<16xi32>
    %add3A_333 = arith.constant 13 : i32
    %add3A_334 = vector.broadcast %add3A_333 : i32 to vector<16xi32>
    %add3A_335 = arith.addi %iota3A, %add3A_334 : vector<16xi32>
    %jit3A_336 = arith.constant 16 : i32
    %eq3A_337 = arith.constant 0 : i32
    %eq3A_338 = arith.cmpi eq, %jit3A_336, %eq3A_337 : i32
    %jit3A_339 = arith.constant 1 : i32
    %select_n3A_340 = arith.select %eq3A_338, %jit3A_339, %jit3A_336 : i32
    %rem3A_341 = vector.broadcast %select_n3A_340 : i32 to vector<16xi32>
    %rem3A_342 = arith.remsi %add3A_335, %rem3A_341 : vector<16xi32>
    %ne3A_343 = arith.constant 0 : i32
    %ne3A_344 = vector.broadcast %ne3A_343 : i32 to vector<16xi32>
    %ne3A_345 = arith.cmpi ne, %rem3A_342, %ne3A_344 : vector<16xi32>
    %lt3A_346 = arith.constant 0 : i32
    %lt3A_347 = vector.broadcast %lt3A_346 : i32 to vector<16xi32>
    %lt3A_348 = arith.cmpi slt, %rem3A_342, %lt3A_347 : vector<16xi32>
    %lt3A_349 = arith.constant 0 : i32
    %lt3A_350 = arith.cmpi slt, %select_n3A_340, %lt3A_349 : i32
    %ne3A_351 = vector.broadcast %lt3A_350 : i1 to vector<16xi1>
    %ne3A_352 = vector.broadcast %ne3A_351 : vector<16xi1> to vector<16xi1>
    %ne3A_353 = arith.xori %lt3A_348, %ne3A_352 : vector<16xi1>
    %and3A_354 = arith.andi %ne3A_353, %ne3A_345 : vector<16xi1>
    %add3A_355 = vector.broadcast %select_n3A_340 : i32 to vector<16xi32>
    %add3A_356 = arith.addi %rem3A_342, %add3A_355 : vector<16xi32>
    %select_n3A_357 = arith.select %and3A_354, %add3A_356, %rem3A_342 : vector<16xi1>, vector<16xi32>
    %add3A_358 = arith.constant 14 : i32
    %add3A_359 = vector.broadcast %add3A_358 : i32 to vector<16xi32>
    %add3A_360 = arith.addi %iota3A, %add3A_359 : vector<16xi32>
    %jit3A_361 = arith.constant 16 : i32
    %eq3A_362 = arith.constant 0 : i32
    %eq3A_363 = arith.cmpi eq, %jit3A_361, %eq3A_362 : i32
    %jit3A_364 = arith.constant 1 : i32
    %select_n3A_365 = arith.select %eq3A_363, %jit3A_364, %jit3A_361 : i32
    %rem3A_366 = vector.broadcast %select_n3A_365 : i32 to vector<16xi32>
    %rem3A_367 = arith.remsi %add3A_360, %rem3A_366 : vector<16xi32>
    %ne3A_368 = arith.constant 0 : i32
    %ne3A_369 = vector.broadcast %ne3A_368 : i32 to vector<16xi32>
    %ne3A_370 = arith.cmpi ne, %rem3A_367, %ne3A_369 : vector<16xi32>
    %lt3A_371 = arith.constant 0 : i32
    %lt3A_372 = vector.broadcast %lt3A_371 : i32 to vector<16xi32>
    %lt3A_373 = arith.cmpi slt, %rem3A_367, %lt3A_372 : vector<16xi32>
    %lt3A_374 = arith.constant 0 : i32
    %lt3A_375 = arith.cmpi slt, %select_n3A_365, %lt3A_374 : i32
    %ne3A_376 = vector.broadcast %lt3A_375 : i1 to vector<16xi1>
    %ne3A_377 = vector.broadcast %ne3A_376 : vector<16xi1> to vector<16xi1>
    %ne3A_378 = arith.xori %lt3A_373, %ne3A_377 : vector<16xi1>
    %and3A_379 = arith.andi %ne3A_378, %ne3A_370 : vector<16xi1>
    %add3A_380 = vector.broadcast %select_n3A_365 : i32 to vector<16xi32>
    %add3A_381 = arith.addi %rem3A_367, %add3A_380 : vector<16xi32>
    %select_n3A_382 = arith.select %and3A_379, %add3A_381, %rem3A_367 : vector<16xi1>, vector<16xi32>
    %add3A_383 = arith.constant 15 : i32
    %add3A_384 = vector.broadcast %add3A_383 : i32 to vector<16xi32>
    %add3A_385 = arith.addi %iota3A, %add3A_384 : vector<16xi32>
    %jit3A_386 = arith.constant 16 : i32
    %eq3A_387 = arith.constant 0 : i32
    %eq3A_388 = arith.cmpi eq, %jit3A_386, %eq3A_387 : i32
    %jit3A_389 = arith.constant 1 : i32
    %select_n3A_390 = arith.select %eq3A_388, %jit3A_389, %jit3A_386 : i32
    %rem3A_391 = vector.broadcast %select_n3A_390 : i32 to vector<16xi32>
    %rem3A_392 = arith.remsi %add3A_385, %rem3A_391 : vector<16xi32>
    %ne3A_393 = arith.constant 0 : i32
    %ne3A_394 = vector.broadcast %ne3A_393 : i32 to vector<16xi32>
    %ne3A_395 = arith.cmpi ne, %rem3A_392, %ne3A_394 : vector<16xi32>
    %lt3A_396 = arith.constant 0 : i32
    %lt3A_397 = vector.broadcast %lt3A_396 : i32 to vector<16xi32>
    %lt3A_398 = arith.cmpi slt, %rem3A_392, %lt3A_397 : vector<16xi32>
    %lt3A_399 = arith.constant 0 : i32
    %lt3A_400 = arith.cmpi slt, %select_n3A_390, %lt3A_399 : i32
    %ne3A_401 = vector.broadcast %lt3A_400 : i1 to vector<16xi1>
    %ne3A_402 = vector.broadcast %ne3A_401 : vector<16xi1> to vector<16xi1>
    %ne3A_403 = arith.xori %lt3A_398, %ne3A_402 : vector<16xi1>
    %and3A_404 = arith.andi %ne3A_403, %ne3A_395 : vector<16xi1>
    %add3A_405 = vector.broadcast %select_n3A_390 : i32 to vector<16xi32>
    %add3A_406 = arith.addi %rem3A_392, %add3A_405 : vector<16xi32>
    %select_n3A_407 = arith.select %and3A_404, %add3A_406, %rem3A_392 : vector<16xi1>, vector<16xi32>
    %mul3A_408 = arith.constant 64 : i32
    %mul3A_409 = vector.broadcast %mul3A_408 : i32 to vector<16xi32>
    %mul3A_410 = arith.muli %iota3A, %mul3A_409 : vector<16xi32>
    %add3A_411 = arith.addi %mul3A_410, %select_n3A_32 : vector<16xi32>
    %mul3A_412 = arith.constant 64 : i32
    %mul3A_413 = vector.broadcast %mul3A_412 : i32 to vector<16xi32>
    %mul3A_414 = arith.muli %iota3A, %mul3A_413 : vector<16xi32>
    %add3A_415 = arith.addi %mul3A_414, %select_n3A_57 : vector<16xi32>
    %mul3A_416 = arith.constant 64 : i32
    %mul3A_417 = vector.broadcast %mul3A_416 : i32 to vector<16xi32>
    %mul3A_418 = arith.muli %iota3A, %mul3A_417 : vector<16xi32>
    %add3A_419 = arith.addi %mul3A_418, %select_n3A_82 : vector<16xi32>
    %mul3A_420 = arith.constant 64 : i32
    %mul3A_421 = vector.broadcast %mul3A_420 : i32 to vector<16xi32>
    %mul3A_422 = arith.muli %iota3A, %mul3A_421 : vector<16xi32>
    %add3A_423 = arith.addi %mul3A_422, %select_n3A_107 : vector<16xi32>
    %mul3A_424 = arith.constant 64 : i32
    %mul3A_425 = vector.broadcast %mul3A_424 : i32 to vector<16xi32>
    %mul3A_426 = arith.muli %iota3A, %mul3A_425 : vector<16xi32>
    %add3A_427 = arith.addi %mul3A_426, %select_n3A_132 : vector<16xi32>
    %mul3A_428 = arith.constant 64 : i32
    %mul3A_429 = vector.broadcast %mul3A_428 : i32 to vector<16xi32>
    %mul3A_430 = arith.muli %iota3A, %mul3A_429 : vector<16xi32>
    %add3A_431 = arith.addi %mul3A_430, %select_n3A_157 : vector<16xi32>
    %mul3A_432 = arith.constant 64 : i32
    %mul3A_433 = vector.broadcast %mul3A_432 : i32 to vector<16xi32>
    %mul3A_434 = arith.muli %iota3A, %mul3A_433 : vector<16xi32>
    %add3A_435 = arith.addi %mul3A_434, %select_n3A_182 : vector<16xi32>
    %mul3A_436 = arith.constant 64 : i32
    %mul3A_437 = vector.broadcast %mul3A_436 : i32 to vector<16xi32>
    %mul3A_438 = arith.muli %iota3A, %mul3A_437 : vector<16xi32>
    %add3A_439 = arith.addi %mul3A_438, %select_n3A_207 : vector<16xi32>
    %mul3A_440 = arith.constant 64 : i32
    %mul3A_441 = vector.broadcast %mul3A_440 : i32 to vector<16xi32>
    %mul3A_442 = arith.muli %iota3A, %mul3A_441 : vector<16xi32>
    %add3A_443 = arith.addi %mul3A_442, %select_n3A_232 : vector<16xi32>
    %mul3A_444 = arith.constant 64 : i32
    %mul3A_445 = vector.broadcast %mul3A_444 : i32 to vector<16xi32>
    %mul3A_446 = arith.muli %iota3A, %mul3A_445 : vector<16xi32>
    %add3A_447 = arith.addi %mul3A_446, %select_n3A_257 : vector<16xi32>
    %mul3A_448 = arith.constant 64 : i32
    %mul3A_449 = vector.broadcast %mul3A_448 : i32 to vector<16xi32>
    %mul3A_450 = arith.muli %iota3A, %mul3A_449 : vector<16xi32>
    %add3A_451 = arith.addi %mul3A_450, %select_n3A_282 : vector<16xi32>
    %mul3A_452 = arith.constant 64 : i32
    %mul3A_453 = vector.broadcast %mul3A_452 : i32 to vector<16xi32>
    %mul3A_454 = arith.muli %iota3A, %mul3A_453 : vector<16xi32>
    %add3A_455 = arith.addi %mul3A_454, %select_n3A_307 : vector<16xi32>
    %mul3A_456 = arith.constant 64 : i32
    %mul3A_457 = vector.broadcast %mul3A_456 : i32 to vector<16xi32>
    %mul3A_458 = arith.muli %iota3A, %mul3A_457 : vector<16xi32>
    %add3A_459 = arith.addi %mul3A_458, %select_n3A_332 : vector<16xi32>
    %mul3A_460 = arith.constant 64 : i32
    %mul3A_461 = vector.broadcast %mul3A_460 : i32 to vector<16xi32>
    %mul3A_462 = arith.muli %iota3A, %mul3A_461 : vector<16xi32>
    %add3A_463 = arith.addi %mul3A_462, %select_n3A_357 : vector<16xi32>
    %mul3A_464 = arith.constant 64 : i32
    %mul3A_465 = vector.broadcast %mul3A_464 : i32 to vector<16xi32>
    %mul3A_466 = arith.muli %iota3A, %mul3A_465 : vector<16xi32>
    %add3A_467 = arith.addi %mul3A_466, %select_n3A_382 : vector<16xi32>
    %mul3A_468 = arith.constant 64 : i32
    %mul3A_469 = vector.broadcast %mul3A_468 : i32 to vector<16xi32>
    %mul3A_470 = arith.muli %iota3A, %mul3A_469 : vector<16xi32>
    %add3A_471 = arith.addi %mul3A_470, %select_n3A_407 : vector<16xi32>
    %add3A_472 = arith.constant 0 : i32
    %add3A_473 = arith.addi %add3A_9, %add3A_472 : i32
    %mul3A_474 = arith.constant 128 : i32
    %mul3A_475 = arith.muli %add3A_473, %mul3A_474 : i32
    %dma_start3A = arith.constant 0 : i32
    %dma_start3A_476 = tpu.memref_slice %arg2[%dma_start3A, %mul3A_475] : memref<64x1000001xf32, #tpu.memory_space<hbm>> -> memref<64x128xf32, #tpu.memory_space<hbm>>
    %dma_start3A_477 = arith.constant 0 : i32
    %dma_start3A_478 = tpu.memref_slice %arg2[%dma_start3A_477, %mul3A_475] : memref<64x1000001xf32, #tpu.memory_space<hbm>> -> memref<64x128xf32, #tpu.memory_space<hbm>>
    tpu.enqueue_dma source(%dma_start3A_478 : memref<64x128xf32, #tpu.memory_space<hbm>>) target(%arg5 : memref<64x128xf32, #tpu.memory_space<vmem>>) target_semaphore(%arg9 : memref<!tpu.dma_semaphore, #tpu.memory_space<semaphore_mem>>)
    %add3A_479 = arith.constant 1 : i32
    %add3A_480 = arith.addi %add3A_9, %add3A_479 : i32
    %mul3A_481 = arith.constant 128 : i32
    %mul3A_482 = arith.muli %add3A_480, %mul3A_481 : i32
    %dma_start3A_483 = arith.constant 0 : i32
    %dma_start3A_484 = tpu.memref_slice %arg2[%dma_start3A_483, %mul3A_482] : memref<64x1000001xf32, #tpu.memory_space<hbm>> -> memref<64x128xf32, #tpu.memory_space<hbm>>
    %dma_start3A_485 = arith.constant 0 : i32
    %dma_start3A_486 = tpu.memref_slice %arg2[%dma_start3A_485, %mul3A_482] : memref<64x1000001xf32, #tpu.memory_space<hbm>> -> memref<64x128xf32, #tpu.memory_space<hbm>>
    tpu.enqueue_dma source(%dma_start3A_486 : memref<64x128xf32, #tpu.memory_space<hbm>>) target(%arg6 : memref<64x128xf32, #tpu.memory_space<vmem>>) target_semaphore(%arg10 : memref<!tpu.dma_semaphore, #tpu.memory_space<semaphore_mem>>)
    %scan3A = arith.constant 0 : i32
    %scan3A_487 = arith.constant 123 : i32
    %scan3A_488 = arith.addi %scan3A, %scan3A_487 : i32
    %scan3A_489 = arith.constant 1 : i32
    scf.for %scan3A_498 = %scan3A to %scan3A_488 step %scan3A_489  : i32 {
      %mul3A_499 = arith.constant 2 : i32
      %mul3A_500 = arith.muli %mul3A_499, %scan3A_498 : i32
      %add3A_501 = arith.constant 0 : i32
      %add3A_502 = arith.addi %mul3A_500, %add3A_501 : i32
      %lt3A_503 = arith.cmpi slt, %add3A_502, %add3A_4 : i32
      %convert_element_type3A_504 = arith.extui %lt3A_503 : i1 to i32
      %cond3A_505 = arith.constant 0 : i32
      %cond3A_506 = arith.cmpi ne, %convert_element_type3A_504, %cond3A_505 : i32
      scf.if %cond3A_506 {
        %dma_wait3A_515 = arith.constant 0 : i32
        %dma_wait3A_516 = arith.constant 0 : i32
        %dma_wait3A_517 = tpu.memref_slice %arg2[%dma_wait3A_515, %dma_wait3A_516] : memref<64x1000001xf32, #tpu.memory_space<hbm>> -> memref<64x128xf32, #tpu.memory_space<hbm>>
        %dma_wait3A_518 = arith.constant 0 : i32
        %dma_wait3A_519 = arith.constant 0 : i32
        %dma_wait3A_520 = tpu.memref_slice %arg2[%dma_wait3A_518, %dma_wait3A_519] : memref<64x1000001xf32, #tpu.memory_space<hbm>> -> memref<64x128xf32, #tpu.memory_space<hbm>>
        tpu.wait_dma2 semaphore(%arg9 : memref<!tpu.dma_semaphore, #tpu.memory_space<semaphore_mem>>) src(%dma_wait3A_520 : memref<64x128xf32, #tpu.memory_space<hbm>>) dst(%arg5 : memref<64x128xf32, #tpu.memory_space<vmem>>)
        %ge3A_521 = arith.constant 2 : i32
        %ge3A_522 = arith.cmpi sge, %add3A_502, %ge3A_521 : i32
        %convert_element_type3A_523 = arith.extui %ge3A_522 : i1 to i32
        %cond3A_524 = arith.constant 0 : i32
        %cond3A_525 = arith.cmpi ne, %convert_element_type3A_523, %cond3A_524 : i32
        scf.if %cond3A_525 {
          %dma_wait3A_544 = arith.constant 0 : i32
          %dma_wait3A_545 = tpu.memref_slice %arg4[%dma_wait3A_544] : memref<64000512xf32, #tpu.memory_space<hbm>> -> memref<8192xf32, #tpu.memory_space<hbm>>
          %dma_wait3A_546 = arith.constant 0 : i32
          %dma_wait3A_547 = tpu.memref_slice %arg4[%dma_wait3A_546] : memref<64000512xf32, #tpu.memory_space<hbm>> -> memref<8192xf32, #tpu.memory_space<hbm>>
          tpu.wait_dma2 semaphore(%arg11 : memref<!tpu.dma_semaphore, #tpu.memory_space<semaphore_mem>>) src(%arg7 : memref<8192xf32, #tpu.memory_space<vmem>>) dst(%dma_wait3A_547 : memref<8192xf32, #tpu.memory_space<hbm>>)
        } else {
        }
        %scan3A_526 = arith.constant 0 : i32
        %scan3A_527 = arith.constant 4 : i32
        %scan3A_528 = arith.addi %scan3A_526, %scan3A_527 : i32
        %scan3A_529 = arith.constant 1 : i32
        scf.for %scan3A_544 = %scan3A_526 to %scan3A_528 step %scan3A_529  : i32 {
          %mul3A_545 = arith.constant 16 : i32
          %mul3A_546 = arith.muli %scan3A_544, %mul3A_545 : i32
          %add3A_547 = vector.broadcast %mul3A_546 : i32 to vector<16xi32>
          %add3A_548 = arith.addi %select_n3A_32, %add3A_547 : vector<16xi32>
          %mul3A_549 = arith.constant 16 : i32
          %mul3A_550 = arith.muli %scan3A_544, %mul3A_549 : i32
          %add3A_551 = vector.broadcast %mul3A_550 : i32 to vector<16xi32>
          %add3A_552 = arith.addi %select_n3A_57, %add3A_551 : vector<16xi32>
          %mul3A_553 = arith.constant 16 : i32
          %mul3A_554 = arith.muli %scan3A_544, %mul3A_553 : i32
          %add3A_555 = vector.broadcast %mul3A_554 : i32 to vector<16xi32>
          %add3A_556 = arith.addi %select_n3A_82, %add3A_555 : vector<16xi32>
          %mul3A_557 = arith.constant 16 : i32
          %mul3A_558 = arith.muli %scan3A_544, %mul3A_557 : i32
          %add3A_559 = vector.broadcast %mul3A_558 : i32 to vector<16xi32>
          %add3A_560 = arith.addi %select_n3A_107, %add3A_559 : vector<16xi32>
          %mul3A_561 = arith.constant 16 : i32
          %mul3A_562 = arith.muli %scan3A_544, %mul3A_561 : i32
          %add3A_563 = vector.broadcast %mul3A_562 : i32 to vector<16xi32>
          %add3A_564 = arith.addi %select_n3A_132, %add3A_563 : vector<16xi32>
          %mul3A_565 = arith.constant 16 : i32
          %mul3A_566 = arith.muli %scan3A_544, %mul3A_565 : i32
          %add3A_567 = vector.broadcast %mul3A_566 : i32 to vector<16xi32>
          %add3A_568 = arith.addi %select_n3A_157, %add3A_567 : vector<16xi32>
          %mul3A_569 = arith.constant 16 : i32
          %mul3A_570 = arith.muli %scan3A_544, %mul3A_569 : i32
          %add3A_571 = vector.broadcast %mul3A_570 : i32 to vector<16xi32>
          %add3A_572 = arith.addi %select_n3A_182, %add3A_571 : vector<16xi32>
          %mul3A_573 = arith.constant 16 : i32
          %mul3A_574 = arith.muli %scan3A_544, %mul3A_573 : i32
          %add3A_575 = vector.broadcast %mul3A_574 : i32 to vector<16xi32>
          %add3A_576 = arith.addi %select_n3A_207, %add3A_575 : vector<16xi32>
          %mul3A_577 = arith.constant 16 : i32
          %mul3A_578 = arith.muli %scan3A_544, %mul3A_577 : i32
          %add3A_579 = vector.broadcast %mul3A_578 : i32 to vector<16xi32>
          %add3A_580 = arith.addi %select_n3A_232, %add3A_579 : vector<16xi32>
          %mul3A_581 = arith.constant 16 : i32
          %mul3A_582 = arith.muli %scan3A_544, %mul3A_581 : i32
          %add3A_583 = vector.broadcast %mul3A_582 : i32 to vector<16xi32>
          %add3A_584 = arith.addi %select_n3A_257, %add3A_583 : vector<16xi32>
          %mul3A_585 = arith.constant 16 : i32
          %mul3A_586 = arith.muli %scan3A_544, %mul3A_585 : i32
          %add3A_587 = vector.broadcast %mul3A_586 : i32 to vector<16xi32>
          %add3A_588 = arith.addi %select_n3A_282, %add3A_587 : vector<16xi32>
          %mul3A_589 = arith.constant 16 : i32
          %mul3A_590 = arith.muli %scan3A_544, %mul3A_589 : i32
          %add3A_591 = vector.broadcast %mul3A_590 : i32 to vector<16xi32>
          %add3A_592 = arith.addi %select_n3A_307, %add3A_591 : vector<16xi32>
          %mul3A_593 = arith.constant 16 : i32
          %mul3A_594 = arith.muli %scan3A_544, %mul3A_593 : i32
          %add3A_595 = vector.broadcast %mul3A_594 : i32 to vector<16xi32>
          %add3A_596 = arith.addi %select_n3A_332, %add3A_595 : vector<16xi32>
          %mul3A_597 = arith.constant 16 : i32
          %mul3A_598 = arith.muli %scan3A_544, %mul3A_597 : i32
          %add3A_599 = vector.broadcast %mul3A_598 : i32 to vector<16xi32>
          %add3A_600 = arith.addi %select_n3A_357, %add3A_599 : vector<16xi32>
          %mul3A_601 = arith.constant 16 : i32
          %mul3A_602 = arith.muli %scan3A_544, %mul3A_601 : i32
          %add3A_603 = vector.broadcast %mul3A_602 : i32 to vector<16xi32>
          %add3A_604 = arith.addi %select_n3A_382, %add3A_603 : vector<16xi32>
          %mul3A_605 = arith.constant 16 : i32
          %mul3A_606 = arith.muli %scan3A_544, %mul3A_605 : i32
          %add3A_607 = vector.broadcast %mul3A_606 : i32 to vector<16xi32>
          %add3A_608 = arith.addi %select_n3A_407, %add3A_607 : vector<16xi32>
          %add3A_609 = arith.constant 0 : i32
          %add3A_610 = vector.broadcast %add3A_609 : i32 to vector<16xi32>
          %add3A_611 = arith.addi %iota3A, %add3A_610 : vector<16xi32>
          %mul3A_612 = arith.constant 16 : i32
          %mul3A_613 = arith.muli %scan3A_544, %mul3A_612 : i32
          %add3A_614 = arith.constant 0 : i32
          %add3A_615 = arith.addi %add3A_614, %mul3A_613 : i32
          %gather3A = tpu.vector_load_idx %arg5[%add3A_548, %add3A_611] : memref<64x128xf32, #tpu.memory_space<vmem>>[vector<16xi32>, vector<16xi32>], vector<16xf32>,
          %add3A_616 = vector.broadcast %add3A_615 : i32 to vector<16xi32>
          %add3A_617 = arith.addi %add3A_411, %add3A_616 : vector<16xi32>
          tpu.vector_store_idx %arg7[%add3A_617], %gather3A : memref<8192xf32, #tpu.memory_space<vmem>>[vector<16xi32>], vector<16xf32>,
          %gather3A_618 = tpu.vector_load_idx %arg5[%add3A_552, %add3A_611] : memref<64x128xf32, #tpu.memory_space<vmem>>[vector<16xi32>, vector<16xi32>], vector<16xf32>,
          %add3A_619 = vector.broadcast %add3A_615 : i32 to vector<16xi32>
          %add3A_620 = arith.addi %add3A_415, %add3A_619 : vector<16xi32>
          tpu.vector_store_idx %arg7[%add3A_620], %gather3A_618 : memref<8192xf32, #tpu.memory_space<vmem>>[vector<16xi32>], vector<16xf32>,
          %gather3A_621 = tpu.vector_load_idx %arg5[%add3A_556, %add3A_611] : memref<64x128xf32, #tpu.memory_space<vmem>>[vector<16xi32>, vector<16xi32>], vector<16xf32>,
          %add3A_622 = vector.broadcast %add3A_615 : i32 to vector<16xi32>
          %add3A_623 = arith.addi %add3A_419, %add3A_622 : vector<16xi32>
          tpu.vector_store_idx %arg7[%add3A_623], %gather3A_621 : memref<8192xf32, #tpu.memory_space<vmem>>[vector<16xi32>], vector<16xf32>,
          %gather3A_624 = tpu.vector_load_idx %arg5[%add3A_560, %add3A_611] : memref<64x128xf32, #tpu.memory_space<vmem>>[vector<16xi32>, vector<16xi32>], vector<16xf32>,
          %add3A_625 = vector.broadcast %add3A_615 : i32 to vector<16xi32>
          %add3A_626 = arith.addi %add3A_423, %add3A_625 : vector<16xi32>
          tpu.vector_store_idx %arg7[%add3A_626], %gather3A_624 : memref<8192xf32, #tpu.memory_space<vmem>>[vector<16xi32>], vector<16xf32>,
          %gather3A_627 = tpu.vector_load_idx %arg5[%add3A_564, %add3A_611] : memref<64x128xf32, #tpu.memory_space<vmem>>[vector<16xi32>, vector<16xi32>], vector<16xf32>,
          %add3A_628 = vector.broadcast %add3A_615 : i32 to vector<16xi32>
          %add3A_629 = arith.addi %add3A_427, %add3A_628 : vector<16xi32>
          tpu.vector_store_idx %arg7[%add3A_629], %gather3A_627 : memref<8192xf32, #tpu.memory_space<vmem>>[vector<16xi32>], vector<16xf32>,
          %gather3A_630 = tpu.vector_load_idx %arg5[%add3A_568, %add3A_611] : memref<64x128xf32, #tpu.memory_space<vmem>>[vector<16xi32>, vector<16xi32>], vector<16xf32>,
          %add3A_631 = vector.broadcast %add3A_615 : i32 to vector<16xi32>
          %add3A_632 = arith.addi %add3A_431, %add3A_631 : vector<16xi32>
          tpu.vector_store_idx %arg7[%add3A_632], %gather3A_630 : memref<8192xf32, #tpu.memory_space<vmem>>[vector<16xi32>], vector<16xf32>,
          %gather3A_633 = tpu.vector_load_idx %arg5[%add3A_572, %add3A_611] : memref<64x128xf32, #tpu.memory_space<vmem>>[vector<16xi32>, vector<16xi32>], vector<16xf32>,
          %add3A_634 = vector.broadcast %add3A_615 : i32 to vector<16xi32>
          %add3A_635 = arith.addi %add3A_435, %add3A_634 : vector<16xi32>
          tpu.vector_store_idx %arg7[%add3A_635], %gather3A_633 : memref<8192xf32, #tpu.memory_space<vmem>>[vector<16xi32>], vector<16xf32>,
          %gather3A_636 = tpu.vector_load_idx %arg5[%add3A_576, %add3A_611] : memref<64x128xf32, #tpu.memory_space<vmem>>[vector<16xi32>, vector<16xi32>], vector<16xf32>,
          %add3A_637 = vector.broadcast %add3A_615 : i32 to vector<16xi32>
          %add3A_638 = arith.addi %add3A_439, %add3A_637 : vector<16xi32>
          tpu.vector_store_idx %arg7[%add3A_638], %gather3A_636 : memref<8192xf32, #tpu.memory_space<vmem>>[vector<16xi32>], vector<16xf32>,
          %gather3A_639 = tpu.vector_load_idx %arg5[%add3A_580, %add3A_611] : memref<64x128xf32, #tpu.memory_space<vmem>>[vector<16xi32>, vector<16xi32>], vector<16xf32>,
          %add3A_640 = vector.broadcast %add3A_615 : i32 to vector<16xi32>
          %add3A_641 = arith.addi %add3A_443, %add3A_640 : vector<16xi32>
          tpu.vector_store_idx %arg7[%add3A_641], %gather3A_639 : memref<8192xf32, #tpu.memory_space<vmem>>[vector<16xi32>], vector<16xf32>,
          %gather3A_642 = tpu.vector_load_idx %arg5[%add3A_584, %add3A_611] : memref<64x128xf32, #tpu.memory_space<vmem>>[vector<16xi32>, vector<16xi32>], vector<16xf32>,
          %add3A_643 = vector.broadcast %add3A_615 : i32 to vector<16xi32>
          %add3A_644 = arith.addi %add3A_447, %add3A_643 : vector<16xi32>
          tpu.vector_store_idx %arg7[%add3A_644], %gather3A_642 : memref<8192xf32, #tpu.memory_space<vmem>>[vector<16xi32>], vector<16xf32>,
          %gather3A_645 = tpu.vector_load_idx %arg5[%add3A_588, %add3A_611] : memref<64x128xf32, #tpu.memory_space<vmem>>[vector<16xi32>, vector<16xi32>], vector<16xf32>,
          %add3A_646 = vector.broadcast %add3A_615 : i32 to vector<16xi32>
          %add3A_647 = arith.addi %add3A_451, %add3A_646 : vector<16xi32>
          tpu.vector_store_idx %arg7[%add3A_647], %gather3A_645 : memref<8192xf32, #tpu.memory_space<vmem>>[vector<16xi32>], vector<16xf32>,
          %gather3A_648 = tpu.vector_load_idx %arg5[%add3A_592, %add3A_611] : memref<64x128xf32, #tpu.memory_space<vmem>>[vector<16xi32>, vector<16xi32>], vector<16xf32>,
          %add3A_649 = vector.broadcast %add3A_615 : i32 to vector<16xi32>
          %add3A_650 = arith.addi %add3A_455, %add3A_649 : vector<16xi32>
          tpu.vector_store_idx %arg7[%add3A_650], %gather3A_648 : memref<8192xf32, #tpu.memory_space<vmem>>[vector<16xi32>], vector<16xf32>,
          %gather3A_651 = tpu.vector_load_idx %arg5[%add3A_596, %add3A_611] : memref<64x128xf32, #tpu.memory_space<vmem>>[vector<16xi32>, vector<16xi32>], vector<16xf32>,
          %add3A_652 = vector.broadcast %add3A_615 : i32 to vector<16xi32>
          %add3A_653 = arith.addi %add3A_459, %add3A_652 : vector<16xi32>
          tpu.vector_store_idx %arg7[%add3A_653], %gather3A_651 : memref<8192xf32, #tpu.memory_space<vmem>>[vector<16xi32>], vector<16xf32>,
          %gather3A_654 = tpu.vector_load_idx %arg5[%add3A_600, %add3A_611] : memref<64x128xf32, #tpu.memory_space<vmem>>[vector<16xi32>, vector<16xi32>], vector<16xf32>,
          %add3A_655 = vector.broadcast %add3A_615 : i32 to vector<16xi32>
          %add3A_656 = arith.addi %add3A_463, %add3A_655 : vector<16xi32>
          tpu.vector_store_idx %arg7[%add3A_656], %gather3A_654 : memref<8192xf32, #tpu.memory_space<vmem>>[vector<16xi32>], vector<16xf32>,
          %gather3A_657 = tpu.vector_load_idx %arg5[%add3A_604, %add3A_611] : memref<64x128xf32, #tpu.memory_space<vmem>>[vector<16xi32>, vector<16xi32>], vector<16xf32>,
          %add3A_658 = vector.broadcast %add3A_615 : i32 to vector<16xi32>
          %add3A_659 = arith.addi %add3A_467, %add3A_658 : vector<16xi32>
          tpu.vector_store_idx %arg7[%add3A_659], %gather3A_657 : memref<8192xf32, #tpu.memory_space<vmem>>[vector<16xi32>], vector<16xf32>,
          %gather3A_660 = tpu.vector_load_idx %arg5[%add3A_608, %add3A_611] : memref<64x128xf32, #tpu.memory_space<vmem>>[vector<16xi32>, vector<16xi32>], vector<16xf32>,
          %add3A_661 = vector.broadcast %add3A_615 : i32 to vector<16xi32>
          %add3A_662 = arith.addi %add3A_471, %add3A_661 : vector<16xi32>
          tpu.vector_store_idx %arg7[%add3A_662], %gather3A_660 : memref<8192xf32, #tpu.memory_space<vmem>>[vector<16xi32>], vector<16xf32>,
          %add3A_663 = arith.constant 16 : i32
          %add3A_664 = vector.broadcast %add3A_663 : i32 to vector<16xi32>
          %add3A_665 = arith.addi %iota3A, %add3A_664 : vector<16xi32>
          %mul3A_666 = arith.constant 16 : i32
          %mul3A_667 = arith.muli %scan3A_544, %mul3A_666 : i32
          %add3A_668 = arith.constant 1024 : i32
          %add3A_669 = arith.addi %add3A_668, %mul3A_667 : i32
          %gather3A_670 = tpu.vector_load_idx %arg5[%add3A_548, %add3A_665] : memref<64x128xf32, #tpu.memory_space<vmem>>[vector<16xi32>, vector<16xi32>], vector<16xf32>,
          %add3A_671 = vector.broadcast %add3A_669 : i32 to vector<16xi32>
          %add3A_672 = arith.addi %add3A_411, %add3A_671 : vector<16xi32>
          tpu.vector_store_idx %arg7[%add3A_672], %gather3A_670 : memref<8192xf32, #tpu.memory_space<vmem>>[vector<16xi32>], vector<16xf32>,
          %gather3A_673 = tpu.vector_load_idx %arg5[%add3A_552, %add3A_665] : memref<64x128xf32, #tpu.memory_space<vmem>>[vector<16xi32>, vector<16xi32>], vector<16xf32>,
          %add3A_674 = vector.broadcast %add3A_669 : i32 to vector<16xi32>
          %add3A_675 = arith.addi %add3A_415, %add3A_674 : vector<16xi32>
          tpu.vector_store_idx %arg7[%add3A_675], %gather3A_673 : memref<8192xf32, #tpu.memory_space<vmem>>[vector<16xi32>], vector<16xf32>,
          %gather3A_676 = tpu.vector_load_idx %arg5[%add3A_556, %add3A_665] : memref<64x128xf32, #tpu.memory_space<vmem>>[vector<16xi32>, vector<16xi32>], vector<16xf32>,
          %add3A_677 = vector.broadcast %add3A_669 : i32 to vector<16xi32>
          %add3A_678 = arith.addi %add3A_419, %add3A_677 : vector<16xi32>
          tpu.vector_store_idx %arg7[%add3A_678], %gather3A_676 : memref<8192xf32, #tpu.memory_space<vmem>>[vector<16xi32>], vector<16xf32>,
          %gather3A_679 = tpu.vector_load_idx %arg5[%add3A_560, %add3A_665] : memref<64x128xf32, #tpu.memory_space<vmem>>[vector<16xi32>, vector<16xi32>], vector<16xf32>,
          %add3A_680 = vector.broadcast %add3A_669 : i32 to vector<16xi32>
          %add3A_681 = arith.addi %add3A_423, %add3A_680 : vector<16xi32>
          tpu.vector_store_idx %arg7[%add3A_681], %gather3A_679 : memref<8192xf32, #tpu.memory_space<vmem>>[vector<16xi32>], vector<16xf32>,
          %gather3A_682 = tpu.vector_load_idx %arg5[%add3A_564, %add3A_665] : memref<64x128xf32, #tpu.memory_space<vmem>>[vector<16xi32>, vector<16xi32>], vector<16xf32>,
          %add3A_683 = vector.broadcast %add3A_669 : i32 to vector<16xi32>
          %add3A_684 = arith.addi %add3A_427, %add3A_683 : vector<16xi32>
          tpu.vector_store_idx %arg7[%add3A_684], %gather3A_682 : memref<8192xf32, #tpu.memory_space<vmem>>[vector<16xi32>], vector<16xf32>,
          %gather3A_685 = tpu.vector_load_idx %arg5[%add3A_568, %add3A_665] : memref<64x128xf32, #tpu.memory_space<vmem>>[vector<16xi32>, vector<16xi32>], vector<16xf32>,
          %add3A_686 = vector.broadcast %add3A_669 : i32 to vector<16xi32>
          %add3A_687 = arith.addi %add3A_431, %add3A_686 : vector<16xi32>
          tpu.vector_store_idx %arg7[%add3A_687], %gather3A_685 : memref<8192xf32, #tpu.memory_space<vmem>>[vector<16xi32>], vector<16xf32>,
          %gather3A_688 = tpu.vector_load_idx %arg5[%add3A_572, %add3A_665] : memref<64x128xf32, #tpu.memory_space<vmem>>[vector<16xi32>, vector<16xi32>], vector<16xf32>,
          %add3A_689 = vector.broadcast %add3A_669 : i32 to vector<16xi32>
          %add3A_690 = arith.addi %add3A_435, %add3A_689 : vector<16xi32>
          tpu.vector_store_idx %arg7[%add3A_690], %gather3A_688 : memref<8192xf32, #tpu.memory_space<vmem>>[vector<16xi32>], vector<16xf32>,
          %gather3A_691 = tpu.vector_load_idx %arg5[%add3A_576, %add3A_665] : memref<64x128xf32, #tpu.memory_space<vmem>>[vector<16xi32>, vector<16xi32>], vector<16xf32>,
          %add3A_692 = vector.broadcast %add3A_669 : i32 to vector<16xi32>
          %add3A_693 = arith.addi %add3A_439, %add3A_692 : vector<16xi32>
          tpu.vector_store_idx %arg7[%add3A_693], %gather3A_691 : memref<8192xf32, #tpu.memory_space<vmem>>[vector<16xi32>], vector<16xf32>,
          %gather3A_694 = tpu.vector_load_idx %arg5[%add3A_580, %add3A_665] : memref<64x128xf32, #tpu.memory_space<vmem>>[vector<16xi32>, vector<16xi32>], vector<16xf32>,
          %add3A_695 = vector.broadcast %add3A_669 : i32 to vector<16xi32>
          %add3A_696 = arith.addi %add3A_443, %add3A_695 : vector<16xi32>
          tpu.vector_store_idx %arg7[%add3A_696], %gather3A_694 : memref<8192xf32, #tpu.memory_space<vmem>>[vector<16xi32>], vector<16xf32>,
          %gather3A_697 = tpu.vector_load_idx %arg5[%add3A_584, %add3A_665] : memref<64x128xf32, #tpu.memory_space<vmem>>[vector<16xi32>, vector<16xi32>], vector<16xf32>,
          %add3A_698 = vector.broadcast %add3A_669 : i32 to vector<16xi32>
          %add3A_699 = arith.addi %add3A_447, %add3A_698 : vector<16xi32>
          tpu.vector_store_idx %arg7[%add3A_699], %gather3A_697 : memref<8192xf32, #tpu.memory_space<vmem>>[vector<16xi32>], vector<16xf32>,
          %gather3A_700 = tpu.vector_load_idx %arg5[%add3A_588, %add3A_665] : memref<64x128xf32, #tpu.memory_space<vmem>>[vector<16xi32>, vector<16xi32>], vector<16xf32>,
          %add3A_701 = vector.broadcast %add3A_669 : i32 to vector<16xi32>
          %add3A_702 = arith.addi %add3A_451, %add3A_701 : vector<16xi32>
          tpu.vector_store_idx %arg7[%add3A_702], %gather3A_700 : memref<8192xf32, #tpu.memory_space<vmem>>[vector<16xi32>], vector<16xf32>,
          %gather3A_703 = tpu.vector_load_idx %arg5[%add3A_592, %add3A_665] : memref<64x128xf32, #tpu.memory_space<vmem>>[vector<16xi32>, vector<16xi32>], vector<16xf32>,
          %add3A_704 = vector.broadcast %add3A_669 : i32 to vector<16xi32>
          %add3A_705 = arith.addi %add3A_455, %add3A_704 : vector<16xi32>
          tpu.vector_store_idx %arg7[%add3A_705], %gather3A_703 : memref<8192xf32, #tpu.memory_space<vmem>>[vector<16xi32>], vector<16xf32>,
          %gather3A_706 = tpu.vector_load_idx %arg5[%add3A_596, %add3A_665] : memref<64x128xf32, #tpu.memory_space<vmem>>[vector<16xi32>, vector<16xi32>], vector<16xf32>,
          %add3A_707 = vector.broadcast %add3A_669 : i32 to vector<16xi32>
          %add3A_708 = arith.addi %add3A_459, %add3A_707 : vector<16xi32>
          tpu.vector_store_idx %arg7[%add3A_708], %gather3A_706 : memref<8192xf32, #tpu.memory_space<vmem>>[vector<16xi32>], vector<16xf32>,
          %gather3A_709 = tpu.vector_load_idx %arg5[%add3A_600, %add3A_665] : memref<64x128xf32, #tpu.memory_space<vmem>>[vector<16xi32>, vector<16xi32>], vector<16xf32>,
          %add3A_710 = vector.broadcast %add3A_669 : i32 to vector<16xi32>
          %add3A_711 = arith.addi %add3A_463, %add3A_710 : vector<16xi32>
          tpu.vector_store_idx %arg7[%add3A_711], %gather3A_709 : memref<8192xf32, #tpu.memory_space<vmem>>[vector<16xi32>], vector<16xf32>,
          %gather3A_712 = tpu.vector_load_idx %arg5[%add3A_604, %add3A_665] : memref<64x128xf32, #tpu.memory_space<vmem>>[vector<16xi32>, vector<16xi32>], vector<16xf32>,
          %add3A_713 = vector.broadcast %add3A_669 : i32 to vector<16xi32>
          %add3A_714 = arith.addi %add3A_467, %add3A_713 : vector<16xi32>
          tpu.vector_store_idx %arg7[%add3A_714], %gather3A_712 : memref<8192xf32, #tpu.memory_space<vmem>>[vector<16xi32>], vector<16xf32>,
          %gather3A_715 = tpu.vector_load_idx %arg5[%add3A_608, %add3A_665] : memref<64x128xf32, #tpu.memory_space<vmem>>[vector<16xi32>, vector<16xi32>], vector<16xf32>,
          %add3A_716 = vector.broadcast %add3A_669 : i32 to vector<16xi32>
          %add3A_717 = arith.addi %add3A_471, %add3A_716 : vector<16xi32>
          tpu.vector_store_idx %arg7[%add3A_717], %gather3A_715 : memref<8192xf32, #tpu.memory_space<vmem>>[vector<16xi32>], vector<16xf32>,
          %add3A_718 = arith.constant 32 : i32
          %add3A_719 = vector.broadcast %add3A_718 : i32 to vector<16xi32>
          %add3A_720 = arith.addi %iota3A, %add3A_719 : vector<16xi32>
          %mul3A_721 = arith.constant 16 : i32
          %mul3A_722 = arith.muli %scan3A_544, %mul3A_721 : i32
          %add3A_723 = arith.constant 2048 : i32
          %add3A_724 = arith.addi %add3A_723, %mul3A_722 : i32
          %gather3A_725 = tpu.vector_load_idx %arg5[%add3A_548, %add3A_720] : memref<64x128xf32, #tpu.memory_space<vmem>>[vector<16xi32>, vector<16xi32>], vector<16xf32>,
          %add3A_726 = vector.broadcast %add3A_724 : i32 to vector<16xi32>
          %add3A_727 = arith.addi %add3A_411, %add3A_726 : vector<16xi32>
          tpu.vector_store_idx %arg7[%add3A_727], %gather3A_725 : memref<8192xf32, #tpu.memory_space<vmem>>[vector<16xi32>], vector<16xf32>,
          %gather3A_728 = tpu.vector_load_idx %arg5[%add3A_552, %add3A_720] : memref<64x128xf32, #tpu.memory_space<vmem>>[vector<16xi32>, vector<16xi32>], vector<16xf32>,
          %add3A_729 = vector.broadcast %add3A_724 : i32 to vector<16xi32>
          %add3A_730 = arith.addi %add3A_415, %add3A_729 : vector<16xi32>
          tpu.vector_store_idx %arg7[%add3A_730], %gather3A_728 : memref<8192xf32, #tpu.memory_space<vmem>>[vector<16xi32>], vector<16xf32>,
          %gather3A_731 = tpu.vector_load_idx %arg5[%add3A_556, %add3A_720] : memref<64x128xf32, #tpu.memory_space<vmem>>[vector<16xi32>, vector<16xi32>], vector<16xf32>,
          %add3A_732 = vector.broadcast %add3A_724 : i32 to vector<16xi32>
          %add3A_733 = arith.addi %add3A_419, %add3A_732 : vector<16xi32>
          tpu.vector_store_idx %arg7[%add3A_733], %gather3A_731 : memref<8192xf32, #tpu.memory_space<vmem>>[vector<16xi32>], vector<16xf32>,
          %gather3A_734 = tpu.vector_load_idx %arg5[%add3A_560, %add3A_720] : memref<64x128xf32, #tpu.memory_space<vmem>>[vector<16xi32>, vector<16xi32>], vector<16xf32>,
          %add3A_735 = vector.broadcast %add3A_724 : i32 to vector<16xi32>
          %add3A_736 = arith.addi %add3A_423, %add3A_735 : vector<16xi32>
          tpu.vector_store_idx %arg7[%add3A_736], %gather3A_734 : memref<8192xf32, #tpu.memory_space<vmem>>[vector<16xi32>], vector<16xf32>,
          %gather3A_737 = tpu.vector_load_idx %arg5[%add3A_564, %add3A_720] : memref<64x128xf32, #tpu.memory_space<vmem>>[vector<16xi32>, vector<16xi32>], vector<16xf32>,
          %add3A_738 = vector.broadcast %add3A_724 : i32 to vector<16xi32>
          %add3A_739 = arith.addi %add3A_427, %add3A_738 : vector<16xi32>
          tpu.vector_store_idx %arg7[%add3A_739], %gather3A_737 : memref<8192xf32, #tpu.memory_space<vmem>>[vector<16xi32>], vector<16xf32>,
          %gather3A_740 = tpu.vector_load_idx %arg5[%add3A_568, %add3A_720] : memref<64x128xf32, #tpu.memory_space<vmem>>[vector<16xi32>, vector<16xi32>], vector<16xf32>,
          %add3A_741 = vector.broadcast %add3A_724 : i32 to vector<16xi32>
          %add3A_742 = arith.addi %add3A_431, %add3A_741 : vector<16xi32>
          tpu.vector_store_idx %arg7[%add3A_742], %gather3A_740 : memref<8192xf32, #tpu.memory_space<vmem>>[vector<16xi32>], vector<16xf32>,
          %gather3A_743 = tpu.vector_load_idx %arg5[%add3A_572, %add3A_720] : memref<64x128xf32, #tpu.memory_space<vmem>>[vector<16xi32>, vector<16xi32>], vector<16xf32>,
          %add3A_744 = vector.broadcast %add3A_724 : i32 to vector<16xi32>
          %add3A_745 = arith.addi %add3A_435, %add3A_744 : vector<16xi32>
          tpu.vector_store_idx %arg7[%add3A_745], %gather3A_743 : memref<8192xf32, #tpu.memory_space<vmem>>[vector<16xi32>], vector<16xf32>,
          %gather3A_746 = tpu.vector_load_idx %arg5[%add3A_576, %add3A_720] : memref<64x128xf32, #tpu.memory_space<vmem>>[vector<16xi32>, vector<16xi32>], vector<16xf32>,
          %add3A_747 = vector.broadcast %add3A_724 : i32 to vector<16xi32>
          %add3A_748 = arith.addi %add3A_439, %add3A_747 : vector<16xi32>
          tpu.vector_store_idx %arg7[%add3A_748], %gather3A_746 : memref<8192xf32, #tpu.memory_space<vmem>>[vector<16xi32>], vector<16xf32>,
          %gather3A_749 = tpu.vector_load_idx %arg5[%add3A_580, %add3A_720] : memref<64x128xf32, #tpu.memory_space<vmem>>[vector<16xi32>, vector<16xi32>], vector<16xf32>,
          %add3A_750 = vector.broadcast %add3A_724 : i32 to vector<16xi32>
          %add3A_751 = arith.addi %add3A_443, %add3A_750 : vector<16xi32>
          tpu.vector_store_idx %arg7[%add3A_751], %gather3A_749 : memref<8192xf32, #tpu.memory_space<vmem>>[vector<16xi32>], vector<16xf32>,
          %gather3A_752 = tpu.vector_load_idx %arg5[%add3A_584, %add3A_720] : memref<64x128xf32, #tpu.memory_space<vmem>>[vector<16xi32>, vector<16xi32>], vector<16xf32>,
          %add3A_753 = vector.broadcast %add3A_724 : i32 to vector<16xi32>
          %add3A_754 = arith.addi %add3A_447, %add3A_753 : vector<16xi32>
          tpu.vector_store_idx %arg7[%add3A_754], %gather3A_752 : memref<8192xf32, #tpu.memory_space<vmem>>[vector<16xi32>], vector<16xf32>,
          %gather3A_755 = tpu.vector_load_idx %arg5[%add3A_588, %add3A_720] : memref<64x128xf32, #tpu.memory_space<vmem>>[vector<16xi32>, vector<16xi32>], vector<16xf32>,
          %add3A_756 = vector.broadcast %add3A_724 : i32 to vector<16xi32>
          %add3A_757 = arith.addi %add3A_451, %add3A_756 : vector<16xi32>
          tpu.vector_store_idx %arg7[%add3A_757], %gather3A_755 : memref<8192xf32, #tpu.memory_space<vmem>>[vector<16xi32>], vector<16xf32>,
          %gather3A_758 = tpu.vector_load_idx %arg5[%add3A_592, %add3A_720] : memref<64x128xf32, #tpu.memory_space<vmem>>[vector<16xi32>, vector<16xi32>], vector<16xf32>,
          %add3A_759 = vector.broadcast %add3A_724 : i32 to vector<16xi32>
          %add3A_760 = arith.addi %add3A_455, %add3A_759 : vector<16xi32>
          tpu.vector_store_idx %arg7[%add3A_760], %gather3A_758 : memref<8192xf32, #tpu.memory_space<vmem>>[vector<16xi32>], vector<16xf32>,
          %gather3A_761 = tpu.vector_load_idx %arg5[%add3A_596, %add3A_720] : memref<64x128xf32, #tpu.memory_space<vmem>>[vector<16xi32>, vector<16xi32>], vector<16xf32>,
          %add3A_762 = vector.broadcast %add3A_724 : i32 to vector<16xi32>
          %add3A_763 = arith.addi %add3A_459, %add3A_762 : vector<16xi32>
          tpu.vector_store_idx %arg7[%add3A_763], %gather3A_761 : memref<8192xf32, #tpu.memory_space<vmem>>[vector<16xi32>], vector<16xf32>,
          %gather3A_764 = tpu.vector_load_idx %arg5[%add3A_600, %add3A_720] : memref<64x128xf32, #tpu.memory_space<vmem>>[vector<16xi32>, vector<16xi32>], vector<16xf32>,
          %add3A_765 = vector.broadcast %add3A_724 : i32 to vector<16xi32>
          %add3A_766 = arith.addi %add3A_463, %add3A_765 : vector<16xi32>
          tpu.vector_store_idx %arg7[%add3A_766], %gather3A_764 : memref<8192xf32, #tpu.memory_space<vmem>>[vector<16xi32>], vector<16xf32>,
          %gather3A_767 = tpu.vector_load_idx %arg5[%add3A_604, %add3A_720] : memref<64x128xf32, #tpu.memory_space<vmem>>[vector<16xi32>, vector<16xi32>], vector<16xf32>,
          %add3A_768 = vector.broadcast %add3A_724 : i32 to vector<16xi32>
          %add3A_769 = arith.addi %add3A_467, %add3A_768 : vector<16xi32>
          tpu.vector_store_idx %arg7[%add3A_769], %gather3A_767 : memref<8192xf32, #tpu.memory_space<vmem>>[vector<16xi32>], vector<16xf32>,
          %gather3A_770 = tpu.vector_load_idx %arg5[%add3A_608, %add3A_720] : memref<64x128xf32, #tpu.memory_space<vmem>>[vector<16xi32>, vector<16xi32>], vector<16xf32>,
          %add3A_771 = vector.broadcast %add3A_724 : i32 to vector<16xi32>
          %add3A_772 = arith.addi %add3A_471, %add3A_771 : vector<16xi32>
          tpu.vector_store_idx %arg7[%add3A_772], %gather3A_770 : memref<8192xf32, #tpu.memory_space<vmem>>[vector<16xi32>], vector<16xf32>,
          %add3A_773 = arith.constant 48 : i32
          %add3A_774 = vector.broadcast %add3A_773 : i32 to vector<16xi32>
          %add3A_775 = arith.addi %iota3A, %add3A_774 : vector<16xi32>
          %mul3A_776 = arith.constant 16 : i32
          %mul3A_777 = arith.muli %scan3A_544, %mul3A_776 : i32
          %add3A_778 = arith.constant 3072 : i32
          %add3A_779 = arith.addi %add3A_778, %mul3A_777 : i32
          %gather3A_780 = tpu.vector_load_idx %arg5[%add3A_548, %add3A_775] : memref<64x128xf32, #tpu.memory_space<vmem>>[vector<16xi32>, vector<16xi32>], vector<16xf32>,
          %add3A_781 = vector.broadcast %add3A_779 : i32 to vector<16xi32>
          %add3A_782 = arith.addi %add3A_411, %add3A_781 : vector<16xi32>
          tpu.vector_store_idx %arg7[%add3A_782], %gather3A_780 : memref<8192xf32, #tpu.memory_space<vmem>>[vector<16xi32>], vector<16xf32>,
          %gather3A_783 = tpu.vector_load_idx %arg5[%add3A_552, %add3A_775] : memref<64x128xf32, #tpu.memory_space<vmem>>[vector<16xi32>, vector<16xi32>], vector<16xf32>,
          %add3A_784 = vector.broadcast %add3A_779 : i32 to vector<16xi32>
          %add3A_785 = arith.addi %add3A_415, %add3A_784 : vector<16xi32>
          tpu.vector_store_idx %arg7[%add3A_785], %gather3A_783 : memref<8192xf32, #tpu.memory_space<vmem>>[vector<16xi32>], vector<16xf32>,
          %gather3A_786 = tpu.vector_load_idx %arg5[%add3A_556, %add3A_775] : memref<64x128xf32, #tpu.memory_space<vmem>>[vector<16xi32>, vector<16xi32>], vector<16xf32>,
          %add3A_787 = vector.broadcast %add3A_779 : i32 to vector<16xi32>
          %add3A_788 = arith.addi %add3A_419, %add3A_787 : vector<16xi32>
          tpu.vector_store_idx %arg7[%add3A_788], %gather3A_786 : memref<8192xf32, #tpu.memory_space<vmem>>[vector<16xi32>], vector<16xf32>,
          %gather3A_789 = tpu.vector_load_idx %arg5[%add3A_560, %add3A_775] : memref<64x128xf32, #tpu.memory_space<vmem>>[vector<16xi32>, vector<16xi32>], vector<16xf32>,
          %add3A_790 = vector.broadcast %add3A_779 : i32 to vector<16xi32>
          %add3A_791 = arith.addi %add3A_423, %add3A_790 : vector<16xi32>
          tpu.vector_store_idx %arg7[%add3A_791], %gather3A_789 : memref<8192xf32, #tpu.memory_space<vmem>>[vector<16xi32>], vector<16xf32>,
          %gather3A_792 = tpu.vector_load_idx %arg5[%add3A_564, %add3A_775] : memref<64x128xf32, #tpu.memory_space<vmem>>[vector<16xi32>, vector<16xi32>], vector<16xf32>,
          %add3A_793 = vector.broadcast %add3A_779 : i32 to vector<16xi32>
          %add3A_794 = arith.addi %add3A_427, %add3A_793 : vector<16xi32>
          tpu.vector_store_idx %arg7[%add3A_794], %gather3A_792 : memref<8192xf32, #tpu.memory_space<vmem>>[vector<16xi32>], vector<16xf32>,
          %gather3A_795 = tpu.vector_load_idx %arg5[%add3A_568, %add3A_775] : memref<64x128xf32, #tpu.memory_space<vmem>>[vector<16xi32>, vector<16xi32>], vector<16xf32>,
          %add3A_796 = vector.broadcast %add3A_779 : i32 to vector<16xi32>
          %add3A_797 = arith.addi %add3A_431, %add3A_796 : vector<16xi32>
          tpu.vector_store_idx %arg7[%add3A_797], %gather3A_795 : memref<8192xf32, #tpu.memory_space<vmem>>[vector<16xi32>], vector<16xf32>,
          %gather3A_798 = tpu.vector_load_idx %arg5[%add3A_572, %add3A_775] : memref<64x128xf32, #tpu.memory_space<vmem>>[vector<16xi32>, vector<16xi32>], vector<16xf32>,
          %add3A_799 = vector.broadcast %add3A_779 : i32 to vector<16xi32>
          %add3A_800 = arith.addi %add3A_435, %add3A_799 : vector<16xi32>
          tpu.vector_store_idx %arg7[%add3A_800], %gather3A_798 : memref<8192xf32, #tpu.memory_space<vmem>>[vector<16xi32>], vector<16xf32>,
          %gather3A_801 = tpu.vector_load_idx %arg5[%add3A_576, %add3A_775] : memref<64x128xf32, #tpu.memory_space<vmem>>[vector<16xi32>, vector<16xi32>], vector<16xf32>,
          %add3A_802 = vector.broadcast %add3A_779 : i32 to vector<16xi32>
          %add3A_803 = arith.addi %add3A_439, %add3A_802 : vector<16xi32>
          tpu.vector_store_idx %arg7[%add3A_803], %gather3A_801 : memref<8192xf32, #tpu.memory_space<vmem>>[vector<16xi32>], vector<16xf32>,
          %gather3A_804 = tpu.vector_load_idx %arg5[%add3A_580, %add3A_775] : memref<64x128xf32, #tpu.memory_space<vmem>>[vector<16xi32>, vector<16xi32>], vector<16xf32>,
          %add3A_805 = vector.broadcast %add3A_779 : i32 to vector<16xi32>
          %add3A_806 = arith.addi %add3A_443, %add3A_805 : vector<16xi32>
          tpu.vector_store_idx %arg7[%add3A_806], %gather3A_804 : memref<8192xf32, #tpu.memory_space<vmem>>[vector<16xi32>], vector<16xf32>,
          %gather3A_807 = tpu.vector_load_idx %arg5[%add3A_584, %add3A_775] : memref<64x128xf32, #tpu.memory_space<vmem>>[vector<16xi32>, vector<16xi32>], vector<16xf32>,
          %add3A_808 = vector.broadcast %add3A_779 : i32 to vector<16xi32>
          %add3A_809 = arith.addi %add3A_447, %add3A_808 : vector<16xi32>
          tpu.vector_store_idx %arg7[%add3A_809], %gather3A_807 : memref<8192xf32, #tpu.memory_space<vmem>>[vector<16xi32>], vector<16xf32>,
          %gather3A_810 = tpu.vector_load_idx %arg5[%add3A_588, %add3A_775] : memref<64x128xf32, #tpu.memory_space<vmem>>[vector<16xi32>, vector<16xi32>], vector<16xf32>,
          %add3A_811 = vector.broadcast %add3A_779 : i32 to vector<16xi32>
          %add3A_812 = arith.addi %add3A_451, %add3A_811 : vector<16xi32>
          tpu.vector_store_idx %arg7[%add3A_812], %gather3A_810 : memref<8192xf32, #tpu.memory_space<vmem>>[vector<16xi32>], vector<16xf32>,
          %gather3A_813 = tpu.vector_load_idx %arg5[%add3A_592, %add3A_775] : memref<64x128xf32, #tpu.memory_space<vmem>>[vector<16xi32>, vector<16xi32>], vector<16xf32>,
          %add3A_814 = vector.broadcast %add3A_779 : i32 to vector<16xi32>
          %add3A_815 = arith.addi %add3A_455, %add3A_814 : vector<16xi32>
          tpu.vector_store_idx %arg7[%add3A_815], %gather3A_813 : memref<8192xf32, #tpu.memory_space<vmem>>[vector<16xi32>], vector<16xf32>,
          %gather3A_816 = tpu.vector_load_idx %arg5[%add3A_596, %add3A_775] : memref<64x128xf32, #tpu.memory_space<vmem>>[vector<16xi32>, vector<16xi32>], vector<16xf32>,
          %add3A_817 = vector.broadcast %add3A_779 : i32 to vector<16xi32>
          %add3A_818 = arith.addi %add3A_459, %add3A_817 : vector<16xi32>
          tpu.vector_store_idx %arg7[%add3A_818], %gather3A_816 : memref<8192xf32, #tpu.memory_space<vmem>>[vector<16xi32>], vector<16xf32>,
          %gather3A_819 = tpu.vector_load_idx %arg5[%add3A_600, %add3A_775] : memref<64x128xf32, #tpu.memory_space<vmem>>[vector<16xi32>, vector<16xi32>], vector<16xf32>,
          %add3A_820 = vector.broadcast %add3A_779 : i32 to vector<16xi32>
          %add3A_821 = arith.addi %add3A_463, %add3A_820 : vector<16xi32>
          tpu.vector_store_idx %arg7[%add3A_821], %gather3A_819 : memref<8192xf32, #tpu.memory_space<vmem>>[vector<16xi32>], vector<16xf32>,
          %gather3A_822 = tpu.vector_load_idx %arg5[%add3A_604, %add3A_775] : memref<64x128xf32, #tpu.memory_space<vmem>>[vector<16xi32>, vector<16xi32>], vector<16xf32>,
          %add3A_823 = vector.broadcast %add3A_779 : i32 to vector<16xi32>
          %add3A_824 = arith.addi %add3A_467, %add3A_823 : vector<16xi32>
          tpu.vector_store_idx %arg7[%add3A_824], %gather3A_822 : memref<8192xf32, #tpu.memory_space<vmem>>[vector<16xi32>], vector<16xf32>,
          %gather3A_825 = tpu.vector_load_idx %arg5[%add3A_608, %add3A_775] : memref<64x128xf32, #tpu.memory_space<vmem>>[vector<16xi32>, vector<16xi32>], vector<16xf32>,
          %add3A_826 = vector.broadcast %add3A_779 : i32 to vector<16xi32>
          %add3A_827 = arith.addi %add3A_471, %add3A_826 : vector<16xi32>
          tpu.vector_store_idx %arg7[%add3A_827], %gather3A_825 : memref<8192xf32, #tpu.memory_space<vmem>>[vector<16xi32>], vector<16xf32>,
          %add3A_828 = arith.constant 64 : i32
          %add3A_829 = vector.broadcast %add3A_828 : i32 to vector<16xi32>
          %add3A_830 = arith.addi %iota3A, %add3A_829 : vector<16xi32>
          %mul3A_831 = arith.constant 16 : i32
          %mul3A_832 = arith.muli %scan3A_544, %mul3A_831 : i32
          %add3A_833 = arith.constant 4096 : i32
          %add3A_834 = arith.addi %add3A_833, %mul3A_832 : i32
          %gather3A_835 = tpu.vector_load_idx %arg5[%add3A_548, %add3A_830] : memref<64x128xf32, #tpu.memory_space<vmem>>[vector<16xi32>, vector<16xi32>], vector<16xf32>,
          %add3A_836 = vector.broadcast %add3A_834 : i32 to vector<16xi32>
          %add3A_837 = arith.addi %add3A_411, %add3A_836 : vector<16xi32>
          tpu.vector_store_idx %arg7[%add3A_837], %gather3A_835 : memref<8192xf32, #tpu.memory_space<vmem>>[vector<16xi32>], vector<16xf32>,
          %gather3A_838 = tpu.vector_load_idx %arg5[%add3A_552, %add3A_830] : memref<64x128xf32, #tpu.memory_space<vmem>>[vector<16xi32>, vector<16xi32>], vector<16xf32>,
          %add3A_839 = vector.broadcast %add3A_834 : i32 to vector<16xi32>
          %add3A_840 = arith.addi %add3A_415, %add3A_839 : vector<16xi32>
          tpu.vector_store_idx %arg7[%add3A_840], %gather3A_838 : memref<8192xf32, #tpu.memory_space<vmem>>[vector<16xi32>], vector<16xf32>,
          %gather3A_841 = tpu.vector_load_idx %arg5[%add3A_556, %add3A_830] : memref<64x128xf32, #tpu.memory_space<vmem>>[vector<16xi32>, vector<16xi32>], vector<16xf32>,
          %add3A_842 = vector.broadcast %add3A_834 : i32 to vector<16xi32>
          %add3A_843 = arith.addi %add3A_419, %add3A_842 : vector<16xi32>
          tpu.vector_store_idx %arg7[%add3A_843], %gather3A_841 : memref<8192xf32, #tpu.memory_space<vmem>>[vector<16xi32>], vector<16xf32>,
          %gather3A_844 = tpu.vector_load_idx %arg5[%add3A_560, %add3A_830] : memref<64x128xf32, #tpu.memory_space<vmem>>[vector<16xi32>, vector<16xi32>], vector<16xf32>,
          %add3A_845 = vector.broadcast %add3A_834 : i32 to vector<16xi32>
          %add3A_846 = arith.addi %add3A_423, %add3A_845 : vector<16xi32>
          tpu.vector_store_idx %arg7[%add3A_846], %gather3A_844 : memref<8192xf32, #tpu.memory_space<vmem>>[vector<16xi32>], vector<16xf32>,
          %gather3A_847 = tpu.vector_load_idx %arg5[%add3A_564, %add3A_830] : memref<64x128xf32, #tpu.memory_space<vmem>>[vector<16xi32>, vector<16xi32>], vector<16xf32>,
          %add3A_848 = vector.broadcast %add3A_834 : i32 to vector<16xi32>
          %add3A_849 = arith.addi %add3A_427, %add3A_848 : vector<16xi32>
          tpu.vector_store_idx %arg7[%add3A_849], %gather3A_847 : memref<8192xf32, #tpu.memory_space<vmem>>[vector<16xi32>], vector<16xf32>,
          %gather3A_850 = tpu.vector_load_idx %arg5[%add3A_568, %add3A_830] : memref<64x128xf32, #tpu.memory_space<vmem>>[vector<16xi32>, vector<16xi32>], vector<16xf32>,
          %add3A_851 = vector.broadcast %add3A_834 : i32 to vector<16xi32>
          %add3A_852 = arith.addi %add3A_431, %add3A_851 : vector<16xi32>
          tpu.vector_store_idx %arg7[%add3A_852], %gather3A_850 : memref<8192xf32, #tpu.memory_space<vmem>>[vector<16xi32>], vector<16xf32>,
          %gather3A_853 = tpu.vector_load_idx %arg5[%add3A_572, %add3A_830] : memref<64x128xf32, #tpu.memory_space<vmem>>[vector<16xi32>, vector<16xi32>], vector<16xf32>,
          %add3A_854 = vector.broadcast %add3A_834 : i32 to vector<16xi32>
          %add3A_855 = arith.addi %add3A_435, %add3A_854 : vector<16xi32>
          tpu.vector_store_idx %arg7[%add3A_855], %gather3A_853 : memref<8192xf32, #tpu.memory_space<vmem>>[vector<16xi32>], vector<16xf32>,
          %gather3A_856 = tpu.vector_load_idx %arg5[%add3A_576, %add3A_830] : memref<64x128xf32, #tpu.memory_space<vmem>>[vector<16xi32>, vector<16xi32>], vector<16xf32>,
          %add3A_857 = vector.broadcast %add3A_834 : i32 to vector<16xi32>
          %add3A_858 = arith.addi %add3A_439, %add3A_857 : vector<16xi32>
          tpu.vector_store_idx %arg7[%add3A_858], %gather3A_856 : memref<8192xf32, #tpu.memory_space<vmem>>[vector<16xi32>], vector<16xf32>,
          %gather3A_859 = tpu.vector_load_idx %arg5[%add3A_580, %add3A_830] : memref<64x128xf32, #tpu.memory_space<vmem>>[vector<16xi32>, vector<16xi32>], vector<16xf32>,
          %add3A_860 = vector.broadcast %add3A_834 : i32 to vector<16xi32>
          %add3A_861 = arith.addi %add3A_443, %add3A_860 : vector<16xi32>
          tpu.vector_store_idx %arg7[%add3A_861], %gather3A_859 : memref<8192xf32, #tpu.memory_space<vmem>>[vector<16xi32>], vector<16xf32>,
          %gather3A_862 = tpu.vector_load_idx %arg5[%add3A_584, %add3A_830] : memref<64x128xf32, #tpu.memory_space<vmem>>[vector<16xi32>, vector<16xi32>], vector<16xf32>,
          %add3A_863 = vector.broadcast %add3A_834 : i32 to vector<16xi32>
          %add3A_864 = arith.addi %add3A_447, %add3A_863 : vector<16xi32>
          tpu.vector_store_idx %arg7[%add3A_864], %gather3A_862 : memref<8192xf32, #tpu.memory_space<vmem>>[vector<16xi32>], vector<16xf32>,
          %gather3A_865 = tpu.vector_load_idx %arg5[%add3A_588, %add3A_830] : memref<64x128xf32, #tpu.memory_space<vmem>>[vector<16xi32>, vector<16xi32>], vector<16xf32>,
          %add3A_866 = vector.broadcast %add3A_834 : i32 to vector<16xi32>
          %add3A_867 = arith.addi %add3A_451, %add3A_866 : vector<16xi32>
          tpu.vector_store_idx %arg7[%add3A_867], %gather3A_865 : memref<8192xf32, #tpu.memory_space<vmem>>[vector<16xi32>], vector<16xf32>,
          %gather3A_868 = tpu.vector_load_idx %arg5[%add3A_592, %add3A_830] : memref<64x128xf32, #tpu.memory_space<vmem>>[vector<16xi32>, vector<16xi32>], vector<16xf32>,
          %add3A_869 = vector.broadcast %add3A_834 : i32 to vector<16xi32>
          %add3A_870 = arith.addi %add3A_455, %add3A_869 : vector<16xi32>
          tpu.vector_store_idx %arg7[%add3A_870], %gather3A_868 : memref<8192xf32, #tpu.memory_space<vmem>>[vector<16xi32>], vector<16xf32>,
          %gather3A_871 = tpu.vector_load_idx %arg5[%add3A_596, %add3A_830] : memref<64x128xf32, #tpu.memory_space<vmem>>[vector<16xi32>, vector<16xi32>], vector<16xf32>,
          %add3A_872 = vector.broadcast %add3A_834 : i32 to vector<16xi32>
          %add3A_873 = arith.addi %add3A_459, %add3A_872 : vector<16xi32>
          tpu.vector_store_idx %arg7[%add3A_873], %gather3A_871 : memref<8192xf32, #tpu.memory_space<vmem>>[vector<16xi32>], vector<16xf32>,
          %gather3A_874 = tpu.vector_load_idx %arg5[%add3A_600, %add3A_830] : memref<64x128xf32, #tpu.memory_space<vmem>>[vector<16xi32>, vector<16xi32>], vector<16xf32>,
          %add3A_875 = vector.broadcast %add3A_834 : i32 to vector<16xi32>
          %add3A_876 = arith.addi %add3A_463, %add3A_875 : vector<16xi32>
          tpu.vector_store_idx %arg7[%add3A_876], %gather3A_874 : memref<8192xf32, #tpu.memory_space<vmem>>[vector<16xi32>], vector<16xf32>,
          %gather3A_877 = tpu.vector_load_idx %arg5[%add3A_604, %add3A_830] : memref<64x128xf32, #tpu.memory_space<vmem>>[vector<16xi32>, vector<16xi32>], vector<16xf32>,
          %add3A_878 = vector.broadcast %add3A_834 : i32 to vector<16xi32>
          %add3A_879 = arith.addi %add3A_467, %add3A_878 : vector<16xi32>
          tpu.vector_store_idx %arg7[%add3A_879], %gather3A_877 : memref<8192xf32, #tpu.memory_space<vmem>>[vector<16xi32>], vector<16xf32>,
          %gather3A_880 = tpu.vector_load_idx %arg5[%add3A_608, %add3A_830] : memref<64x128xf32, #tpu.memory_space<vmem>>[vector<16xi32>, vector<16xi32>], vector<16xf32>,
          %add3A_881 = vector.broadcast %add3A_834 : i32 to vector<16xi32>
          %add3A_882 = arith.addi %add3A_471, %add3A_881 : vector<16xi32>
          tpu.vector_store_idx %arg7[%add3A_882], %gather3A_880 : memref<8192xf32, #tpu.memory_space<vmem>>[vector<16xi32>], vector<16xf32>,
          %add3A_883 = arith.constant 80 : i32
          %add3A_884 = vector.broadcast %add3A_883 : i32 to vector<16xi32>
          %add3A_885 = arith.addi %iota3A, %add3A_884 : vector<16xi32>
          %mul3A_886 = arith.constant 16 : i32
          %mul3A_887 = arith.muli %scan3A_544, %mul3A_886 : i32
          %add3A_888 = arith.constant 5120 : i32
          %add3A_889 = arith.addi %add3A_888, %mul3A_887 : i32
          %gather3A_890 = tpu.vector_load_idx %arg5[%add3A_548, %add3A_885] : memref<64x128xf32, #tpu.memory_space<vmem>>[vector<16xi32>, vector<16xi32>], vector<16xf32>,
          %add3A_891 = vector.broadcast %add3A_889 : i32 to vector<16xi32>
          %add3A_892 = arith.addi %add3A_411, %add3A_891 : vector<16xi32>
          tpu.vector_store_idx %arg7[%add3A_892], %gather3A_890 : memref<8192xf32, #tpu.memory_space<vmem>>[vector<16xi32>], vector<16xf32>,
          %gather3A_893 = tpu.vector_load_idx %arg5[%add3A_552, %add3A_885] : memref<64x128xf32, #tpu.memory_space<vmem>>[vector<16xi32>, vector<16xi32>], vector<16xf32>,
          %add3A_894 = vector.broadcast %add3A_889 : i32 to vector<16xi32>
          %add3A_895 = arith.addi %add3A_415, %add3A_894 : vector<16xi32>
          tpu.vector_store_idx %arg7[%add3A_895], %gather3A_893 : memref<8192xf32, #tpu.memory_space<vmem>>[vector<16xi32>], vector<16xf32>,
          %gather3A_896 = tpu.vector_load_idx %arg5[%add3A_556, %add3A_885] : memref<64x128xf32, #tpu.memory_space<vmem>>[vector<16xi32>, vector<16xi32>], vector<16xf32>,
          %add3A_897 = vector.broadcast %add3A_889 : i32 to vector<16xi32>
          %add3A_898 = arith.addi %add3A_419, %add3A_897 : vector<16xi32>
          tpu.vector_store_idx %arg7[%add3A_898], %gather3A_896 : memref<8192xf32, #tpu.memory_space<vmem>>[vector<16xi32>], vector<16xf32>,
          %gather3A_899 = tpu.vector_load_idx %arg5[%add3A_560, %add3A_885] : memref<64x128xf32, #tpu.memory_space<vmem>>[vector<16xi32>, vector<16xi32>], vector<16xf32>,
          %add3A_900 = vector.broadcast %add3A_889 : i32 to vector<16xi32>
          %add3A_901 = arith.addi %add3A_423, %add3A_900 : vector<16xi32>
          tpu.vector_store_idx %arg7[%add3A_901], %gather3A_899 : memref<8192xf32, #tpu.memory_space<vmem>>[vector<16xi32>], vector<16xf32>,
          %gather3A_902 = tpu.vector_load_idx %arg5[%add3A_564, %add3A_885] : memref<64x128xf32, #tpu.memory_space<vmem>>[vector<16xi32>, vector<16xi32>], vector<16xf32>,
          %add3A_903 = vector.broadcast %add3A_889 : i32 to vector<16xi32>
          %add3A_904 = arith.addi %add3A_427, %add3A_903 : vector<16xi32>
          tpu.vector_store_idx %arg7[%add3A_904], %gather3A_902 : memref<8192xf32, #tpu.memory_space<vmem>>[vector<16xi32>], vector<16xf32>,
          %gather3A_905 = tpu.vector_load_idx %arg5[%add3A_568, %add3A_885] : memref<64x128xf32, #tpu.memory_space<vmem>>[vector<16xi32>, vector<16xi32>], vector<16xf32>,
          %add3A_906 = vector.broadcast %add3A_889 : i32 to vector<16xi32>
          %add3A_907 = arith.addi %add3A_431, %add3A_906 : vector<16xi32>
          tpu.vector_store_idx %arg7[%add3A_907], %gather3A_905 : memref<8192xf32, #tpu.memory_space<vmem>>[vector<16xi32>], vector<16xf32>,
          %gather3A_908 = tpu.vector_load_idx %arg5[%add3A_572, %add3A_885] : memref<64x128xf32, #tpu.memory_space<vmem>>[vector<16xi32>, vector<16xi32>], vector<16xf32>,
          %add3A_909 = vector.broadcast %add3A_889 : i32 to vector<16xi32>
          %add3A_910 = arith.addi %add3A_435, %add3A_909 : vector<16xi32>
          tpu.vector_store_idx %arg7[%add3A_910], %gather3A_908 : memref<8192xf32, #tpu.memory_space<vmem>>[vector<16xi32>], vector<16xf32>,
          %gather3A_911 = tpu.vector_load_idx %arg5[%add3A_576, %add3A_885] : memref<64x128xf32, #tpu.memory_space<vmem>>[vector<16xi32>, vector<16xi32>], vector<16xf32>,
          %add3A_912 = vector.broadcast %add3A_889 : i32 to vector<16xi32>
          %add3A_913 = arith.addi %add3A_439, %add3A_912 : vector<16xi32>
          tpu.vector_store_idx %arg7[%add3A_913], %gather3A_911 : memref<8192xf32, #tpu.memory_space<vmem>>[vector<16xi32>], vector<16xf32>,
          %gather3A_914 = tpu.vector_load_idx %arg5[%add3A_580, %add3A_885] : memref<64x128xf32, #tpu.memory_space<vmem>>[vector<16xi32>, vector<16xi32>], vector<16xf32>,
          %add3A_915 = vector.broadcast %add3A_889 : i32 to vector<16xi32>
          %add3A_916 = arith.addi %add3A_443, %add3A_915 : vector<16xi32>
          tpu.vector_store_idx %arg7[%add3A_916], %gather3A_914 : memref<8192xf32, #tpu.memory_space<vmem>>[vector<16xi32>], vector<16xf32>,
          %gather3A_917 = tpu.vector_load_idx %arg5[%add3A_584, %add3A_885] : memref<64x128xf32, #tpu.memory_space<vmem>>[vector<16xi32>, vector<16xi32>], vector<16xf32>,
          %add3A_918 = vector.broadcast %add3A_889 : i32 to vector<16xi32>
          %add3A_919 = arith.addi %add3A_447, %add3A_918 : vector<16xi32>
          tpu.vector_store_idx %arg7[%add3A_919], %gather3A_917 : memref<8192xf32, #tpu.memory_space<vmem>>[vector<16xi32>], vector<16xf32>,
          %gather3A_920 = tpu.vector_load_idx %arg5[%add3A_588, %add3A_885] : memref<64x128xf32, #tpu.memory_space<vmem>>[vector<16xi32>, vector<16xi32>], vector<16xf32>,
          %add3A_921 = vector.broadcast %add3A_889 : i32 to vector<16xi32>
          %add3A_922 = arith.addi %add3A_451, %add3A_921 : vector<16xi32>
          tpu.vector_store_idx %arg7[%add3A_922], %gather3A_920 : memref<8192xf32, #tpu.memory_space<vmem>>[vector<16xi32>], vector<16xf32>,
          %gather3A_923 = tpu.vector_load_idx %arg5[%add3A_592, %add3A_885] : memref<64x128xf32, #tpu.memory_space<vmem>>[vector<16xi32>, vector<16xi32>], vector<16xf32>,
          %add3A_924 = vector.broadcast %add3A_889 : i32 to vector<16xi32>
          %add3A_925 = arith.addi %add3A_455, %add3A_924 : vector<16xi32>
          tpu.vector_store_idx %arg7[%add3A_925], %gather3A_923 : memref<8192xf32, #tpu.memory_space<vmem>>[vector<16xi32>], vector<16xf32>,
          %gather3A_926 = tpu.vector_load_idx %arg5[%add3A_596, %add3A_885] : memref<64x128xf32, #tpu.memory_space<vmem>>[vector<16xi32>, vector<16xi32>], vector<16xf32>,
          %add3A_927 = vector.broadcast %add3A_889 : i32 to vector<16xi32>
          %add3A_928 = arith.addi %add3A_459, %add3A_927 : vector<16xi32>
          tpu.vector_store_idx %arg7[%add3A_928], %gather3A_926 : memref<8192xf32, #tpu.memory_space<vmem>>[vector<16xi32>], vector<16xf32>,
          %gather3A_929 = tpu.vector_load_idx %arg5[%add3A_600, %add3A_885] : memref<64x128xf32, #tpu.memory_space<vmem>>[vector<16xi32>, vector<16xi32>], vector<16xf32>,
          %add3A_930 = vector.broadcast %add3A_889 : i32 to vector<16xi32>
          %add3A_931 = arith.addi %add3A_463, %add3A_930 : vector<16xi32>
          tpu.vector_store_idx %arg7[%add3A_931], %gather3A_929 : memref<8192xf32, #tpu.memory_space<vmem>>[vector<16xi32>], vector<16xf32>,
          %gather3A_932 = tpu.vector_load_idx %arg5[%add3A_604, %add3A_885] : memref<64x128xf32, #tpu.memory_space<vmem>>[vector<16xi32>, vector<16xi32>], vector<16xf32>,
          %add3A_933 = vector.broadcast %add3A_889 : i32 to vector<16xi32>
          %add3A_934 = arith.addi %add3A_467, %add3A_933 : vector<16xi32>
          tpu.vector_store_idx %arg7[%add3A_934], %gather3A_932 : memref<8192xf32, #tpu.memory_space<vmem>>[vector<16xi32>], vector<16xf32>,
          %gather3A_935 = tpu.vector_load_idx %arg5[%add3A_608, %add3A_885] : memref<64x128xf32, #tpu.memory_space<vmem>>[vector<16xi32>, vector<16xi32>], vector<16xf32>,
          %add3A_936 = vector.broadcast %add3A_889 : i32 to vector<16xi32>
          %add3A_937 = arith.addi %add3A_471, %add3A_936 : vector<16xi32>
          tpu.vector_store_idx %arg7[%add3A_937], %gather3A_935 : memref<8192xf32, #tpu.memory_space<vmem>>[vector<16xi32>], vector<16xf32>,
          %add3A_938 = arith.constant 96 : i32
          %add3A_939 = vector.broadcast %add3A_938 : i32 to vector<16xi32>
          %add3A_940 = arith.addi %iota3A, %add3A_939 : vector<16xi32>
          %mul3A_941 = arith.constant 16 : i32
          %mul3A_942 = arith.muli %scan3A_544, %mul3A_941 : i32
          %add3A_943 = arith.constant 6144 : i32
          %add3A_944 = arith.addi %add3A_943, %mul3A_942 : i32
          %gather3A_945 = tpu.vector_load_idx %arg5[%add3A_548, %add3A_940] : memref<64x128xf32, #tpu.memory_space<vmem>>[vector<16xi32>, vector<16xi32>], vector<16xf32>,
          %add3A_946 = vector.broadcast %add3A_944 : i32 to vector<16xi32>
          %add3A_947 = arith.addi %add3A_411, %add3A_946 : vector<16xi32>
          tpu.vector_store_idx %arg7[%add3A_947], %gather3A_945 : memref<8192xf32, #tpu.memory_space<vmem>>[vector<16xi32>], vector<16xf32>,
          %gather3A_948 = tpu.vector_load_idx %arg5[%add3A_552, %add3A_940] : memref<64x128xf32, #tpu.memory_space<vmem>>[vector<16xi32>, vector<16xi32>], vector<16xf32>,
          %add3A_949 = vector.broadcast %add3A_944 : i32 to vector<16xi32>
          %add3A_950 = arith.addi %add3A_415, %add3A_949 : vector<16xi32>
          tpu.vector_store_idx %arg7[%add3A_950], %gather3A_948 : memref<8192xf32, #tpu.memory_space<vmem>>[vector<16xi32>], vector<16xf32>,
          %gather3A_951 = tpu.vector_load_idx %arg5[%add3A_556, %add3A_940] : memref<64x128xf32, #tpu.memory_space<vmem>>[vector<16xi32>, vector<16xi32>], vector<16xf32>,
          %add3A_952 = vector.broadcast %add3A_944 : i32 to vector<16xi32>
          %add3A_953 = arith.addi %add3A_419, %add3A_952 : vector<16xi32>
          tpu.vector_store_idx %arg7[%add3A_953], %gather3A_951 : memref<8192xf32, #tpu.memory_space<vmem>>[vector<16xi32>], vector<16xf32>,
          %gather3A_954 = tpu.vector_load_idx %arg5[%add3A_560, %add3A_940] : memref<64x128xf32, #tpu.memory_space<vmem>>[vector<16xi32>, vector<16xi32>], vector<16xf32>,
          %add3A_955 = vector.broadcast %add3A_944 : i32 to vector<16xi32>
          %add3A_956 = arith.addi %add3A_423, %add3A_955 : vector<16xi32>
          tpu.vector_store_idx %arg7[%add3A_956], %gather3A_954 : memref<8192xf32, #tpu.memory_space<vmem>>[vector<16xi32>], vector<16xf32>,
          %gather3A_957 = tpu.vector_load_idx %arg5[%add3A_564, %add3A_940] : memref<64x128xf32, #tpu.memory_space<vmem>>[vector<16xi32>, vector<16xi32>], vector<16xf32>,
          %add3A_958 = vector.broadcast %add3A_944 : i32 to vector<16xi32>
          %add3A_959 = arith.addi %add3A_427, %add3A_958 : vector<16xi32>
          tpu.vector_store_idx %arg7[%add3A_959], %gather3A_957 : memref<8192xf32, #tpu.memory_space<vmem>>[vector<16xi32>], vector<16xf32>,
          %gather3A_960 = tpu.vector_load_idx %arg5[%add3A_568, %add3A_940] : memref<64x128xf32, #tpu.memory_space<vmem>>[vector<16xi32>, vector<16xi32>], vector<16xf32>,
          %add3A_961 = vector.broadcast %add3A_944 : i32 to vector<16xi32>
          %add3A_962 = arith.addi %add3A_431, %add3A_961 : vector<16xi32>
          tpu.vector_store_idx %arg7[%add3A_962], %gather3A_960 : memref<8192xf32, #tpu.memory_space<vmem>>[vector<16xi32>], vector<16xf32>,
          %gather3A_963 = tpu.vector_load_idx %arg5[%add3A_572, %add3A_940] : memref<64x128xf32, #tpu.memory_space<vmem>>[vector<16xi32>, vector<16xi32>], vector<16xf32>,
          %add3A_964 = vector.broadcast %add3A_944 : i32 to vector<16xi32>
          %add3A_965 = arith.addi %add3A_435, %add3A_964 : vector<16xi32>
          tpu.vector_store_idx %arg7[%add3A_965], %gather3A_963 : memref<8192xf32, #tpu.memory_space<vmem>>[vector<16xi32>], vector<16xf32>,
          %gather3A_966 = tpu.vector_load_idx %arg5[%add3A_576, %add3A_940] : memref<64x128xf32, #tpu.memory_space<vmem>>[vector<16xi32>, vector<16xi32>], vector<16xf32>,
          %add3A_967 = vector.broadcast %add3A_944 : i32 to vector<16xi32>
          %add3A_968 = arith.addi %add3A_439, %add3A_967 : vector<16xi32>
          tpu.vector_store_idx %arg7[%add3A_968], %gather3A_966 : memref<8192xf32, #tpu.memory_space<vmem>>[vector<16xi32>], vector<16xf32>,
          %gather3A_969 = tpu.vector_load_idx %arg5[%add3A_580, %add3A_940] : memref<64x128xf32, #tpu.memory_space<vmem>>[vector<16xi32>, vector<16xi32>], vector<16xf32>,
          %add3A_970 = vector.broadcast %add3A_944 : i32 to vector<16xi32>
          %add3A_971 = arith.addi %add3A_443, %add3A_970 : vector<16xi32>
          tpu.vector_store_idx %arg7[%add3A_971], %gather3A_969 : memref<8192xf32, #tpu.memory_space<vmem>>[vector<16xi32>], vector<16xf32>,
          %gather3A_972 = tpu.vector_load_idx %arg5[%add3A_584, %add3A_940] : memref<64x128xf32, #tpu.memory_space<vmem>>[vector<16xi32>, vector<16xi32>], vector<16xf32>,
          %add3A_973 = vector.broadcast %add3A_944 : i32 to vector<16xi32>
          %add3A_974 = arith.addi %add3A_447, %add3A_973 : vector<16xi32>
          tpu.vector_store_idx %arg7[%add3A_974], %gather3A_972 : memref<8192xf32, #tpu.memory_space<vmem>>[vector<16xi32>], vector<16xf32>,
          %gather3A_975 = tpu.vector_load_idx %arg5[%add3A_588, %add3A_940] : memref<64x128xf32, #tpu.memory_space<vmem>>[vector<16xi32>, vector<16xi32>], vector<16xf32>,
          %add3A_976 = vector.broadcast %add3A_944 : i32 to vector<16xi32>
          %add3A_977 = arith.addi %add3A_451, %add3A_976 : vector<16xi32>
          tpu.vector_store_idx %arg7[%add3A_977], %gather3A_975 : memref<8192xf32, #tpu.memory_space<vmem>>[vector<16xi32>], vector<16xf32>,
          %gather3A_978 = tpu.vector_load_idx %arg5[%add3A_592, %add3A_940] : memref<64x128xf32, #tpu.memory_space<vmem>>[vector<16xi32>, vector<16xi32>], vector<16xf32>,
          %add3A_979 = vector.broadcast %add3A_944 : i32 to vector<16xi32>
          %add3A_980 = arith.addi %add3A_455, %add3A_979 : vector<16xi32>
          tpu.vector_store_idx %arg7[%add3A_980], %gather3A_978 : memref<8192xf32, #tpu.memory_space<vmem>>[vector<16xi32>], vector<16xf32>,
          %gather3A_981 = tpu.vector_load_idx %arg5[%add3A_596, %add3A_940] : memref<64x128xf32, #tpu.memory_space<vmem>>[vector<16xi32>, vector<16xi32>], vector<16xf32>,
          %add3A_982 = vector.broadcast %add3A_944 : i32 to vector<16xi32>
          %add3A_983 = arith.addi %add3A_459, %add3A_982 : vector<16xi32>
          tpu.vector_store_idx %arg7[%add3A_983], %gather3A_981 : memref<8192xf32, #tpu.memory_space<vmem>>[vector<16xi32>], vector<16xf32>,
          %gather3A_984 = tpu.vector_load_idx %arg5[%add3A_600, %add3A_940] : memref<64x128xf32, #tpu.memory_space<vmem>>[vector<16xi32>, vector<16xi32>], vector<16xf32>,
          %add3A_985 = vector.broadcast %add3A_944 : i32 to vector<16xi32>
          %add3A_986 = arith.addi %add3A_463, %add3A_985 : vector<16xi32>
          tpu.vector_store_idx %arg7[%add3A_986], %gather3A_984 : memref<8192xf32, #tpu.memory_space<vmem>>[vector<16xi32>], vector<16xf32>,
          %gather3A_987 = tpu.vector_load_idx %arg5[%add3A_604, %add3A_940] : memref<64x128xf32, #tpu.memory_space<vmem>>[vector<16xi32>, vector<16xi32>], vector<16xf32>,
          %add3A_988 = vector.broadcast %add3A_944 : i32 to vector<16xi32>
          %add3A_989 = arith.addi %add3A_467, %add3A_988 : vector<16xi32>
          tpu.vector_store_idx %arg7[%add3A_989], %gather3A_987 : memref<8192xf32, #tpu.memory_space<vmem>>[vector<16xi32>], vector<16xf32>,
          %gather3A_990 = tpu.vector_load_idx %arg5[%add3A_608, %add3A_940] : memref<64x128xf32, #tpu.memory_space<vmem>>[vector<16xi32>, vector<16xi32>], vector<16xf32>,
          %add3A_991 = vector.broadcast %add3A_944 : i32 to vector<16xi32>
          %add3A_992 = arith.addi %add3A_471, %add3A_991 : vector<16xi32>
          tpu.vector_store_idx %arg7[%add3A_992], %gather3A_990 : memref<8192xf32, #tpu.memory_space<vmem>>[vector<16xi32>], vector<16xf32>,
          %add3A_993 = arith.constant 112 : i32
          %add3A_994 = vector.broadcast %add3A_993 : i32 to vector<16xi32>
          %add3A_995 = arith.addi %iota3A, %add3A_994 : vector<16xi32>
          %mul3A_996 = arith.constant 16 : i32
          %mul3A_997 = arith.muli %scan3A_544, %mul3A_996 : i32
          %add3A_998 = arith.constant 7168 : i32
          %add3A_999 = arith.addi %add3A_998, %mul3A_997 : i32
          %gather3A_1000 = tpu.vector_load_idx %arg5[%add3A_548, %add3A_995] : memref<64x128xf32, #tpu.memory_space<vmem>>[vector<16xi32>, vector<16xi32>], vector<16xf32>,
          %add3A_1001 = vector.broadcast %add3A_999 : i32 to vector<16xi32>
          %add3A_1002 = arith.addi %add3A_411, %add3A_1001 : vector<16xi32>
          tpu.vector_store_idx %arg7[%add3A_1002], %gather3A_1000 : memref<8192xf32, #tpu.memory_space<vmem>>[vector<16xi32>], vector<16xf32>,
          %gather3A_1003 = tpu.vector_load_idx %arg5[%add3A_552, %add3A_995] : memref<64x128xf32, #tpu.memory_space<vmem>>[vector<16xi32>, vector<16xi32>], vector<16xf32>,
          %add3A_1004 = vector.broadcast %add3A_999 : i32 to vector<16xi32>
          %add3A_1005 = arith.addi %add3A_415, %add3A_1004 : vector<16xi32>
          tpu.vector_store_idx %arg7[%add3A_1005], %gather3A_1003 : memref<8192xf32, #tpu.memory_space<vmem>>[vector<16xi32>], vector<16xf32>,
          %gather3A_1006 = tpu.vector_load_idx %arg5[%add3A_556, %add3A_995] : memref<64x128xf32, #tpu.memory_space<vmem>>[vector<16xi32>, vector<16xi32>], vector<16xf32>,
          %add3A_1007 = vector.broadcast %add3A_999 : i32 to vector<16xi32>
          %add3A_1008 = arith.addi %add3A_419, %add3A_1007 : vector<16xi32>
          tpu.vector_store_idx %arg7[%add3A_1008], %gather3A_1006 : memref<8192xf32, #tpu.memory_space<vmem>>[vector<16xi32>], vector<16xf32>,
          %gather3A_1009 = tpu.vector_load_idx %arg5[%add3A_560, %add3A_995] : memref<64x128xf32, #tpu.memory_space<vmem>>[vector<16xi32>, vector<16xi32>], vector<16xf32>,
          %add3A_1010 = vector.broadcast %add3A_999 : i32 to vector<16xi32>
          %add3A_1011 = arith.addi %add3A_423, %add3A_1010 : vector<16xi32>
          tpu.vector_store_idx %arg7[%add3A_1011], %gather3A_1009 : memref<8192xf32, #tpu.memory_space<vmem>>[vector<16xi32>], vector<16xf32>,
          %gather3A_1012 = tpu.vector_load_idx %arg5[%add3A_564, %add3A_995] : memref<64x128xf32, #tpu.memory_space<vmem>>[vector<16xi32>, vector<16xi32>], vector<16xf32>,
          %add3A_1013 = vector.broadcast %add3A_999 : i32 to vector<16xi32>
          %add3A_1014 = arith.addi %add3A_427, %add3A_1013 : vector<16xi32>
          tpu.vector_store_idx %arg7[%add3A_1014], %gather3A_1012 : memref<8192xf32, #tpu.memory_space<vmem>>[vector<16xi32>], vector<16xf32>,
          %gather3A_1015 = tpu.vector_load_idx %arg5[%add3A_568, %add3A_995] : memref<64x128xf32, #tpu.memory_space<vmem>>[vector<16xi32>, vector<16xi32>], vector<16xf32>,
          %add3A_1016 = vector.broadcast %add3A_999 : i32 to vector<16xi32>
          %add3A_1017 = arith.addi %add3A_431, %add3A_1016 : vector<16xi32>
          tpu.vector_store_idx %arg7[%add3A_1017], %gather3A_1015 : memref<8192xf32, #tpu.memory_space<vmem>>[vector<16xi32>], vector<16xf32>,
          %gather3A_1018 = tpu.vector_load_idx %arg5[%add3A_572, %add3A_995] : memref<64x128xf32, #tpu.memory_space<vmem>>[vector<16xi32>, vector<16xi32>], vector<16xf32>,
          %add3A_1019 = vector.broadcast %add3A_999 : i32 to vector<16xi32>
          %add3A_1020 = arith.addi %add3A_435, %add3A_1019 : vector<16xi32>
          tpu.vector_store_idx %arg7[%add3A_1020], %gather3A_1018 : memref<8192xf32, #tpu.memory_space<vmem>>[vector<16xi32>], vector<16xf32>,
          %gather3A_1021 = tpu.vector_load_idx %arg5[%add3A_576, %add3A_995] : memref<64x128xf32, #tpu.memory_space<vmem>>[vector<16xi32>, vector<16xi32>], vector<16xf32>,
          %add3A_1022 = vector.broadcast %add3A_999 : i32 to vector<16xi32>
          %add3A_1023 = arith.addi %add3A_439, %add3A_1022 : vector<16xi32>
          tpu.vector_store_idx %arg7[%add3A_1023], %gather3A_1021 : memref<8192xf32, #tpu.memory_space<vmem>>[vector<16xi32>], vector<16xf32>,
          %gather3A_1024 = tpu.vector_load_idx %arg5[%add3A_580, %add3A_995] : memref<64x128xf32, #tpu.memory_space<vmem>>[vector<16xi32>, vector<16xi32>], vector<16xf32>,
          %add3A_1025 = vector.broadcast %add3A_999 : i32 to vector<16xi32>
          %add3A_1026 = arith.addi %add3A_443, %add3A_1025 : vector<16xi32>
          tpu.vector_store_idx %arg7[%add3A_1026], %gather3A_1024 : memref<8192xf32, #tpu.memory_space<vmem>>[vector<16xi32>], vector<16xf32>,
          %gather3A_1027 = tpu.vector_load_idx %arg5[%add3A_584, %add3A_995] : memref<64x128xf32, #tpu.memory_space<vmem>>[vector<16xi32>, vector<16xi32>], vector<16xf32>,
          %add3A_1028 = vector.broadcast %add3A_999 : i32 to vector<16xi32>
          %add3A_1029 = arith.addi %add3A_447, %add3A_1028 : vector<16xi32>
          tpu.vector_store_idx %arg7[%add3A_1029], %gather3A_1027 : memref<8192xf32, #tpu.memory_space<vmem>>[vector<16xi32>], vector<16xf32>,
          %gather3A_1030 = tpu.vector_load_idx %arg5[%add3A_588, %add3A_995] : memref<64x128xf32, #tpu.memory_space<vmem>>[vector<16xi32>, vector<16xi32>], vector<16xf32>,
          %add3A_1031 = vector.broadcast %add3A_999 : i32 to vector<16xi32>
          %add3A_1032 = arith.addi %add3A_451, %add3A_1031 : vector<16xi32>
          tpu.vector_store_idx %arg7[%add3A_1032], %gather3A_1030 : memref<8192xf32, #tpu.memory_space<vmem>>[vector<16xi32>], vector<16xf32>,
          %gather3A_1033 = tpu.vector_load_idx %arg5[%add3A_592, %add3A_995] : memref<64x128xf32, #tpu.memory_space<vmem>>[vector<16xi32>, vector<16xi32>], vector<16xf32>,
          %add3A_1034 = vector.broadcast %add3A_999 : i32 to vector<16xi32>
          %add3A_1035 = arith.addi %add3A_455, %add3A_1034 : vector<16xi32>
          tpu.vector_store_idx %arg7[%add3A_1035], %gather3A_1033 : memref<8192xf32, #tpu.memory_space<vmem>>[vector<16xi32>], vector<16xf32>,
          %gather3A_1036 = tpu.vector_load_idx %arg5[%add3A_596, %add3A_995] : memref<64x128xf32, #tpu.memory_space<vmem>>[vector<16xi32>, vector<16xi32>], vector<16xf32>,
          %add3A_1037 = vector.broadcast %add3A_999 : i32 to vector<16xi32>
          %add3A_1038 = arith.addi %add3A_459, %add3A_1037 : vector<16xi32>
          tpu.vector_store_idx %arg7[%add3A_1038], %gather3A_1036 : memref<8192xf32, #tpu.memory_space<vmem>>[vector<16xi32>], vector<16xf32>,
          %gather3A_1039 = tpu.vector_load_idx %arg5[%add3A_600, %add3A_995] : memref<64x128xf32, #tpu.memory_space<vmem>>[vector<16xi32>, vector<16xi32>], vector<16xf32>,
          %add3A_1040 = vector.broadcast %add3A_999 : i32 to vector<16xi32>
          %add3A_1041 = arith.addi %add3A_463, %add3A_1040 : vector<16xi32>
          tpu.vector_store_idx %arg7[%add3A_1041], %gather3A_1039 : memref<8192xf32, #tpu.memory_space<vmem>>[vector<16xi32>], vector<16xf32>,
          %gather3A_1042 = tpu.vector_load_idx %arg5[%add3A_604, %add3A_995] : memref<64x128xf32, #tpu.memory_space<vmem>>[vector<16xi32>, vector<16xi32>], vector<16xf32>,
          %add3A_1043 = vector.broadcast %add3A_999 : i32 to vector<16xi32>
          %add3A_1044 = arith.addi %add3A_467, %add3A_1043 : vector<16xi32>
          tpu.vector_store_idx %arg7[%add3A_1044], %gather3A_1042 : memref<8192xf32, #tpu.memory_space<vmem>>[vector<16xi32>], vector<16xf32>,
          %gather3A_1045 = tpu.vector_load_idx %arg5[%add3A_608, %add3A_995] : memref<64x128xf32, #tpu.memory_space<vmem>>[vector<16xi32>, vector<16xi32>], vector<16xf32>,
          %add3A_1046 = vector.broadcast %add3A_999 : i32 to vector<16xi32>
          %add3A_1047 = arith.addi %add3A_471, %add3A_1046 : vector<16xi32>
          tpu.vector_store_idx %arg7[%add3A_1047], %gather3A_1045 : memref<8192xf32, #tpu.memory_space<vmem>>[vector<16xi32>], vector<16xf32>,
        }
        %scan3A_530 = arith.constant 4 : i32
        %add3A_531 = arith.addi %add3A_9, %add3A_502 : i32
        %mul3A_532 = arith.constant 128 : i32
        %mul3A_533 = arith.muli %add3A_531, %mul3A_532 : i32
        %mul3A_534 = arith.constant 64 : i32
        %mul3A_535 = arith.muli %mul3A_533, %mul3A_534 : i32
        %dma_start3A_536 = tpu.memref_slice %arg4[%mul3A_535] : memref<64000512xf32, #tpu.memory_space<hbm>> -> memref<8192xf32, #tpu.memory_space<hbm>>
        %dma_start3A_537 = tpu.memref_slice %arg4[%mul3A_535] : memref<64000512xf32, #tpu.memory_space<hbm>> -> memref<8192xf32, #tpu.memory_space<hbm>>
        tpu.enqueue_dma source(%arg7 : memref<8192xf32, #tpu.memory_space<vmem>>) target(%dma_start3A_537 : memref<8192xf32, #tpu.memory_space<hbm>>) target_semaphore(%arg11 : memref<!tpu.dma_semaphore, #tpu.memory_space<semaphore_mem>>)
        %add3A_538 = arith.constant 2 : i32
        %add3A_539 = arith.addi %add3A_502, %add3A_538 : i32
        %lt3A_540 = arith.cmpi slt, %add3A_539, %add3A_4 : i32
        %convert_element_type3A_541 = arith.extui %lt3A_540 : i1 to i32
        %cond3A_542 = arith.constant 0 : i32
        %cond3A_543 = arith.cmpi ne, %convert_element_type3A_541, %cond3A_542 : i32
        scf.if %cond3A_543 {
          %add3A_544 = arith.constant 2 : i32
          %add3A_545 = arith.addi %add3A_502, %add3A_544 : i32
          %add3A_546 = arith.addi %add3A_9, %add3A_545 : i32
          %mul3A_547 = arith.constant 128 : i32
          %mul3A_548 = arith.muli %add3A_546, %mul3A_547 : i32
          %dma_start3A_549 = arith.constant 0 : i32
          %dma_start3A_550 = tpu.memref_slice %arg2[%dma_start3A_549, %mul3A_548] : memref<64x1000001xf32, #tpu.memory_space<hbm>> -> memref<64x128xf32, #tpu.memory_space<hbm>>
          %dma_start3A_551 = arith.constant 0 : i32
          %dma_start3A_552 = tpu.memref_slice %arg2[%dma_start3A_551, %mul3A_548] : memref<64x1000001xf32, #tpu.memory_space<hbm>> -> memref<64x128xf32, #tpu.memory_space<hbm>>
          tpu.enqueue_dma source(%dma_start3A_552 : memref<64x128xf32, #tpu.memory_space<hbm>>) target(%arg5 : memref<64x128xf32, #tpu.memory_space<vmem>>) target_semaphore(%arg9 : memref<!tpu.dma_semaphore, #tpu.memory_space<semaphore_mem>>)
        } else {
        }
      } else {
      }
      %mul3A_507 = arith.constant 2 : i32
      %mul3A_508 = arith.muli %mul3A_507, %scan3A_498 : i32
      %add3A_509 = arith.constant 1 : i32
      %add3A_510 = arith.addi %mul3A_508, %add3A_509 : i32
      %lt3A_511 = arith.cmpi slt, %add3A_510, %add3A_4 : i32
      %convert_element_type3A_512 = arith.extui %lt3A_511 : i1 to i32
      %cond3A_513 = arith.constant 0 : i32
      %cond3A_514 = arith.cmpi ne, %convert_element_type3A_512, %cond3A_513 : i32
      scf.if %cond3A_514 {
        %dma_wait3A_515 = arith.constant 0 : i32
        %dma_wait3A_516 = arith.constant 0 : i32
        %dma_wait3A_517 = tpu.memref_slice %arg2[%dma_wait3A_515, %dma_wait3A_516] : memref<64x1000001xf32, #tpu.memory_space<hbm>> -> memref<64x128xf32, #tpu.memory_space<hbm>>
        %dma_wait3A_518 = arith.constant 0 : i32
        %dma_wait3A_519 = arith.constant 0 : i32
        %dma_wait3A_520 = tpu.memref_slice %arg2[%dma_wait3A_518, %dma_wait3A_519] : memref<64x1000001xf32, #tpu.memory_space<hbm>> -> memref<64x128xf32, #tpu.memory_space<hbm>>
        tpu.wait_dma2 semaphore(%arg10 : memref<!tpu.dma_semaphore, #tpu.memory_space<semaphore_mem>>) src(%dma_wait3A_520 : memref<64x128xf32, #tpu.memory_space<hbm>>) dst(%arg6 : memref<64x128xf32, #tpu.memory_space<vmem>>)
        %ge3A_521 = arith.constant 2 : i32
        %ge3A_522 = arith.cmpi sge, %add3A_510, %ge3A_521 : i32
        %convert_element_type3A_523 = arith.extui %ge3A_522 : i1 to i32
        %cond3A_524 = arith.constant 0 : i32
        %cond3A_525 = arith.cmpi ne, %convert_element_type3A_523, %cond3A_524 : i32
        scf.if %cond3A_525 {
          %dma_wait3A_544 = arith.constant 0 : i32
          %dma_wait3A_545 = tpu.memref_slice %arg4[%dma_wait3A_544] : memref<64000512xf32, #tpu.memory_space<hbm>> -> memref<8192xf32, #tpu.memory_space<hbm>>
          %dma_wait3A_546 = arith.constant 0 : i32
          %dma_wait3A_547 = tpu.memref_slice %arg4[%dma_wait3A_546] : memref<64000512xf32, #tpu.memory_space<hbm>> -> memref<8192xf32, #tpu.memory_space<hbm>>
          tpu.wait_dma2 semaphore(%arg12 : memref<!tpu.dma_semaphore, #tpu.memory_space<semaphore_mem>>) src(%arg8 : memref<8192xf32, #tpu.memory_space<vmem>>) dst(%dma_wait3A_547 : memref<8192xf32, #tpu.memory_space<hbm>>)
        } else {
        }
        %scan3A_526 = arith.constant 0 : i32
        %scan3A_527 = arith.constant 4 : i32
        %scan3A_528 = arith.addi %scan3A_526, %scan3A_527 : i32
        %scan3A_529 = arith.constant 1 : i32
        scf.for %scan3A_544 = %scan3A_526 to %scan3A_528 step %scan3A_529  : i32 {
          %mul3A_545 = arith.constant 16 : i32
          %mul3A_546 = arith.muli %scan3A_544, %mul3A_545 : i32
          %add3A_547 = vector.broadcast %mul3A_546 : i32 to vector<16xi32>
          %add3A_548 = arith.addi %select_n3A_32, %add3A_547 : vector<16xi32>
          %mul3A_549 = arith.constant 16 : i32
          %mul3A_550 = arith.muli %scan3A_544, %mul3A_549 : i32
          %add3A_551 = vector.broadcast %mul3A_550 : i32 to vector<16xi32>
          %add3A_552 = arith.addi %select_n3A_57, %add3A_551 : vector<16xi32>
          %mul3A_553 = arith.constant 16 : i32
          %mul3A_554 = arith.muli %scan3A_544, %mul3A_553 : i32
          %add3A_555 = vector.broadcast %mul3A_554 : i32 to vector<16xi32>
          %add3A_556 = arith.addi %select_n3A_82, %add3A_555 : vector<16xi32>
          %mul3A_557 = arith.constant 16 : i32
          %mul3A_558 = arith.muli %scan3A_544, %mul3A_557 : i32
          %add3A_559 = vector.broadcast %mul3A_558 : i32 to vector<16xi32>
          %add3A_560 = arith.addi %select_n3A_107, %add3A_559 : vector<16xi32>
          %mul3A_561 = arith.constant 16 : i32
          %mul3A_562 = arith.muli %scan3A_544, %mul3A_561 : i32
          %add3A_563 = vector.broadcast %mul3A_562 : i32 to vector<16xi32>
          %add3A_564 = arith.addi %select_n3A_132, %add3A_563 : vector<16xi32>
          %mul3A_565 = arith.constant 16 : i32
          %mul3A_566 = arith.muli %scan3A_544, %mul3A_565 : i32
          %add3A_567 = vector.broadcast %mul3A_566 : i32 to vector<16xi32>
          %add3A_568 = arith.addi %select_n3A_157, %add3A_567 : vector<16xi32>
          %mul3A_569 = arith.constant 16 : i32
          %mul3A_570 = arith.muli %scan3A_544, %mul3A_569 : i32
          %add3A_571 = vector.broadcast %mul3A_570 : i32 to vector<16xi32>
          %add3A_572 = arith.addi %select_n3A_182, %add3A_571 : vector<16xi32>
          %mul3A_573 = arith.constant 16 : i32
          %mul3A_574 = arith.muli %scan3A_544, %mul3A_573 : i32
          %add3A_575 = vector.broadcast %mul3A_574 : i32 to vector<16xi32>
          %add3A_576 = arith.addi %select_n3A_207, %add3A_575 : vector<16xi32>
          %mul3A_577 = arith.constant 16 : i32
          %mul3A_578 = arith.muli %scan3A_544, %mul3A_577 : i32
          %add3A_579 = vector.broadcast %mul3A_578 : i32 to vector<16xi32>
          %add3A_580 = arith.addi %select_n3A_232, %add3A_579 : vector<16xi32>
          %mul3A_581 = arith.constant 16 : i32
          %mul3A_582 = arith.muli %scan3A_544, %mul3A_581 : i32
          %add3A_583 = vector.broadcast %mul3A_582 : i32 to vector<16xi32>
          %add3A_584 = arith.addi %select_n3A_257, %add3A_583 : vector<16xi32>
          %mul3A_585 = arith.constant 16 : i32
          %mul3A_586 = arith.muli %scan3A_544, %mul3A_585 : i32
          %add3A_587 = vector.broadcast %mul3A_586 : i32 to vector<16xi32>
          %add3A_588 = arith.addi %select_n3A_282, %add3A_587 : vector<16xi32>
          %mul3A_589 = arith.constant 16 : i32
          %mul3A_590 = arith.muli %scan3A_544, %mul3A_589 : i32
          %add3A_591 = vector.broadcast %mul3A_590 : i32 to vector<16xi32>
          %add3A_592 = arith.addi %select_n3A_307, %add3A_591 : vector<16xi32>
          %mul3A_593 = arith.constant 16 : i32
          %mul3A_594 = arith.muli %scan3A_544, %mul3A_593 : i32
          %add3A_595 = vector.broadcast %mul3A_594 : i32 to vector<16xi32>
          %add3A_596 = arith.addi %select_n3A_332, %add3A_595 : vector<16xi32>
          %mul3A_597 = arith.constant 16 : i32
          %mul3A_598 = arith.muli %scan3A_544, %mul3A_597 : i32
          %add3A_599 = vector.broadcast %mul3A_598 : i32 to vector<16xi32>
          %add3A_600 = arith.addi %select_n3A_357, %add3A_599 : vector<16xi32>
          %mul3A_601 = arith.constant 16 : i32
          %mul3A_602 = arith.muli %scan3A_544, %mul3A_601 : i32
          %add3A_603 = vector.broadcast %mul3A_602 : i32 to vector<16xi32>
          %add3A_604 = arith.addi %select_n3A_382, %add3A_603 : vector<16xi32>
          %mul3A_605 = arith.constant 16 : i32
          %mul3A_606 = arith.muli %scan3A_544, %mul3A_605 : i32
          %add3A_607 = vector.broadcast %mul3A_606 : i32 to vector<16xi32>
          %add3A_608 = arith.addi %select_n3A_407, %add3A_607 : vector<16xi32>
          %add3A_609 = arith.constant 0 : i32
          %add3A_610 = vector.broadcast %add3A_609 : i32 to vector<16xi32>
          %add3A_611 = arith.addi %iota3A, %add3A_610 : vector<16xi32>
          %mul3A_612 = arith.constant 16 : i32
          %mul3A_613 = arith.muli %scan3A_544, %mul3A_612 : i32
          %add3A_614 = arith.constant 0 : i32
          %add3A_615 = arith.addi %add3A_614, %mul3A_613 : i32
          %gather3A = tpu.vector_load_idx %arg6[%add3A_548, %add3A_611] : memref<64x128xf32, #tpu.memory_space<vmem>>[vector<16xi32>, vector<16xi32>], vector<16xf32>,
          %add3A_616 = vector.broadcast %add3A_615 : i32 to vector<16xi32>
          %add3A_617 = arith.addi %add3A_411, %add3A_616 : vector<16xi32>
          tpu.vector_store_idx %arg8[%add3A_617], %gather3A : memref<8192xf32, #tpu.memory_space<vmem>>[vector<16xi32>], vector<16xf32>,
          %gather3A_618 = tpu.vector_load_idx %arg6[%add3A_552, %add3A_611] : memref<64x128xf32, #tpu.memory_space<vmem>>[vector<16xi32>, vector<16xi32>], vector<16xf32>,
          %add3A_619 = vector.broadcast %add3A_615 : i32 to vector<16xi32>
          %add3A_620 = arith.addi %add3A_415, %add3A_619 : vector<16xi32>
          tpu.vector_store_idx %arg8[%add3A_620], %gather3A_618 : memref<8192xf32, #tpu.memory_space<vmem>>[vector<16xi32>], vector<16xf32>,
          %gather3A_621 = tpu.vector_load_idx %arg6[%add3A_556, %add3A_611] : memref<64x128xf32, #tpu.memory_space<vmem>>[vector<16xi32>, vector<16xi32>], vector<16xf32>,
          %add3A_622 = vector.broadcast %add3A_615 : i32 to vector<16xi32>
          %add3A_623 = arith.addi %add3A_419, %add3A_622 : vector<16xi32>
          tpu.vector_store_idx %arg8[%add3A_623], %gather3A_621 : memref<8192xf32, #tpu.memory_space<vmem>>[vector<16xi32>], vector<16xf32>,
          %gather3A_624 = tpu.vector_load_idx %arg6[%add3A_560, %add3A_611] : memref<64x128xf32, #tpu.memory_space<vmem>>[vector<16xi32>, vector<16xi32>], vector<16xf32>,
          %add3A_625 = vector.broadcast %add3A_615 : i32 to vector<16xi32>
          %add3A_626 = arith.addi %add3A_423, %add3A_625 : vector<16xi32>
          tpu.vector_store_idx %arg8[%add3A_626], %gather3A_624 : memref<8192xf32, #tpu.memory_space<vmem>>[vector<16xi32>], vector<16xf32>,
          %gather3A_627 = tpu.vector_load_idx %arg6[%add3A_564, %add3A_611] : memref<64x128xf32, #tpu.memory_space<vmem>>[vector<16xi32>, vector<16xi32>], vector<16xf32>,
          %add3A_628 = vector.broadcast %add3A_615 : i32 to vector<16xi32>
          %add3A_629 = arith.addi %add3A_427, %add3A_628 : vector<16xi32>
          tpu.vector_store_idx %arg8[%add3A_629], %gather3A_627 : memref<8192xf32, #tpu.memory_space<vmem>>[vector<16xi32>], vector<16xf32>,
          %gather3A_630 = tpu.vector_load_idx %arg6[%add3A_568, %add3A_611] : memref<64x128xf32, #tpu.memory_space<vmem>>[vector<16xi32>, vector<16xi32>], vector<16xf32>,
          %add3A_631 = vector.broadcast %add3A_615 : i32 to vector<16xi32>
          %add3A_632 = arith.addi %add3A_431, %add3A_631 : vector<16xi32>
          tpu.vector_store_idx %arg8[%add3A_632], %gather3A_630 : memref<8192xf32, #tpu.memory_space<vmem>>[vector<16xi32>], vector<16xf32>,
          %gather3A_633 = tpu.vector_load_idx %arg6[%add3A_572, %add3A_611] : memref<64x128xf32, #tpu.memory_space<vmem>>[vector<16xi32>, vector<16xi32>], vector<16xf32>,
          %add3A_634 = vector.broadcast %add3A_615 : i32 to vector<16xi32>
          %add3A_635 = arith.addi %add3A_435, %add3A_634 : vector<16xi32>
          tpu.vector_store_idx %arg8[%add3A_635], %gather3A_633 : memref<8192xf32, #tpu.memory_space<vmem>>[vector<16xi32>], vector<16xf32>,
          %gather3A_636 = tpu.vector_load_idx %arg6[%add3A_576, %add3A_611] : memref<64x128xf32, #tpu.memory_space<vmem>>[vector<16xi32>, vector<16xi32>], vector<16xf32>,
          %add3A_637 = vector.broadcast %add3A_615 : i32 to vector<16xi32>
          %add3A_638 = arith.addi %add3A_439, %add3A_637 : vector<16xi32>
          tpu.vector_store_idx %arg8[%add3A_638], %gather3A_636 : memref<8192xf32, #tpu.memory_space<vmem>>[vector<16xi32>], vector<16xf32>,
          %gather3A_639 = tpu.vector_load_idx %arg6[%add3A_580, %add3A_611] : memref<64x128xf32, #tpu.memory_space<vmem>>[vector<16xi32>, vector<16xi32>], vector<16xf32>,
          %add3A_640 = vector.broadcast %add3A_615 : i32 to vector<16xi32>
          %add3A_641 = arith.addi %add3A_443, %add3A_640 : vector<16xi32>
          tpu.vector_store_idx %arg8[%add3A_641], %gather3A_639 : memref<8192xf32, #tpu.memory_space<vmem>>[vector<16xi32>], vector<16xf32>,
          %gather3A_642 = tpu.vector_load_idx %arg6[%add3A_584, %add3A_611] : memref<64x128xf32, #tpu.memory_space<vmem>>[vector<16xi32>, vector<16xi32>], vector<16xf32>,
          %add3A_643 = vector.broadcast %add3A_615 : i32 to vector<16xi32>
          %add3A_644 = arith.addi %add3A_447, %add3A_643 : vector<16xi32>
          tpu.vector_store_idx %arg8[%add3A_644], %gather3A_642 : memref<8192xf32, #tpu.memory_space<vmem>>[vector<16xi32>], vector<16xf32>,
          %gather3A_645 = tpu.vector_load_idx %arg6[%add3A_588, %add3A_611] : memref<64x128xf32, #tpu.memory_space<vmem>>[vector<16xi32>, vector<16xi32>], vector<16xf32>,
          %add3A_646 = vector.broadcast %add3A_615 : i32 to vector<16xi32>
          %add3A_647 = arith.addi %add3A_451, %add3A_646 : vector<16xi32>
          tpu.vector_store_idx %arg8[%add3A_647], %gather3A_645 : memref<8192xf32, #tpu.memory_space<vmem>>[vector<16xi32>], vector<16xf32>,
          %gather3A_648 = tpu.vector_load_idx %arg6[%add3A_592, %add3A_611] : memref<64x128xf32, #tpu.memory_space<vmem>>[vector<16xi32>, vector<16xi32>], vector<16xf32>,
          %add3A_649 = vector.broadcast %add3A_615 : i32 to vector<16xi32>
          %add3A_650 = arith.addi %add3A_455, %add3A_649 : vector<16xi32>
          tpu.vector_store_idx %arg8[%add3A_650], %gather3A_648 : memref<8192xf32, #tpu.memory_space<vmem>>[vector<16xi32>], vector<16xf32>,
          %gather3A_651 = tpu.vector_load_idx %arg6[%add3A_596, %add3A_611] : memref<64x128xf32, #tpu.memory_space<vmem>>[vector<16xi32>, vector<16xi32>], vector<16xf32>,
          %add3A_652 = vector.broadcast %add3A_615 : i32 to vector<16xi32>
          %add3A_653 = arith.addi %add3A_459, %add3A_652 : vector<16xi32>
          tpu.vector_store_idx %arg8[%add3A_653], %gather3A_651 : memref<8192xf32, #tpu.memory_space<vmem>>[vector<16xi32>], vector<16xf32>,
          %gather3A_654 = tpu.vector_load_idx %arg6[%add3A_600, %add3A_611] : memref<64x128xf32, #tpu.memory_space<vmem>>[vector<16xi32>, vector<16xi32>], vector<16xf32>,
          %add3A_655 = vector.broadcast %add3A_615 : i32 to vector<16xi32>
          %add3A_656 = arith.addi %add3A_463, %add3A_655 : vector<16xi32>
          tpu.vector_store_idx %arg8[%add3A_656], %gather3A_654 : memref<8192xf32, #tpu.memory_space<vmem>>[vector<16xi32>], vector<16xf32>,
          %gather3A_657 = tpu.vector_load_idx %arg6[%add3A_604, %add3A_611] : memref<64x128xf32, #tpu.memory_space<vmem>>[vector<16xi32>, vector<16xi32>], vector<16xf32>,
          %add3A_658 = vector.broadcast %add3A_615 : i32 to vector<16xi32>
          %add3A_659 = arith.addi %add3A_467, %add3A_658 : vector<16xi32>
          tpu.vector_store_idx %arg8[%add3A_659], %gather3A_657 : memref<8192xf32, #tpu.memory_space<vmem>>[vector<16xi32>], vector<16xf32>,
          %gather3A_660 = tpu.vector_load_idx %arg6[%add3A_608, %add3A_611] : memref<64x128xf32, #tpu.memory_space<vmem>>[vector<16xi32>, vector<16xi32>], vector<16xf32>,
          %add3A_661 = vector.broadcast %add3A_615 : i32 to vector<16xi32>
          %add3A_662 = arith.addi %add3A_471, %add3A_661 : vector<16xi32>
          tpu.vector_store_idx %arg8[%add3A_662], %gather3A_660 : memref<8192xf32, #tpu.memory_space<vmem>>[vector<16xi32>], vector<16xf32>,
          %add3A_663 = arith.constant 16 : i32
          %add3A_664 = vector.broadcast %add3A_663 : i32 to vector<16xi32>
          %add3A_665 = arith.addi %iota3A, %add3A_664 : vector<16xi32>
          %mul3A_666 = arith.constant 16 : i32
          %mul3A_667 = arith.muli %scan3A_544, %mul3A_666 : i32
          %add3A_668 = arith.constant 1024 : i32
          %add3A_669 = arith.addi %add3A_668, %mul3A_667 : i32
          %gather3A_670 = tpu.vector_load_idx %arg6[%add3A_548, %add3A_665] : memref<64x128xf32, #tpu.memory_space<vmem>>[vector<16xi32>, vector<16xi32>], vector<16xf32>,
          %add3A_671 = vector.broadcast %add3A_669 : i32 to vector<16xi32>
          %add3A_672 = arith.addi %add3A_411, %add3A_671 : vector<16xi32>
          tpu.vector_store_idx %arg8[%add3A_672], %gather3A_670 : memref<8192xf32, #tpu.memory_space<vmem>>[vector<16xi32>], vector<16xf32>,
          %gather3A_673 = tpu.vector_load_idx %arg6[%add3A_552, %add3A_665] : memref<64x128xf32, #tpu.memory_space<vmem>>[vector<16xi32>, vector<16xi32>], vector<16xf32>,
          %add3A_674 = vector.broadcast %add3A_669 : i32 to vector<16xi32>
          %add3A_675 = arith.addi %add3A_415, %add3A_674 : vector<16xi32>
          tpu.vector_store_idx %arg8[%add3A_675], %gather3A_673 : memref<8192xf32, #tpu.memory_space<vmem>>[vector<16xi32>], vector<16xf32>,
          %gather3A_676 = tpu.vector_load_idx %arg6[%add3A_556, %add3A_665] : memref<64x128xf32, #tpu.memory_space<vmem>>[vector<16xi32>, vector<16xi32>], vector<16xf32>,
          %add3A_677 = vector.broadcast %add3A_669 : i32 to vector<16xi32>
          %add3A_678 = arith.addi %add3A_419, %add3A_677 : vector<16xi32>
          tpu.vector_store_idx %arg8[%add3A_678], %gather3A_676 : memref<8192xf32, #tpu.memory_space<vmem>>[vector<16xi32>], vector<16xf32>,
          %gather3A_679 = tpu.vector_load_idx %arg6[%add3A_560, %add3A_665] : memref<64x128xf32, #tpu.memory_space<vmem>>[vector<16xi32>, vector<16xi32>], vector<16xf32>,
          %add3A_680 = vector.broadcast %add3A_669 : i32 to vector<16xi32>
          %add3A_681 = arith.addi %add3A_423, %add3A_680 : vector<16xi32>
          tpu.vector_store_idx %arg8[%add3A_681], %gather3A_679 : memref<8192xf32, #tpu.memory_space<vmem>>[vector<16xi32>], vector<16xf32>,
          %gather3A_682 = tpu.vector_load_idx %arg6[%add3A_564, %add3A_665] : memref<64x128xf32, #tpu.memory_space<vmem>>[vector<16xi32>, vector<16xi32>], vector<16xf32>,
          %add3A_683 = vector.broadcast %add3A_669 : i32 to vector<16xi32>
          %add3A_684 = arith.addi %add3A_427, %add3A_683 : vector<16xi32>
          tpu.vector_store_idx %arg8[%add3A_684], %gather3A_682 : memref<8192xf32, #tpu.memory_space<vmem>>[vector<16xi32>], vector<16xf32>,
          %gather3A_685 = tpu.vector_load_idx %arg6[%add3A_568, %add3A_665] : memref<64x128xf32, #tpu.memory_space<vmem>>[vector<16xi32>, vector<16xi32>], vector<16xf32>,
          %add3A_686 = vector.broadcast %add3A_669 : i32 to vector<16xi32>
          %add3A_687 = arith.addi %add3A_431, %add3A_686 : vector<16xi32>
          tpu.vector_store_idx %arg8[%add3A_687], %gather3A_685 : memref<8192xf32, #tpu.memory_space<vmem>>[vector<16xi32>], vector<16xf32>,
          %gather3A_688 = tpu.vector_load_idx %arg6[%add3A_572, %add3A_665] : memref<64x128xf32, #tpu.memory_space<vmem>>[vector<16xi32>, vector<16xi32>], vector<16xf32>,
          %add3A_689 = vector.broadcast %add3A_669 : i32 to vector<16xi32>
          %add3A_690 = arith.addi %add3A_435, %add3A_689 : vector<16xi32>
          tpu.vector_store_idx %arg8[%add3A_690], %gather3A_688 : memref<8192xf32, #tpu.memory_space<vmem>>[vector<16xi32>], vector<16xf32>,
          %gather3A_691 = tpu.vector_load_idx %arg6[%add3A_576, %add3A_665] : memref<64x128xf32, #tpu.memory_space<vmem>>[vector<16xi32>, vector<16xi32>], vector<16xf32>,
          %add3A_692 = vector.broadcast %add3A_669 : i32 to vector<16xi32>
          %add3A_693 = arith.addi %add3A_439, %add3A_692 : vector<16xi32>
          tpu.vector_store_idx %arg8[%add3A_693], %gather3A_691 : memref<8192xf32, #tpu.memory_space<vmem>>[vector<16xi32>], vector<16xf32>,
          %gather3A_694 = tpu.vector_load_idx %arg6[%add3A_580, %add3A_665] : memref<64x128xf32, #tpu.memory_space<vmem>>[vector<16xi32>, vector<16xi32>], vector<16xf32>,
          %add3A_695 = vector.broadcast %add3A_669 : i32 to vector<16xi32>
          %add3A_696 = arith.addi %add3A_443, %add3A_695 : vector<16xi32>
          tpu.vector_store_idx %arg8[%add3A_696], %gather3A_694 : memref<8192xf32, #tpu.memory_space<vmem>>[vector<16xi32>], vector<16xf32>,
          %gather3A_697 = tpu.vector_load_idx %arg6[%add3A_584, %add3A_665] : memref<64x128xf32, #tpu.memory_space<vmem>>[vector<16xi32>, vector<16xi32>], vector<16xf32>,
          %add3A_698 = vector.broadcast %add3A_669 : i32 to vector<16xi32>
          %add3A_699 = arith.addi %add3A_447, %add3A_698 : vector<16xi32>
          tpu.vector_store_idx %arg8[%add3A_699], %gather3A_697 : memref<8192xf32, #tpu.memory_space<vmem>>[vector<16xi32>], vector<16xf32>,
          %gather3A_700 = tpu.vector_load_idx %arg6[%add3A_588, %add3A_665] : memref<64x128xf32, #tpu.memory_space<vmem>>[vector<16xi32>, vector<16xi32>], vector<16xf32>,
          %add3A_701 = vector.broadcast %add3A_669 : i32 to vector<16xi32>
          %add3A_702 = arith.addi %add3A_451, %add3A_701 : vector<16xi32>
          tpu.vector_store_idx %arg8[%add3A_702], %gather3A_700 : memref<8192xf32, #tpu.memory_space<vmem>>[vector<16xi32>], vector<16xf32>,
          %gather3A_703 = tpu.vector_load_idx %arg6[%add3A_592, %add3A_665] : memref<64x128xf32, #tpu.memory_space<vmem>>[vector<16xi32>, vector<16xi32>], vector<16xf32>,
          %add3A_704 = vector.broadcast %add3A_669 : i32 to vector<16xi32>
          %add3A_705 = arith.addi %add3A_455, %add3A_704 : vector<16xi32>
          tpu.vector_store_idx %arg8[%add3A_705], %gather3A_703 : memref<8192xf32, #tpu.memory_space<vmem>>[vector<16xi32>], vector<16xf32>,
          %gather3A_706 = tpu.vector_load_idx %arg6[%add3A_596, %add3A_665] : memref<64x128xf32, #tpu.memory_space<vmem>>[vector<16xi32>, vector<16xi32>], vector<16xf32>,
          %add3A_707 = vector.broadcast %add3A_669 : i32 to vector<16xi32>
          %add3A_708 = arith.addi %add3A_459, %add3A_707 : vector<16xi32>
          tpu.vector_store_idx %arg8[%add3A_708], %gather3A_706 : memref<8192xf32, #tpu.memory_space<vmem>>[vector<16xi32>], vector<16xf32>,
          %gather3A_709 = tpu.vector_load_idx %arg6[%add3A_600, %add3A_665] : memref<64x128xf32, #tpu.memory_space<vmem>>[vector<16xi32>, vector<16xi32>], vector<16xf32>,
          %add3A_710 = vector.broadcast %add3A_669 : i32 to vector<16xi32>
          %add3A_711 = arith.addi %add3A_463, %add3A_710 : vector<16xi32>
          tpu.vector_store_idx %arg8[%add3A_711], %gather3A_709 : memref<8192xf32, #tpu.memory_space<vmem>>[vector<16xi32>], vector<16xf32>,
          %gather3A_712 = tpu.vector_load_idx %arg6[%add3A_604, %add3A_665] : memref<64x128xf32, #tpu.memory_space<vmem>>[vector<16xi32>, vector<16xi32>], vector<16xf32>,
          %add3A_713 = vector.broadcast %add3A_669 : i32 to vector<16xi32>
          %add3A_714 = arith.addi %add3A_467, %add3A_713 : vector<16xi32>
          tpu.vector_store_idx %arg8[%add3A_714], %gather3A_712 : memref<8192xf32, #tpu.memory_space<vmem>>[vector<16xi32>], vector<16xf32>,
          %gather3A_715 = tpu.vector_load_idx %arg6[%add3A_608, %add3A_665] : memref<64x128xf32, #tpu.memory_space<vmem>>[vector<16xi32>, vector<16xi32>], vector<16xf32>,
          %add3A_716 = vector.broadcast %add3A_669 : i32 to vector<16xi32>
          %add3A_717 = arith.addi %add3A_471, %add3A_716 : vector<16xi32>
          tpu.vector_store_idx %arg8[%add3A_717], %gather3A_715 : memref<8192xf32, #tpu.memory_space<vmem>>[vector<16xi32>], vector<16xf32>,
          %add3A_718 = arith.constant 32 : i32
          %add3A_719 = vector.broadcast %add3A_718 : i32 to vector<16xi32>
          %add3A_720 = arith.addi %iota3A, %add3A_719 : vector<16xi32>
          %mul3A_721 = arith.constant 16 : i32
          %mul3A_722 = arith.muli %scan3A_544, %mul3A_721 : i32
          %add3A_723 = arith.constant 2048 : i32
          %add3A_724 = arith.addi %add3A_723, %mul3A_722 : i32
          %gather3A_725 = tpu.vector_load_idx %arg6[%add3A_548, %add3A_720] : memref<64x128xf32, #tpu.memory_space<vmem>>[vector<16xi32>, vector<16xi32>], vector<16xf32>,
          %add3A_726 = vector.broadcast %add3A_724 : i32 to vector<16xi32>
          %add3A_727 = arith.addi %add3A_411, %add3A_726 : vector<16xi32>
          tpu.vector_store_idx %arg8[%add3A_727], %gather3A_725 : memref<8192xf32, #tpu.memory_space<vmem>>[vector<16xi32>], vector<16xf32>,
          %gather3A_728 = tpu.vector_load_idx %arg6[%add3A_552, %add3A_720] : memref<64x128xf32, #tpu.memory_space<vmem>>[vector<16xi32>, vector<16xi32>], vector<16xf32>,
          %add3A_729 = vector.broadcast %add3A_724 : i32 to vector<16xi32>
          %add3A_730 = arith.addi %add3A_415, %add3A_729 : vector<16xi32>
          tpu.vector_store_idx %arg8[%add3A_730], %gather3A_728 : memref<8192xf32, #tpu.memory_space<vmem>>[vector<16xi32>], vector<16xf32>,
          %gather3A_731 = tpu.vector_load_idx %arg6[%add3A_556, %add3A_720] : memref<64x128xf32, #tpu.memory_space<vmem>>[vector<16xi32>, vector<16xi32>], vector<16xf32>,
          %add3A_732 = vector.broadcast %add3A_724 : i32 to vector<16xi32>
          %add3A_733 = arith.addi %add3A_419, %add3A_732 : vector<16xi32>
          tpu.vector_store_idx %arg8[%add3A_733], %gather3A_731 : memref<8192xf32, #tpu.memory_space<vmem>>[vector<16xi32>], vector<16xf32>,
          %gather3A_734 = tpu.vector_load_idx %arg6[%add3A_560, %add3A_720] : memref<64x128xf32, #tpu.memory_space<vmem>>[vector<16xi32>, vector<16xi32>], vector<16xf32>,
          %add3A_735 = vector.broadcast %add3A_724 : i32 to vector<16xi32>
          %add3A_736 = arith.addi %add3A_423, %add3A_735 : vector<16xi32>
          tpu.vector_store_idx %arg8[%add3A_736], %gather3A_734 : memref<8192xf32, #tpu.memory_space<vmem>>[vector<16xi32>], vector<16xf32>,
          %gather3A_737 = tpu.vector_load_idx %arg6[%add3A_564, %add3A_720] : memref<64x128xf32, #tpu.memory_space<vmem>>[vector<16xi32>, vector<16xi32>], vector<16xf32>,
          %add3A_738 = vector.broadcast %add3A_724 : i32 to vector<16xi32>
          %add3A_739 = arith.addi %add3A_427, %add3A_738 : vector<16xi32>
          tpu.vector_store_idx %arg8[%add3A_739], %gather3A_737 : memref<8192xf32, #tpu.memory_space<vmem>>[vector<16xi32>], vector<16xf32>,
          %gather3A_740 = tpu.vector_load_idx %arg6[%add3A_568, %add3A_720] : memref<64x128xf32, #tpu.memory_space<vmem>>[vector<16xi32>, vector<16xi32>], vector<16xf32>,
          %add3A_741 = vector.broadcast %add3A_724 : i32 to vector<16xi32>
          %add3A_742 = arith.addi %add3A_431, %add3A_741 : vector<16xi32>
          tpu.vector_store_idx %arg8[%add3A_742], %gather3A_740 : memref<8192xf32, #tpu.memory_space<vmem>>[vector<16xi32>], vector<16xf32>,
          %gather3A_743 = tpu.vector_load_idx %arg6[%add3A_572, %add3A_720] : memref<64x128xf32, #tpu.memory_space<vmem>>[vector<16xi32>, vector<16xi32>], vector<16xf32>,
          %add3A_744 = vector.broadcast %add3A_724 : i32 to vector<16xi32>
          %add3A_745 = arith.addi %add3A_435, %add3A_744 : vector<16xi32>
          tpu.vector_store_idx %arg8[%add3A_745], %gather3A_743 : memref<8192xf32, #tpu.memory_space<vmem>>[vector<16xi32>], vector<16xf32>,
          %gather3A_746 = tpu.vector_load_idx %arg6[%add3A_576, %add3A_720] : memref<64x128xf32, #tpu.memory_space<vmem>>[vector<16xi32>, vector<16xi32>], vector<16xf32>,
          %add3A_747 = vector.broadcast %add3A_724 : i32 to vector<16xi32>
          %add3A_748 = arith.addi %add3A_439, %add3A_747 : vector<16xi32>
          tpu.vector_store_idx %arg8[%add3A_748], %gather3A_746 : memref<8192xf32, #tpu.memory_space<vmem>>[vector<16xi32>], vector<16xf32>,
          %gather3A_749 = tpu.vector_load_idx %arg6[%add3A_580, %add3A_720] : memref<64x128xf32, #tpu.memory_space<vmem>>[vector<16xi32>, vector<16xi32>], vector<16xf32>,
          %add3A_750 = vector.broadcast %add3A_724 : i32 to vector<16xi32>
          %add3A_751 = arith.addi %add3A_443, %add3A_750 : vector<16xi32>
          tpu.vector_store_idx %arg8[%add3A_751], %gather3A_749 : memref<8192xf32, #tpu.memory_space<vmem>>[vector<16xi32>], vector<16xf32>,
          %gather3A_752 = tpu.vector_load_idx %arg6[%add3A_584, %add3A_720] : memref<64x128xf32, #tpu.memory_space<vmem>>[vector<16xi32>, vector<16xi32>], vector<16xf32>,
          %add3A_753 = vector.broadcast %add3A_724 : i32 to vector<16xi32>
          %add3A_754 = arith.addi %add3A_447, %add3A_753 : vector<16xi32>
          tpu.vector_store_idx %arg8[%add3A_754], %gather3A_752 : memref<8192xf32, #tpu.memory_space<vmem>>[vector<16xi32>], vector<16xf32>,
          %gather3A_755 = tpu.vector_load_idx %arg6[%add3A_588, %add3A_720] : memref<64x128xf32, #tpu.memory_space<vmem>>[vector<16xi32>, vector<16xi32>], vector<16xf32>,
          %add3A_756 = vector.broadcast %add3A_724 : i32 to vector<16xi32>
          %add3A_757 = arith.addi %add3A_451, %add3A_756 : vector<16xi32>
          tpu.vector_store_idx %arg8[%add3A_757], %gather3A_755 : memref<8192xf32, #tpu.memory_space<vmem>>[vector<16xi32>], vector<16xf32>,
          %gather3A_758 = tpu.vector_load_idx %arg6[%add3A_592, %add3A_720] : memref<64x128xf32, #tpu.memory_space<vmem>>[vector<16xi32>, vector<16xi32>], vector<16xf32>,
          %add3A_759 = vector.broadcast %add3A_724 : i32 to vector<16xi32>
          %add3A_760 = arith.addi %add3A_455, %add3A_759 : vector<16xi32>
          tpu.vector_store_idx %arg8[%add3A_760], %gather3A_758 : memref<8192xf32, #tpu.memory_space<vmem>>[vector<16xi32>], vector<16xf32>,
          %gather3A_761 = tpu.vector_load_idx %arg6[%add3A_596, %add3A_720] : memref<64x128xf32, #tpu.memory_space<vmem>>[vector<16xi32>, vector<16xi32>], vector<16xf32>,
          %add3A_762 = vector.broadcast %add3A_724 : i32 to vector<16xi32>
          %add3A_763 = arith.addi %add3A_459, %add3A_762 : vector<16xi32>
          tpu.vector_store_idx %arg8[%add3A_763], %gather3A_761 : memref<8192xf32, #tpu.memory_space<vmem>>[vector<16xi32>], vector<16xf32>,
          %gather3A_764 = tpu.vector_load_idx %arg6[%add3A_600, %add3A_720] : memref<64x128xf32, #tpu.memory_space<vmem>>[vector<16xi32>, vector<16xi32>], vector<16xf32>,
          %add3A_765 = vector.broadcast %add3A_724 : i32 to vector<16xi32>
          %add3A_766 = arith.addi %add3A_463, %add3A_765 : vector<16xi32>
          tpu.vector_store_idx %arg8[%add3A_766], %gather3A_764 : memref<8192xf32, #tpu.memory_space<vmem>>[vector<16xi32>], vector<16xf32>,
          %gather3A_767 = tpu.vector_load_idx %arg6[%add3A_604, %add3A_720] : memref<64x128xf32, #tpu.memory_space<vmem>>[vector<16xi32>, vector<16xi32>], vector<16xf32>,
          %add3A_768 = vector.broadcast %add3A_724 : i32 to vector<16xi32>
          %add3A_769 = arith.addi %add3A_467, %add3A_768 : vector<16xi32>
          tpu.vector_store_idx %arg8[%add3A_769], %gather3A_767 : memref<8192xf32, #tpu.memory_space<vmem>>[vector<16xi32>], vector<16xf32>,
          %gather3A_770 = tpu.vector_load_idx %arg6[%add3A_608, %add3A_720] : memref<64x128xf32, #tpu.memory_space<vmem>>[vector<16xi32>, vector<16xi32>], vector<16xf32>,
          %add3A_771 = vector.broadcast %add3A_724 : i32 to vector<16xi32>
          %add3A_772 = arith.addi %add3A_471, %add3A_771 : vector<16xi32>
          tpu.vector_store_idx %arg8[%add3A_772], %gather3A_770 : memref<8192xf32, #tpu.memory_space<vmem>>[vector<16xi32>], vector<16xf32>,
          %add3A_773 = arith.constant 48 : i32
          %add3A_774 = vector.broadcast %add3A_773 : i32 to vector<16xi32>
          %add3A_775 = arith.addi %iota3A, %add3A_774 : vector<16xi32>
          %mul3A_776 = arith.constant 16 : i32
          %mul3A_777 = arith.muli %scan3A_544, %mul3A_776 : i32
          %add3A_778 = arith.constant 3072 : i32
          %add3A_779 = arith.addi %add3A_778, %mul3A_777 : i32
          %gather3A_780 = tpu.vector_load_idx %arg6[%add3A_548, %add3A_775] : memref<64x128xf32, #tpu.memory_space<vmem>>[vector<16xi32>, vector<16xi32>], vector<16xf32>,
          %add3A_781 = vector.broadcast %add3A_779 : i32 to vector<16xi32>
          %add3A_782 = arith.addi %add3A_411, %add3A_781 : vector<16xi32>
          tpu.vector_store_idx %arg8[%add3A_782], %gather3A_780 : memref<8192xf32, #tpu.memory_space<vmem>>[vector<16xi32>], vector<16xf32>,
          %gather3A_783 = tpu.vector_load_idx %arg6[%add3A_552, %add3A_775] : memref<64x128xf32, #tpu.memory_space<vmem>>[vector<16xi32>, vector<16xi32>], vector<16xf32>,
          %add3A_784 = vector.broadcast %add3A_779 : i32 to vector<16xi32>
          %add3A_785 = arith.addi %add3A_415, %add3A_784 : vector<16xi32>
          tpu.vector_store_idx %arg8[%add3A_785], %gather3A_783 : memref<8192xf32, #tpu.memory_space<vmem>>[vector<16xi32>], vector<16xf32>,
          %gather3A_786 = tpu.vector_load_idx %arg6[%add3A_556, %add3A_775] : memref<64x128xf32, #tpu.memory_space<vmem>>[vector<16xi32>, vector<16xi32>], vector<16xf32>,
          %add3A_787 = vector.broadcast %add3A_779 : i32 to vector<16xi32>
          %add3A_788 = arith.addi %add3A_419, %add3A_787 : vector<16xi32>
          tpu.vector_store_idx %arg8[%add3A_788], %gather3A_786 : memref<8192xf32, #tpu.memory_space<vmem>>[vector<16xi32>], vector<16xf32>,
          %gather3A_789 = tpu.vector_load_idx %arg6[%add3A_560, %add3A_775] : memref<64x128xf32, #tpu.memory_space<vmem>>[vector<16xi32>, vector<16xi32>], vector<16xf32>,
          %add3A_790 = vector.broadcast %add3A_779 : i32 to vector<16xi32>
          %add3A_791 = arith.addi %add3A_423, %add3A_790 : vector<16xi32>
          tpu.vector_store_idx %arg8[%add3A_791], %gather3A_789 : memref<8192xf32, #tpu.memory_space<vmem>>[vector<16xi32>], vector<16xf32>,
          %gather3A_792 = tpu.vector_load_idx %arg6[%add3A_564, %add3A_775] : memref<64x128xf32, #tpu.memory_space<vmem>>[vector<16xi32>, vector<16xi32>], vector<16xf32>,
          %add3A_793 = vector.broadcast %add3A_779 : i32 to vector<16xi32>
          %add3A_794 = arith.addi %add3A_427, %add3A_793 : vector<16xi32>
          tpu.vector_store_idx %arg8[%add3A_794], %gather3A_792 : memref<8192xf32, #tpu.memory_space<vmem>>[vector<16xi32>], vector<16xf32>,
          %gather3A_795 = tpu.vector_load_idx %arg6[%add3A_568, %add3A_775] : memref<64x128xf32, #tpu.memory_space<vmem>>[vector<16xi32>, vector<16xi32>], vector<16xf32>,
          %add3A_796 = vector.broadcast %add3A_779 : i32 to vector<16xi32>
          %add3A_797 = arith.addi %add3A_431, %add3A_796 : vector<16xi32>
          tpu.vector_store_idx %arg8[%add3A_797], %gather3A_795 : memref<8192xf32, #tpu.memory_space<vmem>>[vector<16xi32>], vector<16xf32>,
          %gather3A_798 = tpu.vector_load_idx %arg6[%add3A_572, %add3A_775] : memref<64x128xf32, #tpu.memory_space<vmem>>[vector<16xi32>, vector<16xi32>], vector<16xf32>,
          %add3A_799 = vector.broadcast %add3A_779 : i32 to vector<16xi32>
          %add3A_800 = arith.addi %add3A_435, %add3A_799 : vector<16xi32>
          tpu.vector_store_idx %arg8[%add3A_800], %gather3A_798 : memref<8192xf32, #tpu.memory_space<vmem>>[vector<16xi32>], vector<16xf32>,
          %gather3A_801 = tpu.vector_load_idx %arg6[%add3A_576, %add3A_775] : memref<64x128xf32, #tpu.memory_space<vmem>>[vector<16xi32>, vector<16xi32>], vector<16xf32>,
          %add3A_802 = vector.broadcast %add3A_779 : i32 to vector<16xi32>
          %add3A_803 = arith.addi %add3A_439, %add3A_802 : vector<16xi32>
          tpu.vector_store_idx %arg8[%add3A_803], %gather3A_801 : memref<8192xf32, #tpu.memory_space<vmem>>[vector<16xi32>], vector<16xf32>,
          %gather3A_804 = tpu.vector_load_idx %arg6[%add3A_580, %add3A_775] : memref<64x128xf32, #tpu.memory_space<vmem>>[vector<16xi32>, vector<16xi32>], vector<16xf32>,
          %add3A_805 = vector.broadcast %add3A_779 : i32 to vector<16xi32>
          %add3A_806 = arith.addi %add3A_443, %add3A_805 : vector<16xi32>
          tpu.vector_store_idx %arg8[%add3A_806], %gather3A_804 : memref<8192xf32, #tpu.memory_space<vmem>>[vector<16xi32>], vector<16xf32>,
          %gather3A_807 = tpu.vector_load_idx %arg6[%add3A_584, %add3A_775] : memref<64x128xf32, #tpu.memory_space<vmem>>[vector<16xi32>, vector<16xi32>], vector<16xf32>,
          %add3A_808 = vector.broadcast %add3A_779 : i32 to vector<16xi32>
          %add3A_809 = arith.addi %add3A_447, %add3A_808 : vector<16xi32>
          tpu.vector_store_idx %arg8[%add3A_809], %gather3A_807 : memref<8192xf32, #tpu.memory_space<vmem>>[vector<16xi32>], vector<16xf32>,
          %gather3A_810 = tpu.vector_load_idx %arg6[%add3A_588, %add3A_775] : memref<64x128xf32, #tpu.memory_space<vmem>>[vector<16xi32>, vector<16xi32>], vector<16xf32>,
          %add3A_811 = vector.broadcast %add3A_779 : i32 to vector<16xi32>
          %add3A_812 = arith.addi %add3A_451, %add3A_811 : vector<16xi32>
          tpu.vector_store_idx %arg8[%add3A_812], %gather3A_810 : memref<8192xf32, #tpu.memory_space<vmem>>[vector<16xi32>], vector<16xf32>,
          %gather3A_813 = tpu.vector_load_idx %arg6[%add3A_592, %add3A_775] : memref<64x128xf32, #tpu.memory_space<vmem>>[vector<16xi32>, vector<16xi32>], vector<16xf32>,
          %add3A_814 = vector.broadcast %add3A_779 : i32 to vector<16xi32>
          %add3A_815 = arith.addi %add3A_455, %add3A_814 : vector<16xi32>
          tpu.vector_store_idx %arg8[%add3A_815], %gather3A_813 : memref<8192xf32, #tpu.memory_space<vmem>>[vector<16xi32>], vector<16xf32>,
          %gather3A_816 = tpu.vector_load_idx %arg6[%add3A_596, %add3A_775] : memref<64x128xf32, #tpu.memory_space<vmem>>[vector<16xi32>, vector<16xi32>], vector<16xf32>,
          %add3A_817 = vector.broadcast %add3A_779 : i32 to vector<16xi32>
          %add3A_818 = arith.addi %add3A_459, %add3A_817 : vector<16xi32>
          tpu.vector_store_idx %arg8[%add3A_818], %gather3A_816 : memref<8192xf32, #tpu.memory_space<vmem>>[vector<16xi32>], vector<16xf32>,
          %gather3A_819 = tpu.vector_load_idx %arg6[%add3A_600, %add3A_775] : memref<64x128xf32, #tpu.memory_space<vmem>>[vector<16xi32>, vector<16xi32>], vector<16xf32>,
          %add3A_820 = vector.broadcast %add3A_779 : i32 to vector<16xi32>
          %add3A_821 = arith.addi %add3A_463, %add3A_820 : vector<16xi32>
          tpu.vector_store_idx %arg8[%add3A_821], %gather3A_819 : memref<8192xf32, #tpu.memory_space<vmem>>[vector<16xi32>], vector<16xf32>,
          %gather3A_822 = tpu.vector_load_idx %arg6[%add3A_604, %add3A_775] : memref<64x128xf32, #tpu.memory_space<vmem>>[vector<16xi32>, vector<16xi32>], vector<16xf32>,
          %add3A_823 = vector.broadcast %add3A_779 : i32 to vector<16xi32>
          %add3A_824 = arith.addi %add3A_467, %add3A_823 : vector<16xi32>
          tpu.vector_store_idx %arg8[%add3A_824], %gather3A_822 : memref<8192xf32, #tpu.memory_space<vmem>>[vector<16xi32>], vector<16xf32>,
          %gather3A_825 = tpu.vector_load_idx %arg6[%add3A_608, %add3A_775] : memref<64x128xf32, #tpu.memory_space<vmem>>[vector<16xi32>, vector<16xi32>], vector<16xf32>,
          %add3A_826 = vector.broadcast %add3A_779 : i32 to vector<16xi32>
          %add3A_827 = arith.addi %add3A_471, %add3A_826 : vector<16xi32>
          tpu.vector_store_idx %arg8[%add3A_827], %gather3A_825 : memref<8192xf32, #tpu.memory_space<vmem>>[vector<16xi32>], vector<16xf32>,
          %add3A_828 = arith.constant 64 : i32
          %add3A_829 = vector.broadcast %add3A_828 : i32 to vector<16xi32>
          %add3A_830 = arith.addi %iota3A, %add3A_829 : vector<16xi32>
          %mul3A_831 = arith.constant 16 : i32
          %mul3A_832 = arith.muli %scan3A_544, %mul3A_831 : i32
          %add3A_833 = arith.constant 4096 : i32
          %add3A_834 = arith.addi %add3A_833, %mul3A_832 : i32
          %gather3A_835 = tpu.vector_load_idx %arg6[%add3A_548, %add3A_830] : memref<64x128xf32, #tpu.memory_space<vmem>>[vector<16xi32>, vector<16xi32>], vector<16xf32>,
          %add3A_836 = vector.broadcast %add3A_834 : i32 to vector<16xi32>
          %add3A_837 = arith.addi %add3A_411, %add3A_836 : vector<16xi32>
          tpu.vector_store_idx %arg8[%add3A_837], %gather3A_835 : memref<8192xf32, #tpu.memory_space<vmem>>[vector<16xi32>], vector<16xf32>,
          %gather3A_838 = tpu.vector_load_idx %arg6[%add3A_552, %add3A_830] : memref<64x128xf32, #tpu.memory_space<vmem>>[vector<16xi32>, vector<16xi32>], vector<16xf32>,
          %add3A_839 = vector.broadcast %add3A_834 : i32 to vector<16xi32>
          %add3A_840 = arith.addi %add3A_415, %add3A_839 : vector<16xi32>
          tpu.vector_store_idx %arg8[%add3A_840], %gather3A_838 : memref<8192xf32, #tpu.memory_space<vmem>>[vector<16xi32>], vector<16xf32>,
          %gather3A_841 = tpu.vector_load_idx %arg6[%add3A_556, %add3A_830] : memref<64x128xf32, #tpu.memory_space<vmem>>[vector<16xi32>, vector<16xi32>], vector<16xf32>,
          %add3A_842 = vector.broadcast %add3A_834 : i32 to vector<16xi32>
          %add3A_843 = arith.addi %add3A_419, %add3A_842 : vector<16xi32>
          tpu.vector_store_idx %arg8[%add3A_843], %gather3A_841 : memref<8192xf32, #tpu.memory_space<vmem>>[vector<16xi32>], vector<16xf32>,
          %gather3A_844 = tpu.vector_load_idx %arg6[%add3A_560, %add3A_830] : memref<64x128xf32, #tpu.memory_space<vmem>>[vector<16xi32>, vector<16xi32>], vector<16xf32>,
          %add3A_845 = vector.broadcast %add3A_834 : i32 to vector<16xi32>
          %add3A_846 = arith.addi %add3A_423, %add3A_845 : vector<16xi32>
          tpu.vector_store_idx %arg8[%add3A_846], %gather3A_844 : memref<8192xf32, #tpu.memory_space<vmem>>[vector<16xi32>], vector<16xf32>,
          %gather3A_847 = tpu.vector_load_idx %arg6[%add3A_564, %add3A_830] : memref<64x128xf32, #tpu.memory_space<vmem>>[vector<16xi32>, vector<16xi32>], vector<16xf32>,
          %add3A_848 = vector.broadcast %add3A_834 : i32 to vector<16xi32>
          %add3A_849 = arith.addi %add3A_427, %add3A_848 : vector<16xi32>
          tpu.vector_store_idx %arg8[%add3A_849], %gather3A_847 : memref<8192xf32, #tpu.memory_space<vmem>>[vector<16xi32>], vector<16xf32>,
          %gather3A_850 = tpu.vector_load_idx %arg6[%add3A_568, %add3A_830] : memref<64x128xf32, #tpu.memory_space<vmem>>[vector<16xi32>, vector<16xi32>], vector<16xf32>,
          %add3A_851 = vector.broadcast %add3A_834 : i32 to vector<16xi32>
          %add3A_852 = arith.addi %add3A_431, %add3A_851 : vector<16xi32>
          tpu.vector_store_idx %arg8[%add3A_852], %gather3A_850 : memref<8192xf32, #tpu.memory_space<vmem>>[vector<16xi32>], vector<16xf32>,
          %gather3A_853 = tpu.vector_load_idx %arg6[%add3A_572, %add3A_830] : memref<64x128xf32, #tpu.memory_space<vmem>>[vector<16xi32>, vector<16xi32>], vector<16xf32>,
          %add3A_854 = vector.broadcast %add3A_834 : i32 to vector<16xi32>
          %add3A_855 = arith.addi %add3A_435, %add3A_854 : vector<16xi32>
          tpu.vector_store_idx %arg8[%add3A_855], %gather3A_853 : memref<8192xf32, #tpu.memory_space<vmem>>[vector<16xi32>], vector<16xf32>,
          %gather3A_856 = tpu.vector_load_idx %arg6[%add3A_576, %add3A_830] : memref<64x128xf32, #tpu.memory_space<vmem>>[vector<16xi32>, vector<16xi32>], vector<16xf32>,
          %add3A_857 = vector.broadcast %add3A_834 : i32 to vector<16xi32>
          %add3A_858 = arith.addi %add3A_439, %add3A_857 : vector<16xi32>
          tpu.vector_store_idx %arg8[%add3A_858], %gather3A_856 : memref<8192xf32, #tpu.memory_space<vmem>>[vector<16xi32>], vector<16xf32>,
          %gather3A_859 = tpu.vector_load_idx %arg6[%add3A_580, %add3A_830] : memref<64x128xf32, #tpu.memory_space<vmem>>[vector<16xi32>, vector<16xi32>], vector<16xf32>,
          %add3A_860 = vector.broadcast %add3A_834 : i32 to vector<16xi32>
          %add3A_861 = arith.addi %add3A_443, %add3A_860 : vector<16xi32>
          tpu.vector_store_idx %arg8[%add3A_861], %gather3A_859 : memref<8192xf32, #tpu.memory_space<vmem>>[vector<16xi32>], vector<16xf32>,
          %gather3A_862 = tpu.vector_load_idx %arg6[%add3A_584, %add3A_830] : memref<64x128xf32, #tpu.memory_space<vmem>>[vector<16xi32>, vector<16xi32>], vector<16xf32>,
          %add3A_863 = vector.broadcast %add3A_834 : i32 to vector<16xi32>
          %add3A_864 = arith.addi %add3A_447, %add3A_863 : vector<16xi32>
          tpu.vector_store_idx %arg8[%add3A_864], %gather3A_862 : memref<8192xf32, #tpu.memory_space<vmem>>[vector<16xi32>], vector<16xf32>,
          %gather3A_865 = tpu.vector_load_idx %arg6[%add3A_588, %add3A_830] : memref<64x128xf32, #tpu.memory_space<vmem>>[vector<16xi32>, vector<16xi32>], vector<16xf32>,
          %add3A_866 = vector.broadcast %add3A_834 : i32 to vector<16xi32>
          %add3A_867 = arith.addi %add3A_451, %add3A_866 : vector<16xi32>
          tpu.vector_store_idx %arg8[%add3A_867], %gather3A_865 : memref<8192xf32, #tpu.memory_space<vmem>>[vector<16xi32>], vector<16xf32>,
          %gather3A_868 = tpu.vector_load_idx %arg6[%add3A_592, %add3A_830] : memref<64x128xf32, #tpu.memory_space<vmem>>[vector<16xi32>, vector<16xi32>], vector<16xf32>,
          %add3A_869 = vector.broadcast %add3A_834 : i32 to vector<16xi32>
          %add3A_870 = arith.addi %add3A_455, %add3A_869 : vector<16xi32>
          tpu.vector_store_idx %arg8[%add3A_870], %gather3A_868 : memref<8192xf32, #tpu.memory_space<vmem>>[vector<16xi32>], vector<16xf32>,
          %gather3A_871 = tpu.vector_load_idx %arg6[%add3A_596, %add3A_830] : memref<64x128xf32, #tpu.memory_space<vmem>>[vector<16xi32>, vector<16xi32>], vector<16xf32>,
          %add3A_872 = vector.broadcast %add3A_834 : i32 to vector<16xi32>
          %add3A_873 = arith.addi %add3A_459, %add3A_872 : vector<16xi32>
          tpu.vector_store_idx %arg8[%add3A_873], %gather3A_871 : memref<8192xf32, #tpu.memory_space<vmem>>[vector<16xi32>], vector<16xf32>,
          %gather3A_874 = tpu.vector_load_idx %arg6[%add3A_600, %add3A_830] : memref<64x128xf32, #tpu.memory_space<vmem>>[vector<16xi32>, vector<16xi32>], vector<16xf32>,
          %add3A_875 = vector.broadcast %add3A_834 : i32 to vector<16xi32>
          %add3A_876 = arith.addi %add3A_463, %add3A_875 : vector<16xi32>
          tpu.vector_store_idx %arg8[%add3A_876], %gather3A_874 : memref<8192xf32, #tpu.memory_space<vmem>>[vector<16xi32>], vector<16xf32>,
          %gather3A_877 = tpu.vector_load_idx %arg6[%add3A_604, %add3A_830] : memref<64x128xf32, #tpu.memory_space<vmem>>[vector<16xi32>, vector<16xi32>], vector<16xf32>,
          %add3A_878 = vector.broadcast %add3A_834 : i32 to vector<16xi32>
          %add3A_879 = arith.addi %add3A_467, %add3A_878 : vector<16xi32>
          tpu.vector_store_idx %arg8[%add3A_879], %gather3A_877 : memref<8192xf32, #tpu.memory_space<vmem>>[vector<16xi32>], vector<16xf32>,
          %gather3A_880 = tpu.vector_load_idx %arg6[%add3A_608, %add3A_830] : memref<64x128xf32, #tpu.memory_space<vmem>>[vector<16xi32>, vector<16xi32>], vector<16xf32>,
          %add3A_881 = vector.broadcast %add3A_834 : i32 to vector<16xi32>
          %add3A_882 = arith.addi %add3A_471, %add3A_881 : vector<16xi32>
          tpu.vector_store_idx %arg8[%add3A_882], %gather3A_880 : memref<8192xf32, #tpu.memory_space<vmem>>[vector<16xi32>], vector<16xf32>,
          %add3A_883 = arith.constant 80 : i32
          %add3A_884 = vector.broadcast %add3A_883 : i32 to vector<16xi32>
          %add3A_885 = arith.addi %iota3A, %add3A_884 : vector<16xi32>
          %mul3A_886 = arith.constant 16 : i32
          %mul3A_887 = arith.muli %scan3A_544, %mul3A_886 : i32
          %add3A_888 = arith.constant 5120 : i32
          %add3A_889 = arith.addi %add3A_888, %mul3A_887 : i32
          %gather3A_890 = tpu.vector_load_idx %arg6[%add3A_548, %add3A_885] : memref<64x128xf32, #tpu.memory_space<vmem>>[vector<16xi32>, vector<16xi32>], vector<16xf32>,
          %add3A_891 = vector.broadcast %add3A_889 : i32 to vector<16xi32>
          %add3A_892 = arith.addi %add3A_411, %add3A_891 : vector<16xi32>
          tpu.vector_store_idx %arg8[%add3A_892], %gather3A_890 : memref<8192xf32, #tpu.memory_space<vmem>>[vector<16xi32>], vector<16xf32>,
          %gather3A_893 = tpu.vector_load_idx %arg6[%add3A_552, %add3A_885] : memref<64x128xf32, #tpu.memory_space<vmem>>[vector<16xi32>, vector<16xi32>], vector<16xf32>,
          %add3A_894 = vector.broadcast %add3A_889 : i32 to vector<16xi32>
          %add3A_895 = arith.addi %add3A_415, %add3A_894 : vector<16xi32>
          tpu.vector_store_idx %arg8[%add3A_895], %gather3A_893 : memref<8192xf32, #tpu.memory_space<vmem>>[vector<16xi32>], vector<16xf32>,
          %gather3A_896 = tpu.vector_load_idx %arg6[%add3A_556, %add3A_885] : memref<64x128xf32, #tpu.memory_space<vmem>>[vector<16xi32>, vector<16xi32>], vector<16xf32>,
          %add3A_897 = vector.broadcast %add3A_889 : i32 to vector<16xi32>
          %add3A_898 = arith.addi %add3A_419, %add3A_897 : vector<16xi32>
          tpu.vector_store_idx %arg8[%add3A_898], %gather3A_896 : memref<8192xf32, #tpu.memory_space<vmem>>[vector<16xi32>], vector<16xf32>,
          %gather3A_899 = tpu.vector_load_idx %arg6[%add3A_560, %add3A_885] : memref<64x128xf32, #tpu.memory_space<vmem>>[vector<16xi32>, vector<16xi32>], vector<16xf32>,
          %add3A_900 = vector.broadcast %add3A_889 : i32 to vector<16xi32>
          %add3A_901 = arith.addi %add3A_423, %add3A_900 : vector<16xi32>
          tpu.vector_store_idx %arg8[%add3A_901], %gather3A_899 : memref<8192xf32, #tpu.memory_space<vmem>>[vector<16xi32>], vector<16xf32>,
          %gather3A_902 = tpu.vector_load_idx %arg6[%add3A_564, %add3A_885] : memref<64x128xf32, #tpu.memory_space<vmem>>[vector<16xi32>, vector<16xi32>], vector<16xf32>,
          %add3A_903 = vector.broadcast %add3A_889 : i32 to vector<16xi32>
          %add3A_904 = arith.addi %add3A_427, %add3A_903 : vector<16xi32>
          tpu.vector_store_idx %arg8[%add3A_904], %gather3A_902 : memref<8192xf32, #tpu.memory_space<vmem>>[vector<16xi32>], vector<16xf32>,
          %gather3A_905 = tpu.vector_load_idx %arg6[%add3A_568, %add3A_885] : memref<64x128xf32, #tpu.memory_space<vmem>>[vector<16xi32>, vector<16xi32>], vector<16xf32>,
          %add3A_906 = vector.broadcast %add3A_889 : i32 to vector<16xi32>
          %add3A_907 = arith.addi %add3A_431, %add3A_906 : vector<16xi32>
          tpu.vector_store_idx %arg8[%add3A_907], %gather3A_905 : memref<8192xf32, #tpu.memory_space<vmem>>[vector<16xi32>], vector<16xf32>,
          %gather3A_908 = tpu.vector_load_idx %arg6[%add3A_572, %add3A_885] : memref<64x128xf32, #tpu.memory_space<vmem>>[vector<16xi32>, vector<16xi32>], vector<16xf32>,
          %add3A_909 = vector.broadcast %add3A_889 : i32 to vector<16xi32>
          %add3A_910 = arith.addi %add3A_435, %add3A_909 : vector<16xi32>
          tpu.vector_store_idx %arg8[%add3A_910], %gather3A_908 : memref<8192xf32, #tpu.memory_space<vmem>>[vector<16xi32>], vector<16xf32>,
          %gather3A_911 = tpu.vector_load_idx %arg6[%add3A_576, %add3A_885] : memref<64x128xf32, #tpu.memory_space<vmem>>[vector<16xi32>, vector<16xi32>], vector<16xf32>,
          %add3A_912 = vector.broadcast %add3A_889 : i32 to vector<16xi32>
          %add3A_913 = arith.addi %add3A_439, %add3A_912 : vector<16xi32>
          tpu.vector_store_idx %arg8[%add3A_913], %gather3A_911 : memref<8192xf32, #tpu.memory_space<vmem>>[vector<16xi32>], vector<16xf32>,
          %gather3A_914 = tpu.vector_load_idx %arg6[%add3A_580, %add3A_885] : memref<64x128xf32, #tpu.memory_space<vmem>>[vector<16xi32>, vector<16xi32>], vector<16xf32>,
          %add3A_915 = vector.broadcast %add3A_889 : i32 to vector<16xi32>
          %add3A_916 = arith.addi %add3A_443, %add3A_915 : vector<16xi32>
          tpu.vector_store_idx %arg8[%add3A_916], %gather3A_914 : memref<8192xf32, #tpu.memory_space<vmem>>[vector<16xi32>], vector<16xf32>,
          %gather3A_917 = tpu.vector_load_idx %arg6[%add3A_584, %add3A_885] : memref<64x128xf32, #tpu.memory_space<vmem>>[vector<16xi32>, vector<16xi32>], vector<16xf32>,
          %add3A_918 = vector.broadcast %add3A_889 : i32 to vector<16xi32>
          %add3A_919 = arith.addi %add3A_447, %add3A_918 : vector<16xi32>
          tpu.vector_store_idx %arg8[%add3A_919], %gather3A_917 : memref<8192xf32, #tpu.memory_space<vmem>>[vector<16xi32>], vector<16xf32>,
          %gather3A_920 = tpu.vector_load_idx %arg6[%add3A_588, %add3A_885] : memref<64x128xf32, #tpu.memory_space<vmem>>[vector<16xi32>, vector<16xi32>], vector<16xf32>,
          %add3A_921 = vector.broadcast %add3A_889 : i32 to vector<16xi32>
          %add3A_922 = arith.addi %add3A_451, %add3A_921 : vector<16xi32>
          tpu.vector_store_idx %arg8[%add3A_922], %gather3A_920 : memref<8192xf32, #tpu.memory_space<vmem>>[vector<16xi32>], vector<16xf32>,
          %gather3A_923 = tpu.vector_load_idx %arg6[%add3A_592, %add3A_885] : memref<64x128xf32, #tpu.memory_space<vmem>>[vector<16xi32>, vector<16xi32>], vector<16xf32>,
          %add3A_924 = vector.broadcast %add3A_889 : i32 to vector<16xi32>
          %add3A_925 = arith.addi %add3A_455, %add3A_924 : vector<16xi32>
          tpu.vector_store_idx %arg8[%add3A_925], %gather3A_923 : memref<8192xf32, #tpu.memory_space<vmem>>[vector<16xi32>], vector<16xf32>,
          %gather3A_926 = tpu.vector_load_idx %arg6[%add3A_596, %add3A_885] : memref<64x128xf32, #tpu.memory_space<vmem>>[vector<16xi32>, vector<16xi32>], vector<16xf32>,
          %add3A_927 = vector.broadcast %add3A_889 : i32 to vector<16xi32>
          %add3A_928 = arith.addi %add3A_459, %add3A_927 : vector<16xi32>
          tpu.vector_store_idx %arg8[%add3A_928], %gather3A_926 : memref<8192xf32, #tpu.memory_space<vmem>>[vector<16xi32>], vector<16xf32>,
          %gather3A_929 = tpu.vector_load_idx %arg6[%add3A_600, %add3A_885] : memref<64x128xf32, #tpu.memory_space<vmem>>[vector<16xi32>, vector<16xi32>], vector<16xf32>,
          %add3A_930 = vector.broadcast %add3A_889 : i32 to vector<16xi32>
          %add3A_931 = arith.addi %add3A_463, %add3A_930 : vector<16xi32>
          tpu.vector_store_idx %arg8[%add3A_931], %gather3A_929 : memref<8192xf32, #tpu.memory_space<vmem>>[vector<16xi32>], vector<16xf32>,
          %gather3A_932 = tpu.vector_load_idx %arg6[%add3A_604, %add3A_885] : memref<64x128xf32, #tpu.memory_space<vmem>>[vector<16xi32>, vector<16xi32>], vector<16xf32>,
          %add3A_933 = vector.broadcast %add3A_889 : i32 to vector<16xi32>
          %add3A_934 = arith.addi %add3A_467, %add3A_933 : vector<16xi32>
          tpu.vector_store_idx %arg8[%add3A_934], %gather3A_932 : memref<8192xf32, #tpu.memory_space<vmem>>[vector<16xi32>], vector<16xf32>,
          %gather3A_935 = tpu.vector_load_idx %arg6[%add3A_608, %add3A_885] : memref<64x128xf32, #tpu.memory_space<vmem>>[vector<16xi32>, vector<16xi32>], vector<16xf32>,
          %add3A_936 = vector.broadcast %add3A_889 : i32 to vector<16xi32>
          %add3A_937 = arith.addi %add3A_471, %add3A_936 : vector<16xi32>
          tpu.vector_store_idx %arg8[%add3A_937], %gather3A_935 : memref<8192xf32, #tpu.memory_space<vmem>>[vector<16xi32>], vector<16xf32>,
          %add3A_938 = arith.constant 96 : i32
          %add3A_939 = vector.broadcast %add3A_938 : i32 to vector<16xi32>
          %add3A_940 = arith.addi %iota3A, %add3A_939 : vector<16xi32>
          %mul3A_941 = arith.constant 16 : i32
          %mul3A_942 = arith.muli %scan3A_544, %mul3A_941 : i32
          %add3A_943 = arith.constant 6144 : i32
          %add3A_944 = arith.addi %add3A_943, %mul3A_942 : i32
          %gather3A_945 = tpu.vector_load_idx %arg6[%add3A_548, %add3A_940] : memref<64x128xf32, #tpu.memory_space<vmem>>[vector<16xi32>, vector<16xi32>], vector<16xf32>,
          %add3A_946 = vector.broadcast %add3A_944 : i32 to vector<16xi32>
          %add3A_947 = arith.addi %add3A_411, %add3A_946 : vector<16xi32>
          tpu.vector_store_idx %arg8[%add3A_947], %gather3A_945 : memref<8192xf32, #tpu.memory_space<vmem>>[vector<16xi32>], vector<16xf32>,
          %gather3A_948 = tpu.vector_load_idx %arg6[%add3A_552, %add3A_940] : memref<64x128xf32, #tpu.memory_space<vmem>>[vector<16xi32>, vector<16xi32>], vector<16xf32>,
          %add3A_949 = vector.broadcast %add3A_944 : i32 to vector<16xi32>
          %add3A_950 = arith.addi %add3A_415, %add3A_949 : vector<16xi32>
          tpu.vector_store_idx %arg8[%add3A_950], %gather3A_948 : memref<8192xf32, #tpu.memory_space<vmem>>[vector<16xi32>], vector<16xf32>,
          %gather3A_951 = tpu.vector_load_idx %arg6[%add3A_556, %add3A_940] : memref<64x128xf32, #tpu.memory_space<vmem>>[vector<16xi32>, vector<16xi32>], vector<16xf32>,
          %add3A_952 = vector.broadcast %add3A_944 : i32 to vector<16xi32>
          %add3A_953 = arith.addi %add3A_419, %add3A_952 : vector<16xi32>
          tpu.vector_store_idx %arg8[%add3A_953], %gather3A_951 : memref<8192xf32, #tpu.memory_space<vmem>>[vector<16xi32>], vector<16xf32>,
          %gather3A_954 = tpu.vector_load_idx %arg6[%add3A_560, %add3A_940] : memref<64x128xf32, #tpu.memory_space<vmem>>[vector<16xi32>, vector<16xi32>], vector<16xf32>,
          %add3A_955 = vector.broadcast %add3A_944 : i32 to vector<16xi32>
          %add3A_956 = arith.addi %add3A_423, %add3A_955 : vector<16xi32>
          tpu.vector_store_idx %arg8[%add3A_956], %gather3A_954 : memref<8192xf32, #tpu.memory_space<vmem>>[vector<16xi32>], vector<16xf32>,
          %gather3A_957 = tpu.vector_load_idx %arg6[%add3A_564, %add3A_940] : memref<64x128xf32, #tpu.memory_space<vmem>>[vector<16xi32>, vector<16xi32>], vector<16xf32>,
          %add3A_958 = vector.broadcast %add3A_944 : i32 to vector<16xi32>
          %add3A_959 = arith.addi %add3A_427, %add3A_958 : vector<16xi32>
          tpu.vector_store_idx %arg8[%add3A_959], %gather3A_957 : memref<8192xf32, #tpu.memory_space<vmem>>[vector<16xi32>], vector<16xf32>,
          %gather3A_960 = tpu.vector_load_idx %arg6[%add3A_568, %add3A_940] : memref<64x128xf32, #tpu.memory_space<vmem>>[vector<16xi32>, vector<16xi32>], vector<16xf32>,
          %add3A_961 = vector.broadcast %add3A_944 : i32 to vector<16xi32>
          %add3A_962 = arith.addi %add3A_431, %add3A_961 : vector<16xi32>
          tpu.vector_store_idx %arg8[%add3A_962], %gather3A_960 : memref<8192xf32, #tpu.memory_space<vmem>>[vector<16xi32>], vector<16xf32>,
          %gather3A_963 = tpu.vector_load_idx %arg6[%add3A_572, %add3A_940] : memref<64x128xf32, #tpu.memory_space<vmem>>[vector<16xi32>, vector<16xi32>], vector<16xf32>,
          %add3A_964 = vector.broadcast %add3A_944 : i32 to vector<16xi32>
          %add3A_965 = arith.addi %add3A_435, %add3A_964 : vector<16xi32>
          tpu.vector_store_idx %arg8[%add3A_965], %gather3A_963 : memref<8192xf32, #tpu.memory_space<vmem>>[vector<16xi32>], vector<16xf32>,
          %gather3A_966 = tpu.vector_load_idx %arg6[%add3A_576, %add3A_940] : memref<64x128xf32, #tpu.memory_space<vmem>>[vector<16xi32>, vector<16xi32>], vector<16xf32>,
          %add3A_967 = vector.broadcast %add3A_944 : i32 to vector<16xi32>
          %add3A_968 = arith.addi %add3A_439, %add3A_967 : vector<16xi32>
          tpu.vector_store_idx %arg8[%add3A_968], %gather3A_966 : memref<8192xf32, #tpu.memory_space<vmem>>[vector<16xi32>], vector<16xf32>,
          %gather3A_969 = tpu.vector_load_idx %arg6[%add3A_580, %add3A_940] : memref<64x128xf32, #tpu.memory_space<vmem>>[vector<16xi32>, vector<16xi32>], vector<16xf32>,
          %add3A_970 = vector.broadcast %add3A_944 : i32 to vector<16xi32>
          %add3A_971 = arith.addi %add3A_443, %add3A_970 : vector<16xi32>
          tpu.vector_store_idx %arg8[%add3A_971], %gather3A_969 : memref<8192xf32, #tpu.memory_space<vmem>>[vector<16xi32>], vector<16xf32>,
          %gather3A_972 = tpu.vector_load_idx %arg6[%add3A_584, %add3A_940] : memref<64x128xf32, #tpu.memory_space<vmem>>[vector<16xi32>, vector<16xi32>], vector<16xf32>,
          %add3A_973 = vector.broadcast %add3A_944 : i32 to vector<16xi32>
          %add3A_974 = arith.addi %add3A_447, %add3A_973 : vector<16xi32>
          tpu.vector_store_idx %arg8[%add3A_974], %gather3A_972 : memref<8192xf32, #tpu.memory_space<vmem>>[vector<16xi32>], vector<16xf32>,
          %gather3A_975 = tpu.vector_load_idx %arg6[%add3A_588, %add3A_940] : memref<64x128xf32, #tpu.memory_space<vmem>>[vector<16xi32>, vector<16xi32>], vector<16xf32>,
          %add3A_976 = vector.broadcast %add3A_944 : i32 to vector<16xi32>
          %add3A_977 = arith.addi %add3A_451, %add3A_976 : vector<16xi32>
          tpu.vector_store_idx %arg8[%add3A_977], %gather3A_975 : memref<8192xf32, #tpu.memory_space<vmem>>[vector<16xi32>], vector<16xf32>,
          %gather3A_978 = tpu.vector_load_idx %arg6[%add3A_592, %add3A_940] : memref<64x128xf32, #tpu.memory_space<vmem>>[vector<16xi32>, vector<16xi32>], vector<16xf32>,
          %add3A_979 = vector.broadcast %add3A_944 : i32 to vector<16xi32>
          %add3A_980 = arith.addi %add3A_455, %add3A_979 : vector<16xi32>
          tpu.vector_store_idx %arg8[%add3A_980], %gather3A_978 : memref<8192xf32, #tpu.memory_space<vmem>>[vector<16xi32>], vector<16xf32>,
          %gather3A_981 = tpu.vector_load_idx %arg6[%add3A_596, %add3A_940] : memref<64x128xf32, #tpu.memory_space<vmem>>[vector<16xi32>, vector<16xi32>], vector<16xf32>,
          %add3A_982 = vector.broadcast %add3A_944 : i32 to vector<16xi32>
          %add3A_983 = arith.addi %add3A_459, %add3A_982 : vector<16xi32>
          tpu.vector_store_idx %arg8[%add3A_983], %gather3A_981 : memref<8192xf32, #tpu.memory_space<vmem>>[vector<16xi32>], vector<16xf32>,
          %gather3A_984 = tpu.vector_load_idx %arg6[%add3A_600, %add3A_940] : memref<64x128xf32, #tpu.memory_space<vmem>>[vector<16xi32>, vector<16xi32>], vector<16xf32>,
          %add3A_985 = vector.broadcast %add3A_944 : i32 to vector<16xi32>
          %add3A_986 = arith.addi %add3A_463, %add3A_985 : vector<16xi32>
          tpu.vector_store_idx %arg8[%add3A_986], %gather3A_984 : memref<8192xf32, #tpu.memory_space<vmem>>[vector<16xi32>], vector<16xf32>,
          %gather3A_987 = tpu.vector_load_idx %arg6[%add3A_604, %add3A_940] : memref<64x128xf32, #tpu.memory_space<vmem>>[vector<16xi32>, vector<16xi32>], vector<16xf32>,
          %add3A_988 = vector.broadcast %add3A_944 : i32 to vector<16xi32>
          %add3A_989 = arith.addi %add3A_467, %add3A_988 : vector<16xi32>
          tpu.vector_store_idx %arg8[%add3A_989], %gather3A_987 : memref<8192xf32, #tpu.memory_space<vmem>>[vector<16xi32>], vector<16xf32>,
          %gather3A_990 = tpu.vector_load_idx %arg6[%add3A_608, %add3A_940] : memref<64x128xf32, #tpu.memory_space<vmem>>[vector<16xi32>, vector<16xi32>], vector<16xf32>,
          %add3A_991 = vector.broadcast %add3A_944 : i32 to vector<16xi32>
          %add3A_992 = arith.addi %add3A_471, %add3A_991 : vector<16xi32>
          tpu.vector_store_idx %arg8[%add3A_992], %gather3A_990 : memref<8192xf32, #tpu.memory_space<vmem>>[vector<16xi32>], vector<16xf32>,
          %add3A_993 = arith.constant 112 : i32
          %add3A_994 = vector.broadcast %add3A_993 : i32 to vector<16xi32>
          %add3A_995 = arith.addi %iota3A, %add3A_994 : vector<16xi32>
          %mul3A_996 = arith.constant 16 : i32
          %mul3A_997 = arith.muli %scan3A_544, %mul3A_996 : i32
          %add3A_998 = arith.constant 7168 : i32
          %add3A_999 = arith.addi %add3A_998, %mul3A_997 : i32
          %gather3A_1000 = tpu.vector_load_idx %arg6[%add3A_548, %add3A_995] : memref<64x128xf32, #tpu.memory_space<vmem>>[vector<16xi32>, vector<16xi32>], vector<16xf32>,
          %add3A_1001 = vector.broadcast %add3A_999 : i32 to vector<16xi32>
          %add3A_1002 = arith.addi %add3A_411, %add3A_1001 : vector<16xi32>
          tpu.vector_store_idx %arg8[%add3A_1002], %gather3A_1000 : memref<8192xf32, #tpu.memory_space<vmem>>[vector<16xi32>], vector<16xf32>,
          %gather3A_1003 = tpu.vector_load_idx %arg6[%add3A_552, %add3A_995] : memref<64x128xf32, #tpu.memory_space<vmem>>[vector<16xi32>, vector<16xi32>], vector<16xf32>,
          %add3A_1004 = vector.broadcast %add3A_999 : i32 to vector<16xi32>
          %add3A_1005 = arith.addi %add3A_415, %add3A_1004 : vector<16xi32>
          tpu.vector_store_idx %arg8[%add3A_1005], %gather3A_1003 : memref<8192xf32, #tpu.memory_space<vmem>>[vector<16xi32>], vector<16xf32>,
          %gather3A_1006 = tpu.vector_load_idx %arg6[%add3A_556, %add3A_995] : memref<64x128xf32, #tpu.memory_space<vmem>>[vector<16xi32>, vector<16xi32>], vector<16xf32>,
          %add3A_1007 = vector.broadcast %add3A_999 : i32 to vector<16xi32>
          %add3A_1008 = arith.addi %add3A_419, %add3A_1007 : vector<16xi32>
          tpu.vector_store_idx %arg8[%add3A_1008], %gather3A_1006 : memref<8192xf32, #tpu.memory_space<vmem>>[vector<16xi32>], vector<16xf32>,
          %gather3A_1009 = tpu.vector_load_idx %arg6[%add3A_560, %add3A_995] : memref<64x128xf32, #tpu.memory_space<vmem>>[vector<16xi32>, vector<16xi32>], vector<16xf32>,
          %add3A_1010 = vector.broadcast %add3A_999 : i32 to vector<16xi32>
          %add3A_1011 = arith.addi %add3A_423, %add3A_1010 : vector<16xi32>
          tpu.vector_store_idx %arg8[%add3A_1011], %gather3A_1009 : memref<8192xf32, #tpu.memory_space<vmem>>[vector<16xi32>], vector<16xf32>,
          %gather3A_1012 = tpu.vector_load_idx %arg6[%add3A_564, %add3A_995] : memref<64x128xf32, #tpu.memory_space<vmem>>[vector<16xi32>, vector<16xi32>], vector<16xf32>,
          %add3A_1013 = vector.broadcast %add3A_999 : i32 to vector<16xi32>
          %add3A_1014 = arith.addi %add3A_427, %add3A_1013 : vector<16xi32>
          tpu.vector_store_idx %arg8[%add3A_1014], %gather3A_1012 : memref<8192xf32, #tpu.memory_space<vmem>>[vector<16xi32>], vector<16xf32>,
          %gather3A_1015 = tpu.vector_load_idx %arg6[%add3A_568, %add3A_995] : memref<64x128xf32, #tpu.memory_space<vmem>>[vector<16xi32>, vector<16xi32>], vector<16xf32>,
          %add3A_1016 = vector.broadcast %add3A_999 : i32 to vector<16xi32>
          %add3A_1017 = arith.addi %add3A_431, %add3A_1016 : vector<16xi32>
          tpu.vector_store_idx %arg8[%add3A_1017], %gather3A_1015 : memref<8192xf32, #tpu.memory_space<vmem>>[vector<16xi32>], vector<16xf32>,
          %gather3A_1018 = tpu.vector_load_idx %arg6[%add3A_572, %add3A_995] : memref<64x128xf32, #tpu.memory_space<vmem>>[vector<16xi32>, vector<16xi32>], vector<16xf32>,
          %add3A_1019 = vector.broadcast %add3A_999 : i32 to vector<16xi32>
          %add3A_1020 = arith.addi %add3A_435, %add3A_1019 : vector<16xi32>
          tpu.vector_store_idx %arg8[%add3A_1020], %gather3A_1018 : memref<8192xf32, #tpu.memory_space<vmem>>[vector<16xi32>], vector<16xf32>,
          %gather3A_1021 = tpu.vector_load_idx %arg6[%add3A_576, %add3A_995] : memref<64x128xf32, #tpu.memory_space<vmem>>[vector<16xi32>, vector<16xi32>], vector<16xf32>,
          %add3A_1022 = vector.broadcast %add3A_999 : i32 to vector<16xi32>
          %add3A_1023 = arith.addi %add3A_439, %add3A_1022 : vector<16xi32>
          tpu.vector_store_idx %arg8[%add3A_1023], %gather3A_1021 : memref<8192xf32, #tpu.memory_space<vmem>>[vector<16xi32>], vector<16xf32>,
          %gather3A_1024 = tpu.vector_load_idx %arg6[%add3A_580, %add3A_995] : memref<64x128xf32, #tpu.memory_space<vmem>>[vector<16xi32>, vector<16xi32>], vector<16xf32>,
          %add3A_1025 = vector.broadcast %add3A_999 : i32 to vector<16xi32>
          %add3A_1026 = arith.addi %add3A_443, %add3A_1025 : vector<16xi32>
          tpu.vector_store_idx %arg8[%add3A_1026], %gather3A_1024 : memref<8192xf32, #tpu.memory_space<vmem>>[vector<16xi32>], vector<16xf32>,
          %gather3A_1027 = tpu.vector_load_idx %arg6[%add3A_584, %add3A_995] : memref<64x128xf32, #tpu.memory_space<vmem>>[vector<16xi32>, vector<16xi32>], vector<16xf32>,
          %add3A_1028 = vector.broadcast %add3A_999 : i32 to vector<16xi32>
          %add3A_1029 = arith.addi %add3A_447, %add3A_1028 : vector<16xi32>
          tpu.vector_store_idx %arg8[%add3A_1029], %gather3A_1027 : memref<8192xf32, #tpu.memory_space<vmem>>[vector<16xi32>], vector<16xf32>,
          %gather3A_1030 = tpu.vector_load_idx %arg6[%add3A_588, %add3A_995] : memref<64x128xf32, #tpu.memory_space<vmem>>[vector<16xi32>, vector<16xi32>], vector<16xf32>,
          %add3A_1031 = vector.broadcast %add3A_999 : i32 to vector<16xi32>
          %add3A_1032 = arith.addi %add3A_451, %add3A_1031 : vector<16xi32>
          tpu.vector_store_idx %arg8[%add3A_1032], %gather3A_1030 : memref<8192xf32, #tpu.memory_space<vmem>>[vector<16xi32>], vector<16xf32>,
          %gather3A_1033 = tpu.vector_load_idx %arg6[%add3A_592, %add3A_995] : memref<64x128xf32, #tpu.memory_space<vmem>>[vector<16xi32>, vector<16xi32>], vector<16xf32>,
          %add3A_1034 = vector.broadcast %add3A_999 : i32 to vector<16xi32>
          %add3A_1035 = arith.addi %add3A_455, %add3A_1034 : vector<16xi32>
          tpu.vector_store_idx %arg8[%add3A_1035], %gather3A_1033 : memref<8192xf32, #tpu.memory_space<vmem>>[vector<16xi32>], vector<16xf32>,
          %gather3A_1036 = tpu.vector_load_idx %arg6[%add3A_596, %add3A_995] : memref<64x128xf32, #tpu.memory_space<vmem>>[vector<16xi32>, vector<16xi32>], vector<16xf32>,
          %add3A_1037 = vector.broadcast %add3A_999 : i32 to vector<16xi32>
          %add3A_1038 = arith.addi %add3A_459, %add3A_1037 : vector<16xi32>
          tpu.vector_store_idx %arg8[%add3A_1038], %gather3A_1036 : memref<8192xf32, #tpu.memory_space<vmem>>[vector<16xi32>], vector<16xf32>,
          %gather3A_1039 = tpu.vector_load_idx %arg6[%add3A_600, %add3A_995] : memref<64x128xf32, #tpu.memory_space<vmem>>[vector<16xi32>, vector<16xi32>], vector<16xf32>,
          %add3A_1040 = vector.broadcast %add3A_999 : i32 to vector<16xi32>
          %add3A_1041 = arith.addi %add3A_463, %add3A_1040 : vector<16xi32>
          tpu.vector_store_idx %arg8[%add3A_1041], %gather3A_1039 : memref<8192xf32, #tpu.memory_space<vmem>>[vector<16xi32>], vector<16xf32>,
          %gather3A_1042 = tpu.vector_load_idx %arg6[%add3A_604, %add3A_995] : memref<64x128xf32, #tpu.memory_space<vmem>>[vector<16xi32>, vector<16xi32>], vector<16xf32>,
          %add3A_1043 = vector.broadcast %add3A_999 : i32 to vector<16xi32>
          %add3A_1044 = arith.addi %add3A_467, %add3A_1043 : vector<16xi32>
          tpu.vector_store_idx %arg8[%add3A_1044], %gather3A_1042 : memref<8192xf32, #tpu.memory_space<vmem>>[vector<16xi32>], vector<16xf32>,
          %gather3A_1045 = tpu.vector_load_idx %arg6[%add3A_608, %add3A_995] : memref<64x128xf32, #tpu.memory_space<vmem>>[vector<16xi32>, vector<16xi32>], vector<16xf32>,
          %add3A_1046 = vector.broadcast %add3A_999 : i32 to vector<16xi32>
          %add3A_1047 = arith.addi %add3A_471, %add3A_1046 : vector<16xi32>
          tpu.vector_store_idx %arg8[%add3A_1047], %gather3A_1045 : memref<8192xf32, #tpu.memory_space<vmem>>[vector<16xi32>], vector<16xf32>,
        }
        %scan3A_530 = arith.constant 4 : i32
        %add3A_531 = arith.addi %add3A_9, %add3A_510 : i32
        %mul3A_532 = arith.constant 128 : i32
        %mul3A_533 = arith.muli %add3A_531, %mul3A_532 : i32
        %mul3A_534 = arith.constant 64 : i32
        %mul3A_535 = arith.muli %mul3A_533, %mul3A_534 : i32
        %dma_start3A_536 = tpu.memref_slice %arg4[%mul3A_535] : memref<64000512xf32, #tpu.memory_space<hbm>> -> memref<8192xf32, #tpu.memory_space<hbm>>
        %dma_start3A_537 = tpu.memref_slice %arg4[%mul3A_535] : memref<64000512xf32, #tpu.memory_space<hbm>> -> memref<8192xf32, #tpu.memory_space<hbm>>
        tpu.enqueue_dma source(%arg8 : memref<8192xf32, #tpu.memory_space<vmem>>) target(%dma_start3A_537 : memref<8192xf32, #tpu.memory_space<hbm>>) target_semaphore(%arg12 : memref<!tpu.dma_semaphore, #tpu.memory_space<semaphore_mem>>)
        %add3A_538 = arith.constant 2 : i32
        %add3A_539 = arith.addi %add3A_510, %add3A_538 : i32
        %lt3A_540 = arith.cmpi slt, %add3A_539, %add3A_4 : i32
        %convert_element_type3A_541 = arith.extui %lt3A_540 : i1 to i32
        %cond3A_542 = arith.constant 0 : i32
        %cond3A_543 = arith.cmpi ne, %convert_element_type3A_541, %cond3A_542 : i32
        scf.if %cond3A_543 {
          %add3A_544 = arith.constant 2 : i32
          %add3A_545 = arith.addi %add3A_510, %add3A_544 : i32
          %add3A_546 = arith.addi %add3A_9, %add3A_545 : i32
          %mul3A_547 = arith.constant 128 : i32
          %mul3A_548 = arith.muli %add3A_546, %mul3A_547 : i32
          %dma_start3A_549 = arith.constant 0 : i32
          %dma_start3A_550 = tpu.memref_slice %arg2[%dma_start3A_549, %mul3A_548] : memref<64x1000001xf32, #tpu.memory_space<hbm>> -> memref<64x128xf32, #tpu.memory_space<hbm>>
          %dma_start3A_551 = arith.constant 0 : i32
          %dma_start3A_552 = tpu.memref_slice %arg2[%dma_start3A_551, %mul3A_548] : memref<64x1000001xf32, #tpu.memory_space<hbm>> -> memref<64x128xf32, #tpu.memory_space<hbm>>
          tpu.enqueue_dma source(%dma_start3A_552 : memref<64x128xf32, #tpu.memory_space<hbm>>) target(%arg6 : memref<64x128xf32, #tpu.memory_space<vmem>>) target_semaphore(%arg10 : memref<!tpu.dma_semaphore, #tpu.memory_space<semaphore_mem>>)
        } else {
        }
      } else {
      }
    }
    %scan3A_490 = arith.constant 123 : i32
    %dma_wait3A = arith.constant 0 : i32
    %dma_wait3A_491 = tpu.memref_slice %arg4[%dma_wait3A] : memref<64000512xf32, #tpu.memory_space<hbm>> -> memref<8192xf32, #tpu.memory_space<hbm>>
    %dma_wait3A_492 = arith.constant 0 : i32
    %dma_wait3A_493 = tpu.memref_slice %arg4[%dma_wait3A_492] : memref<64000512xf32, #tpu.memory_space<hbm>> -> memref<8192xf32, #tpu.memory_space<hbm>>
    tpu.wait_dma2 semaphore(%arg11 : memref<!tpu.dma_semaphore, #tpu.memory_space<semaphore_mem>>) src(%arg7 : memref<8192xf32, #tpu.memory_space<vmem>>) dst(%dma_wait3A_493 : memref<8192xf32, #tpu.memory_space<hbm>>)
    %dma_wait3A_494 = arith.constant 0 : i32
    %dma_wait3A_495 = tpu.memref_slice %arg4[%dma_wait3A_494] : memref<64000512xf32, #tpu.memory_space<hbm>> -> memref<8192xf32, #tpu.memory_space<hbm>>
    %dma_wait3A_496 = arith.constant 0 : i32
    %dma_wait3A_497 = tpu.memref_slice %arg4[%dma_wait3A_496] : memref<64000512xf32, #tpu.memory_space<hbm>> -> memref<8192xf32, #tpu.memory_space<hbm>>
    tpu.wait_dma2 semaphore(%arg12 : memref<!tpu.dma_semaphore, #tpu.memory_space<semaphore_mem>>) src(%arg8 : memref<8192xf32, #tpu.memory_space<vmem>>) dst(%dma_wait3A_497 : memref<8192xf32, #tpu.memory_space<hbm>>)
    return
  }
}

#map = affine_map<(d0, d1) -> (0)>
#map1 = affine_map<(d0, d1) -> (0, 0)>
module attributes {stable_mosaic.version = 14 : i64} {
  func.func @_gather_body(%arg0: i32, %arg1: i32, %arg2: memref<204800xi32, #tpu.memory_space<hbm>>, %arg3: memref<1000008x64xf32, #tpu.memory_space<hbm>>, %arg4: memref<204800x64xf32, #tpu.memory_space<hbm>>, %arg5: memref<6400xi32, #tpu.memory_space<vmem>>, %arg6: memref<50x128xi32, #tpu.memory_space<vmem>>, %arg7: memref<1280x64xf32, #tpu.memory_space<vmem>>, %arg8: memref<!tpu.dma_semaphore, #tpu.memory_space<semaphore_mem>>) attributes {dimension_semantics = [#tpu.dimension_semantics<core_parallel>, #tpu.dimension_semantics<subcore_parallel>], iteration_bounds = array<i64: 2, 16>, scalar_prefetch = 0 : i64, scratch_operands = 4 : i64, tpu.core_type = #tpu.core_type<sc_vector_subcore>, window_params = [{transform_indices = #map}, {transform_indices = #map1}, {transform_indices = #map1}]} {
    %mul3A = arith.constant 2 : i32
    %mul3A_0 = arith.muli %arg1, %mul3A : i32
    %add3A = arith.addi %mul3A_0, %arg0 : i32
    %mul3A_1 = arith.constant 6400 : i32
    %mul3A_2 = arith.muli %add3A, %mul3A_1 : i32
    "tpu.region"() ({
      %run_scoped3A = tpu.sem_alloc : memref<!tpu.dma_semaphore, #tpu.memory_space<semaphore_mem>>
      %dma_start3A = tpu.memref_slice %arg2[%mul3A_2] : memref<204800xi32, #tpu.memory_space<hbm>> -> memref<6400xi32, #tpu.memory_space<hbm>>
      %dma_start3A_14 = tpu.memref_slice %arg2[%mul3A_2] : memref<204800xi32, #tpu.memory_space<hbm>> -> memref<6400xi32, #tpu.memory_space<hbm>>
      tpu.enqueue_dma source(%dma_start3A_14 : memref<6400xi32, #tpu.memory_space<hbm>>) target(%arg5 : memref<6400xi32, #tpu.memory_space<vmem>>) target_semaphore(%run_scoped3A : memref<!tpu.dma_semaphore, #tpu.memory_space<semaphore_mem>>)
      %dma_wait3A = tpu.memref_slice %arg2[%mul3A_2] : memref<204800xi32, #tpu.memory_space<hbm>> -> memref<6400xi32, #tpu.memory_space<hbm>>
      %dma_wait3A_15 = tpu.memref_slice %arg2[%mul3A_2] : memref<204800xi32, #tpu.memory_space<hbm>> -> memref<6400xi32, #tpu.memory_space<hbm>>
      tpu.wait_dma2 semaphore(%run_scoped3A : memref<!tpu.dma_semaphore, #tpu.memory_space<semaphore_mem>>) src(%dma_wait3A_15 : memref<6400xi32, #tpu.memory_space<hbm>>) dst(%arg5 : memref<6400xi32, #tpu.memory_space<vmem>>)
      tpu.yield
    }) : () -> ()
    %scan3A = arith.constant 0 : i32
    %scan3A_3 = arith.constant 400 : i32
    %scan3A_4 = arith.addi %scan3A, %scan3A_3 : i32
    %scan3A_5 = arith.constant 1 : i32
    scf.for %scan3A_14 = %scan3A to %scan3A_4 step %scan3A_5  : i32 {
      %jit3A = arith.constant 8 : i32
      %div3A = arith.divsi %scan3A_14, %jit3A : i32
      %sign3A = arith.constant 0 : i32
      %sign3A_15 = arith.cmpi sgt, %scan3A_14, %sign3A : i32
      %sign3A_16 = arith.extui %sign3A_15 : i1 to i32
      %sign3A_17 = arith.constant 0 : i32
      %sign3A_18 = arith.cmpi slt, %scan3A_14, %sign3A_17 : i32
      %sign3A_19 = arith.extui %sign3A_18 : i1 to i32
      %sign3A_20 = arith.subi %sign3A_16, %sign3A_19 : i32
      %sign3A_21 = arith.constant 0 : i32
      %sign3A_22 = arith.cmpi sgt, %jit3A, %sign3A_21 : i32
      %sign3A_23 = arith.extui %sign3A_22 : i1 to i32
      %sign3A_24 = arith.constant 0 : i32
      %sign3A_25 = arith.cmpi slt, %jit3A, %sign3A_24 : i32
      %sign3A_26 = arith.extui %sign3A_25 : i1 to i32
      %sign3A_27 = arith.subi %sign3A_23, %sign3A_26 : i32
      %ne3A = arith.cmpi ne, %sign3A_20, %sign3A_27 : i32
      %rem3A = arith.remsi %scan3A_14, %jit3A : i32
      %ne3A_28 = arith.constant 0 : i32
      %ne3A_29 = arith.cmpi ne, %rem3A, %ne3A_28 : i32
      %and3A = arith.andi %ne3A, %ne3A_29 : i1
      %sub3A = arith.constant 1 : i32
      %sub3A_30 = arith.subi %div3A, %sub3A : i32
      %select_n3A = arith.select %and3A, %sub3A_30, %div3A : i32
      %jit3A_31 = arith.constant 8 : i32
      %eq3A = arith.constant 0 : i32
      %eq3A_32 = arith.cmpi eq, %jit3A_31, %eq3A : i32
      %jit3A_33 = arith.constant 1 : i32
      %select_n3A_34 = arith.select %eq3A_32, %jit3A_33, %jit3A_31 : i32
      %rem3A_35 = arith.remsi %scan3A_14, %select_n3A_34 : i32
      %ne3A_36 = arith.constant 0 : i32
      %ne3A_37 = arith.cmpi ne, %rem3A_35, %ne3A_36 : i32
      %lt3A = arith.constant 0 : i32
      %lt3A_38 = arith.cmpi slt, %rem3A_35, %lt3A : i32
      %lt3A_39 = arith.constant 0 : i32
      %lt3A_40 = arith.cmpi slt, %select_n3A_34, %lt3A_39 : i32
      %ne3A_41 = arith.xori %lt3A_38, %lt3A_40 : i1
      %and3A_42 = arith.andi %ne3A_41, %ne3A_37 : i1
      %add3A_43 = arith.addi %rem3A_35, %select_n3A_34 : i32
      %select_n3A_44 = arith.select %and3A_42, %add3A_43, %rem3A_35 : i32
      %mul3A_45 = arith.constant 16 : i32
      %mul3A_46 = arith.muli %select_n3A_44, %mul3A_45 : i32
      %mul3A_47 = arith.constant 16 : i32
      %mul3A_48 = arith.muli %scan3A_14, %mul3A_47 : i32
      %get3A = arith.index_cast %mul3A_48 : i32 to index
      %get3A_49 = tpu.vector_load %arg5[%get3A] {strides = array<i32>} : memref<6400xi32, #tpu.memory_space<vmem>>, vector<16xi32>,
      %lt3A_50 = arith.constant 0 : i32
      %lt3A_51 = vector.broadcast %lt3A_50 : i32 to vector<16xi32>
      %lt3A_52 = arith.cmpi slt, %get3A_49, %lt3A_51 : vector<16xi32>
      %ge3A = arith.constant 1000000 : i32
      %ge3A_53 = vector.broadcast %ge3A : i32 to vector<16xi32>
      %ge3A_54 = arith.cmpi sge, %get3A_49, %ge3A_53 : vector<16xi32>
      %or3A = arith.ori %lt3A_52, %ge3A_54 : vector<16xi1>
      %sub3A_55 = arith.constant 0 : i32
      %sub3A_56 = vector.broadcast %sub3A_55 : i32 to vector<16xi32>
      %sub3A_57 = arith.subi %get3A_49, %sub3A_56 : vector<16xi32>
      %jit3A_58 = arith.constant 1000000 : i32
      %broadcast_in_dim3A = vector.broadcast %jit3A_58 : i32 to vector<16xi32>
      %select_n3A_59 = arith.select %or3A, %broadcast_in_dim3A, %sub3A_57 : vector<16xi1>, vector<16xi32>
      %swap3A = arith.index_cast %select_n3A : i32 to index
      %swap3A_60 = arith.index_cast %mul3A_46 : i32 to index
      %swap3A_61 = tpu.vector_load %arg6[%swap3A, %swap3A_60] {strides = array<i32>} : memref<50x128xi32, #tpu.memory_space<vmem>>, vector<16xi32>,
      tpu.vector_store %arg6[%swap3A, %swap3A_60], %select_n3A_59 {strides = array<i32>} : memref<50x128xi32, #tpu.memory_space<vmem>>, vector<16xi32>,
    }
    %scan3A_6 = arith.constant 400 : i32
    %mul3A_7 = arith.constant 6400 : i32
    %mul3A_8 = arith.muli %add3A, %mul3A_7 : i32
    %scan3A_9 = arith.constant 0 : i32
    %scan3A_10 = arith.constant 5 : i32
    %scan3A_11 = arith.addi %scan3A_9, %scan3A_10 : i32
    %scan3A_12 = arith.constant 1 : i32
    scf.for %scan3A_14 = %scan3A_9 to %scan3A_11 step %scan3A_12  : i32 {
      %mul3A_15 = arith.constant 10 : i32
      %mul3A_16 = arith.muli %scan3A_14, %mul3A_15 : i32
      %add3A_17 = arith.constant 0 : i32
      %add3A_18 = arith.addi %mul3A_16, %add3A_17 : i32
      %dma_start3A = arith.constant 0 : i32
      %dma_start3A_19 = arith.constant 0 : i32
      %dma_start3A_20 = tpu.memref_slice %arg7[%dma_start3A, %dma_start3A_19] : memref<1280x64xf32, #tpu.memory_space<vmem>> -> memref<128x64xf32, #tpu.memory_space<vmem>>
      %dma_start3A_21 = arith.constant 0 : i32
      %dma_start3A_22 = tpu.memref_slice %arg6[%add3A_18, %dma_start3A_21] : memref<50x128xi32, #tpu.memory_space<vmem>> -> memref<1x128xi32, #tpu.memory_space<vmem>>
      %dma_start3A_23 = tpu.memref_squeeze %dma_start3A_22 : memref<1x128xi32, #tpu.memory_space<vmem>> -> memref<128xi32, #tpu.memory_space<vmem>>
      %dma_start3A_24 = arith.constant 0 : i32
      %dma_start3A_25 = arith.constant 0 : i32
      %dma_start3A_26 = tpu.memref_slice %arg3[%dma_start3A_24, %dma_start3A_25] : memref<1000008x64xf32, #tpu.memory_space<hbm>> -> memref<1000008x64xf32, #tpu.memory_space<hbm>>
      tpu.enqueue_indirect_dma source(%dma_start3A_26 : memref<1000008x64xf32, #tpu.memory_space<hbm>>) target(%dma_start3A_20 : memref<128x64xf32, #tpu.memory_space<vmem>>) offsets(%dma_start3A_23 : memref<128xi32, #tpu.memory_space<vmem>>) semaphore(%arg8 : memref<!tpu.dma_semaphore, #tpu.memory_space<semaphore_mem>>)
      %mul3A_27 = arith.constant 10 : i32
      %mul3A_28 = arith.muli %scan3A_14, %mul3A_27 : i32
      %add3A_29 = arith.constant 1 : i32
      %add3A_30 = arith.addi %mul3A_28, %add3A_29 : i32
      %dma_start3A_31 = arith.constant 128 : i32
      %dma_start3A_32 = arith.constant 0 : i32
      %dma_start3A_33 = tpu.memref_slice %arg7[%dma_start3A_31, %dma_start3A_32] : memref<1280x64xf32, #tpu.memory_space<vmem>> -> memref<128x64xf32, #tpu.memory_space<vmem>>
      %dma_start3A_34 = arith.constant 0 : i32
      %dma_start3A_35 = tpu.memref_slice %arg6[%add3A_30, %dma_start3A_34] : memref<50x128xi32, #tpu.memory_space<vmem>> -> memref<1x128xi32, #tpu.memory_space<vmem>>
      %dma_start3A_36 = tpu.memref_squeeze %dma_start3A_35 : memref<1x128xi32, #tpu.memory_space<vmem>> -> memref<128xi32, #tpu.memory_space<vmem>>
      %dma_start3A_37 = arith.constant 0 : i32
      %dma_start3A_38 = arith.constant 0 : i32
      %dma_start3A_39 = tpu.memref_slice %arg3[%dma_start3A_37, %dma_start3A_38] : memref<1000008x64xf32, #tpu.memory_space<hbm>> -> memref<1000008x64xf32, #tpu.memory_space<hbm>>
      tpu.enqueue_indirect_dma source(%dma_start3A_39 : memref<1000008x64xf32, #tpu.memory_space<hbm>>) target(%dma_start3A_33 : memref<128x64xf32, #tpu.memory_space<vmem>>) offsets(%dma_start3A_36 : memref<128xi32, #tpu.memory_space<vmem>>) semaphore(%arg8 : memref<!tpu.dma_semaphore, #tpu.memory_space<semaphore_mem>>)
      %mul3A_40 = arith.constant 10 : i32
      %mul3A_41 = arith.muli %scan3A_14, %mul3A_40 : i32
      %add3A_42 = arith.constant 2 : i32
      %add3A_43 = arith.addi %mul3A_41, %add3A_42 : i32
      %dma_start3A_44 = arith.constant 256 : i32
      %dma_start3A_45 = arith.constant 0 : i32
      %dma_start3A_46 = tpu.memref_slice %arg7[%dma_start3A_44, %dma_start3A_45] : memref<1280x64xf32, #tpu.memory_space<vmem>> -> memref<128x64xf32, #tpu.memory_space<vmem>>
      %dma_start3A_47 = arith.constant 0 : i32
      %dma_start3A_48 = tpu.memref_slice %arg6[%add3A_43, %dma_start3A_47] : memref<50x128xi32, #tpu.memory_space<vmem>> -> memref<1x128xi32, #tpu.memory_space<vmem>>
      %dma_start3A_49 = tpu.memref_squeeze %dma_start3A_48 : memref<1x128xi32, #tpu.memory_space<vmem>> -> memref<128xi32, #tpu.memory_space<vmem>>
      %dma_start3A_50 = arith.constant 0 : i32
      %dma_start3A_51 = arith.constant 0 : i32
      %dma_start3A_52 = tpu.memref_slice %arg3[%dma_start3A_50, %dma_start3A_51] : memref<1000008x64xf32, #tpu.memory_space<hbm>> -> memref<1000008x64xf32, #tpu.memory_space<hbm>>
      tpu.enqueue_indirect_dma source(%dma_start3A_52 : memref<1000008x64xf32, #tpu.memory_space<hbm>>) target(%dma_start3A_46 : memref<128x64xf32, #tpu.memory_space<vmem>>) offsets(%dma_start3A_49 : memref<128xi32, #tpu.memory_space<vmem>>) semaphore(%arg8 : memref<!tpu.dma_semaphore, #tpu.memory_space<semaphore_mem>>)
      %mul3A_53 = arith.constant 10 : i32
      %mul3A_54 = arith.muli %scan3A_14, %mul3A_53 : i32
      %add3A_55 = arith.constant 3 : i32
      %add3A_56 = arith.addi %mul3A_54, %add3A_55 : i32
      %dma_start3A_57 = arith.constant 384 : i32
      %dma_start3A_58 = arith.constant 0 : i32
      %dma_start3A_59 = tpu.memref_slice %arg7[%dma_start3A_57, %dma_start3A_58] : memref<1280x64xf32, #tpu.memory_space<vmem>> -> memref<128x64xf32, #tpu.memory_space<vmem>>
      %dma_start3A_60 = arith.constant 0 : i32
      %dma_start3A_61 = tpu.memref_slice %arg6[%add3A_56, %dma_start3A_60] : memref<50x128xi32, #tpu.memory_space<vmem>> -> memref<1x128xi32, #tpu.memory_space<vmem>>
      %dma_start3A_62 = tpu.memref_squeeze %dma_start3A_61 : memref<1x128xi32, #tpu.memory_space<vmem>> -> memref<128xi32, #tpu.memory_space<vmem>>
      %dma_start3A_63 = arith.constant 0 : i32
      %dma_start3A_64 = arith.constant 0 : i32
      %dma_start3A_65 = tpu.memref_slice %arg3[%dma_start3A_63, %dma_start3A_64] : memref<1000008x64xf32, #tpu.memory_space<hbm>> -> memref<1000008x64xf32, #tpu.memory_space<hbm>>
      tpu.enqueue_indirect_dma source(%dma_start3A_65 : memref<1000008x64xf32, #tpu.memory_space<hbm>>) target(%dma_start3A_59 : memref<128x64xf32, #tpu.memory_space<vmem>>) offsets(%dma_start3A_62 : memref<128xi32, #tpu.memory_space<vmem>>) semaphore(%arg8 : memref<!tpu.dma_semaphore, #tpu.memory_space<semaphore_mem>>)
      %mul3A_66 = arith.constant 10 : i32
      %mul3A_67 = arith.muli %scan3A_14, %mul3A_66 : i32
      %add3A_68 = arith.constant 4 : i32
      %add3A_69 = arith.addi %mul3A_67, %add3A_68 : i32
      %dma_start3A_70 = arith.constant 512 : i32
      %dma_start3A_71 = arith.constant 0 : i32
      %dma_start3A_72 = tpu.memref_slice %arg7[%dma_start3A_70, %dma_start3A_71] : memref<1280x64xf32, #tpu.memory_space<vmem>> -> memref<128x64xf32, #tpu.memory_space<vmem>>
      %dma_start3A_73 = arith.constant 0 : i32
      %dma_start3A_74 = tpu.memref_slice %arg6[%add3A_69, %dma_start3A_73] : memref<50x128xi32, #tpu.memory_space<vmem>> -> memref<1x128xi32, #tpu.memory_space<vmem>>
      %dma_start3A_75 = tpu.memref_squeeze %dma_start3A_74 : memref<1x128xi32, #tpu.memory_space<vmem>> -> memref<128xi32, #tpu.memory_space<vmem>>
      %dma_start3A_76 = arith.constant 0 : i32
      %dma_start3A_77 = arith.constant 0 : i32
      %dma_start3A_78 = tpu.memref_slice %arg3[%dma_start3A_76, %dma_start3A_77] : memref<1000008x64xf32, #tpu.memory_space<hbm>> -> memref<1000008x64xf32, #tpu.memory_space<hbm>>
      tpu.enqueue_indirect_dma source(%dma_start3A_78 : memref<1000008x64xf32, #tpu.memory_space<hbm>>) target(%dma_start3A_72 : memref<128x64xf32, #tpu.memory_space<vmem>>) offsets(%dma_start3A_75 : memref<128xi32, #tpu.memory_space<vmem>>) semaphore(%arg8 : memref<!tpu.dma_semaphore, #tpu.memory_space<semaphore_mem>>)
      %mul3A_79 = arith.constant 10 : i32
      %mul3A_80 = arith.muli %scan3A_14, %mul3A_79 : i32
      %add3A_81 = arith.constant 5 : i32
      %add3A_82 = arith.addi %mul3A_80, %add3A_81 : i32
      %dma_start3A_83 = arith.constant 640 : i32
      %dma_start3A_84 = arith.constant 0 : i32
      %dma_start3A_85 = tpu.memref_slice %arg7[%dma_start3A_83, %dma_start3A_84] : memref<1280x64xf32, #tpu.memory_space<vmem>> -> memref<128x64xf32, #tpu.memory_space<vmem>>
      %dma_start3A_86 = arith.constant 0 : i32
      %dma_start3A_87 = tpu.memref_slice %arg6[%add3A_82, %dma_start3A_86] : memref<50x128xi32, #tpu.memory_space<vmem>> -> memref<1x128xi32, #tpu.memory_space<vmem>>
      %dma_start3A_88 = tpu.memref_squeeze %dma_start3A_87 : memref<1x128xi32, #tpu.memory_space<vmem>> -> memref<128xi32, #tpu.memory_space<vmem>>
      %dma_start3A_89 = arith.constant 0 : i32
      %dma_start3A_90 = arith.constant 0 : i32
      %dma_start3A_91 = tpu.memref_slice %arg3[%dma_start3A_89, %dma_start3A_90] : memref<1000008x64xf32, #tpu.memory_space<hbm>> -> memref<1000008x64xf32, #tpu.memory_space<hbm>>
      tpu.enqueue_indirect_dma source(%dma_start3A_91 : memref<1000008x64xf32, #tpu.memory_space<hbm>>) target(%dma_start3A_85 : memref<128x64xf32, #tpu.memory_space<vmem>>) offsets(%dma_start3A_88 : memref<128xi32, #tpu.memory_space<vmem>>) semaphore(%arg8 : memref<!tpu.dma_semaphore, #tpu.memory_space<semaphore_mem>>)
      %mul3A_92 = arith.constant 10 : i32
      %mul3A_93 = arith.muli %scan3A_14, %mul3A_92 : i32
      %add3A_94 = arith.constant 6 : i32
      %add3A_95 = arith.addi %mul3A_93, %add3A_94 : i32
      %dma_start3A_96 = arith.constant 768 : i32
      %dma_start3A_97 = arith.constant 0 : i32
      %dma_start3A_98 = tpu.memref_slice %arg7[%dma_start3A_96, %dma_start3A_97] : memref<1280x64xf32, #tpu.memory_space<vmem>> -> memref<128x64xf32, #tpu.memory_space<vmem>>
      %dma_start3A_99 = arith.constant 0 : i32
      %dma_start3A_100 = tpu.memref_slice %arg6[%add3A_95, %dma_start3A_99] : memref<50x128xi32, #tpu.memory_space<vmem>> -> memref<1x128xi32, #tpu.memory_space<vmem>>
      %dma_start3A_101 = tpu.memref_squeeze %dma_start3A_100 : memref<1x128xi32, #tpu.memory_space<vmem>> -> memref<128xi32, #tpu.memory_space<vmem>>
      %dma_start3A_102 = arith.constant 0 : i32
      %dma_start3A_103 = arith.constant 0 : i32
      %dma_start3A_104 = tpu.memref_slice %arg3[%dma_start3A_102, %dma_start3A_103] : memref<1000008x64xf32, #tpu.memory_space<hbm>> -> memref<1000008x64xf32, #tpu.memory_space<hbm>>
      tpu.enqueue_indirect_dma source(%dma_start3A_104 : memref<1000008x64xf32, #tpu.memory_space<hbm>>) target(%dma_start3A_98 : memref<128x64xf32, #tpu.memory_space<vmem>>) offsets(%dma_start3A_101 : memref<128xi32, #tpu.memory_space<vmem>>) semaphore(%arg8 : memref<!tpu.dma_semaphore, #tpu.memory_space<semaphore_mem>>)
      %mul3A_105 = arith.constant 10 : i32
      %mul3A_106 = arith.muli %scan3A_14, %mul3A_105 : i32
      %add3A_107 = arith.constant 7 : i32
      %add3A_108 = arith.addi %mul3A_106, %add3A_107 : i32
      %dma_start3A_109 = arith.constant 896 : i32
      %dma_start3A_110 = arith.constant 0 : i32
      %dma_start3A_111 = tpu.memref_slice %arg7[%dma_start3A_109, %dma_start3A_110] : memref<1280x64xf32, #tpu.memory_space<vmem>> -> memref<128x64xf32, #tpu.memory_space<vmem>>
      %dma_start3A_112 = arith.constant 0 : i32
      %dma_start3A_113 = tpu.memref_slice %arg6[%add3A_108, %dma_start3A_112] : memref<50x128xi32, #tpu.memory_space<vmem>> -> memref<1x128xi32, #tpu.memory_space<vmem>>
      %dma_start3A_114 = tpu.memref_squeeze %dma_start3A_113 : memref<1x128xi32, #tpu.memory_space<vmem>> -> memref<128xi32, #tpu.memory_space<vmem>>
      %dma_start3A_115 = arith.constant 0 : i32
      %dma_start3A_116 = arith.constant 0 : i32
      %dma_start3A_117 = tpu.memref_slice %arg3[%dma_start3A_115, %dma_start3A_116] : memref<1000008x64xf32, #tpu.memory_space<hbm>> -> memref<1000008x64xf32, #tpu.memory_space<hbm>>
      tpu.enqueue_indirect_dma source(%dma_start3A_117 : memref<1000008x64xf32, #tpu.memory_space<hbm>>) target(%dma_start3A_111 : memref<128x64xf32, #tpu.memory_space<vmem>>) offsets(%dma_start3A_114 : memref<128xi32, #tpu.memory_space<vmem>>) semaphore(%arg8 : memref<!tpu.dma_semaphore, #tpu.memory_space<semaphore_mem>>)
      %mul3A_118 = arith.constant 10 : i32
      %mul3A_119 = arith.muli %scan3A_14, %mul3A_118 : i32
      %add3A_120 = arith.constant 8 : i32
      %add3A_121 = arith.addi %mul3A_119, %add3A_120 : i32
      %dma_start3A_122 = arith.constant 1024 : i32
      %dma_start3A_123 = arith.constant 0 : i32
      %dma_start3A_124 = tpu.memref_slice %arg7[%dma_start3A_122, %dma_start3A_123] : memref<1280x64xf32, #tpu.memory_space<vmem>> -> memref<128x64xf32, #tpu.memory_space<vmem>>
      %dma_start3A_125 = arith.constant 0 : i32
      %dma_start3A_126 = tpu.memref_slice %arg6[%add3A_121, %dma_start3A_125] : memref<50x128xi32, #tpu.memory_space<vmem>> -> memref<1x128xi32, #tpu.memory_space<vmem>>
      %dma_start3A_127 = tpu.memref_squeeze %dma_start3A_126 : memref<1x128xi32, #tpu.memory_space<vmem>> -> memref<128xi32, #tpu.memory_space<vmem>>
      %dma_start3A_128 = arith.constant 0 : i32
      %dma_start3A_129 = arith.constant 0 : i32
      %dma_start3A_130 = tpu.memref_slice %arg3[%dma_start3A_128, %dma_start3A_129] : memref<1000008x64xf32, #tpu.memory_space<hbm>> -> memref<1000008x64xf32, #tpu.memory_space<hbm>>
      tpu.enqueue_indirect_dma source(%dma_start3A_130 : memref<1000008x64xf32, #tpu.memory_space<hbm>>) target(%dma_start3A_124 : memref<128x64xf32, #tpu.memory_space<vmem>>) offsets(%dma_start3A_127 : memref<128xi32, #tpu.memory_space<vmem>>) semaphore(%arg8 : memref<!tpu.dma_semaphore, #tpu.memory_space<semaphore_mem>>)
      %mul3A_131 = arith.constant 10 : i32
      %mul3A_132 = arith.muli %scan3A_14, %mul3A_131 : i32
      %add3A_133 = arith.constant 9 : i32
      %add3A_134 = arith.addi %mul3A_132, %add3A_133 : i32
      %dma_start3A_135 = arith.constant 1152 : i32
      %dma_start3A_136 = arith.constant 0 : i32
      %dma_start3A_137 = tpu.memref_slice %arg7[%dma_start3A_135, %dma_start3A_136] : memref<1280x64xf32, #tpu.memory_space<vmem>> -> memref<128x64xf32, #tpu.memory_space<vmem>>
      %dma_start3A_138 = arith.constant 0 : i32
      %dma_start3A_139 = tpu.memref_slice %arg6[%add3A_134, %dma_start3A_138] : memref<50x128xi32, #tpu.memory_space<vmem>> -> memref<1x128xi32, #tpu.memory_space<vmem>>
      %dma_start3A_140 = tpu.memref_squeeze %dma_start3A_139 : memref<1x128xi32, #tpu.memory_space<vmem>> -> memref<128xi32, #tpu.memory_space<vmem>>
      %dma_start3A_141 = arith.constant 0 : i32
      %dma_start3A_142 = arith.constant 0 : i32
      %dma_start3A_143 = tpu.memref_slice %arg3[%dma_start3A_141, %dma_start3A_142] : memref<1000008x64xf32, #tpu.memory_space<hbm>> -> memref<1000008x64xf32, #tpu.memory_space<hbm>>
      tpu.enqueue_indirect_dma source(%dma_start3A_143 : memref<1000008x64xf32, #tpu.memory_space<hbm>>) target(%dma_start3A_137 : memref<128x64xf32, #tpu.memory_space<vmem>>) offsets(%dma_start3A_140 : memref<128xi32, #tpu.memory_space<vmem>>) semaphore(%arg8 : memref<!tpu.dma_semaphore, #tpu.memory_space<semaphore_mem>>)
      %dma_wait3A = arith.constant 0 : i32
      %dma_wait3A_144 = arith.constant 0 : i32
      %dma_wait3A_145 = tpu.memref_slice %arg7[%dma_wait3A, %dma_wait3A_144] : memref<1280x64xf32, #tpu.memory_space<vmem>> -> memref<128x64xf32, #tpu.memory_space<vmem>>
      %dma_wait3A_146 = arith.constant 0 : i32
      %dma_wait3A_147 = tpu.memref_slice %arg6[%add3A_18, %dma_wait3A_146] : memref<50x128xi32, #tpu.memory_space<vmem>> -> memref<1x128xi32, #tpu.memory_space<vmem>>
      %dma_wait3A_148 = tpu.memref_squeeze %dma_wait3A_147 : memref<1x128xi32, #tpu.memory_space<vmem>> -> memref<128xi32, #tpu.memory_space<vmem>>
      %dma_wait3A_149 = arith.constant 0 : i32
      %dma_wait3A_150 = arith.constant 0 : i32
      %dma_wait3A_151 = tpu.memref_slice %arg3[%dma_wait3A_149, %dma_wait3A_150] : memref<1000008x64xf32, #tpu.memory_space<hbm>> -> memref<1000008x64xf32, #tpu.memory_space<hbm>>
      tpu.wait_indirect_dma semaphore(%arg8 : memref<!tpu.dma_semaphore, #tpu.memory_space<semaphore_mem>>) src(%dma_wait3A_151 : memref<1000008x64xf32, #tpu.memory_space<hbm>>) dst(%dma_wait3A_145 : memref<128x64xf32, #tpu.memory_space<vmem>>)
      %dma_wait3A_152 = arith.constant 128 : i32
      %dma_wait3A_153 = arith.constant 0 : i32
      %dma_wait3A_154 = tpu.memref_slice %arg7[%dma_wait3A_152, %dma_wait3A_153] : memref<1280x64xf32, #tpu.memory_space<vmem>> -> memref<128x64xf32, #tpu.memory_space<vmem>>
      %dma_wait3A_155 = arith.constant 0 : i32
      %dma_wait3A_156 = tpu.memref_slice %arg6[%add3A_30, %dma_wait3A_155] : memref<50x128xi32, #tpu.memory_space<vmem>> -> memref<1x128xi32, #tpu.memory_space<vmem>>
      %dma_wait3A_157 = tpu.memref_squeeze %dma_wait3A_156 : memref<1x128xi32, #tpu.memory_space<vmem>> -> memref<128xi32, #tpu.memory_space<vmem>>
      %dma_wait3A_158 = arith.constant 0 : i32
      %dma_wait3A_159 = arith.constant 0 : i32
      %dma_wait3A_160 = tpu.memref_slice %arg3[%dma_wait3A_158, %dma_wait3A_159] : memref<1000008x64xf32, #tpu.memory_space<hbm>> -> memref<1000008x64xf32, #tpu.memory_space<hbm>>
      tpu.wait_indirect_dma semaphore(%arg8 : memref<!tpu.dma_semaphore, #tpu.memory_space<semaphore_mem>>) src(%dma_wait3A_160 : memref<1000008x64xf32, #tpu.memory_space<hbm>>) dst(%dma_wait3A_154 : memref<128x64xf32, #tpu.memory_space<vmem>>)
      %dma_wait3A_161 = arith.constant 256 : i32
      %dma_wait3A_162 = arith.constant 0 : i32
      %dma_wait3A_163 = tpu.memref_slice %arg7[%dma_wait3A_161, %dma_wait3A_162] : memref<1280x64xf32, #tpu.memory_space<vmem>> -> memref<128x64xf32, #tpu.memory_space<vmem>>
      %dma_wait3A_164 = arith.constant 0 : i32
      %dma_wait3A_165 = tpu.memref_slice %arg6[%add3A_43, %dma_wait3A_164] : memref<50x128xi32, #tpu.memory_space<vmem>> -> memref<1x128xi32, #tpu.memory_space<vmem>>
      %dma_wait3A_166 = tpu.memref_squeeze %dma_wait3A_165 : memref<1x128xi32, #tpu.memory_space<vmem>> -> memref<128xi32, #tpu.memory_space<vmem>>
      %dma_wait3A_167 = arith.constant 0 : i32
      %dma_wait3A_168 = arith.constant 0 : i32
      %dma_wait3A_169 = tpu.memref_slice %arg3[%dma_wait3A_167, %dma_wait3A_168] : memref<1000008x64xf32, #tpu.memory_space<hbm>> -> memref<1000008x64xf32, #tpu.memory_space<hbm>>
      tpu.wait_indirect_dma semaphore(%arg8 : memref<!tpu.dma_semaphore, #tpu.memory_space<semaphore_mem>>) src(%dma_wait3A_169 : memref<1000008x64xf32, #tpu.memory_space<hbm>>) dst(%dma_wait3A_163 : memref<128x64xf32, #tpu.memory_space<vmem>>)
      %dma_wait3A_170 = arith.constant 384 : i32
      %dma_wait3A_171 = arith.constant 0 : i32
      %dma_wait3A_172 = tpu.memref_slice %arg7[%dma_wait3A_170, %dma_wait3A_171] : memref<1280x64xf32, #tpu.memory_space<vmem>> -> memref<128x64xf32, #tpu.memory_space<vmem>>
      %dma_wait3A_173 = arith.constant 0 : i32
      %dma_wait3A_174 = tpu.memref_slice %arg6[%add3A_56, %dma_wait3A_173] : memref<50x128xi32, #tpu.memory_space<vmem>> -> memref<1x128xi32, #tpu.memory_space<vmem>>
      %dma_wait3A_175 = tpu.memref_squeeze %dma_wait3A_174 : memref<1x128xi32, #tpu.memory_space<vmem>> -> memref<128xi32, #tpu.memory_space<vmem>>
      %dma_wait3A_176 = arith.constant 0 : i32
      %dma_wait3A_177 = arith.constant 0 : i32
      %dma_wait3A_178 = tpu.memref_slice %arg3[%dma_wait3A_176, %dma_wait3A_177] : memref<1000008x64xf32, #tpu.memory_space<hbm>> -> memref<1000008x64xf32, #tpu.memory_space<hbm>>
      tpu.wait_indirect_dma semaphore(%arg8 : memref<!tpu.dma_semaphore, #tpu.memory_space<semaphore_mem>>) src(%dma_wait3A_178 : memref<1000008x64xf32, #tpu.memory_space<hbm>>) dst(%dma_wait3A_172 : memref<128x64xf32, #tpu.memory_space<vmem>>)
      %dma_wait3A_179 = arith.constant 512 : i32
      %dma_wait3A_180 = arith.constant 0 : i32
      %dma_wait3A_181 = tpu.memref_slice %arg7[%dma_wait3A_179, %dma_wait3A_180] : memref<1280x64xf32, #tpu.memory_space<vmem>> -> memref<128x64xf32, #tpu.memory_space<vmem>>
      %dma_wait3A_182 = arith.constant 0 : i32
      %dma_wait3A_183 = tpu.memref_slice %arg6[%add3A_69, %dma_wait3A_182] : memref<50x128xi32, #tpu.memory_space<vmem>> -> memref<1x128xi32, #tpu.memory_space<vmem>>
      %dma_wait3A_184 = tpu.memref_squeeze %dma_wait3A_183 : memref<1x128xi32, #tpu.memory_space<vmem>> -> memref<128xi32, #tpu.memory_space<vmem>>
      %dma_wait3A_185 = arith.constant 0 : i32
      %dma_wait3A_186 = arith.constant 0 : i32
      %dma_wait3A_187 = tpu.memref_slice %arg3[%dma_wait3A_185, %dma_wait3A_186] : memref<1000008x64xf32, #tpu.memory_space<hbm>> -> memref<1000008x64xf32, #tpu.memory_space<hbm>>
      tpu.wait_indirect_dma semaphore(%arg8 : memref<!tpu.dma_semaphore, #tpu.memory_space<semaphore_mem>>) src(%dma_wait3A_187 : memref<1000008x64xf32, #tpu.memory_space<hbm>>) dst(%dma_wait3A_181 : memref<128x64xf32, #tpu.memory_space<vmem>>)
      %dma_wait3A_188 = arith.constant 640 : i32
      %dma_wait3A_189 = arith.constant 0 : i32
      %dma_wait3A_190 = tpu.memref_slice %arg7[%dma_wait3A_188, %dma_wait3A_189] : memref<1280x64xf32, #tpu.memory_space<vmem>> -> memref<128x64xf32, #tpu.memory_space<vmem>>
      %dma_wait3A_191 = arith.constant 0 : i32
      %dma_wait3A_192 = tpu.memref_slice %arg6[%add3A_82, %dma_wait3A_191] : memref<50x128xi32, #tpu.memory_space<vmem>> -> memref<1x128xi32, #tpu.memory_space<vmem>>
      %dma_wait3A_193 = tpu.memref_squeeze %dma_wait3A_192 : memref<1x128xi32, #tpu.memory_space<vmem>> -> memref<128xi32, #tpu.memory_space<vmem>>
      %dma_wait3A_194 = arith.constant 0 : i32
      %dma_wait3A_195 = arith.constant 0 : i32
      %dma_wait3A_196 = tpu.memref_slice %arg3[%dma_wait3A_194, %dma_wait3A_195] : memref<1000008x64xf32, #tpu.memory_space<hbm>> -> memref<1000008x64xf32, #tpu.memory_space<hbm>>
      tpu.wait_indirect_dma semaphore(%arg8 : memref<!tpu.dma_semaphore, #tpu.memory_space<semaphore_mem>>) src(%dma_wait3A_196 : memref<1000008x64xf32, #tpu.memory_space<hbm>>) dst(%dma_wait3A_190 : memref<128x64xf32, #tpu.memory_space<vmem>>)
      %dma_wait3A_197 = arith.constant 768 : i32
      %dma_wait3A_198 = arith.constant 0 : i32
      %dma_wait3A_199 = tpu.memref_slice %arg7[%dma_wait3A_197, %dma_wait3A_198] : memref<1280x64xf32, #tpu.memory_space<vmem>> -> memref<128x64xf32, #tpu.memory_space<vmem>>
      %dma_wait3A_200 = arith.constant 0 : i32
      %dma_wait3A_201 = tpu.memref_slice %arg6[%add3A_95, %dma_wait3A_200] : memref<50x128xi32, #tpu.memory_space<vmem>> -> memref<1x128xi32, #tpu.memory_space<vmem>>
      %dma_wait3A_202 = tpu.memref_squeeze %dma_wait3A_201 : memref<1x128xi32, #tpu.memory_space<vmem>> -> memref<128xi32, #tpu.memory_space<vmem>>
      %dma_wait3A_203 = arith.constant 0 : i32
      %dma_wait3A_204 = arith.constant 0 : i32
      %dma_wait3A_205 = tpu.memref_slice %arg3[%dma_wait3A_203, %dma_wait3A_204] : memref<1000008x64xf32, #tpu.memory_space<hbm>> -> memref<1000008x64xf32, #tpu.memory_space<hbm>>
      tpu.wait_indirect_dma semaphore(%arg8 : memref<!tpu.dma_semaphore, #tpu.memory_space<semaphore_mem>>) src(%dma_wait3A_205 : memref<1000008x64xf32, #tpu.memory_space<hbm>>) dst(%dma_wait3A_199 : memref<128x64xf32, #tpu.memory_space<vmem>>)
      %dma_wait3A_206 = arith.constant 896 : i32
      %dma_wait3A_207 = arith.constant 0 : i32
      %dma_wait3A_208 = tpu.memref_slice %arg7[%dma_wait3A_206, %dma_wait3A_207] : memref<1280x64xf32, #tpu.memory_space<vmem>> -> memref<128x64xf32, #tpu.memory_space<vmem>>
      %dma_wait3A_209 = arith.constant 0 : i32
      %dma_wait3A_210 = tpu.memref_slice %arg6[%add3A_108, %dma_wait3A_209] : memref<50x128xi32, #tpu.memory_space<vmem>> -> memref<1x128xi32, #tpu.memory_space<vmem>>
      %dma_wait3A_211 = tpu.memref_squeeze %dma_wait3A_210 : memref<1x128xi32, #tpu.memory_space<vmem>> -> memref<128xi32, #tpu.memory_space<vmem>>
      %dma_wait3A_212 = arith.constant 0 : i32
      %dma_wait3A_213 = arith.constant 0 : i32
      %dma_wait3A_214 = tpu.memref_slice %arg3[%dma_wait3A_212, %dma_wait3A_213] : memref<1000008x64xf32, #tpu.memory_space<hbm>> -> memref<1000008x64xf32, #tpu.memory_space<hbm>>
      tpu.wait_indirect_dma semaphore(%arg8 : memref<!tpu.dma_semaphore, #tpu.memory_space<semaphore_mem>>) src(%dma_wait3A_214 : memref<1000008x64xf32, #tpu.memory_space<hbm>>) dst(%dma_wait3A_208 : memref<128x64xf32, #tpu.memory_space<vmem>>)
      %dma_wait3A_215 = arith.constant 1024 : i32
      %dma_wait3A_216 = arith.constant 0 : i32
      %dma_wait3A_217 = tpu.memref_slice %arg7[%dma_wait3A_215, %dma_wait3A_216] : memref<1280x64xf32, #tpu.memory_space<vmem>> -> memref<128x64xf32, #tpu.memory_space<vmem>>
      %dma_wait3A_218 = arith.constant 0 : i32
      %dma_wait3A_219 = tpu.memref_slice %arg6[%add3A_121, %dma_wait3A_218] : memref<50x128xi32, #tpu.memory_space<vmem>> -> memref<1x128xi32, #tpu.memory_space<vmem>>
      %dma_wait3A_220 = tpu.memref_squeeze %dma_wait3A_219 : memref<1x128xi32, #tpu.memory_space<vmem>> -> memref<128xi32, #tpu.memory_space<vmem>>
      %dma_wait3A_221 = arith.constant 0 : i32
      %dma_wait3A_222 = arith.constant 0 : i32
      %dma_wait3A_223 = tpu.memref_slice %arg3[%dma_wait3A_221, %dma_wait3A_222] : memref<1000008x64xf32, #tpu.memory_space<hbm>> -> memref<1000008x64xf32, #tpu.memory_space<hbm>>
      tpu.wait_indirect_dma semaphore(%arg8 : memref<!tpu.dma_semaphore, #tpu.memory_space<semaphore_mem>>) src(%dma_wait3A_223 : memref<1000008x64xf32, #tpu.memory_space<hbm>>) dst(%dma_wait3A_217 : memref<128x64xf32, #tpu.memory_space<vmem>>)
      %dma_wait3A_224 = arith.constant 1152 : i32
      %dma_wait3A_225 = arith.constant 0 : i32
      %dma_wait3A_226 = tpu.memref_slice %arg7[%dma_wait3A_224, %dma_wait3A_225] : memref<1280x64xf32, #tpu.memory_space<vmem>> -> memref<128x64xf32, #tpu.memory_space<vmem>>
      %dma_wait3A_227 = arith.constant 0 : i32
      %dma_wait3A_228 = tpu.memref_slice %arg6[%add3A_134, %dma_wait3A_227] : memref<50x128xi32, #tpu.memory_space<vmem>> -> memref<1x128xi32, #tpu.memory_space<vmem>>
      %dma_wait3A_229 = tpu.memref_squeeze %dma_wait3A_228 : memref<1x128xi32, #tpu.memory_space<vmem>> -> memref<128xi32, #tpu.memory_space<vmem>>
      %dma_wait3A_230 = arith.constant 0 : i32
      %dma_wait3A_231 = arith.constant 0 : i32
      %dma_wait3A_232 = tpu.memref_slice %arg3[%dma_wait3A_230, %dma_wait3A_231] : memref<1000008x64xf32, #tpu.memory_space<hbm>> -> memref<1000008x64xf32, #tpu.memory_space<hbm>>
      tpu.wait_indirect_dma semaphore(%arg8 : memref<!tpu.dma_semaphore, #tpu.memory_space<semaphore_mem>>) src(%dma_wait3A_232 : memref<1000008x64xf32, #tpu.memory_space<hbm>>) dst(%dma_wait3A_226 : memref<128x64xf32, #tpu.memory_space<vmem>>)
      %mul3A_233 = arith.constant 1280 : i32
      %mul3A_234 = arith.muli %scan3A_14, %mul3A_233 : i32
      %add3A_235 = arith.addi %mul3A_8, %mul3A_234 : i32
      "tpu.region"() ({
        %run_scoped3A = tpu.sem_alloc : memref<!tpu.dma_semaphore, #tpu.memory_space<semaphore_mem>>
        %dma_start3A_236 = arith.constant 0 : i32
        %dma_start3A_237 = tpu.memref_slice %arg4[%add3A_235, %dma_start3A_236] : memref<204800x64xf32, #tpu.memory_space<hbm>> -> memref<1280x64xf32, #tpu.memory_space<hbm>>
        %dma_start3A_238 = arith.constant 0 : i32
        %dma_start3A_239 = tpu.memref_slice %arg4[%add3A_235, %dma_start3A_238] : memref<204800x64xf32, #tpu.memory_space<hbm>> -> memref<1280x64xf32, #tpu.memory_space<hbm>>
        tpu.enqueue_dma source(%arg7 : memref<1280x64xf32, #tpu.memory_space<vmem>>) target(%dma_start3A_239 : memref<1280x64xf32, #tpu.memory_space<hbm>>) target_semaphore(%run_scoped3A : memref<!tpu.dma_semaphore, #tpu.memory_space<semaphore_mem>>)
        %dma_wait3A_240 = arith.constant 0 : i32
        %dma_wait3A_241 = tpu.memref_slice %arg4[%add3A_235, %dma_wait3A_240] : memref<204800x64xf32, #tpu.memory_space<hbm>> -> memref<1280x64xf32, #tpu.memory_space<hbm>>
        %dma_wait3A_242 = arith.constant 0 : i32
        %dma_wait3A_243 = tpu.memref_slice %arg4[%add3A_235, %dma_wait3A_242] : memref<204800x64xf32, #tpu.memory_space<hbm>> -> memref<1280x64xf32, #tpu.memory_space<hbm>>
        tpu.wait_dma2 semaphore(%run_scoped3A : memref<!tpu.dma_semaphore, #tpu.memory_space<semaphore_mem>>) src(%arg7 : memref<1280x64xf32, #tpu.memory_space<vmem>>) dst(%dma_wait3A_243 : memref<1280x64xf32, #tpu.memory_space<hbm>>)
        tpu.yield
      }) : () -> ()
    }
    %scan3A_13 = arith.constant 5 : i32
    return
  }
}

</mosaic_0001>

<sc_bundles>
// kernel: kernel.4.cloned.1.call-start
scs
__scs_entry_jumppad:
0x0: {  	(pc) =	sbr.rel $0x88, $3  }
0x1: {  	(tag) =	ssettag $0x0;
	lr =	simm.s32 $0x1  }
0x2: {  	[smem:$0x3F9F] =	sst lr;
	_ =	strace $0xD0000000  }
0x3: {  	_ = 	snop  }
0x4: {  	_ = 	snop  }
0x5: {  	_ = 	snop  }
0x6: {  	_ = 	snop  }
0x7: {  	_ = 	snop  }
__scs_overlays_trampoline_lowered:
0x8: {  	[smem:$0x3FAE] =	sst s0  }
0x9: {  	[smem:$0x3FAF] =	sst s1  }
0xa: {  	[smem:$0x3FB0] =	sst s2  }
0xb: {  	[smem:$0x3FB1] =	sst s3  }
0xc: {  	[smem:$0x3FB2] =	sst s4  }
0xd: {  	[smem:$0x3FB3] =	sst s5  }
0xe: {  	[smem:$0x3FB4] =	sst s6  }
0xf: {  	[smem:$0x3FB5] =	sst s7  }
0x10: {  	[smem:$0x3FB6] =	sst s8  }
0x11: {  	[smem:$0x3FB7] =	sst s9;
	s0 =	simm.s32 @!p0 $0x0  }
0x12: {  	s1 =	sld [smem:$0x3F9D];
	s0 =	simm.s32 @p0 $0x1  }
0x13: {  	[smem:$0x3FB8] =	sst s0;
	s0 =	simm.s32 @!p1 $0x0  }
0x14: {  	s2 =	sld [smem:$0x3F9C];
	s0 =	simm.s32 @p1 $0x1  }
0x15: {  	[smem:$0x3FB9] =	sst s0;
	s0 =	simm.s32 @!p2 $0x0  }
0x16: {  	s3 =	sld [smem:$0x3FDB];
	s0 =	simm.s32 @p2 $0x1  }
0x17: {  	s4 =	simm.s32 $0x1BF5;
	[smem:$0x3FBB] =	sst s0  }
0x18: {  	s0 =	sld [smem:$0x3F9E];
	_ =	swait.ge [sflag:s4], $0x0  }
0x19: {  	s7 =	sld [smem:$0x3F9F]  }
0x1a: {  	s8 =	sadd.s32 $0xFFFFE003, lr  }
0x1b: {  	s9 =	sadd.s32 $0xFFFFFEF7, lr;
	s5 =	simm.s32 $0xFFFFFFFF;
	p2 =	slt.u32 s8, $0xFFFFF086  }
0x1c: {  	p1 =	slt.u32 s9, $0xF7A;
	s5 =	simm.s32 @!p2 $0x0  }
0x1d: {  	s5 =	simm.s32 @p1 $0x1;
	p0 =	seq.s32 s7, s2  }
0x1e: {  	s7 =	smul.u32 @!p0 $0xF7A, s2;
	p2 =	seq.s32 @!p0 s5, $0x0  }
0x1f: {  	s9 =	smul.u32 $0xF7A, s1;
	s8 =	simm.s32 @!p0 $0x1BF5;
	p2 =	por !p2, p0  }
0x20: {  	[sflag:s8] =	ssyncset.s32 @!p0 $0xFFFFF086;
	s6 =	sadd.s32 @!p0 s3, s7;
	s7 =	simm.s32 @!p0 $0x108  }
0x21: {  	s3 =	sadd.s32 s3, s9;
	s6 =	sadd.s32 @!p0 $0x88, s6;
	s7 =	simm.s32 @p2 $0x1082  }
0x22: {  	[simem:s7], [sflag:s8] =	dma.local @!p0 [hbm:s6], $0xF7A  }
0x23: {  	s9 =	sor.u32 $0xD0000000, s2;
	s6 =	simm.s32 $0x108;
	_ =	swait.ge @!p0 [sflag:s8], $0x0  }
0x24: {  	s3 =	sadd.s32 $0x88, s3;
	s6 =	simm.s32 @!p1 $0x1082;
	[sflag:s4] =	ssyncset.s32 $0xFFFFF086  }
0x25: {  	[simem:s6], [sflag:s4] =	dma.local [hbm:s3], $0xF7A  }
0x26: {  	[smem:$0x3F9F] =	sst s1;
	(tag) =	ssettag s2;
	_ =	strace s9  }
0x27: {  	s1 =	sld [smem:$0x3FAF]  }
0x28: {  	s2 =	sld [smem:$0x3FB0]  }
0x29: {  	s4 =	sld [smem:$0x3FB2]  }
0x2a: {  	p0 =	seq.s32 s5, $0x0;
	s5 =	sld [smem:$0x3FB3]  }
0x2b: {  	s6 =	sld [smem:$0x3FB4]  }
0x2c: {  	s7 =	sld [smem:$0x3FB5]  }
0x2d: {  	s3 =	simm.s32 $0x108;
	s8 =	sld [smem:$0x3FB6]  }
0x2e: {  	s3 =	simm.s32 @!p0 $0x1082;
	s9 =	sld [smem:$0x3FB7]  }
0x2f: {  	lr =	sadd.s32 s0, s3;
	s0 =	sld [smem:$0x3FAE]  }
0x30: {  	s3 =	sld [smem:$0x3FB1]  }
0x31: {  	[smem:$0x3FBA] =	sst s10  }
0x32: {  	s10 =	sld [smem:$0x3FB8];
	_ =	sdelay $0x3  }
0x33: {  	p0 =	seq.s32 s10, $0x1;
	s10 =	sld [smem:$0x3FBA];
	_ =	sdelay $0x3  }
0x34: {  	[smem:$0x3FBA] =	sst s10  }
0x35: {  	s10 =	sld [smem:$0x3FB9];
	_ =	sdelay $0x3  }
0x36: {  	p1 =	seq.s32 s10, $0x1;
	s10 =	sld [smem:$0x3FBA];
	_ =	sdelay $0x3  }
0x37: {  	[smem:$0x3FBA] =	sst s10  }
0x38: {  	s10 =	sld [smem:$0x3FBB]  }
0x39: {  	_ = 	snop;
	(pc) =	sbr.ind lr, $3  }
0x3a: {  	_ = 	snop  }
0x3b: {  	_ = 	snop  }
0x3c: {  	p2 =	seq.s32 s10, $0x1;
	s10 =	sld [smem:$0x3FBA]  }
0x3d: {  	_ =	shalt  }
0x3e: {  	_ =	shalt  }
0x3f: {  	_ =	shalt  }
0x40: {  	_ =	shalt  }
0x41: {  	_ =	shalt  }
0x42: {  	_ =	shalt  }
0x43: {  	_ =	shalt  }
0x44: {  	_ =	shalt  }
0x45: {  	_ =	shalt  }
0x46: {  	_ =	shalt  }
0x47: {  	_ =	shalt  }
0x48: {  	_ =	shalt  }
0x49: {  	_ =	shalt  }
0x4a: {  	_ =	shalt  }
0x4b: {  	_ =	shalt  }
0x4c: {  	_ =	shalt  }
0x4d: {  	_ =	shalt  }
0x4e: {  	_ =	shalt  }
0x4f: {  	_ =	shalt  }
0x50: {  	_ =	shalt  }
0x51: {  	_ =	shalt  }
0x52: {  	_ =	shalt  }
0x53: {  	_ =	shalt  }
0x54: {  	_ =	shalt  }
0x55: {  	_ =	shalt  }
0x56: {  	_ =	shalt  }
0x57: {  	_ =	shalt  }
0x58: {  	_ =	shalt  }
0x59: {  	_ =	shalt  }
0x5a: {  	_ =	shalt  }
0x5b: {  	_ =	shalt  }
0x5c: {  	_ =	shalt  }
0x5d: {  	_ =	shalt  }
0x5e: {  	_ =	shalt  }
0x5f: {  	_ =	shalt  }
0x60: {  	_ =	shalt  }
0x61: {  	_ =	shalt  }
0x62: {  	_ =	shalt  }
0x63: {  	_ =	shalt  }
0x64: {  	_ =	shalt  }
0x65: {  	_ =	shalt  }
0x66: {  	_ =	shalt  }
0x67: {  	_ =	shalt  }
0x68: {  	_ =	shalt  }
0x69: {  	_ =	shalt  }
0x6a: {  	_ =	shalt  }
0x6b: {  	_ =	shalt  }
0x6c: {  	_ =	shalt  }
0x6d: {  	_ =	shalt  }
0x6e: {  	_ =	shalt  }
0x6f: {  	_ =	shalt  }
0x70: {  	_ =	shalt  }
0x71: {  	_ =	shalt  }
0x72: {  	_ =	shalt  }
0x73: {  	_ =	shalt  }
0x74: {  	_ =	shalt  }
0x75: {  	_ =	shalt  }
0x76: {  	_ =	shalt  }
0x77: {  	_ =	shalt  }
0x78: {  	_ =	shalt  }
0x79: {  	_ =	shalt  }
0x7a: {  	_ =	shalt  }
0x7b: {  	_ =	shalt  }
0x7c: {  	_ =	shalt  }
0x7d: {  	_ =	shalt  }
0x7e: {  	_ =	shalt  }
0x7f: {  	_ =	shalt  }
0x80: {  	_ =	shalt  }
0x81: {  	_ =	shalt  }
0x82: {  	_ =	shalt  }
0x83: {  	_ =	shalt  }
0x84: {  	_ =	shalt  }
0x85: {  	_ =	shalt  }
0x86: {  	_ =	shalt  }
0x87: {  	_ =	shalt  }
.Lfunc_end0:
.L_simem_size_0:
called_computation.1_lowered:
.L_overlay_start_0:
0x88: {  	s2 =	sld [smem:$0x3FD9]  }
0x89: {  	s3 =	sld [smem:$0x3FFE];
	_ =	sdelay $0x1  }
0x8a: {  	s1 =	srdreg.scid  }
0x8b: {  	s0 =	sand.u32 $0x1, s1  }
0x8c: {  	s17 =	sshll.u32 s0, $0xA;
	s2 =	sadd.s32 s3, s2  }
0x8d: {  	s2 =	sadd.s32 s2, s17  }
0x8e: {  	[smem:$0x3FC6] =	sst s2  }
0x8f: {  	_ = 	snop  }
0x90: {  	s2 =	sld [smem:$0x3FC8]  }
0x91: {  	s18 =	sld [smem:$0x3FD0];
	(tm) =	ssettm $0x1  }
0x92: {  	s4 =	sld [smem:$0x3FFB];
	_ =	sdelay $0x3  }
0x93: {  	_ =	strace s4  }
0x94: {  	s4 =	sld [smem:$0x3FFC];
	_ =	sdelay $0x3  }
0x95: {  	_ =	strace s4  }
0x96: {  	s4 =	sld [smem:$0x3FFD];
	_ =	sdelay $0x3  }
0x97: {  	_ =	strace s4  }
0x98: {  	_ =	strace $0x8FFFFFFF  }
0x99: {  	s19 =	sld [smem:$0x3FDB];
	_ =	sdelay $0x1  }
0x9a: {  	s5 =	simm.s32 $_scs_section_size  }
0x9b: {  	s6 =	simm.s32 $_size__tile_overlayer_lowered;
	s7 =	simm.s32 $_tile_overlayer_lowered  }
0x9c: {  	s22 =	simm.s32 $0x1BFF;
	s21 =	sshll.u32 s7, $0x1;
	s4 =	sadd.s32 s5, s19  }
0x9d: {  	s8 =	simm.s32 $0x0;
	s20 =	sshll.u32 s6, $0x1;
	s6 =	sadd.s32 s21, s4  }
0x9e: {  	[timem:s8], [sflag:s22] =	dma.local [hbm:s6], s20  }
0x9f: {  	_ =	swait.ge [sflag:s22], s20  }
0xa0: {  	s5 =	ssub.s32 $0x0, s20;
	[sflag:s22] =	ssyncset.done $0x0  }
0xa1: {  	[sflag:s22] =	ssyncadd.s32 s5;
	_ =	sdelay $0x1  }
0xa2: {  	s23 =	simm.s32 $0x1B8B  }
0xa3: {  	_ =	swait.ge [sflag:s23], $0x1  }
0xa4: {  	[sflag:s23] =	ssyncset.done $0x0  }
0xa5: {  	s25 =	simm.s32 $0x1B8E;
	s24 =	sld [smem:$0x3FFE];
	[sflag:s23] =	ssyncadd.s32 $0xFFFFFFFF  }
0xa6: {  	s26 =	simm.s32 $execute0_lowered;
	[smem:$0x3FD2] =	sst s25  }
0xa7: {  	s6 =	sshll.u32 s26, $0x1;
	_ =	strace $0x80000046;
	[dreg:$0x1] =	wrdreg $0xFFFFFFFF  }
0xa8: {  	s28 =	simm.s32 $_size_execute0_lowered;
	s4 =	sadd.s32 s4, s6;
	[dreg:$0x0] =	wrdreg $0x0  }
0xa9: {  	s6 =	sshll.u32 s28, $0x1;
	[dreg:$0x2] =	wrdreg s4  }
0xaa: {  	[dreg:$0x3] =	wrdreg s6  }
0xab: {  	[dreg:$0x4] =	wrdreg $0xC0  }
0xac: {  	_ =	task [dreg:s8], $0x5FFFF  }
0xad: {  	[dreg:$0x1] =	wrdreg $0xFFFFFFFF  }
0xae: {  	[dreg:$0x0] =	wrdreg $0x60  }
0xaf: {  	[dreg:$0x2] =	wrdreg s2  }
0xb0: {  	[dreg:$0x3] =	wrdreg s18  }
0xb1: {  	[dreg:$0x4] =	wrdreg s24  }
0xb2: {  	[dreg:$0x5] =	wrdreg $0x9  }
0xb3: {  	_ =	task.clear_ibuf [dreg:s8], $0x6FFFF;
	_ =	strace $0x90000046  }
0xb4: {  	s29 =	simm.s32 $0x9;
	_ =	strace $0x80000048  }
0xb5: {  	_ =	swait.ge [sflag:s29], $0x1  }
0xb6: {  	[sflag:s29] =	ssyncadd.s32 $0xFFFFFFFF  }
0xb7: {  	_ =	strace $0x90000048  }
0xb8: {  	_ =	sfence  }
0xb9: {  	s30 =	sld [smem:$0x0];
	_ =	sdelay $0x2  }
0xba: {  	s31 =	sshll.u32 s1, $0xD;
	s1 =	sshrl.u32 s1, $0x2  }
0xbb: {  	s3 =	sand.u32 $0x4000, s31;
	s1 =	sadd.s32 s1, s30  }
0xbc: {  	s0 =	sor.u32 s3, s0;
	s1 =	sshll.u32 s1, $0x11  }
0xbd: {  	s0 =	sor.u32 s1, s0  }
0xbe: {  	s0 =	sadd.s32 $0x8F2B, s0  }
0xbf: {  	[sflag:s0] =	ssyncadd.remote.s32 $0x1  }
0xc0: {  	_ =	sfence.sel $0xFFFF  }
0xc1: {  	[dreg:$0x0] =	wrdreg $0xFFFFFFFF;
	(pc) =	sbr.abs _section_cstart, $3  }
0xc2: {  	[dreg:$0x1] =	wrdreg $0xFFFFFFFF  }
0xc3: {  	_ =	task.clear_ibuf [dreg:s8], $0x2FFFF;
	_ =	strace $0x9FFFFFFF  }
0xc4: {  	(tm) =	ssettm $0x7FFFFFFF  }
0xc5: {  	_ =	shalt  }
tec
execute0_lowered:
.L_overlay_start_1:
0x0: {  	(tag) =	ssettag $0x1  }
0x1: {  	v0 =	vimm.s32 $0x700;
	vm14 =	vcmask $0x300  }
0x2: {  	vm13 =	vcmask $0x704;
	vm12 =	vcmask $0xB08;
	vm11 =	vcmask $0xF0C  }
0x3: {  	vm10 =	vcmask $0x1310;
	vm9 =	vcmask $0x1714;
	vm8 =	vcmask $0x1B18  }
0x4: {  	vm7 =	vcmask $0x1F1C;
	v1 =	vimm.s32 $0x680;
	vm6 =	vcmask $0x2320  }
0x5: {  	vm4 =	vcmask $0x2724;
	vm0 =	vcmask $0x2B28;
	v3 =	vimm.s32 $0x600  }
0x6: {  	vm1 =	vcmask $0x2F2C;
	vm2 =	vcmask $0x3330;
	vm3 =	vcmask $0x3734  }
0x7: {  	vm5 =	vcmask $0x3B38;
	v5 =	vimm.s32 $0x500;
	v6 =	vimm.s32 $0x480  }
0x8: {  	v7 =	vimm.s32 $0x400;
	v8 =	vimm.s32 $0x380;
	v9 =	vimm.s32 $0x300  }
0x9: {  	v10 =	vimm.s32 $0x280;
	v11 =	vimm.s32 $0x200;
	v12 =	vimm.s32 $0x180  }
0xa: {  	v13 =	vimm.s32 $0x100;
	v14 =	vimm.s32 $0x80;
	v15 =	vimm.s32 $0x0  }
0xb: {  	v16 =	vimm.s32 $0xC4834201;
	vm15 =	vcmask $0xF00;
	v17 =	vimm.s32 $0xC5844302  }
0xc: {  	v19 =	vimm.s32 $0xC6854403;
	v21 =	vimm.s32 $0xC7864504;
	v22 =	vimm.s32 $0xC8874605  }
0xd: {  	v24 =	vimm.s32 $0xCA894807;
	v25 =	vimm.s32 $0xCB8A4908;
	v26 =	vimm.s32 $0xCC8B4A09  }
0xe: {  	v27 =	vimm.s32 $0xCD8C4B0A;
	v28 =	vimm.s32 $0xCE8D4C0B;
	v29 =	vimm.s32 $0xCF8E4D0C  }
0xf: {  	v30 =	vimm.s32 $0xC08F4E0D;
	v31 =	vimm.s32 $0xC1804F0E;
	v32 =	vimm.s32 $0xC281400F  }
0x10: {  	v0 =	vsel vm14, $0x780, v0;
	v1 =	vsel vm14, $0x700, v1;
	v3 =	vsel vm14, $0x680, v3  }
0x11: {  	v5 =	vsel vm14, $0x580, v5;
	v6 =	vsel vm14, $0x500, v6;
	v7 =	vsel vm14, $0x480, v7  }
0x12: {  	v8 =	vsel vm14, $0x400, v8;
	v9 =	vsel vm14, $0x380, v9;
	v10 =	vsel vm14, $0x300, v10  }
0x13: {  	v11 =	vsel vm14, $0x280, v11;
	v12 =	vsel vm14, $0x200, v12;
	v13 =	vsel vm14, $0x180, v13  }
0x14: {  	v14 =	vsel vm14, $0x100, v14;
	v15 =	vsel vm14, $0x80, v15;
	v16 =	vunpack.c.0.s8.s32 v16  }
0x15: {  	v17 =	vunpack.c.0.s8.s32 v17;
	v19 =	vunpack.c.0.s8.s32 v19;
	v21 =	vunpack.c.0.s8.s32 v21  }
0x16: {  	v22 =	vunpack.c.0.s8.s32 v22;
	v24 =	vunpack.c.0.s8.s32 v24;
	v25 =	vunpack.c.0.s8.s32 v25  }
0x17: {  	v26 =	vunpack.c.0.s8.s32 v26;
	v27 =	vunpack.c.0.s8.s32 v27;
	v28 =	vunpack.c.0.s8.s32 v28  }
0x18: {  	v29 =	vunpack.c.0.s8.s32 v29;
	v30 =	vunpack.c.0.s8.s32 v30;
	v31 =	vunpack.c.0.s8.s32 v31  }
0x19: {  	v32 =	vunpack.c.0.s8.s32 v32;
	v0 =	vsel vm13, $0x0, v0;
	v1 =	vsel vm13, $0x780, v1  }
0x1a: {  	v3 =	vsel vm13, $0x700, v3;
	v5 =	vsel vm13, $0x600, v5;
	v6 =	vsel vm13, $0x580, v6  }
0x1b: {  	v7 =	vsel vm13, $0x500, v7;
	v8 =	vsel vm13, $0x480, v8;
	v9 =	vsel vm13, $0x400, v9  }
0x1c: {  	v10 =	vsel vm13, $0x380, v10;
	v11 =	vsel vm13, $0x300, v11;
	v12 =	vsel vm13, $0x280, v12  }
0x1d: {  	v13 =	vsel vm13, $0x200, v13;
	v14 =	vsel vm13, $0x180, v14;
	v15 =	vsel vm13, $0x100, v15  }
0x1e: {  	v0 =	vsel vm12, $0x80, v0;
	v1 =	vsel vm12, $0x0, v1;
	v3 =	vsel vm12, $0x780, v3  }
0x1f: {  	v5 =	vsel vm12, $0x680, v5;
	v6 =	vsel vm12, $0x600, v6;
	v7 =	vsel vm12, $0x580, v7  }
0x20: {  	v8 =	vsel vm12, $0x500, v8;
	v9 =	vsel vm12, $0x480, v9;
	v10 =	vsel vm12, $0x400, v10  }
0x21: {  	v11 =	vsel vm12, $0x380, v11;
	v12 =	vsel vm12, $0x300, v12;
	v13 =	vsel vm12, $0x280, v13  }
0x22: {  	v14 =	vsel vm12, $0x200, v14;
	v15 =	vsel vm12, $0x180, v15;
	v16 =	vand.u32 $0xFF, v16  }
0x23: {  	v17 =	vand.u32 $0xFF, v17;
	v19 =	vand.u32 $0xFF, v19;
	v21 =	vand.u32 $0xFF, v21  }
0x24: {  	v22 =	vand.u32 $0xFF, v22;
	v24 =	vand.u32 $0xFF, v24;
	v25 =	vand.u32 $0xFF, v25  }
0x25: {  	v26 =	vand.u32 $0xFF, v26;
	v27 =	vand.u32 $0xFF, v27;
	v28 =	vand.u32 $0xFF, v28  }
0x26: {  	v29 =	vand.u32 $0xFF, v29;
	v30 =	vand.u32 $0xFF, v30;
	v31 =	vand.u32 $0xFF, v31  }
0x27: {  	v32 =	vand.u32 $0xFF, v32;
	v0 =	vsel vm11, $0x100, v0;
	v1 =	vsel vm11, $0x80, v1  }
0x28: {  	v3 =	vsel vm11, $0x0, v3;
	v5 =	vsel vm11, $0x700, v5;
	v6 =	vsel vm11, $0x680, v6  }
0x29: {  	v7 =	vsel vm11, $0x600, v7;
	v8 =	vsel vm11, $0x580, v8;
	v9 =	vsel vm11, $0x500, v9  }
0x2a: {  	v10 =	vsel vm11, $0x480, v10;
	v11 =	vsel vm11, $0x400, v11;
	v12 =	vsel vm11, $0x380, v12  }
0x2b: {  	v13 =	vsel vm11, $0x300, v13;
	v14 =	vsel vm11, $0x280, v14;
	v15 =	vsel vm11, $0x200, v15  }
0x2c: {  	v16 =	vnsel vm15, $0x3C0, v16;
	v20 =	vnsel vm15, $0x3C1, v17;
	v19 =	vnsel vm15, $0x3C2, v19  }
0x2d: {  	v21 =	vnsel vm15, $0x3C3, v21;
	v22 =	vnsel vm15, $0x3C4, v22;
	v24 =	vnsel vm15, $0x3C6, v24  }
0x2e: {  	v25 =	vnsel vm15, $0x3C7, v25;
	v26 =	vnsel vm15, $0x3C8, v26;
	v27 =	vnsel vm15, $0x3C9, v27  }
0x2f: {  	v28 =	vnsel vm15, $0x3CA, v28;
	v29 =	vnsel vm15, $0x3CB, v29;
	v30 =	vnsel vm15, $0x3CC, v30  }
0x30: {  	v31 =	vnsel vm15, $0x3CD, v31;
	v32 =	vnsel vm15, $0x3CE, v32;
	v0 =	vsel vm10, $0x180, v0  }
0x31: {  	v1 =	vsel vm10, $0x100, v1;
	v3 =	vsel vm10, $0x80, v3;
	v5 =	vsel vm10, $0x780, v5  }
0x32: {  	v6 =	vsel vm10, $0x700, v6;
	v7 =	vsel vm10, $0x680, v7;
	v8 =	vsel vm10, $0x600, v8  }
0x33: {  	v9 =	vsel vm10, $0x580, v9;
	v10 =	vsel vm10, $0x500, v10;
	v11 =	vsel vm10, $0x480, v11  }
0x34: {  	v12 =	vsel vm10, $0x400, v12;
	v13 =	vsel vm10, $0x380, v13;
	v14 =	vsel vm10, $0x300, v14  }
0x35: {  	v15 =	vsel vm10, $0x280, v15;
	v18 =	vsel vm10, $0x105, v16;
	v20 =	vsel vm10, $0x106, v20  }
0x36: {  	v19 =	vsel vm10, $0x107, v19;
	v21 =	vsel vm10, $0x108, v21;
	v22 =	vsel vm10, $0x109, v22  }
0x37: {  	v24 =	vsel vm10, $0x10B, v24;
	v25 =	vsel vm10, $0x10C, v25;
	v26 =	vsel vm10, $0x10D, v26  }
0x38: {  	v27 =	vsel vm10, $0x10E, v27;
	v28 =	vsel vm10, $0x10F, v28;
	v29 =	vsel vm10, $0x100, v29  }
0x39: {  	v30 =	vsel vm10, $0x101, v30;
	v31 =	vsel vm10, $0x102, v31;
	v32 =	vsel vm10, $0x103, v32  }
0x3a: {  	v0 =	vsel vm9, $0x200, v0;
	v1 =	vsel vm9, $0x180, v1;
	v3 =	vsel vm9, $0x100, v3  }
0x3b: {  	v5 =	vsel vm9, $0x0, v5;
	v6 =	vsel vm9, $0x780, v6;
	v7 =	vsel vm9, $0x700, v7  }
0x3c: {  	v8 =	vsel vm9, $0x680, v8;
	v9 =	vsel vm9, $0x600, v9;
	v10 =	vsel vm9, $0x580, v10  }
0x3d: {  	v11 =	vsel vm9, $0x500, v11;
	v12 =	vsel vm9, $0x480, v12;
	v13 =	vsel vm9, $0x400, v13  }
0x3e: {  	v14 =	vsel vm9, $0x380, v14;
	v15 =	vsel vm9, $0x300, v15;
	v18 =	vsel vm9, $0x146, v18  }
0x3f: {  	v20 =	vsel vm9, $0x147, v20;
	v19 =	vsel vm9, $0x148, v19;
	v21 =	vsel vm9, $0x149, v21  }
0x40: {  	v22 =	vsel vm9, $0x14A, v22;
	v24 =	vsel vm9, $0x14C, v24;
	v25 =	vsel vm9, $0x14D, v25  }
0x41: {  	v26 =	vsel vm9, $0x14E, v26;
	v27 =	vsel vm9, $0x14F, v27;
	v28 =	vsel vm9, $0x140, v28  }
0x42: {  	v29 =	vsel vm9, $0x141, v29;
	v30 =	vsel vm9, $0x142, v30;
	v31 =	vsel vm9, $0x143, v31  }
0x43: {  	v32 =	vsel vm9, $0x144, v32;
	v0 =	vsel vm8, $0x280, v0;
	v1 =	vsel vm8, $0x200, v1  }
0x44: {  	v3 =	vsel vm8, $0x180, v3;
	v5 =	vsel vm8, $0x80, v5;
	v6 =	vsel vm8, $0x0, v6  }
0x45: {  	v7 =	vsel vm8, $0x780, v7;
	v8 =	vsel vm8, $0x700, v8;
	v9 =	vsel vm8, $0x680, v9  }
0x46: {  	v10 =	vsel vm8, $0x600, v10;
	v11 =	vsel vm8, $0x580, v11;
	v12 =	vsel vm8, $0x500, v12  }
0x47: {  	v13 =	vsel vm8, $0x480, v13;
	v14 =	vsel vm8, $0x400, v14;
	v15 =	vsel vm8, $0x380, v15  }
0x48: {  	v18 =	vsel vm8, $0x187, v18;
	v20 =	vsel vm8, $0x188, v20;
	v19 =	vsel vm8, $0x189, v19  }
0x49: {  	v21 =	vsel vm8, $0x18A, v21;
	v22 =	vsel vm8, $0x18B, v22;
	v24 =	vsel vm8, $0x18D, v24  }
0x4a: {  	v25 =	vsel vm8, $0x18E, v25;
	v26 =	vsel vm8, $0x18F, v26;
	v27 =	vsel vm8, $0x180, v27  }
0x4b: {  	v28 =	vsel vm8, $0x181, v28;
	v29 =	vsel vm8, $0x182, v29;
	v30 =	vsel vm8, $0x183, v30  }
0x4c: {  	v31 =	vsel vm8, $0x184, v31;
	v32 =	vsel vm8, $0x185, v32;
	v0 =	vsel vm7, $0x300, v0  }
0x4d: {  	v1 =	vsel vm7, $0x280, v1;
	v3 =	vsel vm7, $0x200, v3;
	v5 =	vsel vm7, $0x100, v5  }
0x4e: {  	v6 =	vsel vm7, $0x80, v6;
	v7 =	vsel vm7, $0x0, v7;
	v8 =	vsel vm7, $0x780, v8  }
0x4f: {  	v9 =	vsel vm7, $0x700, v9;
	v10 =	vsel vm7, $0x680, v10;
	v11 =	vsel vm7, $0x600, v11  }
0x50: {  	v12 =	vsel vm7, $0x580, v12;
	v13 =	vsel vm7, $0x500, v13;
	v14 =	vsel vm7, $0x480, v14  }
0x51: {  	v15 =	vsel vm7, $0x400, v15;
	v18 =	vsel vm7, $0x1C8, v18;
	v20 =	vsel vm7, $0x1C9, v20  }
0x52: {  	v19 =	vsel vm7, $0x1CA, v19;
	v21 =	vsel vm7, $0x1CB, v21;
	v22 =	vsel vm7, $0x1CC, v22  }
0x53: {  	v24 =	vsel vm7, $0x1CE, v24;
	v25 =	vsel vm7, $0x1CF, v25;
	v26 =	vsel vm7, $0x1C0, v26  }
0x54: {  	v27 =	vsel vm7, $0x1C1, v27;
	v28 =	vsel vm7, $0x1C2, v28;
	v29 =	vsel vm7, $0x1C3, v29  }
0x55: {  	v30 =	vsel vm7, $0x1C4, v30;
	v31 =	vsel vm7, $0x1C5, v31;
	v32 =	vsel vm7, $0x1C6, v32  }
0x56: {  	v2 =	vsel vm6, $0x380, v0;
	v0 =	vlaneseq.u32;
	v1 =	vsel vm6, $0x300, v1  }
0x57: {  	v3 =	vsel vm6, $0x280, v3;
	v5 =	vsel vm6, $0x180, v5;
	v6 =	vsel vm6, $0x100, v6  }
0x58: {  	v7 =	vsel vm6, $0x80, v7;
	v8 =	vsel vm6, $0x0, v8;
	v9 =	vsel vm6, $0x780, v9  }
0x59: {  	v10 =	vsel vm6, $0x700, v10;
	v11 =	vsel vm6, $0x680, v11;
	v12 =	vsel vm6, $0x600, v12  }
0x5a: {  	v13 =	vsel vm6, $0x580, v13;
	v14 =	vsel vm6, $0x500, v14;
	v15 =	vsel vm6, $0x480, v15  }
0x5b: {  	v18 =	vsel vm6, $0x209, v18;
	v20 =	vsel vm6, $0x20A, v20;
	v19 =	vsel vm6, $0x20B, v19  }
0x5c: {  	v21 =	vsel vm6, $0x20C, v21;
	v22 =	vsel vm6, $0x20D, v22;
	v24 =	vsel vm6, $0x20F, v24  }
0x5d: {  	v25 =	vsel vm6, $0x200, v25;
	v26 =	vsel vm6, $0x201, v26;
	v27 =	vsel vm6, $0x202, v27  }
0x5e: {  	v28 =	vsel vm6, $0x203, v28;
	v29 =	vsel vm6, $0x204, v29;
	v30 =	vsel vm6, $0x205, v30  }
0x5f: {  	v31 =	vsel vm6, $0x206, v31;
	v32 =	vsel vm6, $0x207, v32;
	v2 =	vsel vm4, $0x400, v2  }
0x60: {  	v1 =	vsel vm4, $0x380, v1;
	v3 =	vsel vm4, $0x300, v3;
	v5 =	vsel vm4, $0x200, v5  }
0x61: {  	v6 =	vsel vm4, $0x180, v6;
	v7 =	vsel vm4, $0x100, v7;
	v8 =	vsel vm4, $0x80, v8  }
0x62: {  	v9 =	vsel vm4, $0x0, v9;
	v10 =	vsel vm4, $0x780, v10;
	v11 =	vsel vm4, $0x700, v11  }
0x63: {  	v12 =	vsel vm4, $0x680, v12;
	v13 =	vsel vm4, $0x600, v13;
	v14 =	vsel vm4, $0x580, v14  }
0x64: {  	v15 =	vsel vm4, $0x500, v15;
	v16 =	vmul.u32 $0x80, v0;
	v17 =	vmul.u32 $0x41, v0  }
0x65: {  	v18 =	vsel vm4, $0x24A, v18;
	v20 =	vsel vm4, $0x24B, v20;
	v19 =	vsel vm4, $0x24C, v19  }
0x66: {  	v21 =	vsel vm4, $0x24D, v21;
	v22 =	vsel vm4, $0x24E, v22;
	v24 =	vsel vm4, $0x240, v24  }
0x67: {  	v25 =	vsel vm4, $0x241, v25;
	v26 =	vsel vm4, $0x242, v26;
	v27 =	vsel vm4, $0x243, v27  }
0x68: {  	v28 =	vsel vm4, $0x244, v28;
	v29 =	vsel vm4, $0x245, v29;
	v30 =	vsel vm4, $0x246, v30  }
0x69: {  	v31 =	vsel vm4, $0x247, v31;
	v32 =	vsel vm4, $0x248, v32;
	v33 =	vor.u32 $0x10, v0  }
0x6a: {  	v34 =	vor.u32 $0x20, v0;
	v35 =	vor.u32 $0x30, v0;
	v36 =	vor.u32 $0x40, v0  }
0x6b: {  	v37 =	vor.u32 $0x50, v0;
	v38 =	vor.u32 $0x60, v0;
	v39 =	vor.u32 $0x70, v0  }
0x6c: {  	v2 =	vsel vm0, $0x480, v2;
	v1 =	vsel vm0, $0x400, v1;
	v3 =	vsel vm0, $0x380, v3  }
0x6d: {  	v5 =	vsel vm0, $0x280, v5;
	v6 =	vsel vm0, $0x200, v6;
	v7 =	vsel vm0, $0x180, v7  }
0x6e: {  	v8 =	vsel vm0, $0x100, v8;
	v9 =	vsel vm0, $0x80, v9;
	v10 =	vsel vm0, $0x0, v10  }
0x6f: {  	v11 =	vsel vm0, $0x780, v11;
	v12 =	vsel vm0, $0x700, v12;
	v13 =	vsel vm0, $0x680, v13  }
0x70: {  	v14 =	vsel vm0, $0x600, v14;
	v15 =	vsel vm0, $0x580, v15;
	v18 =	vsel vm0, $0x28B, v18  }
0x71: {  	v20 =	vsel vm0, $0x28C, v20;
	v19 =	vsel vm0, $0x28D, v19;
	v21 =	vsel vm0, $0x28E, v21  }
0x72: {  	v22 =	vsel vm0, $0x28F, v22;
	v24 =	vsel vm0, $0x281, v24;
	v25 =	vsel vm0, $0x282, v25  }
0x73: {  	v26 =	vsel vm0, $0x283, v26;
	v27 =	vsel vm0, $0x284, v27;
	v28 =	vsel vm0, $0x285, v28  }
0x74: {  	v29 =	vsel vm0, $0x286, v29;
	v30 =	vsel vm0, $0x287, v30;
	v31 =	vsel vm0, $0x288, v31  }
0x75: {  	v32 =	vsel vm0, $0x289, v32;
	v2 =	vsel vm1, $0x500, v2;
	v4 =	vsel vm1, $0x480, v1  }
0x76: {  	v3 =	vsel vm1, $0x400, v3;
	v5 =	vsel vm1, $0x300, v5;
	v6 =	vsel vm1, $0x280, v6  }
0x77: {  	v7 =	vsel vm1, $0x200, v7;
	v8 =	vsel vm1, $0x180, v8;
	v9 =	vsel vm1, $0x100, v9  }
0x78: {  	v10 =	vsel vm1, $0x80, v10;
	v11 =	vsel vm1, $0x0, v11;
	v12 =	vsel vm1, $0x780, v12  }
0x79: {  	v13 =	vsel vm1, $0x700, v13;
	v14 =	vsel vm1, $0x680, v14;
	v15 =	vsel vm1, $0x600, v15  }
0x7a: {  	v18 =	vsel vm1, $0x2CC, v18;
	v20 =	vsel vm1, $0x2CD, v20;
	v23 =	vsel vm1, $0x2CE, v19  }
0x7b: {  	v21 =	vsel vm1, $0x2CF, v21;
	v22 =	vsel vm1, $0x2C0, v22;
	v24 =	vsel vm1, $0x2C2, v24  }
0x7c: {  	v25 =	vsel vm1, $0x2C3, v25;
	v26 =	vsel vm1, $0x2C4, v26;
	v27 =	vsel vm1, $0x2C5, v27  }
0x7d: {  	v28 =	vsel vm1, $0x2C6, v28;
	v29 =	vsel vm1, $0x2C7, v29;
	v30 =	vsel vm1, $0x2C8, v30  }
0x7e: {  	v31 =	vsel vm1, $0x2C9, v31;
	v32 =	vsel vm1, $0x2CA, v32;
	v2 =	vsel vm2, $0x580, v2  }
0x7f: {  	v3 =	vsel vm2, $0x480, v3;
	v5 =	vsel vm2, $0x380, v5;
	v6 =	vsel vm2, $0x300, v6  }
0x80: {  	v7 =	vsel vm2, $0x280, v7;
	v8 =	vsel vm2, $0x200, v8;
	v9 =	vsel vm2, $0x180, v9  }
0x81: {  	v10 =	vsel vm2, $0x100, v10;
	v11 =	vsel vm2, $0x80, v11;
	v12 =	vsel vm2, $0x0, v12  }
0x82: {  	v13 =	vsel vm2, $0x780, v13;
	v14 =	vsel vm2, $0x700, v14;
	v15 =	vsel vm2, $0x680, v15  }
0x83: {  	v18 =	vsel vm2, $0x30D, v18;
	v20 =	vsel vm2, $0x30E, v20;
	v21 =	vsel vm2, $0x300, v21  }
0x84: {  	v22 =	vsel vm2, $0x301, v22;
	v24 =	vsel vm2, $0x303, v24;
	v25 =	vsel vm2, $0x304, v25  }
0x85: {  	v26 =	vsel vm2, $0x305, v26;
	v27 =	vsel vm2, $0x306, v27;
	v28 =	vsel vm2, $0x307, v28  }
0x86: {  	v29 =	vsel vm2, $0x308, v29;
	v30 =	vsel vm2, $0x309, v30;
	v31 =	vsel vm2, $0x30A, v31  }
0x87: {  	v32 =	vsel vm2, $0x30B, v32;
	v2 =	vsel vm3, $0x600, v2;
	v3 =	vsel vm3, $0x500, v3  }
0x88: {  	v5 =	vsel vm3, $0x400, v5;
	v6 =	vsel vm3, $0x380, v6;
	v7 =	vsel vm3, $0x300, v7  }
0x89: {  	v8 =	vsel vm3, $0x280, v8;
	v9 =	vsel vm3, $0x200, v9;
	v10 =	vsel vm3, $0x180, v10  }
0x8a: {  	v11 =	vsel vm3, $0x100, v11;
	v12 =	vsel vm3, $0x80, v12;
	v13 =	vsel vm3, $0x0, v13  }
0x8b: {  	v14 =	vsel vm3, $0x780, v14;
	v15 =	vsel vm3, $0x700, v15;
	v18 =	vsel vm3, $0x34E, v18  }
0x8c: {  	v20 =	vsel vm3, $0x34F, v20;
	v21 =	vsel vm3, $0x341, v21;
	v22 =	vsel vm3, $0x342, v22  }
0x8d: {  	v24 =	vsel vm3, $0x344, v24;
	v25 =	vsel vm3, $0x345, v25;
	v26 =	vsel vm3, $0x346, v26  }
0x8e: {  	v27 =	vsel vm3, $0x347, v27;
	v28 =	vsel vm3, $0x348, v28;
	v29 =	vsel vm3, $0x349, v29  }
0x8f: {  	v30 =	vsel vm3, $0x34A, v30;
	v31 =	vsel vm3, $0x34B, v31;
	v32 =	vsel vm3, $0x34C, v32  }
0x90: {  	v1 =	vsel vm5, $0x680, v2;
	v2 =	vsel vm2, $0x500, v4;
	v4 =	vimm.s32 $0x580  }
0x91: {  	v3 =	vsel vm5, $0x580, v3;
	v5 =	vsel vm5, $0x480, v5;
	v6 =	vsel vm5, $0x400, v6  }
0x92: {  	v7 =	vsel vm5, $0x380, v7;
	v8 =	vsel vm5, $0x300, v8;
	v9 =	vsel vm5, $0x280, v9  }
0x93: {  	v10 =	vsel vm5, $0x200, v10;
	v11 =	vsel vm5, $0x180, v11;
	v12 =	vsel vm5, $0x100, v12  }
0x94: {  	v13 =	vsel vm5, $0x80, v13;
	v14 =	vsel vm5, $0x0, v14;
	v15 =	vsel vm5, $0x780, v15  }
0x95: {  	v19 =	vsel vm5, $0x380, v20;
	v20 =	vsel vm2, $0x30F, v23;
	v23 =	vimm.s32 $0xC9884706  }
0x96: {  	v18 =	vsel vm5, $0x38F, v18;
	v4 =	vsel vm14, $0x600, v4;
	v23 =	vunpack.c.0.s8.s32 v23  }
0x97: {  	s2 =	srdreg.scid;
	s1 =	rddreg [dreg:$0x0];
	v21 =	vsel vm5, $0x382, v21;
	v22 =	vsel vm5, $0x383, v22;
	v4 =	vsel vm13, $0x680, v4  }
0x98: {  	s0 =	stileid.u32;
	s9 =	rddreg [dreg:$0x2];
	v24 =	vsel vm5, $0x385, v24;
	v4 =	vsel vm12, $0x700, v4;
	v23 =	vand.u32 $0xFF, v23  }
0x99: {  	s4 =	simm.s32 $0x0;
	s13 =	simm.s32 $0x7A1400;
	s14 =	simm.s32 $0x2000;
	v25 =	vsel vm5, $0x386, v25;
	v4 =	vsel vm11, $0x780, v4;
	v23 =	vnsel vm15, $0x3C5, v23  }
0x9a: {  	s15 =	simm.s32 $0x1;
	s16 =	simm.s32 $0x4000;
	s17 =	simm.s32 $0x2;
	v26 =	vsel vm5, $0x387, v26;
	v4 =	vsel vm10, $0x0, v4;
	v23 =	vsel vm10, $0x10A, v23  }
0x9b: {  	s18 =	simm.s32 $0x6000;
	s19 =	simm.s32 $0x3;
	s20 =	simm.s32 $0x4;
	v27 =	vsel vm5, $0x388, v27;
	v4 =	vsel vm9, $0x80, v4;
	v23 =	vsel vm9, $0x14B, v23  }
0x9c: {  	s5 =	sand.u32 $0x1, s2;
	s3 =	sshll.u32 s0, $0x1;
	s2 =	rddreg [dreg:$0x1];
	v28 =	vsel vm5, $0x389, v28;
	v4 =	vsel vm8, $0x100, v4;
	v23 =	vsel vm8, $0x18C, v23  }
0x9d: {  	s21 =	simm.s32 $0x0;
	[smem:$0x7FF] =	sst s4;
	s12 =	sor.u32 s5, s3;
	v29 =	vsel vm5, $0x38A, v29;
	v4 =	vsel vm7, $0x180, v4;
	v23 =	vsel vm7, $0x1CD, v23  }
0x9e: {  	p0 =	sgt.u32 s0, $0xD;
	s3 =	rddreg [dreg:$0x3];
	s6 =	smul.u32 $0xF4, s12;
	v30 =	vsel vm5, $0x38B, v30;
	v4 =	vsel vm6, $0x200, v4;
	v23 =	vsel vm6, $0x20E, v23  }
0x9f: {  	s8 =	ssub.s32 $0x2, s5;
	_ =	strace $0x80000047;
	s7 =	smax.u32 s12, $0x1C;
	v31 =	vsel vm5, $0x38C, v31;
	v4 =	vsel vm4, $0x280, v4;
	v23 =	vsel vm4, $0x24F, v23  }
.Ltmp0:
0xa0: {  	s30 =	sshrl.u32 s8, $0x1;
	s29 =	sadd.s32 s6, s7;
	v32 =	vsel vm5, $0x38D, v32;
	v4 =	vsel vm0, $0x300, v4;
	v23 =	vsel vm0, $0x280, v23;
	(pc) =	sbr.rel .LBB2_1-.Ltmp0, $4  }
0xa1: {  	s11 =	ssub.s32 s8, s30;
	s6 =	sadd.s32 $0xE00, s9;
	s5 =	sadd.s32 $0xFFFFFFE4, s29;
	v2 =	vsel vm3, $0x580, v2;
	v4 =	vsel vm1, $0x380, v4;
	v23 =	vsel vm1, $0x2C1, v23  }
0xa2: {  	s7 =	simm.s32 $0xF5;
	s9 =	sadd.s32 $0x7A1E00, s9;
	s31 =	sshll.u32 s5, $0x7;
	v20 =	vsel vm3, $0x340, v20;
	v4 =	vsel vm2, $0x400, v4;
	v23 =	vsel vm2, $0x302, v23  }
0xa3: {  	s11 =	smax.u32 s11, $0x1;
	s7 =	simm.s32 @!p0 $0xF4;
	s8 =	sadd.s32 s1, s31;
	v2 =	vsel vm5, $0x600, v2;
	v4 =	vsel vm3, $0x480, v4;
	v23 =	vsel vm3, $0x343, v23  }
0xa4: {  	p0 =	sne.s32 s12, $0x0;
	s12 =	simm.s32 $0x400;
	s10 =	sadd.s32 $0x80, s8;
	v20 =	vsel vm5, $0x381, v20;
	v4 =	vsel vm5, $0x500, v4;
	v23 =	vsel vm5, $0x384, v23  }
.LBB2_11:
0xa5: {  	s21 =	sadd.s32 $0x1, s21  }
0xa6: {  	_ =	swait.ge [sflag:s19], $0x2000;
	p1 =	sne.s32 s21, s11  }
.Ltmp1:
0xa7: {  	[sflag:s19] =	ssyncset.done $0x0;
	(pc) =	sbr.rel @!p1 .LBB2_12-.Ltmp1, $4  }
0xa8: {  	[sflag:s19] =	ssyncadd.s32 $0xFFFFE000  }
0xa9: {  	_ =	swait.ge [sflag:s20], $0x2000  }
0xaa: {  	[sflag:s20] =	ssyncset.done $0x0  }
0xab: {  	[sflag:s20] =	ssyncadd.s32 $0xFFFFE000  }
.LBB2_1:
0xac: {  	s22 =	simm.s32 @!p0 $0x0;
	s23 =	simm.s32 @!p0 $0x4000;
	s24 =	simm.s32 @!p0 $0x5  }
0xad: {  	[tilespmem:s23], [sflag:$0x5] =	stream.linear.gather @!p0 [hbm4b:s2+s22], $0x1040, $0x38;
	[tilespmem:$0x8000] =	vst v63  }
0xae: {  	_ =	swait.ge @!p0 [sflag:s24], $0x1040  }
0xaf: {  	[sflag:s24] =	ssyncset.done @!p0 $0x0  }
0xb0: {  	[sflag:s24] =	ssyncadd.s32 @!p0 $0xFFFFEFC0  }
0xb1: {  	[hbm4b:s9+s22] =	stream.linear.scatter @!p0 [tilespmem:s23], [sflag:$0x5], $0x1040, $0x38;
	[tilespmem:$0x8000] =	vst v63  }
0xb2: {  	_ =	swait.ge @!p0 [sflag:s24], $0x1040  }
.Ltmp2:
0xb3: {  	[sflag:s24] =	ssyncset.done @!p0 $0x0;
	(pc) =	sbr.rel .LBB2_2-.Ltmp2, $4  }
0xb4: {  	[sflag:s24] =	ssyncadd.s32 @!p0 $0xFFFFEFC0  }
0xb5: {  	[tilespmem:s4], [sflag:$0x1] =	stream.strided.gather [hbm4b:s8+s12], $0x2000, s13, s12, $0x38;
	[tilespmem:$0x8000] =	vst v63  }
0xb6: {  	s22 =	simm.s32 $0x0  }
0xb7: {  	[tilespmem:s14], [sflag:$0x2] =	stream.strided.gather [hbm4b:s10+s12], $0x2000, s13, s12, $0x38;
	[tilespmem:$0x8000] =	vst v63  }
.LBB2_10:
0xb8: {  	s22 =	sadd.s32 $0x1, s22  }
0xb9: {  	p1 =	sne.s32 s22, $0x7B  }
.Ltmp3:
0xba: {  	_ = 	snop;
	(pc) =	sbr.rel @!p1 .LBB2_11-.Ltmp3, $1  }
0xbb: {  	_ =	sdelay $0x3  }
.LBB2_2:
0xbc: {  	s23 =	sshll.u32 s22, $0x1  }
0xbd: {  	p2 =	sge.u32 s23, s7  }
.Ltmp4:
0xbe: {  	_ = 	snop;
	(pc) =	sbr.rel @p2 .LBB2_6-.Ltmp4, $2  }
0xbf: {  	_ =	sdelay $0x2  }
0xc0: {  	p1 =	seq.s32 s22, $0x0  }
0xc1: {  	_ =	swait.ge [sflag:s15], $0x2000  }
0xc2: {  	[sflag:s15] =	ssyncset.done $0x0  }
0xc3: {  	s24 =	simm.s32 @!p1 $0x3;
	[sflag:s15] =	ssyncadd.s32 $0xFFFFE000  }
0xc4: {  	_ =	swait.ge @!p1 [sflag:s24], $0x2000  }
0xc5: {  	[sflag:s24] =	ssyncset.done @!p1 $0x0  }
0xc6: {  	[sflag:s24] =	ssyncadd.s32 @!p1 $0xFFFFE000;
	s24 =	simm.s32 $0x1C00  }
.LBB2_4:
0xc7: {  	s25 =	sadd.s32 $0xFFFFE400, s24  }
0xc8: {  	v40 =	vmov s25  }
0xc9: {  	v55 =	vshll.u32 v40, $0x7  }
0xca: {  	v40 =	vor.u32 v16, v55  }
0xcb: {  	v41 =	vor.u32 v0, v40;
	_ =	sdelay $0x4  }
0xcc: {  	v43 =	vor.u32 s25, v17;
	v42 =	vld.idx.msk [tilespmem:v41+s4+$0x0], $0xffff;
	v41 =	vor.u32 v15, v55  }
0xcd: {  	v44 =	vor.u32 v0, v41;
	_ =	sdelay $0x3  }
0xce: {  	[tilespmem:v43+s16+$0x0] =	vst.idx.msk $0xffff, v42  }
0xcf: {  	v50 =	vor.u32 s25, v18;
	v42 =	vor.u32 v14, v55;
	v43 =	vld.idx.msk [tilespmem:v44+s4+$0x0], $0xffff  }
0xd0: {  	v45 =	vor.u32 v0, v42;
	_ =	sdelay $0x3  }
0xd1: {  	[tilespmem:v50+s16+$0x0] =	vst.idx.msk $0xffff, v43  }
0xd2: {  	v51 =	vor.u32 s25, v19;
	v43 =	vor.u32 v13, v55;
	v44 =	vld.idx.msk [tilespmem:v45+s4+$0x0], $0xffff  }
0xd3: {  	v46 =	vor.u32 v0, v43;
	_ =	sdelay $0x3  }
0xd4: {  	[tilespmem:v51+s16+$0x0] =	vst.idx.msk $0xffff, v44  }
0xd5: {  	v52 =	vor.u32 s25, v20;
	v44 =	vor.u32 v12, v55;
	v45 =	vld.idx.msk [tilespmem:v46+s4+$0x0], $0xffff  }
0xd6: {  	v47 =	vor.u32 v0, v44;
	_ =	sdelay $0x3  }
0xd7: {  	[tilespmem:v52+s16+$0x0] =	vst.idx.msk $0xffff, v45  }
0xd8: {  	v53 =	vor.u32 s25, v21;
	v45 =	vor.u32 v11, v55;
	v46 =	vld.idx.msk [tilespmem:v47+s4+$0x0], $0xffff  }
0xd9: {  	v48 =	vor.u32 v0, v45;
	_ =	sdelay $0x3  }
0xda: {  	[tilespmem:v53+s16+$0x0] =	vst.idx.msk $0xffff, v46  }
0xdb: {  	v54 =	vor.u32 s25, v22;
	v46 =	vor.u32 v10, v55;
	v47 =	vld.idx.msk [tilespmem:v48+s4+$0x0], $0xffff  }
0xdc: {  	v49 =	vor.u32 v0, v46;
	_ =	sdelay $0x3  }
0xdd: {  	[tilespmem:v54+s16+$0x0] =	vst.idx.msk $0xffff, v47  }
0xde: {  	v56 =	vor.u32 s25, v23;
	v47 =	vor.u32 v9, v55;
	v48 =	vld.idx.msk [tilespmem:v49+s4+$0x0], $0xffff  }
0xdf: {  	v50 =	vor.u32 v0, v47;
	_ =	sdelay $0x3  }
0xe0: {  	[tilespmem:v56+s16+$0x0] =	vst.idx.msk $0xffff, v48  }
0xe1: {  	v57 =	vor.u32 s25, v24;
	v48 =	vor.u32 v8, v55;
	v49 =	vld.idx.msk [tilespmem:v50+s4+$0x0], $0xffff  }
0xe2: {  	v51 =	vor.u32 v0, v48;
	_ =	sdelay $0x3  }
0xe3: {  	[tilespmem:v57+s16+$0x0] =	vst.idx.msk $0xffff, v49  }
0xe4: {  	v58 =	vor.u32 s25, v25;
	v49 =	vor.u32 v7, v55;
	v50 =	vld.idx.msk [tilespmem:v51+s4+$0x0], $0xffff  }
0xe5: {  	v52 =	vor.u32 v0, v49;
	_ =	sdelay $0x3  }
0xe6: {  	[tilespmem:v58+s16+$0x0] =	vst.idx.msk $0xffff, v50  }
0xe7: {  	v59 =	vor.u32 s25, v26;
	v50 =	vor.u32 v6, v55;
	v51 =	vld.idx.msk [tilespmem:v52+s4+$0x0], $0xffff  }
0xe8: {  	v53 =	vor.u32 v0, v50;
	_ =	sdelay $0x3  }
0xe9: {  	[tilespmem:v59+s16+$0x0] =	vst.idx.msk $0xffff, v51  }
0xea: {  	v60 =	vor.u32 s25, v27;
	v51 =	vor.u32 v5, v55;
	v52 =	vld.idx.msk [tilespmem:v53+s4+$0x0], $0xffff  }
0xeb: {  	v54 =	vor.u32 v0, v51;
	_ =	sdelay $0x3  }
0xec: {  	[tilespmem:v60+s16+$0x0] =	vst.idx.msk $0xffff, v52  }
0xed: {  	v61 =	vor.u32 s25, v28;
	v52 =	vor.u32 v4, v55;
	v53 =	vld.idx.msk [tilespmem:v54+s4+$0x0], $0xffff  }
0xee: {  	v56 =	vor.u32 v0, v52;
	_ =	sdelay $0x3  }
0xef: {  	[tilespmem:v61+s16+$0x0] =	vst.idx.msk $0xffff, v53  }
0xf0: {  	v62 =	vor.u32 s25, v29;
	v53 =	vor.u32 v3, v55;
	v54 =	vld.idx.msk [tilespmem:v56+s4+$0x0], $0xffff  }
0xf1: {  	v57 =	vor.u32 v0, v53;
	_ =	sdelay $0x3  }
0xf2: {  	[tilespmem:v62+s16+$0x0] =	vst.idx.msk $0xffff, v54  }
0xf3: {  	v63 =	vor.u32 s25, v30;
	v54 =	vor.u32 v2, v55;
	v56 =	vld.idx.msk [tilespmem:v57+s4+$0x0], $0xffff  }
0xf4: {  	v58 =	vor.u32 v0, v54;
	_ =	sdelay $0x3  }
0xf5: {  	[tilespmem:v63+s16+$0x0] =	vst.idx.msk $0xffff, v56  }
0xf6: {  	v60 =	vor.u32 s25, v31;
	v55 =	vor.u32 v1, v55;
	v56 =	vld.idx.msk [tilespmem:v58+s4+$0x0], $0xffff  }
0xf7: {  	v61 =	vor.u32 v0, v55;
	_ =	sdelay $0x3  }
0xf8: {  	[tilespmem:v60+s16+$0x0] =	vst.idx.msk $0xffff, v56  }
0xf9: {  	v62 =	vor.u32 s25, v32;
	v56 =	vld.idx.msk [tilespmem:v61+s4+$0x0], $0xffff  }
0xfa: {  	v63 =	vor.u32 v33, v40;
	_ =	sdelay $0x3  }
0xfb: {  	s31 =	sadd.s32 $0xFFFFE800, s24;
	[tilespmem:v62+s16+$0x0] =	vst.idx.msk $0xffff, v56  }
0xfc: {  	v60 =	vor.u32 s31, v17;
	v56 =	vld.idx.msk [tilespmem:v63+s4+$0x0], $0xffff  }
0xfd: {  	v61 =	vor.u32 v33, v41;
	_ =	sdelay $0x3  }
0xfe: {  	[tilespmem:v60+s16+$0x0] =	vst.idx.msk $0xffff, v56  }
0xff: {  	v62 =	vor.u32 s31, v18;
	v56 =	vld.idx.msk [tilespmem:v61+s4+$0x0], $0xffff  }
0x100: {  	v63 =	vor.u32 v33, v42;
	_ =	sdelay $0x3  }
0x101: {  	[tilespmem:v62+s16+$0x0] =	vst.idx.msk $0xffff, v56  }
0x102: {  	v60 =	vor.u32 s31, v19;
	v56 =	vld.idx.msk [tilespmem:v63+s4+$0x0], $0xffff  }
0x103: {  	v61 =	vor.u32 v33, v43;
	_ =	sdelay $0x3  }
0x104: {  	[tilespmem:v60+s16+$0x0] =	vst.idx.msk $0xffff, v56  }
0x105: {  	v62 =	vor.u32 s31, v20;
	v56 =	vld.idx.msk [tilespmem:v61+s4+$0x0], $0xffff  }
0x106: {  	v63 =	vor.u32 v33, v44;
	_ =	sdelay $0x3  }
0x107: {  	[tilespmem:v62+s16+$0x0] =	vst.idx.msk $0xffff, v56  }
0x108: {  	v60 =	vor.u32 s31, v21;
	v56 =	vld.idx.msk [tilespmem:v63+s4+$0x0], $0xffff  }
0x109: {  	v61 =	vor.u32 v33, v45;
	_ =	sdelay $0x3  }
0x10a: {  	[tilespmem:v60+s16+$0x0] =	vst.idx.msk $0xffff, v56  }
0x10b: {  	v62 =	vor.u32 s31, v22;
	v56 =	vld.idx.msk [tilespmem:v61+s4+$0x0], $0xffff  }
0x10c: {  	v63 =	vor.u32 v33, v46;
	_ =	sdelay $0x3  }
0x10d: {  	[tilespmem:v62+s16+$0x0] =	vst.idx.msk $0xffff, v56  }
0x10e: {  	v60 =	vor.u32 s31, v23;
	v56 =	vld.idx.msk [tilespmem:v63+s4+$0x0], $0xffff  }
0x10f: {  	v61 =	vor.u32 v33, v47;
	_ =	sdelay $0x3  }
0x110: {  	[tilespmem:v60+s16+$0x0] =	vst.idx.msk $0xffff, v56  }
0x111: {  	v62 =	vor.u32 s31, v24;
	v56 =	vld.idx.msk [tilespmem:v61+s4+$0x0], $0xffff  }
0x112: {  	v63 =	vor.u32 v33, v48;
	_ =	sdelay $0x3  }
0x113: {  	[tilespmem:v62+s16+$0x0] =	vst.idx.msk $0xffff, v56  }
0x114: {  	v60 =	vor.u32 s31, v25;
	v56 =	vld.idx.msk [tilespmem:v63+s4+$0x0], $0xffff  }
0x115: {  	v61 =	vor.u32 v33, v49;
	_ =	sdelay $0x3  }
0x116: {  	[tilespmem:v60+s16+$0x0] =	vst.idx.msk $0xffff, v56  }
0x117: {  	v62 =	vor.u32 s31, v26;
	v56 =	vld.idx.msk [tilespmem:v61+s4+$0x0], $0xffff  }
0x118: {  	v63 =	vor.u32 v33, v50;
	_ =	sdelay $0x3  }
0x119: {  	[tilespmem:v62+s16+$0x0] =	vst.idx.msk $0xffff, v56  }
0x11a: {  	v60 =	vor.u32 s31, v27;
	v56 =	vld.idx.msk [tilespmem:v63+s4+$0x0], $0xffff  }
0x11b: {  	v61 =	vor.u32 v33, v51;
	_ =	sdelay $0x3  }
0x11c: {  	[tilespmem:v60+s16+$0x0] =	vst.idx.msk $0xffff, v56  }
0x11d: {  	v62 =	vor.u32 s31, v28;
	v56 =	vld.idx.msk [tilespmem:v61+s4+$0x0], $0xffff  }
0x11e: {  	v63 =	vor.u32 v33, v52;
	_ =	sdelay $0x3  }
0x11f: {  	[tilespmem:v62+s16+$0x0] =	vst.idx.msk $0xffff, v56  }
0x120: {  	v60 =	vor.u32 s31, v29;
	v56 =	vld.idx.msk [tilespmem:v63+s4+$0x0], $0xffff  }
0x121: {  	v61 =	vor.u32 v33, v53;
	_ =	sdelay $0x3  }
0x122: {  	[tilespmem:v60+s16+$0x0] =	vst.idx.msk $0xffff, v56  }
0x123: {  	v62 =	vor.u32 s31, v30;
	v56 =	vld.idx.msk [tilespmem:v61+s4+$0x0], $0xffff  }
0x124: {  	v63 =	vor.u32 v33, v54;
	_ =	sdelay $0x3  }
0x125: {  	[tilespmem:v62+s16+$0x0] =	vst.idx.msk $0xffff, v56  }
0x126: {  	v60 =	vor.u32 s31, v31;
	v56 =	vld.idx.msk [tilespmem:v63+s4+$0x0], $0xffff  }
0x127: {  	v61 =	vor.u32 v33, v55;
	_ =	sdelay $0x3  }
0x128: {  	[tilespmem:v60+s16+$0x0] =	vst.idx.msk $0xffff, v56  }
0x129: {  	v62 =	vor.u32 s31, v32;
	v56 =	vld.idx.msk [tilespmem:v61+s4+$0x0], $0xffff  }
0x12a: {  	v63 =	vor.u32 v34, v40;
	_ =	sdelay $0x3  }
0x12b: {  	s26 =	sadd.s32 $0xFFFFEC00, s24;
	[tilespmem:v62+s16+$0x0] =	vst.idx.msk $0xffff, v56  }
0x12c: {  	v60 =	vor.u32 s26, v17;
	v56 =	vld.idx.msk [tilespmem:v63+s4+$0x0], $0xffff  }
0x12d: {  	v61 =	vor.u32 v34, v41;
	_ =	sdelay $0x3  }
0x12e: {  	[tilespmem:v60+s16+$0x0] =	vst.idx.msk $0xffff, v56  }
0x12f: {  	v62 =	vor.u32 s26, v18;
	v56 =	vld.idx.msk [tilespmem:v61+s4+$0x0], $0xffff  }
0x130: {  	v63 =	vor.u32 v34, v42;
	_ =	sdelay $0x3  }
0x131: {  	[tilespmem:v62+s16+$0x0] =	vst.idx.msk $0xffff, v56  }
0x132: {  	v60 =	vor.u32 s26, v19;
	v56 =	vld.idx.msk [tilespmem:v63+s4+$0x0], $0xffff  }
0x133: {  	v61 =	vor.u32 v34, v43;
	_ =	sdelay $0x3  }
0x134: {  	[tilespmem:v60+s16+$0x0] =	vst.idx.msk $0xffff, v56  }
0x135: {  	v62 =	vor.u32 s26, v20;
	v56 =	vld.idx.msk [tilespmem:v61+s4+$0x0], $0xffff  }
0x136: {  	v63 =	vor.u32 v34, v44;
	_ =	sdelay $0x3  }
0x137: {  	[tilespmem:v62+s16+$0x0] =	vst.idx.msk $0xffff, v56  }
0x138: {  	v60 =	vor.u32 s26, v21;
	v56 =	vld.idx.msk [tilespmem:v63+s4+$0x0], $0xffff  }
0x139: {  	v61 =	vor.u32 v34, v45;
	_ =	sdelay $0x3  }
0x13a: {  	[tilespmem:v60+s16+$0x0] =	vst.idx.msk $0xffff, v56  }
0x13b: {  	v62 =	vor.u32 s26, v22;
	v56 =	vld.idx.msk [tilespmem:v61+s4+$0x0], $0xffff  }
0x13c: {  	v63 =	vor.u32 v34, v46;
	_ =	sdelay $0x3  }
0x13d: {  	[tilespmem:v62+s16+$0x0] =	vst.idx.msk $0xffff, v56  }
0x13e: {  	v60 =	vor.u32 s26, v23;
	v56 =	vld.idx.msk [tilespmem:v63+s4+$0x0], $0xffff  }
0x13f: {  	v61 =	vor.u32 v34, v47;
	_ =	sdelay $0x3  }
0x140: {  	[tilespmem:v60+s16+$0x0] =	vst.idx.msk $0xffff, v56  }
0x141: {  	v62 =	vor.u32 s26, v24;
	v56 =	vld.idx.msk [tilespmem:v61+s4+$0x0], $0xffff  }
0x142: {  	v63 =	vor.u32 v34, v48;
	_ =	sdelay $0x3  }
0x143: {  	[tilespmem:v62+s16+$0x0] =	vst.idx.msk $0xffff, v56  }
0x144: {  	v60 =	vor.u32 s26, v25;
	v56 =	vld.idx.msk [tilespmem:v63+s4+$0x0], $0xffff  }
0x145: {  	v61 =	vor.u32 v34, v49;
	_ =	sdelay $0x3  }
0x146: {  	[tilespmem:v60+s16+$0x0] =	vst.idx.msk $0xffff, v56  }
0x147: {  	v62 =	vor.u32 s26, v26;
	v56 =	vld.idx.msk [tilespmem:v61+s4+$0x0], $0xffff  }
0x148: {  	v63 =	vor.u32 v34, v50;
	_ =	sdelay $0x3  }
0x149: {  	[tilespmem:v62+s16+$0x0] =	vst.idx.msk $0xffff, v56  }
0x14a: {  	v60 =	vor.u32 s26, v27;
	v56 =	vld.idx.msk [tilespmem:v63+s4+$0x0], $0xffff  }
0x14b: {  	v61 =	vor.u32 v34, v51;
	_ =	sdelay $0x3  }
0x14c: {  	[tilespmem:v60+s16+$0x0] =	vst.idx.msk $0xffff, v56  }
0x14d: {  	v62 =	vor.u32 s26, v28;
	v56 =	vld.idx.msk [tilespmem:v61+s4+$0x0], $0xffff  }
0x14e: {  	v63 =	vor.u32 v34, v52;
	_ =	sdelay $0x3  }
0x14f: {  	[tilespmem:v62+s16+$0x0] =	vst.idx.msk $0xffff, v56  }
0x150: {  	v60 =	vor.u32 s26, v29;
	v56 =	vld.idx.msk [tilespmem:v63+s4+$0x0], $0xffff  }
0x151: {  	v61 =	vor.u32 v34, v53;
	_ =	sdelay $0x3  }
0x152: {  	[tilespmem:v60+s16+$0x0] =	vst.idx.msk $0xffff, v56  }
0x153: {  	v62 =	vor.u32 s26, v30;
	v56 =	vld.idx.msk [tilespmem:v61+s4+$0x0], $0xffff  }
0x154: {  	v63 =	vor.u32 v34, v54;
	_ =	sdelay $0x3  }
0x155: {  	[tilespmem:v62+s16+$0x0] =	vst.idx.msk $0xffff, v56  }
0x156: {  	v60 =	vor.u32 s26, v31;
	v56 =	vld.idx.msk [tilespmem:v63+s4+$0x0], $0xffff  }
0x157: {  	v61 =	vor.u32 v34, v55;
	_ =	sdelay $0x3  }
0x158: {  	[tilespmem:v60+s16+$0x0] =	vst.idx.msk $0xffff, v56  }
0x159: {  	v62 =	vor.u32 s26, v32;
	v56 =	vld.idx.msk [tilespmem:v61+s4+$0x0], $0xffff  }
0x15a: {  	v63 =	vor.u32 v35, v40;
	_ =	sdelay $0x3  }
0x15b: {  	s28 =	sadd.s32 $0xFFFFF000, s24;
	[tilespmem:v62+s16+$0x0] =	vst.idx.msk $0xffff, v56  }
0x15c: {  	v60 =	vor.u32 s28, v17;
	v56 =	vld.idx.msk [tilespmem:v63+s4+$0x0], $0xffff  }
0x15d: {  	v61 =	vor.u32 v35, v41;
	_ =	sdelay $0x3  }
0x15e: {  	[tilespmem:v60+s16+$0x0] =	vst.idx.msk $0xffff, v56  }
0x15f: {  	v62 =	vor.u32 s28, v18;
	v56 =	vld.idx.msk [tilespmem:v61+s4+$0x0], $0xffff  }
0x160: {  	v63 =	vor.u32 v35, v42;
	_ =	sdelay $0x3  }
0x161: {  	[tilespmem:v62+s16+$0x0] =	vst.idx.msk $0xffff, v56  }
0x162: {  	v60 =	vor.u32 s28, v19;
	v56 =	vld.idx.msk [tilespmem:v63+s4+$0x0], $0xffff  }
0x163: {  	v61 =	vor.u32 v35, v43;
	_ =	sdelay $0x3  }
0x164: {  	[tilespmem:v60+s16+$0x0] =	vst.idx.msk $0xffff, v56  }
0x165: {  	v62 =	vor.u32 s28, v20;
	v56 =	vld.idx.msk [tilespmem:v61+s4+$0x0], $0xffff  }
0x166: {  	v63 =	vor.u32 v35, v44;
	_ =	sdelay $0x3  }
0x167: {  	[tilespmem:v62+s16+$0x0] =	vst.idx.msk $0xffff, v56  }
0x168: {  	v60 =	vor.u32 s28, v21;
	v56 =	vld.idx.msk [tilespmem:v63+s4+$0x0], $0xffff  }
0x169: {  	v61 =	vor.u32 v35, v45;
	_ =	sdelay $0x3  }
0x16a: {  	[tilespmem:v60+s16+$0x0] =	vst.idx.msk $0xffff, v56  }
0x16b: {  	v62 =	vor.u32 s28, v22;
	v56 =	vld.idx.msk [tilespmem:v61+s4+$0x0], $0xffff  }
0x16c: {  	v63 =	vor.u32 v35, v46;
	_ =	sdelay $0x3  }
0x16d: {  	[tilespmem:v62+s16+$0x0] =	vst.idx.msk $0xffff, v56  }
0x16e: {  	v60 =	vor.u32 s28, v23;
	v56 =	vld.idx.msk [tilespmem:v63+s4+$0x0], $0xffff  }
0x16f: {  	v61 =	vor.u32 v35, v47;
	_ =	sdelay $0x3  }
0x170: {  	[tilespmem:v60+s16+$0x0] =	vst.idx.msk $0xffff, v56  }
0x171: {  	v62 =	vor.u32 s28, v24;
	v56 =	vld.idx.msk [tilespmem:v61+s4+$0x0], $0xffff  }
0x172: {  	v63 =	vor.u32 v35, v48;
	_ =	sdelay $0x3  }
0x173: {  	[tilespmem:v62+s16+$0x0] =	vst.idx.msk $0xffff, v56  }
0x174: {  	v60 =	vor.u32 s28, v25;
	v56 =	vld.idx.msk [tilespmem:v63+s4+$0x0], $0xffff  }
0x175: {  	v61 =	vor.u32 v35, v49;
	_ =	sdelay $0x3  }
0x176: {  	[tilespmem:v60+s16+$0x0] =	vst.idx.msk $0xffff, v56  }
0x177: {  	v62 =	vor.u32 s28, v26;
	v56 =	vld.idx.msk [tilespmem:v61+s4+$0x0], $0xffff  }
0x178: {  	v63 =	vor.u32 v35, v50;
	_ =	sdelay $0x3  }
0x179: {  	[tilespmem:v62+s16+$0x0] =	vst.idx.msk $0xffff, v56  }
0x17a: {  	v60 =	vor.u32 s28, v27;
	v56 =	vld.idx.msk [tilespmem:v63+s4+$0x0], $0xffff  }
0x17b: {  	v61 =	vor.u32 v35, v51;
	_ =	sdelay $0x3  }
0x17c: {  	[tilespmem:v60+s16+$0x0] =	vst.idx.msk $0xffff, v56  }
0x17d: {  	v62 =	vor.u32 s28, v28;
	v56 =	vld.idx.msk [tilespmem:v61+s4+$0x0], $0xffff  }
0x17e: {  	v63 =	vor.u32 v35, v52;
	_ =	sdelay $0x3  }
0x17f: {  	[tilespmem:v62+s16+$0x0] =	vst.idx.msk $0xffff, v56  }
0x180: {  	v60 =	vor.u32 s28, v29;
	v56 =	vld.idx.msk [tilespmem:v63+s4+$0x0], $0xffff  }
0x181: {  	v61 =	vor.u32 v35, v53;
	_ =	sdelay $0x3  }
0x182: {  	[tilespmem:v60+s16+$0x0] =	vst.idx.msk $0xffff, v56  }
0x183: {  	v62 =	vor.u32 s28, v30;
	v56 =	vld.idx.msk [tilespmem:v61+s4+$0x0], $0xffff  }
0x184: {  	v63 =	vor.u32 v35, v54;
	_ =	sdelay $0x3  }
0x185: {  	[tilespmem:v62+s16+$0x0] =	vst.idx.msk $0xffff, v56  }
0x186: {  	v60 =	vor.u32 s28, v31;
	v56 =	vld.idx.msk [tilespmem:v63+s4+$0x0], $0xffff  }
0x187: {  	v61 =	vor.u32 v35, v55;
	_ =	sdelay $0x3  }
0x188: {  	[tilespmem:v60+s16+$0x0] =	vst.idx.msk $0xffff, v56  }
0x189: {  	v62 =	vor.u32 s28, v32;
	v56 =	vld.idx.msk [tilespmem:v61+s4+$0x0], $0xffff  }
0x18a: {  	v63 =	vor.u32 v36, v40;
	_ =	sdelay $0x3  }
0x18b: {  	s29 =	sadd.s32 $0xFFFFF400, s24;
	[tilespmem:v62+s16+$0x0] =	vst.idx.msk $0xffff, v56  }
0x18c: {  	v60 =	vor.u32 s29, v17;
	v56 =	vld.idx.msk [tilespmem:v63+s4+$0x0], $0xffff  }
0x18d: {  	v61 =	vor.u32 v36, v41;
	_ =	sdelay $0x3  }
0x18e: {  	[tilespmem:v60+s16+$0x0] =	vst.idx.msk $0xffff, v56  }
0x18f: {  	v62 =	vor.u32 s29, v18;
	v56 =	vld.idx.msk [tilespmem:v61+s4+$0x0], $0xffff  }
0x190: {  	v63 =	vor.u32 v36, v42;
	_ =	sdelay $0x3  }
0x191: {  	[tilespmem:v62+s16+$0x0] =	vst.idx.msk $0xffff, v56  }
0x192: {  	v60 =	vor.u32 s29, v19;
	v56 =	vld.idx.msk [tilespmem:v63+s4+$0x0], $0xffff  }
0x193: {  	v61 =	vor.u32 v36, v43;
	_ =	sdelay $0x3  }
0x194: {  	[tilespmem:v60+s16+$0x0] =	vst.idx.msk $0xffff, v56  }
0x195: {  	v62 =	vor.u32 s29, v20;
	v56 =	vld.idx.msk [tilespmem:v61+s4+$0x0], $0xffff  }
0x196: {  	v63 =	vor.u32 v36, v44;
	_ =	sdelay $0x3  }
0x197: {  	[tilespmem:v62+s16+$0x0] =	vst.idx.msk $0xffff, v56  }
0x198: {  	v60 =	vor.u32 s29, v21;
	v56 =	vld.idx.msk [tilespmem:v63+s4+$0x0], $0xffff  }
0x199: {  	v61 =	vor.u32 v36, v45;
	_ =	sdelay $0x3  }
0x19a: {  	[tilespmem:v60+s16+$0x0] =	vst.idx.msk $0xffff, v56  }
0x19b: {  	v62 =	vor.u32 s29, v22;
	v56 =	vld.idx.msk [tilespmem:v61+s4+$0x0], $0xffff  }
0x19c: {  	v63 =	vor.u32 v36, v46;
	_ =	sdelay $0x3  }
0x19d: {  	[tilespmem:v62+s16+$0x0] =	vst.idx.msk $0xffff, v56  }
0x19e: {  	v60 =	vor.u32 s29, v23;
	v56 =	vld.idx.msk [tilespmem:v63+s4+$0x0], $0xffff  }
0x19f: {  	v61 =	vor.u32 v36, v47;
	_ =	sdelay $0x3  }
0x1a0: {  	[tilespmem:v60+s16+$0x0] =	vst.idx.msk $0xffff, v56  }
0x1a1: {  	v62 =	vor.u32 s29, v24;
	v56 =	vld.idx.msk [tilespmem:v61+s4+$0x0], $0xffff  }
0x1a2: {  	v63 =	vor.u32 v36, v48;
	_ =	sdelay $0x3  }
0x1a3: {  	[tilespmem:v62+s16+$0x0] =	vst.idx.msk $0xffff, v56  }
0x1a4: {  	v60 =	vor.u32 s29, v25;
	v56 =	vld.idx.msk [tilespmem:v63+s4+$0x0], $0xffff  }
0x1a5: {  	v61 =	vor.u32 v36, v49;
	_ =	sdelay $0x3  }
0x1a6: {  	[tilespmem:v60+s16+$0x0] =	vst.idx.msk $0xffff, v56  }
0x1a7: {  	v62 =	vor.u32 s29, v26;
	v56 =	vld.idx.msk [tilespmem:v61+s4+$0x0], $0xffff  }
0x1a8: {  	v63 =	vor.u32 v36, v50;
	_ =	sdelay $0x3  }
0x1a9: {  	[tilespmem:v62+s16+$0x0] =	vst.idx.msk $0xffff, v56  }
0x1aa: {  	v60 =	vor.u32 s29, v27;
	v56 =	vld.idx.msk [tilespmem:v63+s4+$0x0], $0xffff  }
0x1ab: {  	v61 =	vor.u32 v36, v51;
	_ =	sdelay $0x3  }
0x1ac: {  	[tilespmem:v60+s16+$0x0] =	vst.idx.msk $0xffff, v56  }
0x1ad: {  	v62 =	vor.u32 s29, v28;
	v56 =	vld.idx.msk [tilespmem:v61+s4+$0x0], $0xffff  }
0x1ae: {  	v63 =	vor.u32 v36, v52;
	_ =	sdelay $0x3  }
0x1af: {  	[tilespmem:v62+s16+$0x0] =	vst.idx.msk $0xffff, v56  }
0x1b0: {  	v60 =	vor.u32 s29, v29;
	v56 =	vld.idx.msk [tilespmem:v63+s4+$0x0], $0xffff  }
0x1b1: {  	v61 =	vor.u32 v36, v53;
	_ =	sdelay $0x3  }
0x1b2: {  	[tilespmem:v60+s16+$0x0] =	vst.idx.msk $0xffff, v56  }
0x1b3: {  	v62 =	vor.u32 s29, v30;
	v56 =	vld.idx.msk [tilespmem:v61+s4+$0x0], $0xffff  }
0x1b4: {  	v63 =	vor.u32 v36, v54;
	_ =	sdelay $0x3  }
0x1b5: {  	[tilespmem:v62+s16+$0x0] =	vst.idx.msk $0xffff, v56  }
0x1b6: {  	v60 =	vor.u32 s29, v31;
	v56 =	vld.idx.msk [tilespmem:v63+s4+$0x0], $0xffff  }
0x1b7: {  	v61 =	vor.u32 v36, v55;
	_ =	sdelay $0x3  }
0x1b8: {  	[tilespmem:v60+s16+$0x0] =	vst.idx.msk $0xffff, v56  }
0x1b9: {  	v62 =	vor.u32 s29, v32;
	v56 =	vld.idx.msk [tilespmem:v61+s4+$0x0], $0xffff  }
0x1ba: {  	v63 =	vor.u32 v37, v40;
	_ =	sdelay $0x3  }
0x1bb: {  	s30 =	sadd.s32 $0xFFFFF800, s24;
	[tilespmem:v62+s16+$0x0] =	vst.idx.msk $0xffff, v56  }
0x1bc: {  	v60 =	vor.u32 s30, v17;
	v56 =	vld.idx.msk [tilespmem:v63+s4+$0x0], $0xffff  }
0x1bd: {  	v61 =	vor.u32 v37, v41;
	_ =	sdelay $0x3  }
0x1be: {  	[tilespmem:v60+s16+$0x0] =	vst.idx.msk $0xffff, v56  }
0x1bf: {  	v62 =	vor.u32 s30, v18;
	v56 =	vld.idx.msk [tilespmem:v61+s4+$0x0], $0xffff  }
0x1c0: {  	v63 =	vor.u32 v37, v42;
	_ =	sdelay $0x3  }
0x1c1: {  	[tilespmem:v62+s16+$0x0] =	vst.idx.msk $0xffff, v56  }
0x1c2: {  	v60 =	vor.u32 s30, v19;
	v56 =	vld.idx.msk [tilespmem:v63+s4+$0x0], $0xffff  }
0x1c3: {  	v61 =	vor.u32 v37, v43;
	_ =	sdelay $0x3  }
0x1c4: {  	[tilespmem:v60+s16+$0x0] =	vst.idx.msk $0xffff, v56  }
0x1c5: {  	v62 =	vor.u32 s30, v20;
	v56 =	vld.idx.msk [tilespmem:v61+s4+$0x0], $0xffff  }
0x1c6: {  	v63 =	vor.u32 v37, v44;
	_ =	sdelay $0x3  }
0x1c7: {  	[tilespmem:v62+s16+$0x0] =	vst.idx.msk $0xffff, v56  }
0x1c8: {  	v60 =	vor.u32 s30, v21;
	v56 =	vld.idx.msk [tilespmem:v63+s4+$0x0], $0xffff  }
0x1c9: {  	v61 =	vor.u32 v37, v45;
	_ =	sdelay $0x3  }
0x1ca: {  	[tilespmem:v60+s16+$0x0] =	vst.idx.msk $0xffff, v56  }
0x1cb: {  	v62 =	vor.u32 s30, v22;
	v56 =	vld.idx.msk [tilespmem:v61+s4+$0x0], $0xffff  }
0x1cc: {  	v63 =	vor.u32 v37, v46;
	_ =	sdelay $0x3  }
0x1cd: {  	[tilespmem:v62+s16+$0x0] =	vst.idx.msk $0xffff, v56  }
0x1ce: {  	v60 =	vor.u32 s30, v23;
	v56 =	vld.idx.msk [tilespmem:v63+s4+$0x0], $0xffff  }
0x1cf: {  	v61 =	vor.u32 v37, v47;
	_ =	sdelay $0x3  }
0x1d0: {  	[tilespmem:v60+s16+$0x0] =	vst.idx.msk $0xffff, v56  }
0x1d1: {  	v62 =	vor.u32 s30, v24;
	v56 =	vld.idx.msk [tilespmem:v61+s4+$0x0], $0xffff  }
0x1d2: {  	v63 =	vor.u32 v37, v48;
	_ =	sdelay $0x3  }
0x1d3: {  	[tilespmem:v62+s16+$0x0] =	vst.idx.msk $0xffff, v56  }
0x1d4: {  	v60 =	vor.u32 s30, v25;
	v56 =	vld.idx.msk [tilespmem:v63+s4+$0x0], $0xffff  }
0x1d5: {  	v61 =	vor.u32 v37, v49;
	_ =	sdelay $0x3  }
0x1d6: {  	[tilespmem:v60+s16+$0x0] =	vst.idx.msk $0xffff, v56  }
0x1d7: {  	v62 =	vor.u32 s30, v26;
	v56 =	vld.idx.msk [tilespmem:v61+s4+$0x0], $0xffff  }
0x1d8: {  	v63 =	vor.u32 v37, v50;
	_ =	sdelay $0x3  }
0x1d9: {  	[tilespmem:v62+s16+$0x0] =	vst.idx.msk $0xffff, v56  }
0x1da: {  	v60 =	vor.u32 s30, v27;
	v56 =	vld.idx.msk [tilespmem:v63+s4+$0x0], $0xffff  }
0x1db: {  	v61 =	vor.u32 v37, v51;
	_ =	sdelay $0x3  }
0x1dc: {  	[tilespmem:v60+s16+$0x0] =	vst.idx.msk $0xffff, v56  }
0x1dd: {  	v62 =	vor.u32 s30, v28;
	v56 =	vld.idx.msk [tilespmem:v61+s4+$0x0], $0xffff  }
0x1de: {  	v63 =	vor.u32 v37, v52;
	_ =	sdelay $0x3  }
0x1df: {  	[tilespmem:v62+s16+$0x0] =	vst.idx.msk $0xffff, v56  }
0x1e0: {  	v60 =	vor.u32 s30, v29;
	v56 =	vld.idx.msk [tilespmem:v63+s4+$0x0], $0xffff  }
0x1e1: {  	v61 =	vor.u32 v37, v53;
	_ =	sdelay $0x3  }
0x1e2: {  	[tilespmem:v60+s16+$0x0] =	vst.idx.msk $0xffff, v56  }
0x1e3: {  	v62 =	vor.u32 s30, v30;
	v56 =	vld.idx.msk [tilespmem:v61+s4+$0x0], $0xffff  }
0x1e4: {  	v63 =	vor.u32 v37, v54;
	_ =	sdelay $0x3  }
0x1e5: {  	[tilespmem:v62+s16+$0x0] =	vst.idx.msk $0xffff, v56  }
0x1e6: {  	v60 =	vor.u32 s30, v31;
	v56 =	vld.idx.msk [tilespmem:v63+s4+$0x0], $0xffff  }
0x1e7: {  	v61 =	vor.u32 v37, v55;
	_ =	sdelay $0x3  }
0x1e8: {  	[tilespmem:v60+s16+$0x0] =	vst.idx.msk $0xffff, v56  }
0x1e9: {  	v62 =	vor.u32 s30, v32;
	v56 =	vld.idx.msk [tilespmem:v61+s4+$0x0], $0xffff  }
0x1ea: {  	v63 =	vor.u32 v38, v40;
	_ =	sdelay $0x3  }
0x1eb: {  	s31 =	sadd.s32 $0xFFFFFC00, s24;
	[tilespmem:v62+s16+$0x0] =	vst.idx.msk $0xffff, v56  }
0x1ec: {  	v60 =	vor.u32 s31, v17;
	v56 =	vld.idx.msk [tilespmem:v63+s4+$0x0], $0xffff  }
0x1ed: {  	v61 =	vor.u32 v38, v41;
	_ =	sdelay $0x3  }
0x1ee: {  	[tilespmem:v60+s16+$0x0] =	vst.idx.msk $0xffff, v56  }
0x1ef: {  	v62 =	vor.u32 s31, v18;
	v56 =	vld.idx.msk [tilespmem:v61+s4+$0x0], $0xffff  }
0x1f0: {  	v63 =	vor.u32 v38, v42;
	_ =	sdelay $0x3  }
0x1f1: {  	[tilespmem:v62+s16+$0x0] =	vst.idx.msk $0xffff, v56  }
0x1f2: {  	v60 =	vor.u32 s31, v19;
	v56 =	vld.idx.msk [tilespmem:v63+s4+$0x0], $0xffff  }
0x1f3: {  	v61 =	vor.u32 v38, v43;
	_ =	sdelay $0x3  }
0x1f4: {  	[tilespmem:v60+s16+$0x0] =	vst.idx.msk $0xffff, v56  }
0x1f5: {  	v62 =	vor.u32 s31, v20;
	v56 =	vld.idx.msk [tilespmem:v61+s4+$0x0], $0xffff  }
0x1f6: {  	v63 =	vor.u32 v38, v44;
	_ =	sdelay $0x3  }
0x1f7: {  	[tilespmem:v62+s16+$0x0] =	vst.idx.msk $0xffff, v56  }
0x1f8: {  	v60 =	vor.u32 s31, v21;
	v56 =	vld.idx.msk [tilespmem:v63+s4+$0x0], $0xffff  }
0x1f9: {  	v61 =	vor.u32 v38, v45;
	_ =	sdelay $0x3  }
0x1fa: {  	[tilespmem:v60+s16+$0x0] =	vst.idx.msk $0xffff, v56  }
0x1fb: {  	v62 =	vor.u32 s31, v22;
	v56 =	vld.idx.msk [tilespmem:v61+s4+$0x0], $0xffff  }
0x1fc: {  	v63 =	vor.u32 v38, v46;
	_ =	sdelay $0x3  }
0x1fd: {  	[tilespmem:v62+s16+$0x0] =	vst.idx.msk $0xffff, v56  }
0x1fe: {  	v60 =	vor.u32 s31, v23;
	v56 =	vld.idx.msk [tilespmem:v63+s4+$0x0], $0xffff  }
0x1ff: {  	v61 =	vor.u32 v38, v47;
	_ =	sdelay $0x3  }
0x200: {  	[tilespmem:v60+s16+$0x0] =	vst.idx.msk $0xffff, v56  }
0x201: {  	v62 =	vor.u32 s31, v24;
	v56 =	vld.idx.msk [tilespmem:v61+s4+$0x0], $0xffff  }
0x202: {  	v63 =	vor.u32 v38, v48;
	_ =	sdelay $0x3  }
0x203: {  	[tilespmem:v62+s16+$0x0] =	vst.idx.msk $0xffff, v56  }
0x204: {  	v60 =	vor.u32 s31, v25;
	v56 =	vld.idx.msk [tilespmem:v63+s4+$0x0], $0xffff  }
0x205: {  	v61 =	vor.u32 v38, v49;
	_ =	sdelay $0x3  }
0x206: {  	[tilespmem:v60+s16+$0x0] =	vst.idx.msk $0xffff, v56  }
0x207: {  	v62 =	vor.u32 s31, v26;
	v56 =	vld.idx.msk [tilespmem:v61+s4+$0x0], $0xffff  }
0x208: {  	v63 =	vor.u32 v38, v50;
	_ =	sdelay $0x3  }
0x209: {  	[tilespmem:v62+s16+$0x0] =	vst.idx.msk $0xffff, v56  }
0x20a: {  	v60 =	vor.u32 s31, v27;
	v56 =	vld.idx.msk [tilespmem:v63+s4+$0x0], $0xffff  }
0x20b: {  	v61 =	vor.u32 v38, v51;
	_ =	sdelay $0x3  }
0x20c: {  	[tilespmem:v60+s16+$0x0] =	vst.idx.msk $0xffff, v56  }
0x20d: {  	v62 =	vor.u32 s31, v28;
	v56 =	vld.idx.msk [tilespmem:v61+s4+$0x0], $0xffff  }
0x20e: {  	v63 =	vor.u32 v38, v52;
	_ =	sdelay $0x3  }
0x20f: {  	[tilespmem:v62+s16+$0x0] =	vst.idx.msk $0xffff, v56  }
0x210: {  	v60 =	vor.u32 s31, v29;
	v56 =	vld.idx.msk [tilespmem:v63+s4+$0x0], $0xffff  }
0x211: {  	v61 =	vor.u32 v38, v53;
	_ =	sdelay $0x3  }
0x212: {  	[tilespmem:v60+s16+$0x0] =	vst.idx.msk $0xffff, v56  }
0x213: {  	v62 =	vor.u32 s31, v30;
	v56 =	vld.idx.msk [tilespmem:v61+s4+$0x0], $0xffff  }
0x214: {  	v63 =	vor.u32 v38, v54;
	_ =	sdelay $0x3  }
0x215: {  	[tilespmem:v62+s16+$0x0] =	vst.idx.msk $0xffff, v56  }
0x216: {  	v60 =	vor.u32 s31, v31;
	v56 =	vld.idx.msk [tilespmem:v63+s4+$0x0], $0xffff  }
0x217: {  	v61 =	vor.u32 v38, v55;
	_ =	sdelay $0x3  }
0x218: {  	[tilespmem:v60+s16+$0x0] =	vst.idx.msk $0xffff, v56  }
0x219: {  	v62 =	vor.u32 s31, v32;
	v56 =	vld.idx.msk [tilespmem:v61+s4+$0x0], $0xffff  }
0x21a: {  	v40 =	vor.u32 v39, v40;
	_ =	sdelay $0x3  }
0x21b: {  	[tilespmem:v62+s16+$0x0] =	vst.idx.msk $0xffff, v56  }
0x21c: {  	v63 =	vor.u32 s24, v17;
	v40 =	vld.idx.msk [tilespmem:v40+s4+$0x0], $0xffff  }
0x21d: {  	v41 =	vor.u32 v39, v41;
	_ =	sdelay $0x3  }
0x21e: {  	[tilespmem:v63+s16+$0x0] =	vst.idx.msk $0xffff, v40  }
0x21f: {  	v59 =	vor.u32 s24, v18;
	v40 =	vld.idx.msk [tilespmem:v41+s4+$0x0], $0xffff  }
0x220: {  	v42 =	vor.u32 v39, v42;
	_ =	sdelay $0x3  }
0x221: {  	[tilespmem:v59+s16+$0x0] =	vst.idx.msk $0xffff, v40  }
0x222: {  	v60 =	vor.u32 s24, v19;
	v40 =	vld.idx.msk [tilespmem:v42+s4+$0x0], $0xffff  }
0x223: {  	v61 =	vor.u32 v39, v43;
	_ =	sdelay $0x3  }
0x224: {  	[tilespmem:v60+s16+$0x0] =	vst.idx.msk $0xffff, v40  }
0x225: {  	v62 =	vor.u32 s24, v20;
	v40 =	vld.idx.msk [tilespmem:v61+s4+$0x0], $0xffff  }
0x226: {  	v63 =	vor.u32 v39, v44;
	_ =	sdelay $0x3  }
0x227: {  	[tilespmem:v62+s16+$0x0] =	vst.idx.msk $0xffff, v40  }
0x228: {  	v56 =	vor.u32 s24, v21;
	v40 =	vld.idx.msk [tilespmem:v63+s4+$0x0], $0xffff  }
0x229: {  	v57 =	vor.u32 v39, v45;
	_ =	sdelay $0x3  }
0x22a: {  	[tilespmem:v56+s16+$0x0] =	vst.idx.msk $0xffff, v40  }
0x22b: {  	v58 =	vor.u32 s24, v22;
	v40 =	vld.idx.msk [tilespmem:v57+s4+$0x0], $0xffff  }
0x22c: {  	v59 =	vor.u32 v39, v46;
	_ =	sdelay $0x3  }
0x22d: {  	[tilespmem:v58+s16+$0x0] =	vst.idx.msk $0xffff, v40  }
0x22e: {  	v60 =	vor.u32 s24, v23;
	v40 =	vld.idx.msk [tilespmem:v59+s4+$0x0], $0xffff  }
0x22f: {  	v61 =	vor.u32 v39, v47;
	_ =	sdelay $0x3  }
0x230: {  	[tilespmem:v60+s16+$0x0] =	vst.idx.msk $0xffff, v40  }
0x231: {  	v62 =	vor.u32 s24, v24;
	v40 =	vld.idx.msk [tilespmem:v61+s4+$0x0], $0xffff  }
0x232: {  	v63 =	vor.u32 v39, v48;
	_ =	sdelay $0x3  }
0x233: {  	[tilespmem:v62+s16+$0x0] =	vst.idx.msk $0xffff, v40  }
0x234: {  	v45 =	vor.u32 s24, v25;
	v40 =	vld.idx.msk [tilespmem:v63+s4+$0x0], $0xffff  }
0x235: {  	v46 =	vor.u32 v39, v49;
	_ =	sdelay $0x3  }
0x236: {  	[tilespmem:v45+s16+$0x0] =	vst.idx.msk $0xffff, v40  }
0x237: {  	v47 =	vor.u32 s24, v26;
	v40 =	vld.idx.msk [tilespmem:v46+s4+$0x0], $0xffff  }
0x238: {  	v48 =	vor.u32 v39, v50;
	_ =	sdelay $0x3  }
0x239: {  	[tilespmem:v47+s16+$0x0] =	vst.idx.msk $0xffff, v40  }
0x23a: {  	v49 =	vor.u32 s24, v27;
	v40 =	vld.idx.msk [tilespmem:v48+s4+$0x0], $0xffff  }
0x23b: {  	v50 =	vor.u32 v39, v51;
	_ =	sdelay $0x3  }
0x23c: {  	[tilespmem:v49+s16+$0x0] =	vst.idx.msk $0xffff, v40  }
0x23d: {  	v51 =	vor.u32 s24, v28;
	v40 =	vld.idx.msk [tilespmem:v50+s4+$0x0], $0xffff  }
0x23e: {  	v56 =	vor.u32 v39, v52;
	_ =	sdelay $0x3  }
0x23f: {  	[tilespmem:v51+s16+$0x0] =	vst.idx.msk $0xffff, v40  }
0x240: {  	v57 =	vor.u32 s24, v29;
	v40 =	vld.idx.msk [tilespmem:v56+s4+$0x0], $0xffff  }
0x241: {  	v58 =	vor.u32 v39, v53;
	_ =	sdelay $0x3  }
0x242: {  	[tilespmem:v57+s16+$0x0] =	vst.idx.msk $0xffff, v40  }
0x243: {  	v59 =	vor.u32 s24, v30;
	v40 =	vld.idx.msk [tilespmem:v58+s4+$0x0], $0xffff  }
0x244: {  	v60 =	vor.u32 v39, v54;
	_ =	sdelay $0x3  }
0x245: {  	[tilespmem:v59+s16+$0x0] =	vst.idx.msk $0xffff, v40  }
0x246: {  	v61 =	vor.u32 s24, v31;
	v40 =	vld.idx.msk [tilespmem:v60+s4+$0x0], $0xffff  }
0x247: {  	v62 =	vor.u32 v39, v55;
	_ =	sdelay $0x3  }
0x248: {  	[tilespmem:v61+s16+$0x0] =	vst.idx.msk $0xffff, v40  }
0x249: {  	p2 =	sne.s32 s24, $0x1C30;
	v63 =	vor.u32 s24, v32;
	v40 =	vld.idx.msk [tilespmem:v62+s4+$0x0], $0xffff  }
.Ltmp5:
0x24a: {  	_ = 	snop;
	(pc) =	sbr.rel @p2 .LBB2_4-.Ltmp5, $2  }
0x24b: {  	_ =	sdelay $0x2  }
0x24c: {  	s24 =	sadd.s32 $0x10, s24;
	[tilespmem:v63+s16+$0x0] =	vst.idx.msk $0xffff, v40  }
0x24d: {  	s24 =	sadd.s32 s5, s23  }
0x24e: {  	s24 =	sshll.u32 s24, $0xA  }
0x24f: {  	s24 =	sand.u32 $0x1FFFFC00, s24  }
0x250: {  	s24 =	sadd.s32 s6, s24  }
0x251: {  	[hbm4b:s24+s4] =	stream.linear.scatter [tilespmem:s16], [sflag:$0x3], $0x2000, $0x38;
	[tilespmem:$0x8000] =	vst v63  }
0x252: {  	s24 =	sadd.s32 $0x2, s23  }
0x253: {  	p2 =	sge.u32 s24, s7  }
0x254: {  	s24 =	sadd.s32 @!p2 s5, s24  }
0x255: {  	s24 =	sshll.u32 @!p2 s24, $0x7  }
0x256: {  	s25 =	simm.s32 @!p2 $0x400;
	s24 =	sand.u32 @!p2 $0x1FFFFF80, s24  }
0x257: {  	s26 =	simm.s32 @!p2 $0x7A1400;
	s28 =	simm.s32 @!p2 $0x0;
	s24 =	sadd.s32 @!p2 s1, s24  }
0x258: {  	[tilespmem:s28], [sflag:$0x1] =	stream.strided.gather @!p2 [hbm4b:s24+s25], $0x2000, s26, s25, $0x38;
	[tilespmem:$0x8000] =	vst v63  }
.LBB2_6:
0x259: {  	s24 =	sor.u32 $0x1, s23  }
0x25a: {  	p2 =	sge.u32 s24, s7  }
.Ltmp6:
0x25b: {  	_ = 	snop;
	(pc) =	sbr.rel @p2 .LBB2_10-.Ltmp6, $1  }
0x25c: {  	_ =	sdelay $0x3  }
0x25d: {  	_ =	swait.ge [sflag:s17], $0x2000  }
0x25e: {  	[sflag:s17] =	ssyncset.done $0x0  }
0x25f: {  	s25 =	simm.s32 @!p1 $0x4;
	[sflag:s17] =	ssyncadd.s32 $0xFFFFE000  }
0x260: {  	_ =	swait.ge @!p1 [sflag:s25], $0x2000  }
0x261: {  	[sflag:s25] =	ssyncset.done @!p1 $0x0  }
0x262: {  	[sflag:s25] =	ssyncadd.s32 @!p1 $0xFFFFE000;
	s25 =	simm.s32 $0x1C00  }
.LBB2_8:
0x263: {  	s26 =	sadd.s32 $0xFFFFE400, s25  }
0x264: {  	v40 =	vmov s26  }
0x265: {  	v55 =	vshll.u32 v40, $0x7  }
0x266: {  	v40 =	vor.u32 v16, v55  }
0x267: {  	v41 =	vor.u32 v0, v40;
	_ =	sdelay $0x4  }
0x268: {  	v43 =	vor.u32 s26, v17;
	v42 =	vld.idx.msk [tilespmem:v41+s14+$0x0], $0xffff;
	v41 =	vor.u32 v15, v55  }
0x269: {  	v44 =	vor.u32 v0, v41;
	_ =	sdelay $0x3  }
0x26a: {  	[tilespmem:v43+s18+$0x0] =	vst.idx.msk $0xffff, v42  }
0x26b: {  	v50 =	vor.u32 s26, v18;
	v42 =	vor.u32 v14, v55;
	v43 =	vld.idx.msk [tilespmem:v44+s14+$0x0], $0xffff  }
0x26c: {  	v45 =	vor.u32 v0, v42;
	_ =	sdelay $0x3  }
0x26d: {  	[tilespmem:v50+s18+$0x0] =	vst.idx.msk $0xffff, v43  }
0x26e: {  	v51 =	vor.u32 s26, v19;
	v43 =	vor.u32 v13, v55;
	v44 =	vld.idx.msk [tilespmem:v45+s14+$0x0], $0xffff  }
0x26f: {  	v46 =	vor.u32 v0, v43;
	_ =	sdelay $0x3  }
0x270: {  	[tilespmem:v51+s18+$0x0] =	vst.idx.msk $0xffff, v44  }
0x271: {  	v52 =	vor.u32 s26, v20;
	v44 =	vor.u32 v12, v55;
	v45 =	vld.idx.msk [tilespmem:v46+s14+$0x0], $0xffff  }
0x272: {  	v47 =	vor.u32 v0, v44;
	_ =	sdelay $0x3  }
0x273: {  	[tilespmem:v52+s18+$0x0] =	vst.idx.msk $0xffff, v45  }
0x274: {  	v53 =	vor.u32 s26, v21;
	v45 =	vor.u32 v11, v55;
	v46 =	vld.idx.msk [tilespmem:v47+s14+$0x0], $0xffff  }
0x275: {  	v48 =	vor.u32 v0, v45;
	_ =	sdelay $0x3  }
0x276: {  	[tilespmem:v53+s18+$0x0] =	vst.idx.msk $0xffff, v46  }
0x277: {  	v54 =	vor.u32 s26, v22;
	v46 =	vor.u32 v10, v55;
	v47 =	vld.idx.msk [tilespmem:v48+s14+$0x0], $0xffff  }
0x278: {  	v49 =	vor.u32 v0, v46;
	_ =	sdelay $0x3  }
0x279: {  	[tilespmem:v54+s18+$0x0] =	vst.idx.msk $0xffff, v47  }
0x27a: {  	v56 =	vor.u32 s26, v23;
	v47 =	vor.u32 v9, v55;
	v48 =	vld.idx.msk [tilespmem:v49+s14+$0x0], $0xffff  }
0x27b: {  	v50 =	vor.u32 v0, v47;
	_ =	sdelay $0x3  }
0x27c: {  	[tilespmem:v56+s18+$0x0] =	vst.idx.msk $0xffff, v48  }
0x27d: {  	v57 =	vor.u32 s26, v24;
	v48 =	vor.u32 v8, v55;
	v49 =	vld.idx.msk [tilespmem:v50+s14+$0x0], $0xffff  }
0x27e: {  	v51 =	vor.u32 v0, v48;
	_ =	sdelay $0x3  }
0x27f: {  	[tilespmem:v57+s18+$0x0] =	vst.idx.msk $0xffff, v49  }
0x280: {  	v58 =	vor.u32 s26, v25;
	v49 =	vor.u32 v7, v55;
	v50 =	vld.idx.msk [tilespmem:v51+s14+$0x0], $0xffff  }
0x281: {  	v52 =	vor.u32 v0, v49;
	_ =	sdelay $0x3  }
0x282: {  	[tilespmem:v58+s18+$0x0] =	vst.idx.msk $0xffff, v50  }
0x283: {  	v59 =	vor.u32 s26, v26;
	v50 =	vor.u32 v6, v55;
	v51 =	vld.idx.msk [tilespmem:v52+s14+$0x0], $0xffff  }
0x284: {  	v53 =	vor.u32 v0, v50;
	_ =	sdelay $0x3  }
0x285: {  	[tilespmem:v59+s18+$0x0] =	vst.idx.msk $0xffff, v51  }
0x286: {  	v60 =	vor.u32 s26, v27;
	v51 =	vor.u32 v5, v55;
	v52 =	vld.idx.msk [tilespmem:v53+s14+$0x0], $0xffff  }
0x287: {  	v54 =	vor.u32 v0, v51;
	_ =	sdelay $0x3  }
0x288: {  	[tilespmem:v60+s18+$0x0] =	vst.idx.msk $0xffff, v52  }
0x289: {  	v61 =	vor.u32 s26, v28;
	v52 =	vor.u32 v4, v55;
	v53 =	vld.idx.msk [tilespmem:v54+s14+$0x0], $0xffff  }
0x28a: {  	v56 =	vor.u32 v0, v52;
	_ =	sdelay $0x3  }
0x28b: {  	[tilespmem:v61+s18+$0x0] =	vst.idx.msk $0xffff, v53  }
0x28c: {  	v62 =	vor.u32 s26, v29;
	v53 =	vor.u32 v3, v55;
	v54 =	vld.idx.msk [tilespmem:v56+s14+$0x0], $0xffff  }
0x28d: {  	v57 =	vor.u32 v0, v53;
	_ =	sdelay $0x3  }
0x28e: {  	[tilespmem:v62+s18+$0x0] =	vst.idx.msk $0xffff, v54  }
0x28f: {  	v63 =	vor.u32 s26, v30;
	v54 =	vor.u32 v2, v55;
	v56 =	vld.idx.msk [tilespmem:v57+s14+$0x0], $0xffff  }
0x290: {  	v58 =	vor.u32 v0, v54;
	_ =	sdelay $0x3  }
0x291: {  	[tilespmem:v63+s18+$0x0] =	vst.idx.msk $0xffff, v56  }
0x292: {  	v60 =	vor.u32 s26, v31;
	v55 =	vor.u32 v1, v55;
	v56 =	vld.idx.msk [tilespmem:v58+s14+$0x0], $0xffff  }
0x293: {  	v61 =	vor.u32 v0, v55;
	_ =	sdelay $0x3  }
0x294: {  	[tilespmem:v60+s18+$0x0] =	vst.idx.msk $0xffff, v56  }
0x295: {  	v62 =	vor.u32 s26, v32;
	v56 =	vld.idx.msk [tilespmem:v61+s14+$0x0], $0xffff  }
0x296: {  	v63 =	vor.u32 v33, v40;
	_ =	sdelay $0x3  }
0x297: {  	s30 =	sadd.s32 $0xFFFFE800, s25;
	[tilespmem:v62+s18+$0x0] =	vst.idx.msk $0xffff, v56  }
0x298: {  	v60 =	vor.u32 s30, v17;
	v56 =	vld.idx.msk [tilespmem:v63+s14+$0x0], $0xffff  }
0x299: {  	v61 =	vor.u32 v33, v41;
	_ =	sdelay $0x3  }
0x29a: {  	[tilespmem:v60+s18+$0x0] =	vst.idx.msk $0xffff, v56  }
0x29b: {  	v62 =	vor.u32 s30, v18;
	v56 =	vld.idx.msk [tilespmem:v61+s14+$0x0], $0xffff  }
0x29c: {  	v63 =	vor.u32 v33, v42;
	_ =	sdelay $0x3  }
0x29d: {  	[tilespmem:v62+s18+$0x0] =	vst.idx.msk $0xffff, v56  }
0x29e: {  	v60 =	vor.u32 s30, v19;
	v56 =	vld.idx.msk [tilespmem:v63+s14+$0x0], $0xffff  }
0x29f: {  	v61 =	vor.u32 v33, v43;
	_ =	sdelay $0x3  }
0x2a0: {  	[tilespmem:v60+s18+$0x0] =	vst.idx.msk $0xffff, v56  }
0x2a1: {  	v62 =	vor.u32 s30, v20;
	v56 =	vld.idx.msk [tilespmem:v61+s14+$0x0], $0xffff  }
0x2a2: {  	v63 =	vor.u32 v33, v44;
	_ =	sdelay $0x3  }
0x2a3: {  	[tilespmem:v62+s18+$0x0] =	vst.idx.msk $0xffff, v56  }
0x2a4: {  	v60 =	vor.u32 s30, v21;
	v56 =	vld.idx.msk [tilespmem:v63+s14+$0x0], $0xffff  }
0x2a5: {  	v61 =	vor.u32 v33, v45;
	_ =	sdelay $0x3  }
0x2a6: {  	[tilespmem:v60+s18+$0x0] =	vst.idx.msk $0xffff, v56  }
0x2a7: {  	v62 =	vor.u32 s30, v22;
	v56 =	vld.idx.msk [tilespmem:v61+s14+$0x0], $0xffff  }
0x2a8: {  	v63 =	vor.u32 v33, v46;
	_ =	sdelay $0x3  }
0x2a9: {  	[tilespmem:v62+s18+$0x0] =	vst.idx.msk $0xffff, v56  }
0x2aa: {  	v60 =	vor.u32 s30, v23;
	v56 =	vld.idx.msk [tilespmem:v63+s14+$0x0], $0xffff  }
0x2ab: {  	v61 =	vor.u32 v33, v47;
	_ =	sdelay $0x3  }
0x2ac: {  	[tilespmem:v60+s18+$0x0] =	vst.idx.msk $0xffff, v56  }
0x2ad: {  	v62 =	vor.u32 s30, v24;
	v56 =	vld.idx.msk [tilespmem:v61+s14+$0x0], $0xffff  }
0x2ae: {  	v63 =	vor.u32 v33, v48;
	_ =	sdelay $0x3  }
0x2af: {  	[tilespmem:v62+s18+$0x0] =	vst.idx.msk $0xffff, v56  }
0x2b0: {  	v60 =	vor.u32 s30, v25;
	v56 =	vld.idx.msk [tilespmem:v63+s14+$0x0], $0xffff  }
0x2b1: {  	v61 =	vor.u32 v33, v49;
	_ =	sdelay $0x3  }
0x2b2: {  	[tilespmem:v60+s18+$0x0] =	vst.idx.msk $0xffff, v56  }
0x2b3: {  	v62 =	vor.u32 s30, v26;
	v56 =	vld.idx.msk [tilespmem:v61+s14+$0x0], $0xffff  }
0x2b4: {  	v63 =	vor.u32 v33, v50;
	_ =	sdelay $0x3  }
0x2b5: {  	[tilespmem:v62+s18+$0x0] =	vst.idx.msk $0xffff, v56  }
0x2b6: {  	v60 =	vor.u32 s30, v27;
	v56 =	vld.idx.msk [tilespmem:v63+s14+$0x0], $0xffff  }
0x2b7: {  	v61 =	vor.u32 v33, v51;
	_ =	sdelay $0x3  }
0x2b8: {  	[tilespmem:v60+s18+$0x0] =	vst.idx.msk $0xffff, v56  }
0x2b9: {  	v62 =	vor.u32 s30, v28;
	v56 =	vld.idx.msk [tilespmem:v61+s14+$0x0], $0xffff  }
0x2ba: {  	v63 =	vor.u32 v33, v52;
	_ =	sdelay $0x3  }
0x2bb: {  	[tilespmem:v62+s18+$0x0] =	vst.idx.msk $0xffff, v56  }
0x2bc: {  	v60 =	vor.u32 s30, v29;
	v56 =	vld.idx.msk [tilespmem:v63+s14+$0x0], $0xffff  }
0x2bd: {  	v61 =	vor.u32 v33, v53;
	_ =	sdelay $0x3  }
0x2be: {  	[tilespmem:v60+s18+$0x0] =	vst.idx.msk $0xffff, v56  }
0x2bf: {  	v62 =	vor.u32 s30, v30;
	v56 =	vld.idx.msk [tilespmem:v61+s14+$0x0], $0xffff  }
0x2c0: {  	v63 =	vor.u32 v33, v54;
	_ =	sdelay $0x3  }
0x2c1: {  	[tilespmem:v62+s18+$0x0] =	vst.idx.msk $0xffff, v56  }
0x2c2: {  	v60 =	vor.u32 s30, v31;
	v56 =	vld.idx.msk [tilespmem:v63+s14+$0x0], $0xffff  }
0x2c3: {  	v61 =	vor.u32 v33, v55;
	_ =	sdelay $0x3  }
0x2c4: {  	[tilespmem:v60+s18+$0x0] =	vst.idx.msk $0xffff, v56  }
0x2c5: {  	v62 =	vor.u32 s30, v32;
	v56 =	vld.idx.msk [tilespmem:v61+s14+$0x0], $0xffff  }
0x2c6: {  	v63 =	vor.u32 v34, v40;
	_ =	sdelay $0x3  }
0x2c7: {  	s31 =	sadd.s32 $0xFFFFEC00, s25;
	[tilespmem:v62+s18+$0x0] =	vst.idx.msk $0xffff, v56  }
0x2c8: {  	v60 =	vor.u32 s31, v17;
	v56 =	vld.idx.msk [tilespmem:v63+s14+$0x0], $0xffff  }
0x2c9: {  	v61 =	vor.u32 v34, v41;
	_ =	sdelay $0x3  }
0x2ca: {  	[tilespmem:v60+s18+$0x0] =	vst.idx.msk $0xffff, v56  }
0x2cb: {  	v62 =	vor.u32 s31, v18;
	v56 =	vld.idx.msk [tilespmem:v61+s14+$0x0], $0xffff  }
0x2cc: {  	v63 =	vor.u32 v34, v42;
	_ =	sdelay $0x3  }
0x2cd: {  	[tilespmem:v62+s18+$0x0] =	vst.idx.msk $0xffff, v56  }
0x2ce: {  	v60 =	vor.u32 s31, v19;
	v56 =	vld.idx.msk [tilespmem:v63+s14+$0x0], $0xffff  }
0x2cf: {  	v61 =	vor.u32 v34, v43;
	_ =	sdelay $0x3  }
0x2d0: {  	[tilespmem:v60+s18+$0x0] =	vst.idx.msk $0xffff, v56  }
0x2d1: {  	v62 =	vor.u32 s31, v20;
	v56 =	vld.idx.msk [tilespmem:v61+s14+$0x0], $0xffff  }
0x2d2: {  	v63 =	vor.u32 v34, v44;
	_ =	sdelay $0x3  }
0x2d3: {  	[tilespmem:v62+s18+$0x0] =	vst.idx.msk $0xffff, v56  }
0x2d4: {  	v60 =	vor.u32 s31, v21;
	v56 =	vld.idx.msk [tilespmem:v63+s14+$0x0], $0xffff  }
0x2d5: {  	v61 =	vor.u32 v34, v45;
	_ =	sdelay $0x3  }
0x2d6: {  	[tilespmem:v60+s18+$0x0] =	vst.idx.msk $0xffff, v56  }
0x2d7: {  	v62 =	vor.u32 s31, v22;
	v56 =	vld.idx.msk [tilespmem:v61+s14+$0x0], $0xffff  }
0x2d8: {  	v63 =	vor.u32 v34, v46;
	_ =	sdelay $0x3  }
0x2d9: {  	[tilespmem:v62+s18+$0x0] =	vst.idx.msk $0xffff, v56  }
0x2da: {  	v60 =	vor.u32 s31, v23;
	v56 =	vld.idx.msk [tilespmem:v63+s14+$0x0], $0xffff  }
0x2db: {  	v61 =	vor.u32 v34, v47;
	_ =	sdelay $0x3  }
0x2dc: {  	[tilespmem:v60+s18+$0x0] =	vst.idx.msk $0xffff, v56  }
0x2dd: {  	v62 =	vor.u32 s31, v24;
	v56 =	vld.idx.msk [tilespmem:v61+s14+$0x0], $0xffff  }
0x2de: {  	v63 =	vor.u32 v34, v48;
	_ =	sdelay $0x3  }
0x2df: {  	[tilespmem:v62+s18+$0x0] =	vst.idx.msk $0xffff, v56  }
0x2e0: {  	v60 =	vor.u32 s31, v25;
	v56 =	vld.idx.msk [tilespmem:v63+s14+$0x0], $0xffff  }
0x2e1: {  	v61 =	vor.u32 v34, v49;
	_ =	sdelay $0x3  }
0x2e2: {  	[tilespmem:v60+s18+$0x0] =	vst.idx.msk $0xffff, v56  }
0x2e3: {  	v62 =	vor.u32 s31, v26;
	v56 =	vld.idx.msk [tilespmem:v61+s14+$0x0], $0xffff  }
0x2e4: {  	v63 =	vor.u32 v34, v50;
	_ =	sdelay $0x3  }
0x2e5: {  	[tilespmem:v62+s18+$0x0] =	vst.idx.msk $0xffff, v56  }
0x2e6: {  	v60 =	vor.u32 s31, v27;
	v56 =	vld.idx.msk [tilespmem:v63+s14+$0x0], $0xffff  }
0x2e7: {  	v61 =	vor.u32 v34, v51;
	_ =	sdelay $0x3  }
0x2e8: {  	[tilespmem:v60+s18+$0x0] =	vst.idx.msk $0xffff, v56  }
0x2e9: {  	v62 =	vor.u32 s31, v28;
	v56 =	vld.idx.msk [tilespmem:v61+s14+$0x0], $0xffff  }
0x2ea: {  	v63 =	vor.u32 v34, v52;
	_ =	sdelay $0x3  }
0x2eb: {  	[tilespmem:v62+s18+$0x0] =	vst.idx.msk $0xffff, v56  }
0x2ec: {  	v60 =	vor.u32 s31, v29;
	v56 =	vld.idx.msk [tilespmem:v63+s14+$0x0], $0xffff  }
0x2ed: {  	v61 =	vor.u32 v34, v53;
	_ =	sdelay $0x3  }
0x2ee: {  	[tilespmem:v60+s18+$0x0] =	vst.idx.msk $0xffff, v56  }
0x2ef: {  	v62 =	vor.u32 s31, v30;
	v56 =	vld.idx.msk [tilespmem:v61+s14+$0x0], $0xffff  }
0x2f0: {  	v63 =	vor.u32 v34, v54;
	_ =	sdelay $0x3  }
0x2f1: {  	[tilespmem:v62+s18+$0x0] =	vst.idx.msk $0xffff, v56  }
0x2f2: {  	v60 =	vor.u32 s31, v31;
	v56 =	vld.idx.msk [tilespmem:v63+s14+$0x0], $0xffff  }
0x2f3: {  	v61 =	vor.u32 v34, v55;
	_ =	sdelay $0x3  }
0x2f4: {  	[tilespmem:v60+s18+$0x0] =	vst.idx.msk $0xffff, v56  }
0x2f5: {  	v62 =	vor.u32 s31, v32;
	v56 =	vld.idx.msk [tilespmem:v61+s14+$0x0], $0xffff  }
0x2f6: {  	v63 =	vor.u32 v35, v40;
	_ =	sdelay $0x3  }
0x2f7: {  	s28 =	sadd.s32 $0xFFFFF000, s25;
	[tilespmem:v62+s18+$0x0] =	vst.idx.msk $0xffff, v56  }
0x2f8: {  	v60 =	vor.u32 s28, v17;
	v56 =	vld.idx.msk [tilespmem:v63+s14+$0x0], $0xffff  }
0x2f9: {  	v61 =	vor.u32 v35, v41;
	_ =	sdelay $0x3  }
0x2fa: {  	[tilespmem:v60+s18+$0x0] =	vst.idx.msk $0xffff, v56  }
0x2fb: {  	v62 =	vor.u32 s28, v18;
	v56 =	vld.idx.msk [tilespmem:v61+s14+$0x0], $0xffff  }
0x2fc: {  	v63 =	vor.u32 v35, v42;
	_ =	sdelay $0x3  }
0x2fd: {  	[tilespmem:v62+s18+$0x0] =	vst.idx.msk $0xffff, v56  }
0x2fe: {  	v60 =	vor.u32 s28, v19;
	v56 =	vld.idx.msk [tilespmem:v63+s14+$0x0], $0xffff  }
0x2ff: {  	v61 =	vor.u32 v35, v43;
	_ =	sdelay $0x3  }
0x300: {  	[tilespmem:v60+s18+$0x0] =	vst.idx.msk $0xffff, v56  }
0x301: {  	v62 =	vor.u32 s28, v20;
	v56 =	vld.idx.msk [tilespmem:v61+s14+$0x0], $0xffff  }
0x302: {  	v63 =	vor.u32 v35, v44;
	_ =	sdelay $0x3  }
0x303: {  	[tilespmem:v62+s18+$0x0] =	vst.idx.msk $0xffff, v56  }
0x304: {  	v60 =	vor.u32 s28, v21;
	v56 =	vld.idx.msk [tilespmem:v63+s14+$0x0], $0xffff  }
0x305: {  	v61 =	vor.u32 v35, v45;
	_ =	sdelay $0x3  }
0x306: {  	[tilespmem:v60+s18+$0x0] =	vst.idx.msk $0xffff, v56  }
0x307: {  	v62 =	vor.u32 s28, v22;
	v56 =	vld.idx.msk [tilespmem:v61+s14+$0x0], $0xffff  }
0x308: {  	v63 =	vor.u32 v35, v46;
	_ =	sdelay $0x3  }
0x309: {  	[tilespmem:v62+s18+$0x0] =	vst.idx.msk $0xffff, v56  }
0x30a: {  	v60 =	vor.u32 s28, v23;
	v56 =	vld.idx.msk [tilespmem:v63+s14+$0x0], $0xffff  }
0x30b: {  	v61 =	vor.u32 v35, v47;
	_ =	sdelay $0x3  }
0x30c: {  	[tilespmem:v60+s18+$0x0] =	vst.idx.msk $0xffff, v56  }
0x30d: {  	v62 =	vor.u32 s28, v24;
	v56 =	vld.idx.msk [tilespmem:v61+s14+$0x0], $0xffff  }
0x30e: {  	v63 =	vor.u32 v35, v48;
	_ =	sdelay $0x3  }
0x30f: {  	[tilespmem:v62+s18+$0x0] =	vst.idx.msk $0xffff, v56  }
0x310: {  	v60 =	vor.u32 s28, v25;
	v56 =	vld.idx.msk [tilespmem:v63+s14+$0x0], $0xffff  }
0x311: {  	v61 =	vor.u32 v35, v49;
	_ =	sdelay $0x3  }
0x312: {  	[tilespmem:v60+s18+$0x0] =	vst.idx.msk $0xffff, v56  }
0x313: {  	v62 =	vor.u32 s28, v26;
	v56 =	vld.idx.msk [tilespmem:v61+s14+$0x0], $0xffff  }
0x314: {  	v63 =	vor.u32 v35, v50;
	_ =	sdelay $0x3  }
0x315: {  	[tilespmem:v62+s18+$0x0] =	vst.idx.msk $0xffff, v56  }
0x316: {  	v60 =	vor.u32 s28, v27;
	v56 =	vld.idx.msk [tilespmem:v63+s14+$0x0], $0xffff  }
0x317: {  	v61 =	vor.u32 v35, v51;
	_ =	sdelay $0x3  }
0x318: {  	[tilespmem:v60+s18+$0x0] =	vst.idx.msk $0xffff, v56  }
0x319: {  	v62 =	vor.u32 s28, v28;
	v56 =	vld.idx.msk [tilespmem:v61+s14+$0x0], $0xffff  }
0x31a: {  	v63 =	vor.u32 v35, v52;
	_ =	sdelay $0x3  }
0x31b: {  	[tilespmem:v62+s18+$0x0] =	vst.idx.msk $0xffff, v56  }
0x31c: {  	v60 =	vor.u32 s28, v29;
	v56 =	vld.idx.msk [tilespmem:v63+s14+$0x0], $0xffff  }
0x31d: {  	v61 =	vor.u32 v35, v53;
	_ =	sdelay $0x3  }
0x31e: {  	[tilespmem:v60+s18+$0x0] =	vst.idx.msk $0xffff, v56  }
0x31f: {  	v62 =	vor.u32 s28, v30;
	v56 =	vld.idx.msk [tilespmem:v61+s14+$0x0], $0xffff  }
0x320: {  	v63 =	vor.u32 v35, v54;
	_ =	sdelay $0x3  }
0x321: {  	[tilespmem:v62+s18+$0x0] =	vst.idx.msk $0xffff, v56  }
0x322: {  	v60 =	vor.u32 s28, v31;
	v56 =	vld.idx.msk [tilespmem:v63+s14+$0x0], $0xffff  }
0x323: {  	v61 =	vor.u32 v35, v55;
	_ =	sdelay $0x3  }
0x324: {  	[tilespmem:v60+s18+$0x0] =	vst.idx.msk $0xffff, v56  }
0x325: {  	v62 =	vor.u32 s28, v32;
	v56 =	vld.idx.msk [tilespmem:v61+s14+$0x0], $0xffff  }
0x326: {  	v63 =	vor.u32 v36, v40;
	_ =	sdelay $0x3  }
0x327: {  	s29 =	sadd.s32 $0xFFFFF400, s25;
	[tilespmem:v62+s18+$0x0] =	vst.idx.msk $0xffff, v56  }
0x328: {  	v60 =	vor.u32 s29, v17;
	v56 =	vld.idx.msk [tilespmem:v63+s14+$0x0], $0xffff  }
0x329: {  	v61 =	vor.u32 v36, v41;
	_ =	sdelay $0x3  }
0x32a: {  	[tilespmem:v60+s18+$0x0] =	vst.idx.msk $0xffff, v56  }
0x32b: {  	v62 =	vor.u32 s29, v18;
	v56 =	vld.idx.msk [tilespmem:v61+s14+$0x0], $0xffff  }
0x32c: {  	v63 =	vor.u32 v36, v42;
	_ =	sdelay $0x3  }
0x32d: {  	[tilespmem:v62+s18+$0x0] =	vst.idx.msk $0xffff, v56  }
0x32e: {  	v60 =	vor.u32 s29, v19;
	v56 =	vld.idx.msk [tilespmem:v63+s14+$0x0], $0xffff  }
0x32f: {  	v61 =	vor.u32 v36, v43;
	_ =	sdelay $0x3  }
0x330: {  	[tilespmem:v60+s18+$0x0] =	vst.idx.msk $0xffff, v56  }
0x331: {  	v62 =	vor.u32 s29, v20;
	v56 =	vld.idx.msk [tilespmem:v61+s14+$0x0], $0xffff  }
0x332: {  	v63 =	vor.u32 v36, v44;
	_ =	sdelay $0x3  }
0x333: {  	[tilespmem:v62+s18+$0x0] =	vst.idx.msk $0xffff, v56  }
0x334: {  	v60 =	vor.u32 s29, v21;
	v56 =	vld.idx.msk [tilespmem:v63+s14+$0x0], $0xffff  }
0x335: {  	v61 =	vor.u32 v36, v45;
	_ =	sdelay $0x3  }
0x336: {  	[tilespmem:v60+s18+$0x0] =	vst.idx.msk $0xffff, v56  }
0x337: {  	v62 =	vor.u32 s29, v22;
	v56 =	vld.idx.msk [tilespmem:v61+s14+$0x0], $0xffff  }
0x338: {  	v63 =	vor.u32 v36, v46;
	_ =	sdelay $0x3  }
0x339: {  	[tilespmem:v62+s18+$0x0] =	vst.idx.msk $0xffff, v56  }
0x33a: {  	v60 =	vor.u32 s29, v23;
	v56 =	vld.idx.msk [tilespmem:v63+s14+$0x0], $0xffff  }
0x33b: {  	v61 =	vor.u32 v36, v47;
	_ =	sdelay $0x3  }
0x33c: {  	[tilespmem:v60+s18+$0x0] =	vst.idx.msk $0xffff, v56  }
0x33d: {  	v62 =	vor.u32 s29, v24;
	v56 =	vld.idx.msk [tilespmem:v61+s14+$0x0], $0xffff  }
0x33e: {  	v63 =	vor.u32 v36, v48;
	_ =	sdelay $0x3  }
0x33f: {  	[tilespmem:v62+s18+$0x0] =	vst.idx.msk $0xffff, v56  }
0x340: {  	v60 =	vor.u32 s29, v25;
	v56 =	vld.idx.msk [tilespmem:v63+s14+$0x0], $0xffff  }
0x341: {  	v61 =	vor.u32 v36, v49;
	_ =	sdelay $0x3  }
0x342: {  	[tilespmem:v60+s18+$0x0] =	vst.idx.msk $0xffff, v56  }
0x343: {  	v62 =	vor.u32 s29, v26;
	v56 =	vld.idx.msk [tilespmem:v61+s14+$0x0], $0xffff  }
0x344: {  	v63 =	vor.u32 v36, v50;
	_ =	sdelay $0x3  }
0x345: {  	[tilespmem:v62+s18+$0x0] =	vst.idx.msk $0xffff, v56  }
0x346: {  	v60 =	vor.u32 s29, v27;
	v56 =	vld.idx.msk [tilespmem:v63+s14+$0x0], $0xffff  }
0x347: {  	v61 =	vor.u32 v36, v51;
	_ =	sdelay $0x3  }
0x348: {  	[tilespmem:v60+s18+$0x0] =	vst.idx.msk $0xffff, v56  }
0x349: {  	v62 =	vor.u32 s29, v28;
	v56 =	vld.idx.msk [tilespmem:v61+s14+$0x0], $0xffff  }
0x34a: {  	v63 =	vor.u32 v36, v52;
	_ =	sdelay $0x3  }
0x34b: {  	[tilespmem:v62+s18+$0x0] =	vst.idx.msk $0xffff, v56  }
0x34c: {  	v60 =	vor.u32 s29, v29;
	v56 =	vld.idx.msk [tilespmem:v63+s14+$0x0], $0xffff  }
0x34d: {  	v61 =	vor.u32 v36, v53;
	_ =	sdelay $0x3  }
0x34e: {  	[tilespmem:v60+s18+$0x0] =	vst.idx.msk $0xffff, v56  }
0x34f: {  	v62 =	vor.u32 s29, v30;
	v56 =	vld.idx.msk [tilespmem:v61+s14+$0x0], $0xffff  }
0x350: {  	v63 =	vor.u32 v36, v54;
	_ =	sdelay $0x3  }
0x351: {  	[tilespmem:v62+s18+$0x0] =	vst.idx.msk $0xffff, v56  }
0x352: {  	v60 =	vor.u32 s29, v31;
	v56 =	vld.idx.msk [tilespmem:v63+s14+$0x0], $0xffff  }
0x353: {  	v61 =	vor.u32 v36, v55;
	_ =	sdelay $0x3  }
0x354: {  	[tilespmem:v60+s18+$0x0] =	vst.idx.msk $0xffff, v56  }
0x355: {  	v62 =	vor.u32 s29, v32;
	v56 =	vld.idx.msk [tilespmem:v61+s14+$0x0], $0xffff  }
0x356: {  	v63 =	vor.u32 v37, v40;
	_ =	sdelay $0x3  }
0x357: {  	s30 =	sadd.s32 $0xFFFFF800, s25;
	[tilespmem:v62+s18+$0x0] =	vst.idx.msk $0xffff, v56  }
0x358: {  	v60 =	vor.u32 s30, v17;
	v56 =	vld.idx.msk [tilespmem:v63+s14+$0x0], $0xffff  }
0x359: {  	v61 =	vor.u32 v37, v41;
	_ =	sdelay $0x3  }
0x35a: {  	[tilespmem:v60+s18+$0x0] =	vst.idx.msk $0xffff, v56  }
0x35b: {  	v62 =	vor.u32 s30, v18;
	v56 =	vld.idx.msk [tilespmem:v61+s14+$0x0], $0xffff  }
0x35c: {  	v63 =	vor.u32 v37, v42;
	_ =	sdelay $0x3  }
0x35d: {  	[tilespmem:v62+s18+$0x0] =	vst.idx.msk $0xffff, v56  }
0x35e: {  	v60 =	vor.u32 s30, v19;
	v56 =	vld.idx.msk [tilespmem:v63+s14+$0x0], $0xffff  }
0x35f: {  	v61 =	vor.u32 v37, v43;
	_ =	sdelay $0x3  }
0x360: {  	[tilespmem:v60+s18+$0x0] =	vst.idx.msk $0xffff, v56  }
0x361: {  	v62 =	vor.u32 s30, v20;
	v56 =	vld.idx.msk [tilespmem:v61+s14+$0x0], $0xffff  }
0x362: {  	v63 =	vor.u32 v37, v44;
	_ =	sdelay $0x3  }
0x363: {  	[tilespmem:v62+s18+$0x0] =	vst.idx.msk $0xffff, v56  }
0x364: {  	v60 =	vor.u32 s30, v21;
	v56 =	vld.idx.msk [tilespmem:v63+s14+$0x0], $0xffff  }
0x365: {  	v61 =	vor.u32 v37, v45;
	_ =	sdelay $0x3  }
0x366: {  	[tilespmem:v60+s18+$0x0] =	vst.idx.msk $0xffff, v56  }
0x367: {  	v62 =	vor.u32 s30, v22;
	v56 =	vld.idx.msk [tilespmem:v61+s14+$0x0], $0xffff  }
0x368: {  	v63 =	vor.u32 v37, v46;
	_ =	sdelay $0x3  }
0x369: {  	[tilespmem:v62+s18+$0x0] =	vst.idx.msk $0xffff, v56  }
0x36a: {  	v60 =	vor.u32 s30, v23;
	v56 =	vld.idx.msk [tilespmem:v63+s14+$0x0], $0xffff  }
0x36b: {  	v61 =	vor.u32 v37, v47;
	_ =	sdelay $0x3  }
0x36c: {  	[tilespmem:v60+s18+$0x0] =	vst.idx.msk $0xffff, v56  }
0x36d: {  	v62 =	vor.u32 s30, v24;
	v56 =	vld.idx.msk [tilespmem:v61+s14+$0x0], $0xffff  }
0x36e: {  	v63 =	vor.u32 v37, v48;
	_ =	sdelay $0x3  }
0x36f: {  	[tilespmem:v62+s18+$0x0] =	vst.idx.msk $0xffff, v56  }
0x370: {  	v60 =	vor.u32 s30, v25;
	v56 =	vld.idx.msk [tilespmem:v63+s14+$0x0], $0xffff  }
0x371: {  	v61 =	vor.u32 v37, v49;
	_ =	sdelay $0x3  }
0x372: {  	[tilespmem:v60+s18+$0x0] =	vst.idx.msk $0xffff, v56  }
0x373: {  	v62 =	vor.u32 s30, v26;
	v56 =	vld.idx.msk [tilespmem:v61+s14+$0x0], $0xffff  }
0x374: {  	v63 =	vor.u32 v37, v50;
	_ =	sdelay $0x3  }
0x375: {  	[tilespmem:v62+s18+$0x0] =	vst.idx.msk $0xffff, v56  }
0x376: {  	v60 =	vor.u32 s30, v27;
	v56 =	vld.idx.msk [tilespmem:v63+s14+$0x0], $0xffff  }
0x377: {  	v61 =	vor.u32 v37, v51;
	_ =	sdelay $0x3  }
0x378: {  	[tilespmem:v60+s18+$0x0] =	vst.idx.msk $0xffff, v56  }
0x379: {  	v62 =	vor.u32 s30, v28;
	v56 =	vld.idx.msk [tilespmem:v61+s14+$0x0], $0xffff  }
0x37a: {  	v63 =	vor.u32 v37, v52;
	_ =	sdelay $0x3  }
0x37b: {  	[tilespmem:v62+s18+$0x0] =	vst.idx.msk $0xffff, v56  }
0x37c: {  	v60 =	vor.u32 s30, v29;
	v56 =	vld.idx.msk [tilespmem:v63+s14+$0x0], $0xffff  }
0x37d: {  	v61 =	vor.u32 v37, v53;
	_ =	sdelay $0x3  }
0x37e: {  	[tilespmem:v60+s18+$0x0] =	vst.idx.msk $0xffff, v56  }
0x37f: {  	v62 =	vor.u32 s30, v30;
	v56 =	vld.idx.msk [tilespmem:v61+s14+$0x0], $0xffff  }
0x380: {  	v63 =	vor.u32 v37, v54;
	_ =	sdelay $0x3  }
0x381: {  	[tilespmem:v62+s18+$0x0] =	vst.idx.msk $0xffff, v56  }
0x382: {  	v60 =	vor.u32 s30, v31;
	v56 =	vld.idx.msk [tilespmem:v63+s14+$0x0], $0xffff  }
0x383: {  	v61 =	vor.u32 v37, v55;
	_ =	sdelay $0x3  }
0x384: {  	[tilespmem:v60+s18+$0x0] =	vst.idx.msk $0xffff, v56  }
0x385: {  	v62 =	vor.u32 s30, v32;
	v56 =	vld.idx.msk [tilespmem:v61+s14+$0x0], $0xffff  }
0x386: {  	v63 =	vor.u32 v38, v40;
	_ =	sdelay $0x3  }
0x387: {  	s31 =	sadd.s32 $0xFFFFFC00, s25;
	[tilespmem:v62+s18+$0x0] =	vst.idx.msk $0xffff, v56  }
0x388: {  	v60 =	vor.u32 s31, v17;
	v56 =	vld.idx.msk [tilespmem:v63+s14+$0x0], $0xffff  }
0x389: {  	v61 =	vor.u32 v38, v41;
	_ =	sdelay $0x3  }
0x38a: {  	[tilespmem:v60+s18+$0x0] =	vst.idx.msk $0xffff, v56  }
0x38b: {  	v62 =	vor.u32 s31, v18;
	v56 =	vld.idx.msk [tilespmem:v61+s14+$0x0], $0xffff  }
0x38c: {  	v63 =	vor.u32 v38, v42;
	_ =	sdelay $0x3  }
0x38d: {  	[tilespmem:v62+s18+$0x0] =	vst.idx.msk $0xffff, v56  }
0x38e: {  	v60 =	vor.u32 s31, v19;
	v56 =	vld.idx.msk [tilespmem:v63+s14+$0x0], $0xffff  }
0x38f: {  	v61 =	vor.u32 v38, v43;
	_ =	sdelay $0x3  }
0x390: {  	[tilespmem:v60+s18+$0x0] =	vst.idx.msk $0xffff, v56  }
0x391: {  	v62 =	vor.u32 s31, v20;
	v56 =	vld.idx.msk [tilespmem:v61+s14+$0x0], $0xffff  }
0x392: {  	v63 =	vor.u32 v38, v44;
	_ =	sdelay $0x3  }
0x393: {  	[tilespmem:v62+s18+$0x0] =	vst.idx.msk $0xffff, v56  }
0x394: {  	v60 =	vor.u32 s31, v21;
	v56 =	vld.idx.msk [tilespmem:v63+s14+$0x0], $0xffff  }
0x395: {  	v61 =	vor.u32 v38, v45;
	_ =	sdelay $0x3  }
0x396: {  	[tilespmem:v60+s18+$0x0] =	vst.idx.msk $0xffff, v56  }
0x397: {  	v62 =	vor.u32 s31, v22;
	v56 =	vld.idx.msk [tilespmem:v61+s14+$0x0], $0xffff  }
0x398: {  	v63 =	vor.u32 v38, v46;
	_ =	sdelay $0x3  }
0x399: {  	[tilespmem:v62+s18+$0x0] =	vst.idx.msk $0xffff, v56  }
0x39a: {  	v60 =	vor.u32 s31, v23;
	v56 =	vld.idx.msk [tilespmem:v63+s14+$0x0], $0xffff  }
0x39b: {  	v61 =	vor.u32 v38, v47;
	_ =	sdelay $0x3  }
0x39c: {  	[tilespmem:v60+s18+$0x0] =	vst.idx.msk $0xffff, v56  }
0x39d: {  	v62 =	vor.u32 s31, v24;
	v56 =	vld.idx.msk [tilespmem:v61+s14+$0x0], $0xffff  }
0x39e: {  	v63 =	vor.u32 v38, v48;
	_ =	sdelay $0x3  }
0x39f: {  	[tilespmem:v62+s18+$0x0] =	vst.idx.msk $0xffff, v56  }
0x3a0: {  	v60 =	vor.u32 s31, v25;
	v56 =	vld.idx.msk [tilespmem:v63+s14+$0x0], $0xffff  }
0x3a1: {  	v61 =	vor.u32 v38, v49;
	_ =	sdelay $0x3  }
0x3a2: {  	[tilespmem:v60+s18+$0x0] =	vst.idx.msk $0xffff, v56  }
0x3a3: {  	v62 =	vor.u32 s31, v26;
	v56 =	vld.idx.msk [tilespmem:v61+s14+$0x0], $0xffff  }
0x3a4: {  	v63 =	vor.u32 v38, v50;
	_ =	sdelay $0x3  }
0x3a5: {  	[tilespmem:v62+s18+$0x0] =	vst.idx.msk $0xffff, v56  }
0x3a6: {  	v60 =	vor.u32 s31, v27;
	v56 =	vld.idx.msk [tilespmem:v63+s14+$0x0], $0xffff  }
0x3a7: {  	v61 =	vor.u32 v38, v51;
	_ =	sdelay $0x3  }
0x3a8: {  	[tilespmem:v60+s18+$0x0] =	vst.idx.msk $0xffff, v56  }
0x3a9: {  	v62 =	vor.u32 s31, v28;
	v56 =	vld.idx.msk [tilespmem:v61+s14+$0x0], $0xffff  }
0x3aa: {  	v63 =	vor.u32 v38, v52;
	_ =	sdelay $0x3  }
0x3ab: {  	[tilespmem:v62+s18+$0x0] =	vst.idx.msk $0xffff, v56  }
0x3ac: {  	v60 =	vor.u32 s31, v29;
	v56 =	vld.idx.msk [tilespmem:v63+s14+$0x0], $0xffff  }
0x3ad: {  	v61 =	vor.u32 v38, v53;
	_ =	sdelay $0x3  }
0x3ae: {  	[tilespmem:v60+s18+$0x0] =	vst.idx.msk $0xffff, v56  }
0x3af: {  	v62 =	vor.u32 s31, v30;
	v56 =	vld.idx.msk [tilespmem:v61+s14+$0x0], $0xffff  }
0x3b0: {  	v63 =	vor.u32 v38, v54;
	_ =	sdelay $0x3  }
0x3b1: {  	[tilespmem:v62+s18+$0x0] =	vst.idx.msk $0xffff, v56  }
0x3b2: {  	v60 =	vor.u32 s31, v31;
	v56 =	vld.idx.msk [tilespmem:v63+s14+$0x0], $0xffff  }
0x3b3: {  	v61 =	vor.u32 v38, v55;
	_ =	sdelay $0x3  }
0x3b4: {  	[tilespmem:v60+s18+$0x0] =	vst.idx.msk $0xffff, v56  }
0x3b5: {  	v62 =	vor.u32 s31, v32;
	v56 =	vld.idx.msk [tilespmem:v61+s14+$0x0], $0xffff  }
0x3b6: {  	v40 =	vor.u32 v39, v40;
	_ =	sdelay $0x3  }
0x3b7: {  	[tilespmem:v62+s18+$0x0] =	vst.idx.msk $0xffff, v56  }
0x3b8: {  	v63 =	vor.u32 s25, v17;
	v40 =	vld.idx.msk [tilespmem:v40+s14+$0x0], $0xffff  }
0x3b9: {  	v41 =	vor.u32 v39, v41;
	_ =	sdelay $0x3  }
0x3ba: {  	[tilespmem:v63+s18+$0x0] =	vst.idx.msk $0xffff, v40  }
0x3bb: {  	v59 =	vor.u32 s25, v18;
	v40 =	vld.idx.msk [tilespmem:v41+s14+$0x0], $0xffff  }
0x3bc: {  	v42 =	vor.u32 v39, v42;
	_ =	sdelay $0x3  }
0x3bd: {  	[tilespmem:v59+s18+$0x0] =	vst.idx.msk $0xffff, v40  }
0x3be: {  	v60 =	vor.u32 s25, v19;
	v40 =	vld.idx.msk [tilespmem:v42+s14+$0x0], $0xffff  }
0x3bf: {  	v61 =	vor.u32 v39, v43;
	_ =	sdelay $0x3  }
0x3c0: {  	[tilespmem:v60+s18+$0x0] =	vst.idx.msk $0xffff, v40  }
0x3c1: {  	v62 =	vor.u32 s25, v20;
	v40 =	vld.idx.msk [tilespmem:v61+s14+$0x0], $0xffff  }
0x3c2: {  	v63 =	vor.u32 v39, v44;
	_ =	sdelay $0x3  }
0x3c3: {  	[tilespmem:v62+s18+$0x0] =	vst.idx.msk $0xffff, v40  }
0x3c4: {  	v56 =	vor.u32 s25, v21;
	v40 =	vld.idx.msk [tilespmem:v63+s14+$0x0], $0xffff  }
0x3c5: {  	v57 =	vor.u32 v39, v45;
	_ =	sdelay $0x3  }
0x3c6: {  	[tilespmem:v56+s18+$0x0] =	vst.idx.msk $0xffff, v40  }
0x3c7: {  	v58 =	vor.u32 s25, v22;
	v40 =	vld.idx.msk [tilespmem:v57+s14+$0x0], $0xffff  }
0x3c8: {  	v59 =	vor.u32 v39, v46;
	_ =	sdelay $0x3  }
0x3c9: {  	[tilespmem:v58+s18+$0x0] =	vst.idx.msk $0xffff, v40  }
0x3ca: {  	v60 =	vor.u32 s25, v23;
	v40 =	vld.idx.msk [tilespmem:v59+s14+$0x0], $0xffff  }
0x3cb: {  	v61 =	vor.u32 v39, v47;
	_ =	sdelay $0x3  }
0x3cc: {  	[tilespmem:v60+s18+$0x0] =	vst.idx.msk $0xffff, v40  }
0x3cd: {  	v62 =	vor.u32 s25, v24;
	v40 =	vld.idx.msk [tilespmem:v61+s14+$0x0], $0xffff  }
0x3ce: {  	v63 =	vor.u32 v39, v48;
	_ =	sdelay $0x3  }
0x3cf: {  	[tilespmem:v62+s18+$0x0] =	vst.idx.msk $0xffff, v40  }
0x3d0: {  	v45 =	vor.u32 s25, v25;
	v40 =	vld.idx.msk [tilespmem:v63+s14+$0x0], $0xffff  }
0x3d1: {  	v46 =	vor.u32 v39, v49;
	_ =	sdelay $0x3  }
0x3d2: {  	[tilespmem:v45+s18+$0x0] =	vst.idx.msk $0xffff, v40  }
0x3d3: {  	v47 =	vor.u32 s25, v26;
	v40 =	vld.idx.msk [tilespmem:v46+s14+$0x0], $0xffff  }
0x3d4: {  	v48 =	vor.u32 v39, v50;
	_ =	sdelay $0x3  }
0x3d5: {  	[tilespmem:v47+s18+$0x0] =	vst.idx.msk $0xffff, v40  }
0x3d6: {  	v49 =	vor.u32 s25, v27;
	v40 =	vld.idx.msk [tilespmem:v48+s14+$0x0], $0xffff  }
0x3d7: {  	v50 =	vor.u32 v39, v51;
	_ =	sdelay $0x3  }
0x3d8: {  	[tilespmem:v49+s18+$0x0] =	vst.idx.msk $0xffff, v40  }
0x3d9: {  	v51 =	vor.u32 s25, v28;
	v40 =	vld.idx.msk [tilespmem:v50+s14+$0x0], $0xffff  }
0x3da: {  	v56 =	vor.u32 v39, v52;
	_ =	sdelay $0x3  }
0x3db: {  	[tilespmem:v51+s18+$0x0] =	vst.idx.msk $0xffff, v40  }
0x3dc: {  	v57 =	vor.u32 s25, v29;
	v40 =	vld.idx.msk [tilespmem:v56+s14+$0x0], $0xffff  }
0x3dd: {  	v58 =	vor.u32 v39, v53;
	_ =	sdelay $0x3  }
0x3de: {  	[tilespmem:v57+s18+$0x0] =	vst.idx.msk $0xffff, v40  }
0x3df: {  	v59 =	vor.u32 s25, v30;
	v40 =	vld.idx.msk [tilespmem:v58+s14+$0x0], $0xffff  }
0x3e0: {  	v60 =	vor.u32 v39, v54;
	_ =	sdelay $0x3  }
0x3e1: {  	[tilespmem:v59+s18+$0x0] =	vst.idx.msk $0xffff, v40  }
0x3e2: {  	v61 =	vor.u32 s25, v31;
	v40 =	vld.idx.msk [tilespmem:v60+s14+$0x0], $0xffff  }
0x3e3: {  	v62 =	vor.u32 v39, v55;
	_ =	sdelay $0x3  }
0x3e4: {  	[tilespmem:v61+s18+$0x0] =	vst.idx.msk $0xffff, v40  }
0x3e5: {  	p1 =	sne.s32 s25, $0x1C30;
	v63 =	vor.u32 s25, v32;
	v40 =	vld.idx.msk [tilespmem:v62+s14+$0x0], $0xffff  }
.Ltmp7:
0x3e6: {  	_ = 	snop;
	(pc) =	sbr.rel @p1 .LBB2_8-.Ltmp7, $2  }
0x3e7: {  	_ =	sdelay $0x2  }
0x3e8: {  	s25 =	sadd.s32 $0x10, s25;
	[tilespmem:v63+s18+$0x0] =	vst.idx.msk $0xffff, v40  }
0x3e9: {  	s24 =	sadd.s32 s5, s24;
	s23 =	sadd.s32 $0x3, s23  }
0x3ea: {  	s24 =	sshll.u32 s24, $0xA;
	p1 =	sge.u32 s23, s7  }
0x3eb: {  	s24 =	sand.u32 $0x1FFFFC00, s24;
	s23 =	sadd.s32 @!p1 s5, s23  }
.Ltmp8:
0x3ec: {  	s24 =	sadd.s32 s6, s24;
	s23 =	sshll.u32 @!p1 s23, $0x7;
	(pc) =	sbr.rel .LBB2_10-.Ltmp8, $4  }
0x3ed: {  	[hbm4b:s24+s4] =	stream.linear.scatter [tilespmem:s18], [sflag:$0x4], $0x2000, $0x38;
	[tilespmem:$0x8000] =	vst v63  }
0x3ee: {  	s25 =	simm.s32 @!p1 $0x7A1400;
	s23 =	sand.u32 @!p1 $0x1FFFFF80, s23  }
0x3ef: {  	s26 =	simm.s32 @!p1 $0x2000;
	s24 =	simm.s32 @!p1 $0x400;
	s23 =	sadd.s32 @!p1 s1, s23  }
0x3f0: {  	[tilespmem:s26], [sflag:$0x2] =	stream.strided.gather @!p1 [hbm4b:s23+s24], $0x2000, s25, s24, $0x38;
	[tilespmem:$0x8000] =	vst v63  }
.LBB2_12:
0x3f1: {  	_ =	sfence.sel $0x180000  }
0x3f2: {  	[bflag:$0x0] =	sbarrier.arrive $0xFFFF  }
0x3f3: {  	p0 =	sne.s32 s0, $0x0;
	_ =	strace $0x90000047  }
0x3f4: {  	s0 =	sadd.s32 @!p0 $0x100000, s3;
	[bflag:$0x2] =	sbarrier.arrive $0xFFFF  }
0x3f5: {  	[sflag:s0] =	ssyncadd.tile.s32 @!p0 $0x1;
	_ =	shalt  }
.Lfunc_end2:
_tile_overlayer_lowered:
.L_overlay_start_2:
0x3f6: {  	(tag) =	ssettag $0x2  }
0x3f7: {  	s0 =	rddreg [dreg:$0x0];
	s2 =	stileid.u32  }
0x3f8: {  	s1 =	rddreg [dreg:$0x1];
	p0 =	sne.s32 s2, $0x0  }
0x3f9: {  	s3 =	rddreg [dreg:$0x2];
	[bflag:$0x3] =	sbarrier.arrive $0xFFFF;
	s2 =	simm.s32 @!p0 $0x1C05  }
0x3fa: {  	[timem:s3], [sflag:s2] =	dma.local @!p0 [hbm:s0], s1  }
0x3fb: {  	s0 =	simm.s32 @!p0 $0x5  }
0x3fc: {  	_ =	swait.ge @!p0 [sflag:s0], s1  }
0x3fd: {  	s1 =	ssub.s32 @!p0 $0x0, s1;
	[sflag:s0] =	ssyncset.done @!p0 $0x0  }
0x3fe: {  	[sflag:s0] =	ssyncadd.s32 @!p0 s1  }
0x3ff: {  	[bflag:$0x3] =	sbarrier.arrive $0xFFFF  }
0x400: {  	_ =	shalt  }

// kernel: kernel.7.cloned.1.call-start
scs
__scs_entry_jumppad:
0x0: {  	(pc) =	sbr.rel $0x88, $3  }
0x1: {  	(tag) =	ssettag $0x0;
	lr =	simm.s32 $0x1  }
0x2: {  	[smem:$0x3F9F] =	sst lr;
	_ =	strace $0xD0000000  }
0x3: {  	_ = 	snop  }
0x4: {  	_ = 	snop  }
0x5: {  	_ = 	snop  }
0x6: {  	_ = 	snop  }
0x7: {  	_ = 	snop  }
__scs_overlays_trampoline_lowered:
0x8: {  	[smem:$0x3FAE] =	sst s0  }
0x9: {  	[smem:$0x3FAF] =	sst s1  }
0xa: {  	[smem:$0x3FB0] =	sst s2  }
0xb: {  	[smem:$0x3FB1] =	sst s3  }
0xc: {  	[smem:$0x3FB2] =	sst s4  }
0xd: {  	[smem:$0x3FB3] =	sst s5  }
0xe: {  	[smem:$0x3FB4] =	sst s6  }
0xf: {  	[smem:$0x3FB5] =	sst s7  }
0x10: {  	[smem:$0x3FB6] =	sst s8  }
0x11: {  	[smem:$0x3FB7] =	sst s9;
	s0 =	simm.s32 @!p0 $0x0  }
0x12: {  	s1 =	sld [smem:$0x3F9D];
	s0 =	simm.s32 @p0 $0x1  }
0x13: {  	[smem:$0x3FB8] =	sst s0;
	s0 =	simm.s32 @!p1 $0x0  }
0x14: {  	s2 =	sld [smem:$0x3F9C];
	s0 =	simm.s32 @p1 $0x1  }
0x15: {  	[smem:$0x3FB9] =	sst s0;
	s0 =	simm.s32 @!p2 $0x0  }
0x16: {  	s3 =	sld [smem:$0x3FDB];
	s0 =	simm.s32 @p2 $0x1  }
0x17: {  	s4 =	simm.s32 $0x1BF5;
	[smem:$0x3FBB] =	sst s0  }
0x18: {  	s0 =	sld [smem:$0x3F9E];
	_ =	swait.ge [sflag:s4], $0x0  }
0x19: {  	s7 =	sld [smem:$0x3F9F]  }
0x1a: {  	s8 =	sadd.s32 $0xFFFFE003, lr  }
0x1b: {  	s9 =	sadd.s32 $0xFFFFFEF7, lr;
	s5 =	simm.s32 $0xFFFFFFFF;
	p2 =	slt.u32 s8, $0xFFFFF086  }
0x1c: {  	p1 =	slt.u32 s9, $0xF7A;
	s5 =	simm.s32 @!p2 $0x0  }
0x1d: {  	s5 =	simm.s32 @p1 $0x1;
	p0 =	seq.s32 s7, s2  }
0x1e: {  	s7 =	smul.u32 @!p0 $0xF7A, s2;
	p2 =	seq.s32 @!p0 s5, $0x0  }
0x1f: {  	s9 =	smul.u32 $0xF7A, s1;
	s8 =	simm.s32 @!p0 $0x1BF5;
	p2 =	por !p2, p0  }
0x20: {  	[sflag:s8] =	ssyncset.s32 @!p0 $0xFFFFF086;
	s6 =	sadd.s32 @!p0 s3, s7;
	s7 =	simm.s32 @!p0 $0x108  }
0x21: {  	s3 =	sadd.s32 s3, s9;
	s6 =	sadd.s32 @!p0 $0x88, s6;
	s7 =	simm.s32 @p2 $0x1082  }
0x22: {  	[simem:s7], [sflag:s8] =	dma.local @!p0 [hbm:s6], $0xF7A  }
0x23: {  	s9 =	sor.u32 $0xD0000000, s2;
	s6 =	simm.s32 $0x108;
	_ =	swait.ge @!p0 [sflag:s8], $0x0  }
0x24: {  	s3 =	sadd.s32 $0x88, s3;
	s6 =	simm.s32 @!p1 $0x1082;
	[sflag:s4] =	ssyncset.s32 $0xFFFFF086  }
0x25: {  	[simem:s6], [sflag:s4] =	dma.local [hbm:s3], $0xF7A  }
0x26: {  	[smem:$0x3F9F] =	sst s1;
	(tag) =	ssettag s2;
	_ =	strace s9  }
0x27: {  	s1 =	sld [smem:$0x3FAF]  }
0x28: {  	s2 =	sld [smem:$0x3FB0]  }
0x29: {  	s4 =	sld [smem:$0x3FB2]  }
0x2a: {  	p0 =	seq.s32 s5, $0x0;
	s5 =	sld [smem:$0x3FB3]  }
0x2b: {  	s6 =	sld [smem:$0x3FB4]  }
0x2c: {  	s7 =	sld [smem:$0x3FB5]  }
0x2d: {  	s3 =	simm.s32 $0x108;
	s8 =	sld [smem:$0x3FB6]  }
0x2e: {  	s3 =	simm.s32 @!p0 $0x1082;
	s9 =	sld [smem:$0x3FB7]  }
0x2f: {  	lr =	sadd.s32 s0, s3;
	s0 =	sld [smem:$0x3FAE]  }
0x30: {  	s3 =	sld [smem:$0x3FB1]  }
0x31: {  	[smem:$0x3FBA] =	sst s10  }
0x32: {  	s10 =	sld [smem:$0x3FB8];
	_ =	sdelay $0x3  }
0x33: {  	p0 =	seq.s32 s10, $0x1;
	s10 =	sld [smem:$0x3FBA];
	_ =	sdelay $0x3  }
0x34: {  	[smem:$0x3FBA] =	sst s10  }
0x35: {  	s10 =	sld [smem:$0x3FB9];
	_ =	sdelay $0x3  }
0x36: {  	p1 =	seq.s32 s10, $0x1;
	s10 =	sld [smem:$0x3FBA];
	_ =	sdelay $0x3  }
0x37: {  	[smem:$0x3FBA] =	sst s10  }
0x38: {  	s10 =	sld [smem:$0x3FBB]  }
0x39: {  	_ = 	snop;
	(pc) =	sbr.ind lr, $3  }
0x3a: {  	_ = 	snop  }
0x3b: {  	_ = 	snop  }
0x3c: {  	p2 =	seq.s32 s10, $0x1;
	s10 =	sld [smem:$0x3FBA]  }
0x3d: {  	_ =	shalt  }
0x3e: {  	_ =	shalt  }
0x3f: {  	_ =	shalt  }
0x40: {  	_ =	shalt  }
0x41: {  	_ =	shalt  }
0x42: {  	_ =	shalt  }
0x43: {  	_ =	shalt  }
0x44: {  	_ =	shalt  }
0x45: {  	_ =	shalt  }
0x46: {  	_ =	shalt  }
0x47: {  	_ =	shalt  }
0x48: {  	_ =	shalt  }
0x49: {  	_ =	shalt  }
0x4a: {  	_ =	shalt  }
0x4b: {  	_ =	shalt  }
0x4c: {  	_ =	shalt  }
0x4d: {  	_ =	shalt  }
0x4e: {  	_ =	shalt  }
0x4f: {  	_ =	shalt  }
0x50: {  	_ =	shalt  }
0x51: {  	_ =	shalt  }
0x52: {  	_ =	shalt  }
0x53: {  	_ =	shalt  }
0x54: {  	_ =	shalt  }
0x55: {  	_ =	shalt  }
0x56: {  	_ =	shalt  }
0x57: {  	_ =	shalt  }
0x58: {  	_ =	shalt  }
0x59: {  	_ =	shalt  }
0x5a: {  	_ =	shalt  }
0x5b: {  	_ =	shalt  }
0x5c: {  	_ =	shalt  }
0x5d: {  	_ =	shalt  }
0x5e: {  	_ =	shalt  }
0x5f: {  	_ =	shalt  }
0x60: {  	_ =	shalt  }
0x61: {  	_ =	shalt  }
0x62: {  	_ =	shalt  }
0x63: {  	_ =	shalt  }
0x64: {  	_ =	shalt  }
0x65: {  	_ =	shalt  }
0x66: {  	_ =	shalt  }
0x67: {  	_ =	shalt  }
0x68: {  	_ =	shalt  }
0x69: {  	_ =	shalt  }
0x6a: {  	_ =	shalt  }
0x6b: {  	_ =	shalt  }
0x6c: {  	_ =	shalt  }
0x6d: {  	_ =	shalt  }
0x6e: {  	_ =	shalt  }
0x6f: {  	_ =	shalt  }
0x70: {  	_ =	shalt  }
0x71: {  	_ =	shalt  }
0x72: {  	_ =	shalt  }
0x73: {  	_ =	shalt  }
0x74: {  	_ =	shalt  }
0x75: {  	_ =	shalt  }
0x76: {  	_ =	shalt  }
0x77: {  	_ =	shalt  }
0x78: {  	_ =	shalt  }
0x79: {  	_ =	shalt  }
0x7a: {  	_ =	shalt  }
0x7b: {  	_ =	shalt  }
0x7c: {  	_ =	shalt  }
0x7d: {  	_ =	shalt  }
0x7e: {  	_ =	shalt  }
0x7f: {  	_ =	shalt  }
0x80: {  	_ =	shalt  }
0x81: {  	_ =	shalt  }
0x82: {  	_ =	shalt  }
0x83: {  	_ =	shalt  }
0x84: {  	_ =	shalt  }
0x85: {  	_ =	shalt  }
0x86: {  	_ =	shalt  }
0x87: {  	_ =	shalt  }
.Lfunc_end0:
.L_simem_size_0:
called_computation.2_lowered:
.L_overlay_start_0:
0x88: {  	s2 =	sld [smem:$0x3FD9]  }
0x89: {  	s3 =	sld [smem:$0x3FFE];
	_ =	sdelay $0x1  }
0x8a: {  	s1 =	srdreg.scid  }
0x8b: {  	s0 =	sand.u32 $0x1, s1  }
0x8c: {  	s17 =	sshll.u32 s0, $0xA;
	s2 =	sadd.s32 s3, s2  }
0x8d: {  	s2 =	sadd.s32 s2, s17  }
0x8e: {  	[smem:$0x3FC6] =	sst s2  }
0x8f: {  	_ = 	snop  }
0x90: {  	s2 =	sld [smem:$0x3FD0];
	(tm) =	ssettm $0x1  }
0x91: {  	s18 =	sld [smem:$0x3FFB];
	_ =	sdelay $0x3  }
0x92: {  	_ =	strace s18  }
0x93: {  	s3 =	sld [smem:$0x3FFC];
	_ =	sdelay $0x3  }
0x94: {  	_ =	strace s3  }
0x95: {  	s3 =	sld [smem:$0x3FFD];
	_ =	sdelay $0x3  }
0x96: {  	_ =	strace s3  }
0x97: {  	_ =	strace $0x8FFFFFFF  }
0x98: {  	s19 =	sld [smem:$0x3FDB];
	_ =	sdelay $0x1  }
0x99: {  	s4 =	simm.s32 $_scs_section_size  }
0x9a: {  	s5 =	simm.s32 $_size__tile_overlayer_lowered;
	s6 =	simm.s32 $_tile_overlayer_lowered  }
0x9b: {  	s22 =	simm.s32 $0x1BFF;
	s21 =	sshll.u32 s6, $0x1;
	s3 =	sadd.s32 s4, s19  }
0x9c: {  	s7 =	simm.s32 $0x0;
	s20 =	sshll.u32 s5, $0x1;
	s5 =	sadd.s32 s21, s3  }
0x9d: {  	[timem:s7], [sflag:s22] =	dma.local [hbm:s5], s20  }
0x9e: {  	_ =	swait.ge [sflag:s22], s20  }
0x9f: {  	s4 =	ssub.s32 $0x0, s20;
	[sflag:s22] =	ssyncset.done $0x0  }
0xa0: {  	[sflag:s22] =	ssyncadd.s32 s4;
	_ =	sdelay $0x1  }
0xa1: {  	s23 =	simm.s32 $0x1B8B  }
0xa2: {  	_ =	swait.ge [sflag:s23], $0x1  }
0xa3: {  	[sflag:s23] =	ssyncset.done $0x0  }
0xa4: {  	s25 =	simm.s32 $0x1B8E;
	s24 =	sld [smem:$0x3FFE];
	[sflag:s23] =	ssyncadd.s32 $0xFFFFFFFF  }
0xa5: {  	s26 =	simm.s32 $execute0_lowered;
	[smem:$0x3FD2] =	sst s25  }
0xa6: {  	s5 =	sshll.u32 s26, $0x1;
	_ =	strace $0x80000049;
	[dreg:$0x1] =	wrdreg $0xFFFFFFFF  }
0xa7: {  	s28 =	simm.s32 $_size_execute0_lowered;
	s3 =	sadd.s32 s3, s5;
	[dreg:$0x0] =	wrdreg $0x0  }
0xa8: {  	s5 =	sshll.u32 s28, $0x1;
	[dreg:$0x2] =	wrdreg s3  }
0xa9: {  	[dreg:$0x3] =	wrdreg s5  }
0xaa: {  	[dreg:$0x4] =	wrdreg $0xC0  }
0xab: {  	_ =	task [dreg:s7], $0x5FFFF  }
0xac: {  	[dreg:$0x1] =	wrdreg $0xFFFFFFFF  }
0xad: {  	[dreg:$0x0] =	wrdreg $0x60  }
0xae: {  	[dreg:$0x2] =	wrdreg s24  }
0xaf: {  	[dreg:$0x3] =	wrdreg s2  }
0xb0: {  	[dreg:$0x4] =	wrdreg $0x9  }
0xb1: {  	_ =	task.clear_ibuf [dreg:s7], $0x5FFFF;
	_ =	strace $0x90000049  }
0xb2: {  	s29 =	simm.s32 $0x9;
	_ =	strace $0x8000004B  }
0xb3: {  	_ =	swait.ge [sflag:s29], $0x1  }
0xb4: {  	[sflag:s29] =	ssyncadd.s32 $0xFFFFFFFF  }
0xb5: {  	_ =	strace $0x9000004B  }
0xb6: {  	_ =	sfence  }
0xb7: {  	s30 =	sld [smem:$0x0];
	_ =	sdelay $0x2  }
0xb8: {  	s31 =	sshll.u32 s1, $0xD;
	s1 =	sshrl.u32 s1, $0x2  }
0xb9: {  	s3 =	sand.u32 $0x4000, s31;
	s1 =	sadd.s32 s1, s30  }
0xba: {  	s0 =	sor.u32 s3, s0;
	s1 =	sshll.u32 s1, $0x11  }
0xbb: {  	s0 =	sor.u32 s1, s0  }
0xbc: {  	s0 =	sadd.s32 $0x8F2B, s0  }
0xbd: {  	[sflag:s0] =	ssyncadd.remote.s32 $0x1  }
0xbe: {  	_ =	sfence.sel $0xFFFF  }
0xbf: {  	[dreg:$0x0] =	wrdreg $0xFFFFFFFF;
	(pc) =	sbr.abs _section_cstart, $3  }
0xc0: {  	[dreg:$0x1] =	wrdreg $0xFFFFFFFF  }
0xc1: {  	_ =	task.clear_ibuf [dreg:s7], $0x2FFFF;
	_ =	strace $0x9FFFFFFF  }
0xc2: {  	(tm) =	ssettm $0x7FFFFFFF  }
0xc3: {  	_ =	shalt  }
tec
execute0_lowered:
.L_overlay_start_1:
0x0: {  	(tag) =	ssettag $0x1  }
0x1: {  	s1 =	srdreg.scid;
	s3 =	rddreg [dreg:$0x0]  }
0x2: {  	s0 =	stileid.u32;
	s6 =	rddreg [dreg:$0x1];
	s2 =	simm.s32 $0x0  }
0x3: {  	s10 =	simm.s32 $0x5200;
	s11 =	simm.s32 $0x7200;
	s12 =	simm.s32 $0x9200  }
0x4: {  	s13 =	simm.s32 $0xB200;
	s14 =	simm.s32 $0xD200;
	s15 =	simm.s32 $0xF200  }
0x5: {  	s16 =	simm.s32 $0x11200;
	s17 =	simm.s32 $0x13200;
	s18 =	simm.s32 $0x15200  }
0x6: {  	s19 =	simm.s32 $0x1;
	s20 =	simm.s32 $0x0;
	s4 =	sand.u32 $0x1, s1  }
0x7: {  	s30 =	sshll.u32 s0, $0x1;
	s1 =	rddreg [dreg:$0x2];
	s9 =	smul.u32 $0x19000, s0  }
0x8: {  	[smem:$0x7FF] =	sst s2;
	s5 =	sor.u32 s4, s30;
	s31 =	smul.u32 $0xC800, s4  }
0x9: {  	_ =	strace $0x8000004A;
	s7 =	ssub.s32 $0x2, s4;
	s5 =	smul.u32 $0x1900, s5  }
0xa: {  	s8 =	sshrl.u32 s7, $0x1;
	s6 =	sadd.s32 s9, s6;
	s9 =	simm.s32 $0x3200  }
0xb: {  	s7 =	ssub.s32 s7, s8;
	s6 =	sadd.s32 s31, s6;
	s5 =	sshrl.u32 s5, $0x3  }
0xc: {  	s8 =	simm.s32 $0x80;
	s5 =	sadd.s32 s5, s3;
	s3 =	sadd.s32 $0xE00, s3  }
0xd: {  	s4 =	sadd.s32 $0x7A2200, s5;
	s5 =	smax.u32 s7, $0x1;
	s7 =	simm.s32 $0x2  }
.LBB2_1:
0xe: {  	[tilespmem:s2], [sflag:$0x2] =	stream.linear.gather [hbm4b:s4+s2], $0x1900, $0x38;
	[tilespmem:$0x17200] =	vst v63  }
0xf: {  	_ =	swait.ge [sflag:s7], $0x1900  }
0x10: {  	s24 =	simm.s32 $0x0;
	s22 =	simm.s32 $0x10;
	[sflag:s7] =	ssyncset.done $0x0  }
0x11: {  	s21 =	simm.s32 $0x0;
	s23 =	simm.s32 $0x0;
	[sflag:s7] =	ssyncadd.s32 $0xFFFFE700  }
.LBB2_2:
0x12: {  	p0 =	sne.s32 s22, $0x18F0;
	v0 =	vld [tilespmem:s24+$0x0];
	_ =	sdelay $0x1  }
.Ltmp0:
0x13: {  	(pc) =	sbr.rel @p0 .LBB2_2-.Ltmp0, $4  }
0x14: {  	s24 =	sand.u32 $0x7E00, s21  }
0x15: {  	s25 =	sand.u32 $0x70, s23;
	s23 =	smov.u32 s22;
	s24 =	sshrl.u32 s24, $0x2  }
0x16: {  	s21 =	sadd.s32 $0x40, s21;
	s25 =	sor.u32 s25, s24;
	v0 =	vmin.u32 v0, $0xF4240  }
0x17: {  	s22 =	sadd.s32 $0x10, s22;
	s24 =	sshra.s32 s21, $0x2;
	[tilespmem:s25+$0x1900] =	vst v0  }
0x18: {  	v0 =	vld [tilespmem:s24+$0x0];
	_ =	sdelay $0x2  }
0x19: {  	s21 =	sand.u32 $0x7E00, s21  }
0x1a: {  	s22 =	sand.u32 $0x70, s23;
	s21 =	sshrl.u32 s21, $0x2  }
0x1b: {  	s21 =	sor.u32 s22, s21;
	v0 =	vmin.u32 v0, $0xF4240  }
0x1c: {  	s31 =	simm.s32 $0x1900;
	[tilespmem:s21+$0x1900] =	vst v0  }
0x1d: {  	[tilespmem:s9], [sflag:$0x1] =	stream.indirect.gather [hbm4b:s3+s8], $0x40, s31, s8, $0xb8;
	[tilespmem:$0x17200] =	vst v63  }
0x1e: {  	s22 =	simm.s32 $0x1980  }
0x1f: {  	[tilespmem:s10], [sflag:$0x1] =	stream.indirect.gather [hbm4b:s3+s8], $0x40, s22, s8, $0xb8;
	[tilespmem:$0x17200] =	vst v63  }
0x20: {  	s23 =	simm.s32 $0x1A00  }
0x21: {  	[tilespmem:s11], [sflag:$0x1] =	stream.indirect.gather [hbm4b:s3+s8], $0x40, s23, s8, $0xb8;
	[tilespmem:$0x17200] =	vst v63  }
0x22: {  	s24 =	simm.s32 $0x1A80  }
0x23: {  	[tilespmem:s12], [sflag:$0x1] =	stream.indirect.gather [hbm4b:s3+s8], $0x40, s24, s8, $0xb8;
	[tilespmem:$0x17200] =	vst v63  }
0x24: {  	s25 =	simm.s32 $0x1B00  }
0x25: {  	[tilespmem:s13], [sflag:$0x1] =	stream.indirect.gather [hbm4b:s3+s8], $0x40, s25, s8, $0xb8;
	[tilespmem:$0x17200] =	vst v63  }
0x26: {  	s26 =	simm.s32 $0x1B80  }
0x27: {  	[tilespmem:s14], [sflag:$0x1] =	stream.indirect.gather [hbm4b:s3+s8], $0x40, s26, s8, $0xb8;
	[tilespmem:$0x17200] =	vst v63  }
0x28: {  	s28 =	simm.s32 $0x1C00  }
0x29: {  	[tilespmem:s15], [sflag:$0x1] =	stream.indirect.gather [hbm4b:s3+s8], $0x40, s28, s8, $0xb8;
	[tilespmem:$0x17200] =	vst v63  }
0x2a: {  	s29 =	simm.s32 $0x1C80  }
0x2b: {  	[tilespmem:s16], [sflag:$0x1] =	stream.indirect.gather [hbm4b:s3+s8], $0x40, s29, s8, $0xb8;
	[tilespmem:$0x17200] =	vst v63  }
0x2c: {  	s30 =	simm.s32 $0x1D00  }
0x2d: {  	[tilespmem:s17], [sflag:$0x1] =	stream.indirect.gather [hbm4b:s3+s8], $0x40, s30, s8, $0xb8;
	[tilespmem:$0x17200] =	vst v63  }
0x2e: {  	s31 =	simm.s32 $0x1D80  }
0x2f: {  	[tilespmem:s18], [sflag:$0x1] =	stream.indirect.gather [hbm4b:s3+s8], $0x40, s31, s8, $0xb8;
	[tilespmem:$0x17200] =	vst v63  }
0x30: {  	_ =	swait.ge [sflag:s19], $0x2000  }
0x31: {  	[sflag:s19] =	ssyncset.done $0x0  }
0x32: {  	[sflag:s19] =	ssyncadd.s32 $0xFFFFE000  }
0x33: {  	_ =	swait.ge [sflag:s19], $0x2000  }
0x34: {  	[sflag:s19] =	ssyncset.done $0x0  }
0x35: {  	[sflag:s19] =	ssyncadd.s32 $0xFFFFE000  }
0x36: {  	_ =	swait.ge [sflag:s19], $0x2000  }
0x37: {  	[sflag:s19] =	ssyncset.done $0x0  }
0x38: {  	[sflag:s19] =	ssyncadd.s32 $0xFFFFE000  }
0x39: {  	_ =	swait.ge [sflag:s19], $0x2000  }
0x3a: {  	[sflag:s19] =	ssyncset.done $0x0  }
0x3b: {  	[sflag:s19] =	ssyncadd.s32 $0xFFFFE000  }
0x3c: {  	_ =	swait.ge [sflag:s19], $0x2000  }
0x3d: {  	[sflag:s19] =	ssyncset.done $0x0  }
0x3e: {  	[sflag:s19] =	ssyncadd.s32 $0xFFFFE000  }
0x3f: {  	_ =	swait.ge [sflag:s19], $0x2000  }
0x40: {  	[sflag:s19] =	ssyncset.done $0x0  }
0x41: {  	[sflag:s19] =	ssyncadd.s32 $0xFFFFE000  }
0x42: {  	_ =	swait.ge [sflag:s19], $0x2000  }
0x43: {  	[sflag:s19] =	ssyncset.done $0x0  }
0x44: {  	[sflag:s19] =	ssyncadd.s32 $0xFFFFE000  }
0x45: {  	_ =	swait.ge [sflag:s19], $0x2000  }
0x46: {  	[sflag:s19] =	ssyncset.done $0x0  }
0x47: {  	[sflag:s19] =	ssyncadd.s32 $0xFFFFE000  }
0x48: {  	_ =	swait.ge [sflag:s19], $0x2000  }
0x49: {  	[sflag:s19] =	ssyncset.done $0x0  }
0x4a: {  	[sflag:s19] =	ssyncadd.s32 $0xFFFFE000  }
0x4b: {  	_ =	swait.ge [sflag:s19], $0x2000  }
0x4c: {  	[sflag:s19] =	ssyncset.done $0x0  }
0x4d: {  	[sflag:s19] =	ssyncadd.s32 $0xFFFFE000  }
0x4e: {  	[hbm4b:s6+s2] =	stream.linear.scatter [tilespmem:s9], [sflag:$0x2], $0x14000, $0x38;
	[tilespmem:$0x17200] =	vst v63  }
0x4f: {  	s21 =	sadd.s32 $0x2800, s6;
	_ =	swait.ge [sflag:s7], $0x14000  }
0x50: {  	s24 =	simm.s32 $0x500;
	s25 =	simm.s32 $0x2800;
	[sflag:s7] =	ssyncset.done $0x0  }
.LBB2_4:
0x51: {  	s26 =	sadd.s32 $0x1900, s24  }
0x52: {  	[sflag:s7] =	ssyncadd.s32 $0xFFFEC000;
	s23 =	smov.u32 s25;
	s22 =	sadd.s32 $0x1400, s25  }
0x53: {  	[tilespmem:s9], [sflag:$0x1] =	stream.indirect.gather [hbm4b:s3+s8], $0x40, s26, s8, $0xb8;
	[tilespmem:$0x17200] =	vst v63  }
0x54: {  	p0 =	sne.s32 s25, $0x5000;
	s25 =	sadd.s32 $0x1980, s24  }
0x55: {  	[tilespmem:s10], [sflag:$0x1] =	stream.indirect.gather [hbm4b:s3+s8], $0x40, s25, s8, $0xb8;
	[tilespmem:$0x17200] =	vst v63  }
0x56: {  	s25 =	sadd.s32 $0x1A00, s24  }
0x57: {  	[tilespmem:s11], [sflag:$0x1] =	stream.indirect.gather [hbm4b:s3+s8], $0x40, s25, s8, $0xb8;
	[tilespmem:$0x17200] =	vst v63  }
0x58: {  	s25 =	sadd.s32 $0x1A80, s24  }
0x59: {  	[tilespmem:s12], [sflag:$0x1] =	stream.indirect.gather [hbm4b:s3+s8], $0x40, s25, s8, $0xb8;
	[tilespmem:$0x17200] =	vst v63  }
0x5a: {  	s25 =	sadd.s32 $0x1B00, s24  }
0x5b: {  	[tilespmem:s13], [sflag:$0x1] =	stream.indirect.gather [hbm4b:s3+s8], $0x40, s25, s8, $0xb8;
	[tilespmem:$0x17200] =	vst v63  }
0x5c: {  	s25 =	sadd.s32 $0x1B80, s24  }
0x5d: {  	[tilespmem:s14], [sflag:$0x1] =	stream.indirect.gather [hbm4b:s3+s8], $0x40, s25, s8, $0xb8;
	[tilespmem:$0x17200] =	vst v63  }
0x5e: {  	s25 =	sadd.s32 $0x1C00, s24  }
0x5f: {  	[tilespmem:s15], [sflag:$0x1] =	stream.indirect.gather [hbm4b:s3+s8], $0x40, s25, s8, $0xb8;
	[tilespmem:$0x17200] =	vst v63  }
0x60: {  	s25 =	sadd.s32 $0x1C80, s24  }
0x61: {  	[tilespmem:s16], [sflag:$0x1] =	stream.indirect.gather [hbm4b:s3+s8], $0x40, s25, s8, $0xb8;
	[tilespmem:$0x17200] =	vst v63  }
0x62: {  	s25 =	sadd.s32 $0x1D00, s24  }
0x63: {  	[tilespmem:s17], [sflag:$0x1] =	stream.indirect.gather [hbm4b:s3+s8], $0x40, s25, s8, $0xb8;
	[tilespmem:$0x17200] =	vst v63  }
0x64: {  	s24 =	sadd.s32 $0x1D80, s24  }
0x65: {  	[tilespmem:s18], [sflag:$0x1] =	stream.indirect.gather [hbm4b:s3+s8], $0x40, s24, s8, $0xb8;
	[tilespmem:$0x17200] =	vst v63  }
0x66: {  	_ =	swait.ge [sflag:s19], $0x2000  }
0x67: {  	[sflag:s19] =	ssyncset.done $0x0  }
0x68: {  	[sflag:s19] =	ssyncadd.s32 $0xFFFFE000  }
0x69: {  	_ =	swait.ge [sflag:s19], $0x2000  }
0x6a: {  	[sflag:s19] =	ssyncset.done $0x0  }
0x6b: {  	[sflag:s19] =	ssyncadd.s32 $0xFFFFE000  }
0x6c: {  	_ =	swait.ge [sflag:s19], $0x2000  }
0x6d: {  	[sflag:s19] =	ssyncset.done $0x0  }
0x6e: {  	[sflag:s19] =	ssyncadd.s32 $0xFFFFE000  }
0x6f: {  	_ =	swait.ge [sflag:s19], $0x2000  }
0x70: {  	[sflag:s19] =	ssyncset.done $0x0  }
0x71: {  	[sflag:s19] =	ssyncadd.s32 $0xFFFFE000  }
0x72: {  	_ =	swait.ge [sflag:s19], $0x2000  }
0x73: {  	[sflag:s19] =	ssyncset.done $0x0  }
0x74: {  	[sflag:s19] =	ssyncadd.s32 $0xFFFFE000  }
0x75: {  	_ =	swait.ge [sflag:s19], $0x2000  }
0x76: {  	[sflag:s19] =	ssyncset.done $0x0  }
0x77: {  	[sflag:s19] =	ssyncadd.s32 $0xFFFFE000  }
0x78: {  	_ =	swait.ge [sflag:s19], $0x2000  }
0x79: {  	[sflag:s19] =	ssyncset.done $0x0  }
0x7a: {  	[sflag:s19] =	ssyncadd.s32 $0xFFFFE000  }
0x7b: {  	_ =	swait.ge [sflag:s19], $0x2000  }
0x7c: {  	[sflag:s19] =	ssyncset.done $0x0  }
0x7d: {  	[sflag:s19] =	ssyncadd.s32 $0xFFFFE000  }
0x7e: {  	_ =	swait.ge [sflag:s19], $0x2000  }
0x7f: {  	[sflag:s19] =	ssyncset.done $0x0  }
0x80: {  	[sflag:s19] =	ssyncadd.s32 $0xFFFFE000  }
0x81: {  	_ =	swait.ge [sflag:s19], $0x2000  }
.Ltmp1:
0x82: {  	[sflag:s19] =	ssyncset.done $0x0;
	(pc) =	sbr.rel @p0 .LBB2_4-.Ltmp1, $4  }
0x83: {  	[sflag:s19] =	ssyncadd.s32 $0xFFFFE000  }
0x84: {  	[hbm4b:s21+s2] =	stream.linear.scatter [tilespmem:s9], [sflag:$0x2], $0x14000, $0x38;
	[tilespmem:$0x17200] =	vst v63  }
0x85: {  	s25 =	smov.u32 s22;
	_ =	swait.ge [sflag:s7], $0x14000  }
0x86: {  	s24 =	sshra.s32 s23, $0x2;
	s21 =	sadd.s32 $0x2800, s21;
	[sflag:s7] =	ssyncset.done $0x0  }
0x87: {  	s22 =	sadd.s32 $0x1900, s24;
	[sflag:s7] =	ssyncadd.s32 $0xFFFEC000  }
0x88: {  	[tilespmem:s9], [sflag:$0x1] =	stream.indirect.gather [hbm4b:s3+s8], $0x40, s22, s8, $0xb8;
	[tilespmem:$0x17200] =	vst v63  }
0x89: {  	s30 =	sadd.s32 $0x1980, s24  }
0x8a: {  	[tilespmem:s10], [sflag:$0x1] =	stream.indirect.gather [hbm4b:s3+s8], $0x40, s30, s8, $0xb8;
	[tilespmem:$0x17200] =	vst v63  }
0x8b: {  	s31 =	sadd.s32 $0x1A00, s24  }
0x8c: {  	[tilespmem:s11], [sflag:$0x1] =	stream.indirect.gather [hbm4b:s3+s8], $0x40, s31, s8, $0xb8;
	[tilespmem:$0x17200] =	vst v63  }
0x8d: {  	s23 =	sadd.s32 $0x1A80, s24  }
0x8e: {  	[tilespmem:s12], [sflag:$0x1] =	stream.indirect.gather [hbm4b:s3+s8], $0x40, s23, s8, $0xb8;
	[tilespmem:$0x17200] =	vst v63  }
0x8f: {  	s25 =	sadd.s32 $0x1B00, s24  }
0x90: {  	[tilespmem:s13], [sflag:$0x1] =	stream.indirect.gather [hbm4b:s3+s8], $0x40, s25, s8, $0xb8;
	[tilespmem:$0x17200] =	vst v63  }
0x91: {  	s26 =	sadd.s32 $0x1B80, s24  }
0x92: {  	[tilespmem:s14], [sflag:$0x1] =	stream.indirect.gather [hbm4b:s3+s8], $0x40, s26, s8, $0xb8;
	[tilespmem:$0x17200] =	vst v63  }
0x93: {  	s28 =	sadd.s32 $0x1C00, s24  }
0x94: {  	[tilespmem:s15], [sflag:$0x1] =	stream.indirect.gather [hbm4b:s3+s8], $0x40, s28, s8, $0xb8;
	[tilespmem:$0x17200] =	vst v63  }
0x95: {  	s29 =	sadd.s32 $0x1C80, s24  }
0x96: {  	[tilespmem:s16], [sflag:$0x1] =	stream.indirect.gather [hbm4b:s3+s8], $0x40, s29, s8, $0xb8;
	[tilespmem:$0x17200] =	vst v63  }
0x97: {  	s30 =	sadd.s32 $0x1D00, s24  }
0x98: {  	[tilespmem:s17], [sflag:$0x1] =	stream.indirect.gather [hbm4b:s3+s8], $0x40, s30, s8, $0xb8;
	[tilespmem:$0x17200] =	vst v63  }
0x99: {  	s31 =	sadd.s32 $0x1D80, s24  }
0x9a: {  	[tilespmem:s18], [sflag:$0x1] =	stream.indirect.gather [hbm4b:s3+s8], $0x40, s31, s8, $0xb8;
	[tilespmem:$0x17200] =	vst v63  }
0x9b: {  	_ =	swait.ge [sflag:s19], $0x2000  }
0x9c: {  	[sflag:s19] =	ssyncset.done $0x0  }
0x9d: {  	[sflag:s19] =	ssyncadd.s32 $0xFFFFE000  }
0x9e: {  	_ =	swait.ge [sflag:s19], $0x2000  }
0x9f: {  	[sflag:s19] =	ssyncset.done $0x0  }
0xa0: {  	[sflag:s19] =	ssyncadd.s32 $0xFFFFE000  }
0xa1: {  	_ =	swait.ge [sflag:s19], $0x2000  }
0xa2: {  	[sflag:s19] =	ssyncset.done $0x0  }
0xa3: {  	[sflag:s19] =	ssyncadd.s32 $0xFFFFE000  }
0xa4: {  	_ =	swait.ge [sflag:s19], $0x2000  }
0xa5: {  	[sflag:s19] =	ssyncset.done $0x0  }
0xa6: {  	[sflag:s19] =	ssyncadd.s32 $0xFFFFE000  }
0xa7: {  	_ =	swait.ge [sflag:s19], $0x2000  }
0xa8: {  	[sflag:s19] =	ssyncset.done $0x0  }
0xa9: {  	[sflag:s19] =	ssyncadd.s32 $0xFFFFE000  }
0xaa: {  	_ =	swait.ge [sflag:s19], $0x2000  }
0xab: {  	[sflag:s19] =	ssyncset.done $0x0  }
0xac: {  	[sflag:s19] =	ssyncadd.s32 $0xFFFFE000  }
0xad: {  	_ =	swait.ge [sflag:s19], $0x2000  }
0xae: {  	[sflag:s19] =	ssyncset.done $0x0  }
0xaf: {  	[sflag:s19] =	ssyncadd.s32 $0xFFFFE000  }
0xb0: {  	_ =	swait.ge [sflag:s19], $0x2000  }
0xb1: {  	[sflag:s19] =	ssyncset.done $0x0  }
0xb2: {  	[sflag:s19] =	ssyncadd.s32 $0xFFFFE000  }
0xb3: {  	_ =	swait.ge [sflag:s19], $0x2000  }
0xb4: {  	[sflag:s19] =	ssyncset.done $0x0  }
0xb5: {  	[sflag:s19] =	ssyncadd.s32 $0xFFFFE000  }
0xb6: {  	s20 =	sadd.s32 $0x1, s20;
	_ =	swait.ge [sflag:s19], $0x2000  }
0xb7: {  	p0 =	sne.s32 s20, s5;
	[sflag:s19] =	ssyncset.done $0x0  }
.Ltmp2:
0xb8: {  	[sflag:s19] =	ssyncadd.s32 $0xFFFFE000;
	(pc) =	sbr.rel @p0 .LBB2_1-.Ltmp2, $4  }
0xb9: {  	[hbm4b:s21+s2] =	stream.linear.scatter [tilespmem:s9], [sflag:$0x2], $0x14000, $0x38;
	[tilespmem:$0x17200] =	vst v63  }
0xba: {  	_ =	swait.ge [sflag:s7], $0x14000  }
0xbb: {  	[sflag:s7] =	ssyncset.done $0x0  }
0xbc: {  	[sflag:s7] =	ssyncadd.s32 $0xFFFEC000  }
0xbd: {  	_ =	sfence.sel $0x180000  }
0xbe: {  	[bflag:$0x0] =	sbarrier.arrive $0xFFFF  }
0xbf: {  	p0 =	sne.s32 s0, $0x0;
	_ =	strace $0x9000004A  }
0xc0: {  	s0 =	sadd.s32 @!p0 $0x100000, s1;
	[bflag:$0x2] =	sbarrier.arrive $0xFFFF  }
0xc1: {  	[sflag:s0] =	ssyncadd.tile.s32 @!p0 $0x1;
	_ =	shalt  }
.Lfunc_end2:
_tile_overlayer_lowered:
.L_overlay_start_2:
0xc2: {  	(tag) =	ssettag $0x2  }
0xc3: {  	s0 =	rddreg [dreg:$0x0];
	s2 =	stileid.u32  }
0xc4: {  	s1 =	rddreg [dreg:$0x1];
	p0 =	sne.s32 s2, $0x0  }
0xc5: {  	s3 =	rddreg [dreg:$0x2];
	[bflag:$0x3] =	sbarrier.arrive $0xFFFF;
	s2 =	simm.s32 @!p0 $0x1C02  }
0xc6: {  	[timem:s3], [sflag:s2] =	dma.local @!p0 [hbm:s0], s1  }
0xc7: {  	s0 =	simm.s32 @!p0 $0x2  }
0xc8: {  	_ =	swait.ge @!p0 [sflag:s0], s1  }
0xc9: {  	s1 =	ssub.s32 @!p0 $0x0, s1;
	[sflag:s0] =	ssyncset.done @!p0 $0x0  }
0xca: {  	[sflag:s0] =	ssyncadd.s32 @!p0 s1  }
0xcb: {  	[bflag:$0x3] =	sbarrier.arrive $0xFFFF  }
0xcc: {  	_ =	shalt  }

// kernel: sparse-core-data-format-call.cloned.1.call-start
scs
called_computation_lowered:
.L_overlay_start_0:
0x0: {  	s2 =	sld [smem:$0x3FD9]  }
0x1: {  	s3 =	sld [smem:$0x3FFE];
	_ =	sdelay $0x1  }
0x2: {  	s1 =	srdreg.scid  }
0x3: {  	s0 =	sand.u32 $0x1, s1  }
0x4: {  	s18 =	sshll.u32 s0, $0xA;
	s2 =	sadd.s32 s3, s2  }
0x5: {  	s2 =	sadd.s32 s2, s18  }
0x6: {  	[smem:$0x3FC6] =	sst s2  }
0x7: {  	_ = 	snop  }
0x8: {  	s2 =	sld [smem:$0x3FD0];
	(tm) =	ssettm $0x1  }
0x9: {  	s19 =	sld [smem:$0x3FFB];
	_ =	sdelay $0x3  }
0xa: {  	_ =	strace s19  }
0xb: {  	s3 =	sld [smem:$0x3FFC];
	_ =	sdelay $0x3  }
0xc: {  	_ =	strace s3  }
0xd: {  	s3 =	sld [smem:$0x3FFD];
	_ =	sdelay $0x3  }
0xe: {  	_ =	strace s3  }
0xf: {  	_ =	strace $0x8FFFFFFF  }
0x10: {  	s20 =	sld [smem:$0x3FDB];
	_ =	sdelay $0x1  }
0x11: {  	s4 =	simm.s32 $_scs_section_size  }
0x12: {  	s5 =	simm.s32 $_size__tile_overlayer_lowered;
	s6 =	simm.s32 $_tile_overlayer_lowered  }
0x13: {  	s23 =	simm.s32 $0x1BFF;
	s22 =	sshll.u32 s6, $0x1;
	s3 =	sadd.s32 s4, s20  }
0x14: {  	s7 =	simm.s32 $0x0;
	s21 =	sshll.u32 s5, $0x1;
	s5 =	sadd.s32 s22, s3  }
0x15: {  	[timem:s7], [sflag:s23] =	dma.local [hbm:s5], s21  }
0x16: {  	_ =	swait.ge [sflag:s23], s21  }
0x17: {  	s4 =	ssub.s32 $0x0, s21;
	[sflag:s23] =	ssyncset.done $0x0  }
0x18: {  	[sflag:s23] =	ssyncadd.s32 s4;
	_ =	sdelay $0x1  }
0x19: {  	s24 =	simm.s32 $0x1B8B  }
0x1a: {  	_ =	swait.ge [sflag:s24], $0x1  }
0x1b: {  	[sflag:s24] =	ssyncset.done $0x0  }
0x1c: {  	s26 =	simm.s32 $0x1B8E;
	s25 =	sld [smem:$0x3FFE];
	[sflag:s24] =	ssyncadd.s32 $0xFFFFFFFF  }
0x1d: {  	s27 =	simm.s32 $execute0_lowered;
	[smem:$0x3FD2] =	sst s26  }
0x1e: {  	s5 =	sshll.u32 s27, $0x1;
	_ =	strace $0x8000004C;
	[dreg:$0x1] =	wrdreg $0xFFFFFFFF  }
0x1f: {  	s28 =	simm.s32 $_size_execute0_lowered;
	s3 =	sadd.s32 s3, s5;
	[dreg:$0x0] =	wrdreg $0x0  }
0x20: {  	s5 =	sshll.u32 s28, $0x1;
	[dreg:$0x2] =	wrdreg s3  }
0x21: {  	[dreg:$0x3] =	wrdreg s5  }
0x22: {  	[dreg:$0x4] =	wrdreg $0xC0  }
0x23: {  	_ =	task [dreg:s7], $0x5FFFF  }
0x24: {  	[dreg:$0x1] =	wrdreg $0xFFFFFFFF  }
0x25: {  	[dreg:$0x0] =	wrdreg $0x60  }
0x26: {  	[dreg:$0x2] =	wrdreg s25  }
0x27: {  	[dreg:$0x3] =	wrdreg s2  }
0x28: {  	[dreg:$0x4] =	wrdreg $0x9  }
0x29: {  	_ =	task.clear_ibuf [dreg:s7], $0x5FFFF;
	_ =	strace $0x9000004C  }
0x2a: {  	s29 =	simm.s32 $0x9;
	_ =	strace $0x8000004E  }
0x2b: {  	_ =	swait.ge [sflag:s29], $0x1  }
0x2c: {  	[sflag:s29] =	ssyncadd.s32 $0xFFFFFFFF  }
0x2d: {  	_ =	strace $0x9000004E  }
0x2e: {  	_ =	sfence  }
0x2f: {  	s30 =	sld [smem:$0x0];
	_ =	sdelay $0x2  }
0x30: {  	s31 =	sshll.u32 s1, $0xD;
	s1 =	sshrl.u32 s1, $0x2  }
0x31: {  	s3 =	sand.u32 $0x4000, s31;
	s1 =	sadd.s32 s1, s30  }
0x32: {  	s0 =	sor.u32 s3, s0;
	s1 =	sshll.u32 s1, $0x11  }
0x33: {  	s0 =	sor.u32 s1, s0  }
0x34: {  	s0 =	sadd.s32 $0x8F2B, s0  }
0x35: {  	[sflag:s0] =	ssyncadd.remote.s32 $0x1  }
0x36: {  	_ =	sfence.sel $0xFFFF  }
0x37: {  	[dreg:$0x0] =	wrdreg $0xFFFFFFFF;
	(pc) =	sbr.abs _section_cstart, $3  }
0x38: {  	[dreg:$0x1] =	wrdreg $0xFFFFFFFF  }
0x39: {  	_ =	task.clear_ibuf [dreg:s7], $0x2FFFF;
	_ =	strace $0x9FFFFFFF  }
0x3a: {  	(tm) =	ssettm $0x7FFFFFFF  }
0x3b: {  	_ =	shalt  }
tec
execute0_lowered:
.L_overlay_start_1:
0x0: {  	(tag) =	ssettag $0x1  }
0x1: {  	s0 =	srdreg.scid  }
0x2: {  	s1 =	sshll.u32 s0, $0x4  }
0x3: {  	s0 =	stileid.u32;
	s1 =	sand.u32 $0x10, s1  }
0x4: {  	s1 =	sor.u32 s0, s1  }
0x5: {  	s6 =	rddreg [dreg:$0x0];
	s4 =	simm.s32 $0x1;
	s2 =	sshll.u32 s1, $0x7  }
0x6: {  	s7 =	simm.s32 $0x2;
	s12 =	simm.s32 $0x0;
	s1 =	ssub.s32 $0x1000, s2  }
0x7: {  	s8 =	simm.s32 $0x8000;
	s13 =	simm.s32 $0x0;
	s3 =	sand.u32 $0xF80, s1  }
0x8: {  	s9 =	simm.s32 $0x0;
	s5 =	sshrl.u32 s1, $0xC;
	p0 =	sne.s32 s3, $0x0  }
.Ltmp0:
0x9: {  	s1 =	rddreg [dreg:$0x2];
	s4 =	simm.s32 @!p0 $0x0;
	(pc) =	sbr.rel .LBB1_1-.Ltmp0, $4  }
0xa: {  	s11 =	simm.s32 $0x0;
	s3 =	rddreg [dreg:$0x1];
	s5 =	sadd.s32 s4, s5  }
0xb: {  	_ =	strace $0x8000004D;
	s4 =	simm.s32 $0x1;
	s5 =	smul.u32 $0x32, s5  }
0xc: {  	s6 =	sadd.s32 $0xE00, s6;
	s10 =	smov.u32 s2;
	[sflag:s4] =	ssyncpa.u1 $0x0  }
0xd: {  	p0 =	por $0x0, $0x0;
	[sflag:s7] =	ssyncpa.u1 $0x0;
	s7 =	sor.u32 $0x1, s5  }
.LBB1_4:
0xe: {  	s16 =	sshll.u32 s13, $0x3;
	s17 =	sand.u32 $0x78, s13  }
0xf: {  	s30 =	sand.u32 $0x7E00, s13;
	s12 =	sshll.u32 s12, $0xF;
	s16 =	sand.u32 $0xC00, s16  }
0x10: {  	[tilespmem:s15+$0x810 ss:$0x81] =	vst.msk $0xffff, v2;
	s31 =	sand.u32 $0x7, s13;
	s16 =	sor.u32 s17, s16;
	s17 =	sadd.s32 s3, s30  }
0x11: {  	[tilespmem:s15+$0x1020 ss:$0x81] =	vst.msk $0xffff, v0;
	s13 =	sshll.u32 s31, $0x12;
	s12 =	sadd.s32 s12, s17;
	s16 =	sshrl.u32 s16, $0x3  }
0x12: {  	[tilespmem:s15+$0x0 ss:$0x81] =	vst.msk $0xffff, v1;
	s13 =	sor.u32 $0x400, s13;
	s12 =	sadd.s32 s16, s12  }
0x13: {  	[hbm4b:s12+s13] =	stream.strided.scatter [tilespmem:s14], [sflag:$0x2], $0x2000, s8, s13, $0x20;
	[tilespmem:$0x8080] =	vst v63  }
.LBB1_5:
0x14: {  	s14 =	sadd.s32 $0x1, s9  }
0x15: {  	s12 =	sadd.s32 $0x1000, s10;
	s16 =	smov.u32 s10;
	p2 =	sgt.s32 s14, $0x31  }
0x16: {  	s16 =	smov.u32 @p2 s12  }
0x17: {  	s14 =	simm.s32 @p2 $0x0;
	p2 =	sgt.s32 s16, $0xFFF  }
0x18: {  	s16 =	smov.u32 @p2 s2;
	p2 =	sne.s32 s11, s7  }
.Ltmp1:
0x19: {  	p1 =	slt.u32 s11, $0x2;
	(pc) =	sbr.rel @!p2 .LBB1_6-.Ltmp1, $4  }
0x1a: {  	s15 =	simm.s32 @!p1 $0x2  }
0x1b: {  	s13 =	smov.u32 s10;
	p0 =	por !p0, !p0;
	_ =	swait.ge @!p1 [sflag:s15], $0x2000  }
0x1c: {  	s12 =	smov.u32 s9;
	[sflag:s15] =	ssyncset.done @!p1 $0x0;
	s9 =	smov.u32 s14  }
0x1d: {  	s11 =	sadd.s32 $0x1, s11;
	[sflag:s15] =	ssyncadd.s32 @!p1 $0xFFFFE000;
	s10 =	smov.u32 s16  }
.LBB1_1:
0x1e: {  	p1 =	sge.u32 s11, s5  }
0x1f: {  	s14 =	sand.u32 @!p1 $0x1FFFFFF, s9  }
0x20: {  	s15 =	smulhi.u32 @!p1 $0x4924925, s14;
	_ =	sdelay $0x1  }
0x21: {  	s15 =	smul.u32 @!p1 $0x38, s15  }
0x22: {  	s16 =	sxor.u32 @!p1 $0xFFFFFFFF, s11;
	s17 =	smul.u32 @!p1 $0x380, s10  }
0x23: {  	s31 =	sadd.s32 $0xFFFFFFFF, s11;
	s16 =	sshll.u32 @!p1 s16, $0xD;
	s14 =	ssub.s32 @!p1 s14, s15  }
0x24: {  	s15 =	sand.u32 @!p1 $0x2000, s16;
	s16 =	sadd.s32 @!p1 s6, s17;
	s14 =	sshll.u32 @!p1 s14, $0x4  }
0x25: {  	s17 =	simm.s32 @!p1 $0x1C00;
	s14 =	sadd.s32 @!p1 s14, s16;
	s16 =	simm.s32 @!p1 $0x40  }
0x26: {  	[tilespmem:s15], [sflag:$0x1] =	stream.strided.gather @!p1 [hbm4b:s14+s16], $0x2000, s17, s16, $0x38;
	[tilespmem:$0x8080] =	vst v63  }
0x27: {  	p1 =	sge.u32 s31, s5  }
.Ltmp2:
0x28: {  	_ = 	snop;
	(pc) =	sbr.rel @p1 .LBB1_5-.Ltmp2, $1  }
0x29: {  	_ =	sdelay $0x3  }
0x2a: {  	s14 =	simm.s32 $0x1  }
0x2b: {  	_ =	swait.ge [sflag:s4], $0x2000;
	s14 =	simm.s32 @!p0 $0x0  }
0x2c: {  	[sflag:s4] =	ssyncset.done $0x0;
	s15 =	sshll.u32 s14, $0xD  }
0x2d: {  	[sflag:s4] =	ssyncadd.s32 $0xFFFFE000;
	s18 =	sor.u32 $0x20, s15  }
0x2e: {  	s14 =	smul.u32 $0x8100, s14;
	v3 =	vld [tilespmem:s18+$0x10]  }
0x2f: {  	s30 =	sand.u32 $0x1, s11;
	v2 =	vld [tilespmem:s18+$0xFFFFFFF0]  }
0x30: {  	s15 =	smul.u32 $0x8100, s30;
	s14 =	sshrl.u32 s14, $0x2;
	v0 =	vld [tilespmem:s18+$0x0]  }
0x31: {  	v1 =	vld [tilespmem:s18+$0xFFFFFFE0];
	s16 =	sor.u32 $0x4000, s14  }
0x32: {  	s31 =	sshrl.u32 s15, $0x2;
	s15 =	sadd.s32 $0x0, s16  }
0x33: {  	s17 =	simm.s32 $0x4;
	s18 =	sadd.s32 $0x40, s18;
	s14 =	sor.u32 $0x4000, s31;
	[tilespmem:s15+$0x1830 ss:$0x81] =	vst.msk $0xffff, v3  }
.LBB1_3:
0x34: {  	v3 =	vld [tilespmem:s18+$0x10];
	p1 =	sne.s32 s17, $0x1FC;
	[tilespmem:s15+$0x810 ss:$0x81] =	vst.msk $0xffff, v2;
	s19 =	smov.u32 s17;
	s17 =	sadd.s32 $0x4, s17  }
.Ltmp3:
0x35: {  	v2 =	vld [tilespmem:s18+$0xFFFFFFF0];
	[tilespmem:s15+$0x1020 ss:$0x81] =	vst.msk $0xffff, v0;
	(pc) =	sbr.rel @p1 .LBB1_3-.Ltmp3, $4  }
0x36: {  	v0 =	vld [tilespmem:s18+$0x0];
	[tilespmem:s15+$0x0 ss:$0x81] =	vst.msk $0xffff, v1  }
0x37: {  	s15 =	sshra.s32 s19, $0x2;
	v1 =	vld [tilespmem:s18+$0xFFFFFFE0]  }
0x38: {  	s15 =	sadd.s32 s15, s16  }
0x39: {  	s18 =	sadd.s32 $0x40, s18;
	[tilespmem:s15+$0x1830 ss:$0x81] =	vst.msk $0xffff, v3  }
.Ltmp4:
0x3a: {  	_ = 	snop;
	(pc) =	sbr.rel .LBB1_4-.Ltmp4, $1  }
0x3b: {  	_ =	sdelay $0x3  }
.LBB1_6:
0x3c: {  	_ =	sfence.sel $0x180000  }
0x3d: {  	s2 =	simm.s32 $0x1;
	[bflag:$0x0] =	sbarrier.arrive $0xFFFF  }
0x3e: {  	s31 =	simm.s32 $0x2;
	[sflag:s2] =	ssyncpa.u1 $0x1  }
0x3f: {  	[sflag:s31] =	ssyncpa.u1 $0x1  }
0x40: {  	p0 =	sne.s32 s0, $0x0;
	_ =	strace $0x9000004D  }
0x41: {  	s0 =	sadd.s32 @!p0 $0x100000, s1;
	[bflag:$0x2] =	sbarrier.arrive $0xFFFF  }
0x42: {  	[sflag:s0] =	ssyncadd.tile.s32 @!p0 $0x1;
	_ =	shalt  }
.Lfunc_end1:
_tile_overlayer_lowered:
.L_overlay_start_2:
0x43: {  	(tag) =	ssettag $0x2  }
0x44: {  	s0 =	rddreg [dreg:$0x0];
	s2 =	stileid.u32  }
0x45: {  	s1 =	rddreg [dreg:$0x1];
	p0 =	sne.s32 s2, $0x0  }
0x46: {  	s3 =	rddreg [dreg:$0x2];
	[bflag:$0x3] =	sbarrier.arrive $0xFFFF;
	s2 =	simm.s32 @!p0 $0x1C01  }
0x47: {  	[timem:s3], [sflag:s2] =	dma.local @!p0 [hbm:s0], s1  }
0x48: {  	s0 =	simm.s32 @!p0 $0x1  }
0x49: {  	_ =	swait.ge @!p0 [sflag:s0], s1  }
0x4a: {  	s1 =	ssub.s32 @!p0 $0x0, s1;
	[sflag:s0] =	ssyncset.done @!p0 $0x0  }
0x4b: {  	[sflag:s0] =	ssyncadd.s32 @!p0 s1  }
0x4c: {  	[bflag:$0x3] =	sbarrier.arrive $0xFFFF  }
0x4d: {  	_ =	shalt  }

</sc_bundles>
